<compile_context>
chip_gen: v7x
topology: tpu7x:2x2x1
jax: 0.10.2.dev20260603
libtpu: 0.0.44.dev20260713+nightly
codegen_flags: <defaults>
</compile_context>

<pallas_src>
import jax
import jax.numpy as jnp
from jax import lax
from jax.experimental import pallas as pl
from jax.experimental.pallas import tpu as pltpu
from jax.experimental.pallas import tpu_sc as plsc

NC = 2
NS = 16
NW = NC * NS
L = 16

ROWS = 500000
COLS = 80
SC_ROWS = 196608
TC_ROWS = ROWS - SC_ROWS
TC_BLOCK = 32768
CHUNK = 128
NCHUNKS = SC_ROWS // CHUNK
NCHAIN = 4


def _sc_body(scores_hbm, thr_hbm, out_hbm, bufs, obufs, thr_v, sems, osems):
    wid = lax.axis_index("s") * NC + lax.axis_index("c")
    pltpu.sync_copy(thr_hbm, thr_v)
    thr = thr_v[...]

    nw = (NCHUNKS - wid + NW - 1) // NW

    def chunk_row0(i):
        return (wid + i * NW) * CHUNK

    def start_in(i, b):
        pltpu.async_copy(
            scores_hbm.at[:, pl.ds(chunk_row0(i), CHUNK)],
            bufs[b], sems[b])

    def wait_in(b):
        pltpu.make_async_copy(
            scores_hbm.at[:, pl.ds(0, CHUNK)], bufs[b], sems[b]).wait()

    def start_out(i, b):
        pltpu.async_copy(
            obufs[b], out_hbm.at[pl.ds(chunk_row0(i), CHUNK)], osems[b])

    def wait_out(b):
        pltpu.make_async_copy(
            obufs[b], out_hbm.at[pl.ds(0, CHUNK)], osems[b]).wait()

    def process(buf, obuf):
        @pl.loop(0, CHUNK // L)
        def _group(g):
            base = g * L
            vmaxs = []
            vidxs = []
            for k in range(NCHAIN):
                vmaxs.append(buf[k, pl.ds(base, L)])
                vidxs.append(jnp.full((L,), k, jnp.int32))
            for cc in range(1, COLS // NCHAIN):
                for k in range(NCHAIN):
                    c = cc * NCHAIN + k
                    v = buf[c, pl.ds(base, L)]
                    gt = v > vmaxs[k]
                    vidxs[k] = jnp.where(gt, jnp.int32(c), vidxs[k])
                    vmaxs[k] = jnp.maximum(vmaxs[k], v)
            m, ix = vmaxs[0], vidxs[0]
            for k in range(1, NCHAIN):
                b, bix = vmaxs[k], vidxs[k]
                take = (b > m) | ((b == m) & (bix < ix))
                m = jnp.where(take, b, m)
                ix = jnp.where(take, bix, ix)
            ix = jnp.where(m < thr, 0, ix)
            obuf[pl.ds(base, L)] = ix

    start_in(0, 0)

    @pl.loop(0, (nw + 1) // 2)
    def _super(s):
        i0 = 2 * s
        i1 = i0 + 1

        @pl.when(i1 < nw)
        def _():
            start_in(i1, 1)
        wait_in(0)

        @pl.when(s > 0)
        def _():
            wait_out(0)
        process(bufs[0], obufs[0])
        start_out(i0, 0)

        @pl.when(i1 < nw)
        def _():
            @pl.when(i0 + 2 < nw)
            def _():
                start_in(i0 + 2, 0)
            wait_in(1)

            @pl.when(s > 0)
            def _():
                wait_out(1)
            process(bufs[1], obufs[1])
            start_out(i1, 1)

    wait_out(0)
    wait_out(1)


def _sc_kernel(scores_t, score_threshold):
    thr_vec = jnp.full((L,), score_threshold, jnp.float32)
    mesh = plsc.VectorSubcoreMesh(core_axis_name="c", subcore_axis_name="s")
    k = pl.kernel(
        _sc_body,
        out_type=jax.ShapeDtypeStruct((SC_ROWS,), jnp.int32),
        mesh=mesh,
        compiler_params=pltpu.CompilerParams(
            needs_layout_passes=False, use_tc_tiling_on_sc=True),
        scratch_types=[
            [pltpu.VMEM((COLS, CHUNK), jnp.float32) for _ in range(2)],
            [pltpu.VMEM((CHUNK,), jnp.int32) for _ in range(2)],
            pltpu.VMEM((L,), jnp.float32),
            [pltpu.SemaphoreType.DMA for _ in range(2)],
            [pltpu.SemaphoreType.DMA for _ in range(2)],
        ],
    )
    return k(scores_t, thr_vec)


def _tc_body(thr_ref, x_ref, o_ref):
    x = x_ref[...]
    m = jnp.max(x, axis=0)
    iota = lax.broadcasted_iota(jnp.int32, (COLS, TC_BLOCK), 0)
    eq = x == m[None, :]
    idx = jnp.min(jnp.where(eq, iota, COLS), axis=0)
    o_ref[...] = jnp.where(m < thr_ref[0], 0, idx)


def _tc_kernel(scores_t, score_threshold):
    thr = jnp.full((1,), score_threshold, jnp.float32)
    grid = (TC_ROWS + TC_BLOCK - 1) // TC_BLOCK
    return pl.pallas_call(
        _tc_body,
        grid=(grid,),
        in_specs=[
            pl.BlockSpec(memory_space=pltpu.SMEM),
            pl.BlockSpec((COLS, TC_BLOCK),
                         lambda i: (0, SC_ROWS // TC_BLOCK + i)),
        ],
        out_specs=pl.BlockSpec((TC_BLOCK,), lambda i: (i,)),
        out_shape=jax.ShapeDtypeStruct((TC_ROWS,), jnp.int32),
        compiler_params=pltpu.CompilerParams(
            dimension_semantics=("arbitrary",)),
    )(thr, scores_t)


def kernel(scores, score_threshold):
    scores_t = scores.T
    sc_out = _sc_kernel(scores_t, score_threshold)
    tc_out = _tc_kernel(scores_t, score_threshold)
    return jnp.concatenate([sc_out, tc_out])

# --- scband reference (transcript-rebuilt; emitter-appended) ---
"""Pipeline reference for scband-model-82154134438133 (READ-ONLY COPY).

The authoritative reference and input builder live on the scoring server;
editing this copy changes nothing except your own understanding.
"""

import jax, jax.numpy as jnp
import numpy as np


def setup_inputs(seed: int = 0) -> dict:
    key = jax.random.key(seed)
    k1, k2 = jax.random.split(key)
    scores = jax.random.uniform(k1, (500000, 80), dtype=jnp.float32)
    score_threshold = jnp.float32(0.5)
    return {"scores": scores, "score_threshold": score_threshold}


def reference(scores, score_threshold):
    # torch.max(scores, dim=1) returns (values, indices)
    max_scores = jnp.max(scores, axis=1)
    class_ids = jnp.argmax(scores, axis=1)
    # class_ids[max_scores < thr] = invalid_value (0)
    invalid = max_scores < score_threshold
    class_ids = jnp.where(invalid, jnp.zeros_like(class_ids), class_ids)
    return class_ids

if __name__ == "__main__":
    import jax
    _d = setup_inputs()
    print(jax.jit(kernel)(*tuple(_d.values())))

</pallas_src>

<mosaic_0001>
#map = affine_map<(d0, d1) -> (0, 0)>
#map1 = affine_map<(d0, d1) -> (0)>
module attributes {stable_mosaic.version = 14 : i64} {
  func.func @_sc_body(%arg0: i32, %arg1: i32, %arg2: memref<80x500000xf32, #tpu.memory_space<hbm>>, %arg3: memref<16xf32, #tpu.memory_space<hbm>>, %arg4: memref<196608xi32, #tpu.memory_space<hbm>>, %arg5: memref<80x128xf32, #tpu.memory_space<vmem>>, %arg6: memref<80x128xf32, #tpu.memory_space<vmem>>, %arg7: memref<128xi32, #tpu.memory_space<vmem>>, %arg8: memref<128xi32, #tpu.memory_space<vmem>>, %arg9: memref<16xf32, #tpu.memory_space<vmem>>, %arg10: memref<!tpu.dma_semaphore, #tpu.memory_space<semaphore_mem>>, %arg11: memref<!tpu.dma_semaphore, #tpu.memory_space<semaphore_mem>>, %arg12: memref<!tpu.dma_semaphore, #tpu.memory_space<semaphore_mem>>, %arg13: memref<!tpu.dma_semaphore, #tpu.memory_space<semaphore_mem>>) attributes {dimension_semantics = [#tpu.dimension_semantics<core_parallel>, #tpu.dimension_semantics<subcore_parallel>], iteration_bounds = array<i64: 2, 16>, scalar_prefetch = 0 : i64, scratch_operands = 9 : i64, tpu.core_type = #tpu.core_type<sc_vector_subcore>, window_params = [{transform_indices = #map}, {transform_indices = #map1}, {transform_indices = #map1}]} {
    %mul3A = arith.constant 2 : i32
    %mul3A_0 = arith.muli %arg1, %mul3A : i32
    %add3A = arith.addi %mul3A_0, %arg0 : i32
    "tpu.region"() ({
      %run_scoped3A = tpu.sem_alloc : memref<!tpu.dma_semaphore, #tpu.memory_space<semaphore_mem>>
      tpu.enqueue_dma source(%arg3 : memref<16xf32, #tpu.memory_space<hbm>>) target(%arg9 : memref<16xf32, #tpu.memory_space<vmem>>) target_semaphore(%run_scoped3A : memref<!tpu.dma_semaphore, #tpu.memory_space<semaphore_mem>>)
      tpu.wait_dma2 semaphore(%run_scoped3A : memref<!tpu.dma_semaphore, #tpu.memory_space<semaphore_mem>>) src(%arg3 : memref<16xf32, #tpu.memory_space<hbm>>) dst(%arg9 : memref<16xf32, #tpu.memory_space<vmem>>)
      tpu.yield
    }) : () -> ()
    %get3A = arith.constant 0 : index
    %get3A_1 = tpu.vector_load %arg9[%get3A] {strides = array<i32>} : memref<16xf32, #tpu.memory_space<vmem>>, vector<16xf32>,
    %sub3A = arith.constant 1536 : i32
    %sub3A_2 = arith.subi %sub3A, %add3A : i32
    %add3A_3 = arith.constant 32 : i32
    %add3A_4 = arith.addi %sub3A_2, %add3A_3 : i32
    %sub3A_5 = arith.constant 1 : i32
    %sub3A_6 = arith.subi %add3A_4, %sub3A_5 : i32
    %jit3A = arith.constant 32 : i32
    %div3A = arith.divsi %sub3A_6, %jit3A : i32
    %sign3A = arith.constant 0 : i32
    %sign3A_7 = arith.cmpi sgt, %sub3A_6, %sign3A : i32
    %sign3A_8 = arith.extui %sign3A_7 : i1 to i32
    %sign3A_9 = arith.constant 0 : i32
    %sign3A_10 = arith.cmpi slt, %sub3A_6, %sign3A_9 : i32
    %sign3A_11 = arith.extui %sign3A_10 : i1 to i32
    %sign3A_12 = arith.subi %sign3A_8, %sign3A_11 : i32
    %sign3A_13 = arith.constant 0 : i32
    %sign3A_14 = arith.cmpi sgt, %jit3A, %sign3A_13 : i32
    %sign3A_15 = arith.extui %sign3A_14 : i1 to i32
    %sign3A_16 = arith.constant 0 : i32
    %sign3A_17 = arith.cmpi slt, %jit3A, %sign3A_16 : i32
    %sign3A_18 = arith.extui %sign3A_17 : i1 to i32
    %sign3A_19 = arith.subi %sign3A_15, %sign3A_18 : i32
    %ne3A = arith.cmpi ne, %sign3A_12, %sign3A_19 : i32
    %rem3A = arith.remsi %sub3A_6, %jit3A : i32
    %ne3A_20 = arith.constant 0 : i32
    %ne3A_21 = arith.cmpi ne, %rem3A, %ne3A_20 : i32
    %and3A = arith.andi %ne3A, %ne3A_21 : i1
    %sub3A_22 = arith.constant 1 : i32
    %sub3A_23 = arith.subi %div3A, %sub3A_22 : i32
    %select_n3A = arith.select %and3A, %sub3A_23, %div3A : i32
    %add3A_24 = arith.constant 0 : i32
    %add3A_25 = arith.addi %add3A, %add3A_24 : i32
    %mul3A_26 = arith.constant 128 : i32
    %mul3A_27 = arith.muli %add3A_25, %mul3A_26 : i32
    %dma_start3A = arith.constant 0 : i32
    %dma_start3A_28 = tpu.memref_slice %arg2[%dma_start3A, %mul3A_27] : memref<80x500000xf32, #tpu.memory_space<hbm>> -> memref<80x128xf32, #tpu.memory_space<hbm>>
    %dma_start3A_29 = arith.constant 0 : i32
    %dma_start3A_30 = tpu.memref_slice %arg2[%dma_start3A_29, %mul3A_27] : memref<80x500000xf32, #tpu.memory_space<hbm>> -> memref<80x128xf32, #tpu.memory_space<hbm>>
    tpu.enqueue_dma source(%dma_start3A_30 : memref<80x128xf32, #tpu.memory_space<hbm>>) target(%arg5 : memref<80x128xf32, #tpu.memory_space<vmem>>) target_semaphore(%arg10 : memref<!tpu.dma_semaphore, #tpu.memory_space<semaphore_mem>>)
    %add3A_31 = arith.constant 1 : i32
    %add3A_32 = arith.addi %select_n3A, %add3A_31 : i32
    %jit3A_33 = arith.constant 2 : i32
    %div3A_34 = arith.divsi %add3A_32, %jit3A_33 : i32
    %sign3A_35 = arith.constant 0 : i32
    %sign3A_36 = arith.cmpi sgt, %add3A_32, %sign3A_35 : i32
    %sign3A_37 = arith.extui %sign3A_36 : i1 to i32
    %sign3A_38 = arith.constant 0 : i32
    %sign3A_39 = arith.cmpi slt, %add3A_32, %sign3A_38 : i32
    %sign3A_40 = arith.extui %sign3A_39 : i1 to i32
    %sign3A_41 = arith.subi %sign3A_37, %sign3A_40 : i32
    %sign3A_42 = arith.constant 0 : i32
    %sign3A_43 = arith.cmpi sgt, %jit3A_33, %sign3A_42 : i32
    %sign3A_44 = arith.extui %sign3A_43 : i1 to i32
    %sign3A_45 = arith.constant 0 : i32
    %sign3A_46 = arith.cmpi slt, %jit3A_33, %sign3A_45 : i32
    %sign3A_47 = arith.extui %sign3A_46 : i1 to i32
    %sign3A_48 = arith.subi %sign3A_44, %sign3A_47 : i32
    %ne3A_49 = arith.cmpi ne, %sign3A_41, %sign3A_48 : i32
    %rem3A_50 = arith.remsi %add3A_32, %jit3A_33 : i32
    %ne3A_51 = arith.constant 0 : i32
    %ne3A_52 = arith.cmpi ne, %rem3A_50, %ne3A_51 : i32
    %and3A_53 = arith.andi %ne3A_49, %ne3A_52 : i1
    %sub3A_54 = arith.constant 1 : i32
    %sub3A_55 = arith.subi %div3A_34, %sub3A_54 : i32
    %select_n3A_56 = arith.select %and3A_53, %sub3A_55, %div3A_34 : i32
    %sub3A_57 = arith.constant 0 : i32
    %sub3A_58 = arith.subi %select_n3A_56, %sub3A_57 : i32
    %sub3A_59 = arith.constant 1 : i32
    %sub3A_60 = arith.constant 1 : i32
    %sub3A_61 = arith.subi %sub3A_59, %sub3A_60 : i32
    %add3A_62 = arith.addi %sub3A_58, %sub3A_61 : i32
    %div3A_63 = arith.constant 1 : i32
    %div3A_64 = arith.divsi %add3A_62, %div3A_63 : i32
    %while3A = arith.constant 1 : i32
    %while3A_65 = arith.constant 0 : i32
    %while3A_66 = arith.constant 0 : i32
    %while3A_67 = arith.subi %div3A_64, %while3A_66 : i32
    %while3A_68 = arith.addi %while3A_66, %while3A_67 : i32
    %while3A_69 = arith.constant 1 : i32
    %while3A_70 = arith.divsi %while3A_67, %while3A_69 : i32
    %while3A_71 = arith.muli %while3A_70, %while3A_69 : i32
    %while3A_72 = arith.addi %while3A_66, %while3A_71 : i32
    %while3A_73 = arith.constant 1 : i32
    scf.for %while3A_82 = %while3A_66 to %while3A_72 step %while3A_73  : i32 {
      %mul3A_83 = arith.muli %while3A_82, %while3A : i32
      %add3A_84 = arith.addi %while3A_65, %mul3A_83 : i32
      %mul3A_85 = arith.constant 2 : i32
      %mul3A_86 = arith.muli %mul3A_85, %add3A_84 : i32
      %add3A_87 = arith.constant 1 : i32
      %add3A_88 = arith.addi %mul3A_86, %add3A_87 : i32
      %lt3A = arith.cmpi slt, %add3A_88, %select_n3A : i32
      %convert_element_type3A = arith.extui %lt3A : i1 to i32
      %cond3A = arith.constant 0 : i32
      %cond3A_89 = arith.cmpi ne, %convert_element_type3A, %cond3A : i32
      scf.if %cond3A_89 {
        %mul3A_115 = arith.constant 32 : i32
        %mul3A_116 = arith.muli %add3A_88, %mul3A_115 : i32
        %add3A_117 = arith.addi %add3A, %mul3A_116 : i32
        %mul3A_118 = arith.constant 128 : i32
        %mul3A_119 = arith.muli %add3A_117, %mul3A_118 : i32
        %dma_start3A_120 = arith.constant 0 : i32
        %dma_start3A_121 = tpu.memref_slice %arg2[%dma_start3A_120, %mul3A_119] : memref<80x500000xf32, #tpu.memory_space<hbm>> -> memref<80x128xf32, #tpu.memory_space<hbm>>
        %dma_start3A_122 = arith.constant 0 : i32
        %dma_start3A_123 = tpu.memref_slice %arg2[%dma_start3A_122, %mul3A_119] : memref<80x500000xf32, #tpu.memory_space<hbm>> -> memref<80x128xf32, #tpu.memory_space<hbm>>
        tpu.enqueue_dma source(%dma_start3A_123 : memref<80x128xf32, #tpu.memory_space<hbm>>) target(%arg6 : memref<80x128xf32, #tpu.memory_space<vmem>>) target_semaphore(%arg11 : memref<!tpu.dma_semaphore, #tpu.memory_space<semaphore_mem>>)
      } else {
      }
      %dma_wait3A_90 = arith.constant 0 : i32
      %dma_wait3A_91 = arith.constant 0 : i32
      %dma_wait3A_92 = tpu.memref_slice %arg2[%dma_wait3A_90, %dma_wait3A_91] : memref<80x500000xf32, #tpu.memory_space<hbm>> -> memref<80x128xf32, #tpu.memory_space<hbm>>
      %dma_wait3A_93 = arith.constant 0 : i32
      %dma_wait3A_94 = arith.constant 0 : i32
      %dma_wait3A_95 = tpu.memref_slice %arg2[%dma_wait3A_93, %dma_wait3A_94] : memref<80x500000xf32, #tpu.memory_space<hbm>> -> memref<80x128xf32, #tpu.memory_space<hbm>>
      tpu.wait_dma2 semaphore(%arg10 : memref<!tpu.dma_semaphore, #tpu.memory_space<semaphore_mem>>) src(%dma_wait3A_95 : memref<80x128xf32, #tpu.memory_space<hbm>>) dst(%arg5 : memref<80x128xf32, #tpu.memory_space<vmem>>)
      %gt3A = arith.constant 0 : i32
      %gt3A_96 = arith.cmpi sgt, %add3A_84, %gt3A : i32
      %convert_element_type3A_97 = arith.extui %gt3A_96 : i1 to i32
      %cond3A_98 = arith.constant 0 : i32
      %cond3A_99 = arith.cmpi ne, %convert_element_type3A_97, %cond3A_98 : i32
      scf.if %cond3A_99 {
        %dma_wait3A_115 = arith.constant 0 : i32
        %dma_wait3A_116 = tpu.memref_slice %arg4[%dma_wait3A_115] : memref<196608xi32, #tpu.memory_space<hbm>> -> memref<128xi32, #tpu.memory_space<hbm>>
        %dma_wait3A_117 = arith.constant 0 : i32
        %dma_wait3A_118 = tpu.memref_slice %arg4[%dma_wait3A_117] : memref<196608xi32, #tpu.memory_space<hbm>> -> memref<128xi32, #tpu.memory_space<hbm>>
        tpu.wait_dma2 semaphore(%arg12 : memref<!tpu.dma_semaphore, #tpu.memory_space<semaphore_mem>>) src(%arg7 : memref<128xi32, #tpu.memory_space<vmem>>) dst(%dma_wait3A_118 : memref<128xi32, #tpu.memory_space<hbm>>)
      } else {
      }
      %scan3A = arith.constant 0 : i32
      %scan3A_100 = arith.constant 8 : i32
      %scan3A_101 = arith.addi %scan3A, %scan3A_100 : i32
      %scan3A_102 = arith.constant 1 : i32
      scf.for %scan3A_115 = %scan3A to %scan3A_101 step %scan3A_102  : i32 {
        %mul3A_116 = arith.constant 1 : i32
        %mul3A_117 = arith.muli %scan3A_115, %mul3A_116 : i32
        %add3A_118 = arith.constant 0 : i32
        %add3A_119 = arith.addi %add3A_118, %mul3A_117 : i32
        %mul3A_120 = arith.constant 16 : i32
        %mul3A_121 = arith.muli %add3A_119, %mul3A_120 : i32
        %get3A_122 = arith.constant 0 : i32
        %get3A_123 = arith.index_cast %get3A_122 : i32 to index
        %get3A_124 = arith.index_cast %mul3A_121 : i32 to index
        %get3A_125 = tpu.vector_load %arg5[%get3A_123, %get3A_124] {strides = array<i32>} : memref<80x128xf32, #tpu.memory_space<vmem>>, vector<16xf32>,
        %broadcast_in_dim3A = arith.constant 0 : i32
        %broadcast_in_dim3A_126 = vector.broadcast %broadcast_in_dim3A : i32 to vector<16xi32>
        %get3A_127 = arith.constant 1 : i32
        %get3A_128 = arith.index_cast %get3A_127 : i32 to index
        %get3A_129 = arith.index_cast %mul3A_121 : i32 to index
        %get3A_130 = tpu.vector_load %arg5[%get3A_128, %get3A_129] {strides = array<i32>} : memref<80x128xf32, #tpu.memory_space<vmem>>, vector<16xf32>,
        %broadcast_in_dim3A_131 = arith.constant 1 : i32
        %broadcast_in_dim3A_132 = vector.broadcast %broadcast_in_dim3A_131 : i32 to vector<16xi32>
        %get3A_133 = arith.constant 2 : i32
        %get3A_134 = arith.index_cast %get3A_133 : i32 to index
        %get3A_135 = arith.index_cast %mul3A_121 : i32 to index
        %get3A_136 = tpu.vector_load %arg5[%get3A_134, %get3A_135] {strides = array<i32>} : memref<80x128xf32, #tpu.memory_space<vmem>>, vector<16xf32>,
        %broadcast_in_dim3A_137 = arith.constant 2 : i32
        %broadcast_in_dim3A_138 = vector.broadcast %broadcast_in_dim3A_137 : i32 to vector<16xi32>
        %get3A_139 = arith.constant 3 : i32
        %get3A_140 = arith.index_cast %get3A_139 : i32 to index
        %get3A_141 = arith.index_cast %mul3A_121 : i32 to index
        %get3A_142 = tpu.vector_load %arg5[%get3A_140, %get3A_141] {strides = array<i32>} : memref<80x128xf32, #tpu.memory_space<vmem>>, vector<16xf32>,
        %broadcast_in_dim3A_143 = arith.constant 3 : i32
        %broadcast_in_dim3A_144 = vector.broadcast %broadcast_in_dim3A_143 : i32 to vector<16xi32>
        %get3A_145 = arith.constant 4 : i32
        %get3A_146 = arith.index_cast %get3A_145 : i32 to index
        %get3A_147 = arith.index_cast %mul3A_121 : i32 to index
        %get3A_148 = tpu.vector_load %arg5[%get3A_146, %get3A_147] {strides = array<i32>} : memref<80x128xf32, #tpu.memory_space<vmem>>, vector<16xf32>,
        %gt3A_149 = arith.cmpf ogt, %get3A_148, %get3A_125 : vector<16xf32>
        %jit3A_150 = arith.constant 4 : i32
        %broadcast_in_dim3A_151 = vector.broadcast %jit3A_150 : i32 to vector<16xi32>
        %select_n3A_152 = arith.select %gt3A_149, %broadcast_in_dim3A_151, %broadcast_in_dim3A_126 : vector<16xi1>, vector<16xi32>
        %max3A = arith.maximumf %get3A_125, %get3A_148 : vector<16xf32>
        %get3A_153 = arith.constant 5 : i32
        %get3A_154 = arith.index_cast %get3A_153 : i32 to index
        %get3A_155 = arith.index_cast %mul3A_121 : i32 to index
        %get3A_156 = tpu.vector_load %arg5[%get3A_154, %get3A_155] {strides = array<i32>} : memref<80x128xf32, #tpu.memory_space<vmem>>, vector<16xf32>,
        %gt3A_157 = arith.cmpf ogt, %get3A_156, %get3A_130 : vector<16xf32>
        %jit3A_158 = arith.constant 5 : i32
        %broadcast_in_dim3A_159 = vector.broadcast %jit3A_158 : i32 to vector<16xi32>
        %select_n3A_160 = arith.select %gt3A_157, %broadcast_in_dim3A_159, %broadcast_in_dim3A_132 : vector<16xi1>, vector<16xi32>
        %max3A_161 = arith.maximumf %get3A_130, %get3A_156 : vector<16xf32>
        %get3A_162 = arith.constant 6 : i32
        %get3A_163 = arith.index_cast %get3A_162 : i32 to index
        %get3A_164 = arith.index_cast %mul3A_121 : i32 to index
        %get3A_165 = tpu.vector_load %arg5[%get3A_163, %get3A_164] {strides = array<i32>} : memref<80x128xf32, #tpu.memory_space<vmem>>, vector<16xf32>,
        %gt3A_166 = arith.cmpf ogt, %get3A_165, %get3A_136 : vector<16xf32>
        %jit3A_167 = arith.constant 6 : i32
        %broadcast_in_dim3A_168 = vector.broadcast %jit3A_167 : i32 to vector<16xi32>
        %select_n3A_169 = arith.select %gt3A_166, %broadcast_in_dim3A_168, %broadcast_in_dim3A_138 : vector<16xi1>, vector<16xi32>
        %max3A_170 = arith.maximumf %get3A_136, %get3A_165 : vector<16xf32>
        %get3A_171 = arith.constant 7 : i32
        %get3A_172 = arith.index_cast %get3A_171 : i32 to index
        %get3A_173 = arith.index_cast %mul3A_121 : i32 to index
        %get3A_174 = tpu.vector_load %arg5[%get3A_172, %get3A_173] {strides = array<i32>} : memref<80x128xf32, #tpu.memory_space<vmem>>, vector<16xf32>,
        %gt3A_175 = arith.cmpf ogt, %get3A_174, %get3A_142 : vector<16xf32>
        %jit3A_176 = arith.constant 7 : i32
        %broadcast_in_dim3A_177 = vector.broadcast %jit3A_176 : i32 to vector<16xi32>
        %select_n3A_178 = arith.select %gt3A_175, %broadcast_in_dim3A_177, %broadcast_in_dim3A_144 : vector<16xi1>, vector<16xi32>
        %max3A_179 = arith.maximumf %get3A_142, %get3A_174 : vector<16xf32>
        %get3A_180 = arith.constant 8 : i32
        %get3A_181 = arith.index_cast %get3A_180 : i32 to index
        %get3A_182 = arith.index_cast %mul3A_121 : i32 to index
        %get3A_183 = tpu.vector_load %arg5[%get3A_181, %get3A_182] {strides = array<i32>} : memref<80x128xf32, #tpu.memory_space<vmem>>, vector<16xf32>,
        %gt3A_184 = arith.cmpf ogt, %get3A_183, %max3A : vector<16xf32>
        %jit3A_185 = arith.constant 8 : i32
        %broadcast_in_dim3A_186 = vector.broadcast %jit3A_185 : i32 to vector<16xi32>
        %select_n3A_187 = arith.select %gt3A_184, %broadcast_in_dim3A_186, %select_n3A_152 : vector<16xi1>, vector<16xi32>
        %max3A_188 = arith.maximumf %max3A, %get3A_183 : vector<16xf32>
        %get3A_189 = arith.constant 9 : i32
        %get3A_190 = arith.index_cast %get3A_189 : i32 to index
        %get3A_191 = arith.index_cast %mul3A_121 : i32 to index
        %get3A_192 = tpu.vector_load %arg5[%get3A_190, %get3A_191] {strides = array<i32>} : memref<80x128xf32, #tpu.memory_space<vmem>>, vector<16xf32>,
        %gt3A_193 = arith.cmpf ogt, %get3A_192, %max3A_161 : vector<16xf32>
        %jit3A_194 = arith.constant 9 : i32
        %broadcast_in_dim3A_195 = vector.broadcast %jit3A_194 : i32 to vector<16xi32>
        %select_n3A_196 = arith.select %gt3A_193, %broadcast_in_dim3A_195, %select_n3A_160 : vector<16xi1>, vector<16xi32>
        %max3A_197 = arith.maximumf %max3A_161, %get3A_192 : vector<16xf32>
        %get3A_198 = arith.constant 10 : i32
        %get3A_199 = arith.index_cast %get3A_198 : i32 to index
        %get3A_200 = arith.index_cast %mul3A_121 : i32 to index
        %get3A_201 = tpu.vector_load %arg5[%get3A_199, %get3A_200] {strides = array<i32>} : memref<80x128xf32, #tpu.memory_space<vmem>>, vector<16xf32>,
        %gt3A_202 = arith.cmpf ogt, %get3A_201, %max3A_170 : vector<16xf32>
        %jit3A_203 = arith.constant 10 : i32
        %broadcast_in_dim3A_204 = vector.broadcast %jit3A_203 : i32 to vector<16xi32>
        %select_n3A_205 = arith.select %gt3A_202, %broadcast_in_dim3A_204, %select_n3A_169 : vector<16xi1>, vector<16xi32>
        %max3A_206 = arith.maximumf %max3A_170, %get3A_201 : vector<16xf32>
        %get3A_207 = arith.constant 11 : i32
        %get3A_208 = arith.index_cast %get3A_207 : i32 to index
        %get3A_209 = arith.index_cast %mul3A_121 : i32 to index
        %get3A_210 = tpu.vector_load %arg5[%get3A_208, %get3A_209] {strides = array<i32>} : memref<80x128xf32, #tpu.memory_space<vmem>>, vector<16xf32>,
        %gt3A_211 = arith.cmpf ogt, %get3A_210, %max3A_179 : vector<16xf32>
        %jit3A_212 = arith.constant 11 : i32
        %broadcast_in_dim3A_213 = vector.broadcast %jit3A_212 : i32 to vector<16xi32>
        %select_n3A_214 = arith.select %gt3A_211, %broadcast_in_dim3A_213, %select_n3A_178 : vector<16xi1>, vector<16xi32>
        %max3A_215 = arith.maximumf %max3A_179, %get3A_210 : vector<16xf32>
        %get3A_216 = arith.constant 12 : i32
        %get3A_217 = arith.index_cast %get3A_216 : i32 to index
        %get3A_218 = arith.index_cast %mul3A_121 : i32 to index
        %get3A_219 = tpu.vector_load %arg5[%get3A_217, %get3A_218] {strides = array<i32>} : memref<80x128xf32, #tpu.memory_space<vmem>>, vector<16xf32>,
        %gt3A_220 = arith.cmpf ogt, %get3A_219, %max3A_188 : vector<16xf32>
        %jit3A_221 = arith.constant 12 : i32
        %broadcast_in_dim3A_222 = vector.broadcast %jit3A_221 : i32 to vector<16xi32>
        %select_n3A_223 = arith.select %gt3A_220, %broadcast_in_dim3A_222, %select_n3A_187 : vector<16xi1>, vector<16xi32>
        %max3A_224 = arith.maximumf %max3A_188, %get3A_219 : vector<16xf32>
        %get3A_225 = arith.constant 13 : i32
        %get3A_226 = arith.index_cast %get3A_225 : i32 to index
        %get3A_227 = arith.index_cast %mul3A_121 : i32 to index
        %get3A_228 = tpu.vector_load %arg5[%get3A_226, %get3A_227] {strides = array<i32>} : memref<80x128xf32, #tpu.memory_space<vmem>>, vector<16xf32>,
        %gt3A_229 = arith.cmpf ogt, %get3A_228, %max3A_197 : vector<16xf32>
        %jit3A_230 = arith.constant 13 : i32
        %broadcast_in_dim3A_231 = vector.broadcast %jit3A_230 : i32 to vector<16xi32>
        %select_n3A_232 = arith.select %gt3A_229, %broadcast_in_dim3A_231, %select_n3A_196 : vector<16xi1>, vector<16xi32>
        %max3A_233 = arith.maximumf %max3A_197, %get3A_228 : vector<16xf32>
        %get3A_234 = arith.constant 14 : i32
        %get3A_235 = arith.index_cast %get3A_234 : i32 to index
        %get3A_236 = arith.index_cast %mul3A_121 : i32 to index
        %get3A_237 = tpu.vector_load %arg5[%get3A_235, %get3A_236] {strides = array<i32>} : memref<80x128xf32, #tpu.memory_space<vmem>>, vector<16xf32>,
        %gt3A_238 = arith.cmpf ogt, %get3A_237, %max3A_206 : vector<16xf32>
        %jit3A_239 = arith.constant 14 : i32
        %broadcast_in_dim3A_240 = vector.broadcast %jit3A_239 : i32 to vector<16xi32>
        %select_n3A_241 = arith.select %gt3A_238, %broadcast_in_dim3A_240, %select_n3A_205 : vector<16xi1>, vector<16xi32>
        %max3A_242 = arith.maximumf %max3A_206, %get3A_237 : vector<16xf32>
        %get3A_243 = arith.constant 15 : i32
        %get3A_244 = arith.index_cast %get3A_243 : i32 to index
        %get3A_245 = arith.index_cast %mul3A_121 : i32 to index
        %get3A_246 = tpu.vector_load %arg5[%get3A_244, %get3A_245] {strides = array<i32>} : memref<80x128xf32, #tpu.memory_space<vmem>>, vector<16xf32>,
        %gt3A_247 = arith.cmpf ogt, %get3A_246, %max3A_215 : vector<16xf32>
        %jit3A_248 = arith.constant 15 : i32
        %broadcast_in_dim3A_249 = vector.broadcast %jit3A_248 : i32 to vector<16xi32>
        %select_n3A_250 = arith.select %gt3A_247, %broadcast_in_dim3A_249, %select_n3A_214 : vector<16xi1>, vector<16xi32>
        %max3A_251 = arith.maximumf %max3A_215, %get3A_246 : vector<16xf32>
        %get3A_252 = arith.constant 16 : i32
        %get3A_253 = arith.index_cast %get3A_252 : i32 to index
        %get3A_254 = arith.index_cast %mul3A_121 : i32 to index
        %get3A_255 = tpu.vector_load %arg5[%get3A_253, %get3A_254] {strides = array<i32>} : memref<80x128xf32, #tpu.memory_space<vmem>>, vector<16xf32>,
        %gt3A_256 = arith.cmpf ogt, %get3A_255, %max3A_224 : vector<16xf32>
        %jit3A_257 = arith.constant 16 : i32
        %broadcast_in_dim3A_258 = vector.broadcast %jit3A_257 : i32 to vector<16xi32>
        %select_n3A_259 = arith.select %gt3A_256, %broadcast_in_dim3A_258, %select_n3A_223 : vector<16xi1>, vector<16xi32>
        %max3A_260 = arith.maximumf %max3A_224, %get3A_255 : vector<16xf32>
        %get3A_261 = arith.constant 17 : i32
        %get3A_262 = arith.index_cast %get3A_261 : i32 to index
        %get3A_263 = arith.index_cast %mul3A_121 : i32 to index
        %get3A_264 = tpu.vector_load %arg5[%get3A_262, %get3A_263] {strides = array<i32>} : memref<80x128xf32, #tpu.memory_space<vmem>>, vector<16xf32>,
        %gt3A_265 = arith.cmpf ogt, %get3A_264, %max3A_233 : vector<16xf32>
        %jit3A_266 = arith.constant 17 : i32
        %broadcast_in_dim3A_267 = vector.broadcast %jit3A_266 : i32 to vector<16xi32>
        %select_n3A_268 = arith.select %gt3A_265, %broadcast_in_dim3A_267, %select_n3A_232 : vector<16xi1>, vector<16xi32>
        %max3A_269 = arith.maximumf %max3A_233, %get3A_264 : vector<16xf32>
        %get3A_270 = arith.constant 18 : i32
        %get3A_271 = arith.index_cast %get3A_270 : i32 to index
        %get3A_272 = arith.index_cast %mul3A_121 : i32 to index
        %get3A_273 = tpu.vector_load %arg5[%get3A_271, %get3A_272] {strides = array<i32>} : memref<80x128xf32, #tpu.memory_space<vmem>>, vector<16xf32>,
        %gt3A_274 = arith.cmpf ogt, %get3A_273, %max3A_242 : vector<16xf32>
        %jit3A_275 = arith.constant 18 : i32
        %broadcast_in_dim3A_276 = vector.broadcast %jit3A_275 : i32 to vector<16xi32>
        %select_n3A_277 = arith.select %gt3A_274, %broadcast_in_dim3A_276, %select_n3A_241 : vector<16xi1>, vector<16xi32>
        %max3A_278 = arith.maximumf %max3A_242, %get3A_273 : vector<16xf32>
        %get3A_279 = arith.constant 19 : i32
        %get3A_280 = arith.index_cast %get3A_279 : i32 to index
        %get3A_281 = arith.index_cast %mul3A_121 : i32 to index
        %get3A_282 = tpu.vector_load %arg5[%get3A_280, %get3A_281] {strides = array<i32>} : memref<80x128xf32, #tpu.memory_space<vmem>>, vector<16xf32>,
        %gt3A_283 = arith.cmpf ogt, %get3A_282, %max3A_251 : vector<16xf32>
        %jit3A_284 = arith.constant 19 : i32
        %broadcast_in_dim3A_285 = vector.broadcast %jit3A_284 : i32 to vector<16xi32>
        %select_n3A_286 = arith.select %gt3A_283, %broadcast_in_dim3A_285, %select_n3A_250 : vector<16xi1>, vector<16xi32>
        %max3A_287 = arith.maximumf %max3A_251, %get3A_282 : vector<16xf32>
        %get3A_288 = arith.constant 20 : i32
        %get3A_289 = arith.index_cast %get3A_288 : i32 to index
        %get3A_290 = arith.index_cast %mul3A_121 : i32 to index
        %get3A_291 = tpu.vector_load %arg5[%get3A_289, %get3A_290] {strides = array<i32>} : memref<80x128xf32, #tpu.memory_space<vmem>>, vector<16xf32>,
        %gt3A_292 = arith.cmpf ogt, %get3A_291, %max3A_260 : vector<16xf32>
        %jit3A_293 = arith.constant 20 : i32
        %broadcast_in_dim3A_294 = vector.broadcast %jit3A_293 : i32 to vector<16xi32>
        %select_n3A_295 = arith.select %gt3A_292, %broadcast_in_dim3A_294, %select_n3A_259 : vector<16xi1>, vector<16xi32>
        %max3A_296 = arith.maximumf %max3A_260, %get3A_291 : vector<16xf32>
        %get3A_297 = arith.constant 21 : i32
        %get3A_298 = arith.index_cast %get3A_297 : i32 to index
        %get3A_299 = arith.index_cast %mul3A_121 : i32 to index
        %get3A_300 = tpu.vector_load %arg5[%get3A_298, %get3A_299] {strides = array<i32>} : memref<80x128xf32, #tpu.memory_space<vmem>>, vector<16xf32>,
        %gt3A_301 = arith.cmpf ogt, %get3A_300, %max3A_269 : vector<16xf32>
        %jit3A_302 = arith.constant 21 : i32
        %broadcast_in_dim3A_303 = vector.broadcast %jit3A_302 : i32 to vector<16xi32>
        %select_n3A_304 = arith.select %gt3A_301, %broadcast_in_dim3A_303, %select_n3A_268 : vector<16xi1>, vector<16xi32>
        %max3A_305 = arith.maximumf %max3A_269, %get3A_300 : vector<16xf32>
        %get3A_306 = arith.constant 22 : i32
        %get3A_307 = arith.index_cast %get3A_306 : i32 to index
        %get3A_308 = arith.index_cast %mul3A_121 : i32 to index
        %get3A_309 = tpu.vector_load %arg5[%get3A_307, %get3A_308] {strides = array<i32>} : memref<80x128xf32, #tpu.memory_space<vmem>>, vector<16xf32>,
        %gt3A_310 = arith.cmpf ogt, %get3A_309, %max3A_278 : vector<16xf32>
        %jit3A_311 = arith.constant 22 : i32
        %broadcast_in_dim3A_312 = vector.broadcast %jit3A_311 : i32 to vector<16xi32>
        %select_n3A_313 = arith.select %gt3A_310, %broadcast_in_dim3A_312, %select_n3A_277 : vector<16xi1>, vector<16xi32>
        %max3A_314 = arith.maximumf %max3A_278, %get3A_309 : vector<16xf32>
        %get3A_315 = arith.constant 23 : i32
        %get3A_316 = arith.index_cast %get3A_315 : i32 to index
        %get3A_317 = arith.index_cast %mul3A_121 : i32 to index
        %get3A_318 = tpu.vector_load %arg5[%get3A_316, %get3A_317] {strides = array<i32>} : memref<80x128xf32, #tpu.memory_space<vmem>>, vector<16xf32>,
        %gt3A_319 = arith.cmpf ogt, %get3A_318, %max3A_287 : vector<16xf32>
        %jit3A_320 = arith.constant 23 : i32
        %broadcast_in_dim3A_321 = vector.broadcast %jit3A_320 : i32 to vector<16xi32>
        %select_n3A_322 = arith.select %gt3A_319, %broadcast_in_dim3A_321, %select_n3A_286 : vector<16xi1>, vector<16xi32>
        %max3A_323 = arith.maximumf %max3A_287, %get3A_318 : vector<16xf32>
        %get3A_324 = arith.constant 24 : i32
        %get3A_325 = arith.index_cast %get3A_324 : i32 to index
        %get3A_326 = arith.index_cast %mul3A_121 : i32 to index
        %get3A_327 = tpu.vector_load %arg5[%get3A_325, %get3A_326] {strides = array<i32>} : memref<80x128xf32, #tpu.memory_space<vmem>>, vector<16xf32>,
        %gt3A_328 = arith.cmpf ogt, %get3A_327, %max3A_296 : vector<16xf32>
        %jit3A_329 = arith.constant 24 : i32
        %broadcast_in_dim3A_330 = vector.broadcast %jit3A_329 : i32 to vector<16xi32>
        %select_n3A_331 = arith.select %gt3A_328, %broadcast_in_dim3A_330, %select_n3A_295 : vector<16xi1>, vector<16xi32>
        %max3A_332 = arith.maximumf %max3A_296, %get3A_327 : vector<16xf32>
        %get3A_333 = arith.constant 25 : i32
        %get3A_334 = arith.index_cast %get3A_333 : i32 to index
        %get3A_335 = arith.index_cast %mul3A_121 : i32 to index
        %get3A_336 = tpu.vector_load %arg5[%get3A_334, %get3A_335] {strides = array<i32>} : memref<80x128xf32, #tpu.memory_space<vmem>>, vector<16xf32>,
        %gt3A_337 = arith.cmpf ogt, %get3A_336, %max3A_305 : vector<16xf32>
        %jit3A_338 = arith.constant 25 : i32
        %broadcast_in_dim3A_339 = vector.broadcast %jit3A_338 : i32 to vector<16xi32>
        %select_n3A_340 = arith.select %gt3A_337, %broadcast_in_dim3A_339, %select_n3A_304 : vector<16xi1>, vector<16xi32>
        %max3A_341 = arith.maximumf %max3A_305, %get3A_336 : vector<16xf32>
        %get3A_342 = arith.constant 26 : i32
        %get3A_343 = arith.index_cast %get3A_342 : i32 to index
        %get3A_344 = arith.index_cast %mul3A_121 : i32 to index
        %get3A_345 = tpu.vector_load %arg5[%get3A_343, %get3A_344] {strides = array<i32>} : memref<80x128xf32, #tpu.memory_space<vmem>>, vector<16xf32>,
        %gt3A_346 = arith.cmpf ogt, %get3A_345, %max3A_314 : vector<16xf32>
        %jit3A_347 = arith.constant 26 : i32
        %broadcast_in_dim3A_348 = vector.broadcast %jit3A_347 : i32 to vector<16xi32>
        %select_n3A_349 = arith.select %gt3A_346, %broadcast_in_dim3A_348, %select_n3A_313 : vector<16xi1>, vector<16xi32>
        %max3A_350 = arith.maximumf %max3A_314, %get3A_345 : vector<16xf32>
        %get3A_351 = arith.constant 27 : i32
        %get3A_352 = arith.index_cast %get3A_351 : i32 to index
        %get3A_353 = arith.index_cast %mul3A_121 : i32 to index
        %get3A_354 = tpu.vector_load %arg5[%get3A_352, %get3A_353] {strides = array<i32>} : memref<80x128xf32, #tpu.memory_space<vmem>>, vector<16xf32>,
        %gt3A_355 = arith.cmpf ogt, %get3A_354, %max3A_323 : vector<16xf32>
        %jit3A_356 = arith.constant 27 : i32
        %broadcast_in_dim3A_357 = vector.broadcast %jit3A_356 : i32 to vector<16xi32>
        %select_n3A_358 = arith.select %gt3A_355, %broadcast_in_dim3A_357, %select_n3A_322 : vector<16xi1>, vector<16xi32>
        %max3A_359 = arith.maximumf %max3A_323, %get3A_354 : vector<16xf32>
        %get3A_360 = arith.constant 28 : i32
        %get3A_361 = arith.index_cast %get3A_360 : i32 to index
        %get3A_362 = arith.index_cast %mul3A_121 : i32 to index
        %get3A_363 = tpu.vector_load %arg5[%get3A_361, %get3A_362] {strides = array<i32>} : memref<80x128xf32, #tpu.memory_space<vmem>>, vector<16xf32>,
        %gt3A_364 = arith.cmpf ogt, %get3A_363, %max3A_332 : vector<16xf32>
        %jit3A_365 = arith.constant 28 : i32
        %broadcast_in_dim3A_366 = vector.broadcast %jit3A_365 : i32 to vector<16xi32>
        %select_n3A_367 = arith.select %gt3A_364, %broadcast_in_dim3A_366, %select_n3A_331 : vector<16xi1>, vector<16xi32>
        %max3A_368 = arith.maximumf %max3A_332, %get3A_363 : vector<16xf32>
        %get3A_369 = arith.constant 29 : i32
        %get3A_370 = arith.index_cast %get3A_369 : i32 to index
        %get3A_371 = arith.index_cast %mul3A_121 : i32 to index
        %get3A_372 = tpu.vector_load %arg5[%get3A_370, %get3A_371] {strides = array<i32>} : memref<80x128xf32, #tpu.memory_space<vmem>>, vector<16xf32>,
        %gt3A_373 = arith.cmpf ogt, %get3A_372, %max3A_341 : vector<16xf32>
        %jit3A_374 = arith.constant 29 : i32
        %broadcast_in_dim3A_375 = vector.broadcast %jit3A_374 : i32 to vector<16xi32>
        %select_n3A_376 = arith.select %gt3A_373, %broadcast_in_dim3A_375, %select_n3A_340 : vector<16xi1>, vector<16xi32>
        %max3A_377 = arith.maximumf %max3A_341, %get3A_372 : vector<16xf32>
        %get3A_378 = arith.constant 30 : i32
        %get3A_379 = arith.index_cast %get3A_378 : i32 to index
        %get3A_380 = arith.index_cast %mul3A_121 : i32 to index
        %get3A_381 = tpu.vector_load %arg5[%get3A_379, %get3A_380] {strides = array<i32>} : memref<80x128xf32, #tpu.memory_space<vmem>>, vector<16xf32>,
        %gt3A_382 = arith.cmpf ogt, %get3A_381, %max3A_350 : vector<16xf32>
        %jit3A_383 = arith.constant 30 : i32
        %broadcast_in_dim3A_384 = vector.broadcast %jit3A_383 : i32 to vector<16xi32>
        %select_n3A_385 = arith.select %gt3A_382, %broadcast_in_dim3A_384, %select_n3A_349 : vector<16xi1>, vector<16xi32>
        %max3A_386 = arith.maximumf %max3A_350, %get3A_381 : vector<16xf32>
        %get3A_387 = arith.constant 31 : i32
        %get3A_388 = arith.index_cast %get3A_387 : i32 to index
        %get3A_389 = arith.index_cast %mul3A_121 : i32 to index
        %get3A_390 = tpu.vector_load %arg5[%get3A_388, %get3A_389] {strides = array<i32>} : memref<80x128xf32, #tpu.memory_space<vmem>>, vector<16xf32>,
        %gt3A_391 = arith.cmpf ogt, %get3A_390, %max3A_359 : vector<16xf32>
        %jit3A_392 = arith.constant 31 : i32
        %broadcast_in_dim3A_393 = vector.broadcast %jit3A_392 : i32 to vector<16xi32>
        %select_n3A_394 = arith.select %gt3A_391, %broadcast_in_dim3A_393, %select_n3A_358 : vector<16xi1>, vector<16xi32>
        %max3A_395 = arith.maximumf %max3A_359, %get3A_390 : vector<16xf32>
        %get3A_396 = arith.constant 32 : i32
        %get3A_397 = arith.index_cast %get3A_396 : i32 to index
        %get3A_398 = arith.index_cast %mul3A_121 : i32 to index
        %get3A_399 = tpu.vector_load %arg5[%get3A_397, %get3A_398] {strides = array<i32>} : memref<80x128xf32, #tpu.memory_space<vmem>>, vector<16xf32>,
        %gt3A_400 = arith.cmpf ogt, %get3A_399, %max3A_368 : vector<16xf32>
        %jit3A_401 = arith.constant 32 : i32
        %broadcast_in_dim3A_402 = vector.broadcast %jit3A_401 : i32 to vector<16xi32>
        %select_n3A_403 = arith.select %gt3A_400, %broadcast_in_dim3A_402, %select_n3A_367 : vector<16xi1>, vector<16xi32>
        %max3A_404 = arith.maximumf %max3A_368, %get3A_399 : vector<16xf32>
        %get3A_405 = arith.constant 33 : i32
        %get3A_406 = arith.index_cast %get3A_405 : i32 to index
        %get3A_407 = arith.index_cast %mul3A_121 : i32 to index
        %get3A_408 = tpu.vector_load %arg5[%get3A_406, %get3A_407] {strides = array<i32>} : memref<80x128xf32, #tpu.memory_space<vmem>>, vector<16xf32>,
        %gt3A_409 = arith.cmpf ogt, %get3A_408, %max3A_377 : vector<16xf32>
        %jit3A_410 = arith.constant 33 : i32
        %broadcast_in_dim3A_411 = vector.broadcast %jit3A_410 : i32 to vector<16xi32>
        %select_n3A_412 = arith.select %gt3A_409, %broadcast_in_dim3A_411, %select_n3A_376 : vector<16xi1>, vector<16xi32>
        %max3A_413 = arith.maximumf %max3A_377, %get3A_408 : vector<16xf32>
        %get3A_414 = arith.constant 34 : i32
        %get3A_415 = arith.index_cast %get3A_414 : i32 to index
        %get3A_416 = arith.index_cast %mul3A_121 : i32 to index
        %get3A_417 = tpu.vector_load %arg5[%get3A_415, %get3A_416] {strides = array<i32>} : memref<80x128xf32, #tpu.memory_space<vmem>>, vector<16xf32>,
        %gt3A_418 = arith.cmpf ogt, %get3A_417, %max3A_386 : vector<16xf32>
        %jit3A_419 = arith.constant 34 : i32
        %broadcast_in_dim3A_420 = vector.broadcast %jit3A_419 : i32 to vector<16xi32>
        %select_n3A_421 = arith.select %gt3A_418, %broadcast_in_dim3A_420, %select_n3A_385 : vector<16xi1>, vector<16xi32>
        %max3A_422 = arith.maximumf %max3A_386, %get3A_417 : vector<16xf32>
        %get3A_423 = arith.constant 35 : i32
        %get3A_424 = arith.index_cast %get3A_423 : i32 to index
        %get3A_425 = arith.index_cast %mul3A_121 : i32 to index
        %get3A_426 = tpu.vector_load %arg5[%get3A_424, %get3A_425] {strides = array<i32>} : memref<80x128xf32, #tpu.memory_space<vmem>>, vector<16xf32>,
        %gt3A_427 = arith.cmpf ogt, %get3A_426, %max3A_395 : vector<16xf32>
        %jit3A_428 = arith.constant 35 : i32
        %broadcast_in_dim3A_429 = vector.broadcast %jit3A_428 : i32 to vector<16xi32>
        %select_n3A_430 = arith.select %gt3A_427, %broadcast_in_dim3A_429, %select_n3A_394 : vector<16xi1>, vector<16xi32>
        %max3A_431 = arith.maximumf %max3A_395, %get3A_426 : vector<16xf32>
        %get3A_432 = arith.constant 36 : i32
        %get3A_433 = arith.index_cast %get3A_432 : i32 to index
        %get3A_434 = arith.index_cast %mul3A_121 : i32 to index
        %get3A_435 = tpu.vector_load %arg5[%get3A_433, %get3A_434] {strides = array<i32>} : memref<80x128xf32, #tpu.memory_space<vmem>>, vector<16xf32>,
        %gt3A_436 = arith.cmpf ogt, %get3A_435, %max3A_404 : vector<16xf32>
        %jit3A_437 = arith.constant 36 : i32
        %broadcast_in_dim3A_438 = vector.broadcast %jit3A_437 : i32 to vector<16xi32>
        %select_n3A_439 = arith.select %gt3A_436, %broadcast_in_dim3A_438, %select_n3A_403 : vector<16xi1>, vector<16xi32>
        %max3A_440 = arith.maximumf %max3A_404, %get3A_435 : vector<16xf32>
        %get3A_441 = arith.constant 37 : i32
        %get3A_442 = arith.index_cast %get3A_441 : i32 to index
        %get3A_443 = arith.index_cast %mul3A_121 : i32 to index
        %get3A_444 = tpu.vector_load %arg5[%get3A_442, %get3A_443] {strides = array<i32>} : memref<80x128xf32, #tpu.memory_space<vmem>>, vector<16xf32>,
        %gt3A_445 = arith.cmpf ogt, %get3A_444, %max3A_413 : vector<16xf32>
        %jit3A_446 = arith.constant 37 : i32
        %broadcast_in_dim3A_447 = vector.broadcast %jit3A_446 : i32 to vector<16xi32>
        %select_n3A_448 = arith.select %gt3A_445, %broadcast_in_dim3A_447, %select_n3A_412 : vector<16xi1>, vector<16xi32>
        %max3A_449 = arith.maximumf %max3A_413, %get3A_444 : vector<16xf32>
        %get3A_450 = arith.constant 38 : i32
        %get3A_451 = arith.index_cast %get3A_450 : i32 to index
        %get3A_452 = arith.index_cast %mul3A_121 : i32 to index
        %get3A_453 = tpu.vector_load %arg5[%get3A_451, %get3A_452] {strides = array<i32>} : memref<80x128xf32, #tpu.memory_space<vmem>>, vector<16xf32>,
        %gt3A_454 = arith.cmpf ogt, %get3A_453, %max3A_422 : vector<16xf32>
        %jit3A_455 = arith.constant 38 : i32
        %broadcast_in_dim3A_456 = vector.broadcast %jit3A_455 : i32 to vector<16xi32>
        %select_n3A_457 = arith.select %gt3A_454, %broadcast_in_dim3A_456, %select_n3A_421 : vector<16xi1>, vector<16xi32>
        %max3A_458 = arith.maximumf %max3A_422, %get3A_453 : vector<16xf32>
        %get3A_459 = arith.constant 39 : i32
        %get3A_460 = arith.index_cast %get3A_459 : i32 to index
        %get3A_461 = arith.index_cast %mul3A_121 : i32 to index
        %get3A_462 = tpu.vector_load %arg5[%get3A_460, %get3A_461] {strides = array<i32>} : memref<80x128xf32, #tpu.memory_space<vmem>>, vector<16xf32>,
        %gt3A_463 = arith.cmpf ogt, %get3A_462, %max3A_431 : vector<16xf32>
        %jit3A_464 = arith.constant 39 : i32
        %broadcast_in_dim3A_465 = vector.broadcast %jit3A_464 : i32 to vector<16xi32>
        %select_n3A_466 = arith.select %gt3A_463, %broadcast_in_dim3A_465, %select_n3A_430 : vector<16xi1>, vector<16xi32>
        %max3A_467 = arith.maximumf %max3A_431, %get3A_462 : vector<16xf32>
        %get3A_468 = arith.constant 40 : i32
        %get3A_469 = arith.index_cast %get3A_468 : i32 to index
        %get3A_470 = arith.index_cast %mul3A_121 : i32 to index
        %get3A_471 = tpu.vector_load %arg5[%get3A_469, %get3A_470] {strides = array<i32>} : memref<80x128xf32, #tpu.memory_space<vmem>>, vector<16xf32>,
        %gt3A_472 = arith.cmpf ogt, %get3A_471, %max3A_440 : vector<16xf32>
        %jit3A_473 = arith.constant 40 : i32
        %broadcast_in_dim3A_474 = vector.broadcast %jit3A_473 : i32 to vector<16xi32>
        %select_n3A_475 = arith.select %gt3A_472, %broadcast_in_dim3A_474, %select_n3A_439 : vector<16xi1>, vector<16xi32>
        %max3A_476 = arith.maximumf %max3A_440, %get3A_471 : vector<16xf32>
        %get3A_477 = arith.constant 41 : i32
        %get3A_478 = arith.index_cast %get3A_477 : i32 to index
        %get3A_479 = arith.index_cast %mul3A_121 : i32 to index
        %get3A_480 = tpu.vector_load %arg5[%get3A_478, %get3A_479] {strides = array<i32>} : memref<80x128xf32, #tpu.memory_space<vmem>>, vector<16xf32>,
        %gt3A_481 = arith.cmpf ogt, %get3A_480, %max3A_449 : vector<16xf32>
        %jit3A_482 = arith.constant 41 : i32
        %broadcast_in_dim3A_483 = vector.broadcast %jit3A_482 : i32 to vector<16xi32>
        %select_n3A_484 = arith.select %gt3A_481, %broadcast_in_dim3A_483, %select_n3A_448 : vector<16xi1>, vector<16xi32>
        %max3A_485 = arith.maximumf %max3A_449, %get3A_480 : vector<16xf32>
        %get3A_486 = arith.constant 42 : i32
        %get3A_487 = arith.index_cast %get3A_486 : i32 to index
        %get3A_488 = arith.index_cast %mul3A_121 : i32 to index
        %get3A_489 = tpu.vector_load %arg5[%get3A_487, %get3A_488] {strides = array<i32>} : memref<80x128xf32, #tpu.memory_space<vmem>>, vector<16xf32>,
        %gt3A_490 = arith.cmpf ogt, %get3A_489, %max3A_458 : vector<16xf32>
        %jit3A_491 = arith.constant 42 : i32
        %broadcast_in_dim3A_492 = vector.broadcast %jit3A_491 : i32 to vector<16xi32>
        %select_n3A_493 = arith.select %gt3A_490, %broadcast_in_dim3A_492, %select_n3A_457 : vector<16xi1>, vector<16xi32>
        %max3A_494 = arith.maximumf %max3A_458, %get3A_489 : vector<16xf32>
        %get3A_495 = arith.constant 43 : i32
        %get3A_496 = arith.index_cast %get3A_495 : i32 to index
        %get3A_497 = arith.index_cast %mul3A_121 : i32 to index
        %get3A_498 = tpu.vector_load %arg5[%get3A_496, %get3A_497] {strides = array<i32>} : memref<80x128xf32, #tpu.memory_space<vmem>>, vector<16xf32>,
        %gt3A_499 = arith.cmpf ogt, %get3A_498, %max3A_467 : vector<16xf32>
        %jit3A_500 = arith.constant 43 : i32
        %broadcast_in_dim3A_501 = vector.broadcast %jit3A_500 : i32 to vector<16xi32>
        %select_n3A_502 = arith.select %gt3A_499, %broadcast_in_dim3A_501, %select_n3A_466 : vector<16xi1>, vector<16xi32>
        %max3A_503 = arith.maximumf %max3A_467, %get3A_498 : vector<16xf32>
        %get3A_504 = arith.constant 44 : i32
        %get3A_505 = arith.index_cast %get3A_504 : i32 to index
        %get3A_506 = arith.index_cast %mul3A_121 : i32 to index
        %get3A_507 = tpu.vector_load %arg5[%get3A_505, %get3A_506] {strides = array<i32>} : memref<80x128xf32, #tpu.memory_space<vmem>>, vector<16xf32>,
        %gt3A_508 = arith.cmpf ogt, %get3A_507, %max3A_476 : vector<16xf32>
        %jit3A_509 = arith.constant 44 : i32
        %broadcast_in_dim3A_510 = vector.broadcast %jit3A_509 : i32 to vector<16xi32>
        %select_n3A_511 = arith.select %gt3A_508, %broadcast_in_dim3A_510, %select_n3A_475 : vector<16xi1>, vector<16xi32>
        %max3A_512 = arith.maximumf %max3A_476, %get3A_507 : vector<16xf32>
        %get3A_513 = arith.constant 45 : i32
        %get3A_514 = arith.index_cast %get3A_513 : i32 to index
        %get3A_515 = arith.index_cast %mul3A_121 : i32 to index
        %get3A_516 = tpu.vector_load %arg5[%get3A_514, %get3A_515] {strides = array<i32>} : memref<80x128xf32, #tpu.memory_space<vmem>>, vector<16xf32>,
        %gt3A_517 = arith.cmpf ogt, %get3A_516, %max3A_485 : vector<16xf32>
        %jit3A_518 = arith.constant 45 : i32
        %broadcast_in_dim3A_519 = vector.broadcast %jit3A_518 : i32 to vector<16xi32>
        %select_n3A_520 = arith.select %gt3A_517, %broadcast_in_dim3A_519, %select_n3A_484 : vector<16xi1>, vector<16xi32>
        %max3A_521 = arith.maximumf %max3A_485, %get3A_516 : vector<16xf32>
        %get3A_522 = arith.constant 46 : i32
        %get3A_523 = arith.index_cast %get3A_522 : i32 to index
        %get3A_524 = arith.index_cast %mul3A_121 : i32 to index
        %get3A_525 = tpu.vector_load %arg5[%get3A_523, %get3A_524] {strides = array<i32>} : memref<80x128xf32, #tpu.memory_space<vmem>>, vector<16xf32>,
        %gt3A_526 = arith.cmpf ogt, %get3A_525, %max3A_494 : vector<16xf32>
        %jit3A_527 = arith.constant 46 : i32
        %broadcast_in_dim3A_528 = vector.broadcast %jit3A_527 : i32 to vector<16xi32>
        %select_n3A_529 = arith.select %gt3A_526, %broadcast_in_dim3A_528, %select_n3A_493 : vector<16xi1>, vector<16xi32>
        %max3A_530 = arith.maximumf %max3A_494, %get3A_525 : vector<16xf32>
        %get3A_531 = arith.constant 47 : i32
        %get3A_532 = arith.index_cast %get3A_531 : i32 to index
        %get3A_533 = arith.index_cast %mul3A_121 : i32 to index
        %get3A_534 = tpu.vector_load %arg5[%get3A_532, %get3A_533] {strides = array<i32>} : memref<80x128xf32, #tpu.memory_space<vmem>>, vector<16xf32>,
        %gt3A_535 = arith.cmpf ogt, %get3A_534, %max3A_503 : vector<16xf32>
        %jit3A_536 = arith.constant 47 : i32
        %broadcast_in_dim3A_537 = vector.broadcast %jit3A_536 : i32 to vector<16xi32>
        %select_n3A_538 = arith.select %gt3A_535, %broadcast_in_dim3A_537, %select_n3A_502 : vector<16xi1>, vector<16xi32>
        %max3A_539 = arith.maximumf %max3A_503, %get3A_534 : vector<16xf32>
        %get3A_540 = arith.constant 48 : i32
        %get3A_541 = arith.index_cast %get3A_540 : i32 to index
        %get3A_542 = arith.index_cast %mul3A_121 : i32 to index
        %get3A_543 = tpu.vector_load %arg5[%get3A_541, %get3A_542] {strides = array<i32>} : memref<80x128xf32, #tpu.memory_space<vmem>>, vector<16xf32>,
        %gt3A_544 = arith.cmpf ogt, %get3A_543, %max3A_512 : vector<16xf32>
        %jit3A_545 = arith.constant 48 : i32
        %broadcast_in_dim3A_546 = vector.broadcast %jit3A_545 : i32 to vector<16xi32>
        %select_n3A_547 = arith.select %gt3A_544, %broadcast_in_dim3A_546, %select_n3A_511 : vector<16xi1>, vector<16xi32>
        %max3A_548 = arith.maximumf %max3A_512, %get3A_543 : vector<16xf32>
        %get3A_549 = arith.constant 49 : i32
        %get3A_550 = arith.index_cast %get3A_549 : i32 to index
        %get3A_551 = arith.index_cast %mul3A_121 : i32 to index
        %get3A_552 = tpu.vector_load %arg5[%get3A_550, %get3A_551] {strides = array<i32>} : memref<80x128xf32, #tpu.memory_space<vmem>>, vector<16xf32>,
        %gt3A_553 = arith.cmpf ogt, %get3A_552, %max3A_521 : vector<16xf32>
        %jit3A_554 = arith.constant 49 : i32
        %broadcast_in_dim3A_555 = vector.broadcast %jit3A_554 : i32 to vector<16xi32>
        %select_n3A_556 = arith.select %gt3A_553, %broadcast_in_dim3A_555, %select_n3A_520 : vector<16xi1>, vector<16xi32>
        %max3A_557 = arith.maximumf %max3A_521, %get3A_552 : vector<16xf32>
        %get3A_558 = arith.constant 50 : i32
        %get3A_559 = arith.index_cast %get3A_558 : i32 to index
        %get3A_560 = arith.index_cast %mul3A_121 : i32 to index
        %get3A_561 = tpu.vector_load %arg5[%get3A_559, %get3A_560] {strides = array<i32>} : memref<80x128xf32, #tpu.memory_space<vmem>>, vector<16xf32>,
        %gt3A_562 = arith.cmpf ogt, %get3A_561, %max3A_530 : vector<16xf32>
        %jit3A_563 = arith.constant 50 : i32
        %broadcast_in_dim3A_564 = vector.broadcast %jit3A_563 : i32 to vector<16xi32>
        %select_n3A_565 = arith.select %gt3A_562, %broadcast_in_dim3A_564, %select_n3A_529 : vector<16xi1>, vector<16xi32>
        %max3A_566 = arith.maximumf %max3A_530, %get3A_561 : vector<16xf32>
        %get3A_567 = arith.constant 51 : i32
        %get3A_568 = arith.index_cast %get3A_567 : i32 to index
        %get3A_569 = arith.index_cast %mul3A_121 : i32 to index
        %get3A_570 = tpu.vector_load %arg5[%get3A_568, %get3A_569] {strides = array<i32>} : memref<80x128xf32, #tpu.memory_space<vmem>>, vector<16xf32>,
        %gt3A_571 = arith.cmpf ogt, %get3A_570, %max3A_539 : vector<16xf32>
        %jit3A_572 = arith.constant 51 : i32
        %broadcast_in_dim3A_573 = vector.broadcast %jit3A_572 : i32 to vector<16xi32>
        %select_n3A_574 = arith.select %gt3A_571, %broadcast_in_dim3A_573, %select_n3A_538 : vector<16xi1>, vector<16xi32>
        %max3A_575 = arith.maximumf %max3A_539, %get3A_570 : vector<16xf32>
        %get3A_576 = arith.constant 52 : i32
        %get3A_577 = arith.index_cast %get3A_576 : i32 to index
        %get3A_578 = arith.index_cast %mul3A_121 : i32 to index
        %get3A_579 = tpu.vector_load %arg5[%get3A_577, %get3A_578] {strides = array<i32>} : memref<80x128xf32, #tpu.memory_space<vmem>>, vector<16xf32>,
        %gt3A_580 = arith.cmpf ogt, %get3A_579, %max3A_548 : vector<16xf32>
        %jit3A_581 = arith.constant 52 : i32
        %broadcast_in_dim3A_582 = vector.broadcast %jit3A_581 : i32 to vector<16xi32>
        %select_n3A_583 = arith.select %gt3A_580, %broadcast_in_dim3A_582, %select_n3A_547 : vector<16xi1>, vector<16xi32>
        %max3A_584 = arith.maximumf %max3A_548, %get3A_579 : vector<16xf32>
        %get3A_585 = arith.constant 53 : i32
        %get3A_586 = arith.index_cast %get3A_585 : i32 to index
        %get3A_587 = arith.index_cast %mul3A_121 : i32 to index
        %get3A_588 = tpu.vector_load %arg5[%get3A_586, %get3A_587] {strides = array<i32>} : memref<80x128xf32, #tpu.memory_space<vmem>>, vector<16xf32>,
        %gt3A_589 = arith.cmpf ogt, %get3A_588, %max3A_557 : vector<16xf32>
        %jit3A_590 = arith.constant 53 : i32
        %broadcast_in_dim3A_591 = vector.broadcast %jit3A_590 : i32 to vector<16xi32>
        %select_n3A_592 = arith.select %gt3A_589, %broadcast_in_dim3A_591, %select_n3A_556 : vector<16xi1>, vector<16xi32>
        %max3A_593 = arith.maximumf %max3A_557, %get3A_588 : vector<16xf32>
        %get3A_594 = arith.constant 54 : i32
        %get3A_595 = arith.index_cast %get3A_594 : i32 to index
        %get3A_596 = arith.index_cast %mul3A_121 : i32 to index
        %get3A_597 = tpu.vector_load %arg5[%get3A_595, %get3A_596] {strides = array<i32>} : memref<80x128xf32, #tpu.memory_space<vmem>>, vector<16xf32>,
        %gt3A_598 = arith.cmpf ogt, %get3A_597, %max3A_566 : vector<16xf32>
        %jit3A_599 = arith.constant 54 : i32
        %broadcast_in_dim3A_600 = vector.broadcast %jit3A_599 : i32 to vector<16xi32>
        %select_n3A_601 = arith.select %gt3A_598, %broadcast_in_dim3A_600, %select_n3A_565 : vector<16xi1>, vector<16xi32>
        %max3A_602 = arith.maximumf %max3A_566, %get3A_597 : vector<16xf32>
        %get3A_603 = arith.constant 55 : i32
        %get3A_604 = arith.index_cast %get3A_603 : i32 to index
        %get3A_605 = arith.index_cast %mul3A_121 : i32 to index
        %get3A_606 = tpu.vector_load %arg5[%get3A_604, %get3A_605] {strides = array<i32>} : memref<80x128xf32, #tpu.memory_space<vmem>>, vector<16xf32>,
        %gt3A_607 = arith.cmpf ogt, %get3A_606, %max3A_575 : vector<16xf32>
        %jit3A_608 = arith.constant 55 : i32
        %broadcast_in_dim3A_609 = vector.broadcast %jit3A_608 : i32 to vector<16xi32>
        %select_n3A_610 = arith.select %gt3A_607, %broadcast_in_dim3A_609, %select_n3A_574 : vector<16xi1>, vector<16xi32>
        %max3A_611 = arith.maximumf %max3A_575, %get3A_606 : vector<16xf32>
        %get3A_612 = arith.constant 56 : i32
        %get3A_613 = arith.index_cast %get3A_612 : i32 to index
        %get3A_614 = arith.index_cast %mul3A_121 : i32 to index
        %get3A_615 = tpu.vector_load %arg5[%get3A_613, %get3A_614] {strides = array<i32>} : memref<80x128xf32, #tpu.memory_space<vmem>>, vector<16xf32>,
        %gt3A_616 = arith.cmpf ogt, %get3A_615, %max3A_584 : vector<16xf32>
        %jit3A_617 = arith.constant 56 : i32
        %broadcast_in_dim3A_618 = vector.broadcast %jit3A_617 : i32 to vector<16xi32>
        %select_n3A_619 = arith.select %gt3A_616, %broadcast_in_dim3A_618, %select_n3A_583 : vector<16xi1>, vector<16xi32>
        %max3A_620 = arith.maximumf %max3A_584, %get3A_615 : vector<16xf32>
        %get3A_621 = arith.constant 57 : i32
        %get3A_622 = arith.index_cast %get3A_621 : i32 to index
        %get3A_623 = arith.index_cast %mul3A_121 : i32 to index
        %get3A_624 = tpu.vector_load %arg5[%get3A_622, %get3A_623] {strides = array<i32>} : memref<80x128xf32, #tpu.memory_space<vmem>>, vector<16xf32>,
        %gt3A_625 = arith.cmpf ogt, %get3A_624, %max3A_593 : vector<16xf32>
        %jit3A_626 = arith.constant 57 : i32
        %broadcast_in_dim3A_627 = vector.broadcast %jit3A_626 : i32 to vector<16xi32>
        %select_n3A_628 = arith.select %gt3A_625, %broadcast_in_dim3A_627, %select_n3A_592 : vector<16xi1>, vector<16xi32>
        %max3A_629 = arith.maximumf %max3A_593, %get3A_624 : vector<16xf32>
        %get3A_630 = arith.constant 58 : i32
        %get3A_631 = arith.index_cast %get3A_630 : i32 to index
        %get3A_632 = arith.index_cast %mul3A_121 : i32 to index
        %get3A_633 = tpu.vector_load %arg5[%get3A_631, %get3A_632] {strides = array<i32>} : memref<80x128xf32, #tpu.memory_space<vmem>>, vector<16xf32>,
        %gt3A_634 = arith.cmpf ogt, %get3A_633, %max3A_602 : vector<16xf32>
        %jit3A_635 = arith.constant 58 : i32
        %broadcast_in_dim3A_636 = vector.broadcast %jit3A_635 : i32 to vector<16xi32>
        %select_n3A_637 = arith.select %gt3A_634, %broadcast_in_dim3A_636, %select_n3A_601 : vector<16xi1>, vector<16xi32>
        %max3A_638 = arith.maximumf %max3A_602, %get3A_633 : vector<16xf32>
        %get3A_639 = arith.constant 59 : i32
        %get3A_640 = arith.index_cast %get3A_639 : i32 to index
        %get3A_641 = arith.index_cast %mul3A_121 : i32 to index
        %get3A_642 = tpu.vector_load %arg5[%get3A_640, %get3A_641] {strides = array<i32>} : memref<80x128xf32, #tpu.memory_space<vmem>>, vector<16xf32>,
        %gt3A_643 = arith.cmpf ogt, %get3A_642, %max3A_611 : vector<16xf32>
        %jit3A_644 = arith.constant 59 : i32
        %broadcast_in_dim3A_645 = vector.broadcast %jit3A_644 : i32 to vector<16xi32>
        %select_n3A_646 = arith.select %gt3A_643, %broadcast_in_dim3A_645, %select_n3A_610 : vector<16xi1>, vector<16xi32>
        %max3A_647 = arith.maximumf %max3A_611, %get3A_642 : vector<16xf32>
        %get3A_648 = arith.constant 60 : i32
        %get3A_649 = arith.index_cast %get3A_648 : i32 to index
        %get3A_650 = arith.index_cast %mul3A_121 : i32 to index
        %get3A_651 = tpu.vector_load %arg5[%get3A_649, %get3A_650] {strides = array<i32>} : memref<80x128xf32, #tpu.memory_space<vmem>>, vector<16xf32>,
        %gt3A_652 = arith.cmpf ogt, %get3A_651, %max3A_620 : vector<16xf32>
        %jit3A_653 = arith.constant 60 : i32
        %broadcast_in_dim3A_654 = vector.broadcast %jit3A_653 : i32 to vector<16xi32>
        %select_n3A_655 = arith.select %gt3A_652, %broadcast_in_dim3A_654, %select_n3A_619 : vector<16xi1>, vector<16xi32>
        %max3A_656 = arith.maximumf %max3A_620, %get3A_651 : vector<16xf32>
        %get3A_657 = arith.constant 61 : i32
        %get3A_658 = arith.index_cast %get3A_657 : i32 to index
        %get3A_659 = arith.index_cast %mul3A_121 : i32 to index
        %get3A_660 = tpu.vector_load %arg5[%get3A_658, %get3A_659] {strides = array<i32>} : memref<80x128xf32, #tpu.memory_space<vmem>>, vector<16xf32>,
        %gt3A_661 = arith.cmpf ogt, %get3A_660, %max3A_629 : vector<16xf32>
        %jit3A_662 = arith.constant 61 : i32
        %broadcast_in_dim3A_663 = vector.broadcast %jit3A_662 : i32 to vector<16xi32>
        %select_n3A_664 = arith.select %gt3A_661, %broadcast_in_dim3A_663, %select_n3A_628 : vector<16xi1>, vector<16xi32>
        %max3A_665 = arith.maximumf %max3A_629, %get3A_660 : vector<16xf32>
        %get3A_666 = arith.constant 62 : i32
        %get3A_667 = arith.index_cast %get3A_666 : i32 to index
        %get3A_668 = arith.index_cast %mul3A_121 : i32 to index
        %get3A_669 = tpu.vector_load %arg5[%get3A_667, %get3A_668] {strides = array<i32>} : memref<80x128xf32, #tpu.memory_space<vmem>>, vector<16xf32>,
        %gt3A_670 = arith.cmpf ogt, %get3A_669, %max3A_638 : vector<16xf32>
        %jit3A_671 = arith.constant 62 : i32
        %broadcast_in_dim3A_672 = vector.broadcast %jit3A_671 : i32 to vector<16xi32>
        %select_n3A_673 = arith.select %gt3A_670, %broadcast_in_dim3A_672, %select_n3A_637 : vector<16xi1>, vector<16xi32>
        %max3A_674 = arith.maximumf %max3A_638, %get3A_669 : vector<16xf32>
        %get3A_675 = arith.constant 63 : i32
        %get3A_676 = arith.index_cast %get3A_675 : i32 to index
        %get3A_677 = arith.index_cast %mul3A_121 : i32 to index
        %get3A_678 = tpu.vector_load %arg5[%get3A_676, %get3A_677] {strides = array<i32>} : memref<80x128xf32, #tpu.memory_space<vmem>>, vector<16xf32>,
        %gt3A_679 = arith.cmpf ogt, %get3A_678, %max3A_647 : vector<16xf32>
        %jit3A_680 = arith.constant 63 : i32
        %broadcast_in_dim3A_681 = vector.broadcast %jit3A_680 : i32 to vector<16xi32>
        %select_n3A_682 = arith.select %gt3A_679, %broadcast_in_dim3A_681, %select_n3A_646 : vector<16xi1>, vector<16xi32>
        %max3A_683 = arith.maximumf %max3A_647, %get3A_678 : vector<16xf32>
        %get3A_684 = arith.constant 64 : i32
        %get3A_685 = arith.index_cast %get3A_684 : i32 to index
        %get3A_686 = arith.index_cast %mul3A_121 : i32 to index
        %get3A_687 = tpu.vector_load %arg5[%get3A_685, %get3A_686] {strides = array<i32>} : memref<80x128xf32, #tpu.memory_space<vmem>>, vector<16xf32>,
        %gt3A_688 = arith.cmpf ogt, %get3A_687, %max3A_656 : vector<16xf32>
        %jit3A_689 = arith.constant 64 : i32
        %broadcast_in_dim3A_690 = vector.broadcast %jit3A_689 : i32 to vector<16xi32>
        %select_n3A_691 = arith.select %gt3A_688, %broadcast_in_dim3A_690, %select_n3A_655 : vector<16xi1>, vector<16xi32>
        %max3A_692 = arith.maximumf %max3A_656, %get3A_687 : vector<16xf32>
        %get3A_693 = arith.constant 65 : i32
        %get3A_694 = arith.index_cast %get3A_693 : i32 to index
        %get3A_695 = arith.index_cast %mul3A_121 : i32 to index
        %get3A_696 = tpu.vector_load %arg5[%get3A_694, %get3A_695] {strides = array<i32>} : memref<80x128xf32, #tpu.memory_space<vmem>>, vector<16xf32>,
        %gt3A_697 = arith.cmpf ogt, %get3A_696, %max3A_665 : vector<16xf32>
        %jit3A_698 = arith.constant 65 : i32
        %broadcast_in_dim3A_699 = vector.broadcast %jit3A_698 : i32 to vector<16xi32>
        %select_n3A_700 = arith.select %gt3A_697, %broadcast_in_dim3A_699, %select_n3A_664 : vector<16xi1>, vector<16xi32>
        %max3A_701 = arith.maximumf %max3A_665, %get3A_696 : vector<16xf32>
        %get3A_702 = arith.constant 66 : i32
        %get3A_703 = arith.index_cast %get3A_702 : i32 to index
        %get3A_704 = arith.index_cast %mul3A_121 : i32 to index
        %get3A_705 = tpu.vector_load %arg5[%get3A_703, %get3A_704] {strides = array<i32>} : memref<80x128xf32, #tpu.memory_space<vmem>>, vector<16xf32>,
        %gt3A_706 = arith.cmpf ogt, %get3A_705, %max3A_674 : vector<16xf32>
        %jit3A_707 = arith.constant 66 : i32
        %broadcast_in_dim3A_708 = vector.broadcast %jit3A_707 : i32 to vector<16xi32>
        %select_n3A_709 = arith.select %gt3A_706, %broadcast_in_dim3A_708, %select_n3A_673 : vector<16xi1>, vector<16xi32>
        %max3A_710 = arith.maximumf %max3A_674, %get3A_705 : vector<16xf32>
        %get3A_711 = arith.constant 67 : i32
        %get3A_712 = arith.index_cast %get3A_711 : i32 to index
        %get3A_713 = arith.index_cast %mul3A_121 : i32 to index
        %get3A_714 = tpu.vector_load %arg5[%get3A_712, %get3A_713] {strides = array<i32>} : memref<80x128xf32, #tpu.memory_space<vmem>>, vector<16xf32>,
        %gt3A_715 = arith.cmpf ogt, %get3A_714, %max3A_683 : vector<16xf32>
        %jit3A_716 = arith.constant 67 : i32
        %broadcast_in_dim3A_717 = vector.broadcast %jit3A_716 : i32 to vector<16xi32>
        %select_n3A_718 = arith.select %gt3A_715, %broadcast_in_dim3A_717, %select_n3A_682 : vector<16xi1>, vector<16xi32>
        %max3A_719 = arith.maximumf %max3A_683, %get3A_714 : vector<16xf32>
        %get3A_720 = arith.constant 68 : i32
        %get3A_721 = arith.index_cast %get3A_720 : i32 to index
        %get3A_722 = arith.index_cast %mul3A_121 : i32 to index
        %get3A_723 = tpu.vector_load %arg5[%get3A_721, %get3A_722] {strides = array<i32>} : memref<80x128xf32, #tpu.memory_space<vmem>>, vector<16xf32>,
        %gt3A_724 = arith.cmpf ogt, %get3A_723, %max3A_692 : vector<16xf32>
        %jit3A_725 = arith.constant 68 : i32
        %broadcast_in_dim3A_726 = vector.broadcast %jit3A_725 : i32 to vector<16xi32>
        %select_n3A_727 = arith.select %gt3A_724, %broadcast_in_dim3A_726, %select_n3A_691 : vector<16xi1>, vector<16xi32>
        %max3A_728 = arith.maximumf %max3A_692, %get3A_723 : vector<16xf32>
        %get3A_729 = arith.constant 69 : i32
        %get3A_730 = arith.index_cast %get3A_729 : i32 to index
        %get3A_731 = arith.index_cast %mul3A_121 : i32 to index
        %get3A_732 = tpu.vector_load %arg5[%get3A_730, %get3A_731] {strides = array<i32>} : memref<80x128xf32, #tpu.memory_space<vmem>>, vector<16xf32>,
        %gt3A_733 = arith.cmpf ogt, %get3A_732, %max3A_701 : vector<16xf32>
        %jit3A_734 = arith.constant 69 : i32
        %broadcast_in_dim3A_735 = vector.broadcast %jit3A_734 : i32 to vector<16xi32>
        %select_n3A_736 = arith.select %gt3A_733, %broadcast_in_dim3A_735, %select_n3A_700 : vector<16xi1>, vector<16xi32>
        %max3A_737 = arith.maximumf %max3A_701, %get3A_732 : vector<16xf32>
        %get3A_738 = arith.constant 70 : i32
        %get3A_739 = arith.index_cast %get3A_738 : i32 to index
        %get3A_740 = arith.index_cast %mul3A_121 : i32 to index
        %get3A_741 = tpu.vector_load %arg5[%get3A_739, %get3A_740] {strides = array<i32>} : memref<80x128xf32, #tpu.memory_space<vmem>>, vector<16xf32>,
        %gt3A_742 = arith.cmpf ogt, %get3A_741, %max3A_710 : vector<16xf32>
        %jit3A_743 = arith.constant 70 : i32
        %broadcast_in_dim3A_744 = vector.broadcast %jit3A_743 : i32 to vector<16xi32>
        %select_n3A_745 = arith.select %gt3A_742, %broadcast_in_dim3A_744, %select_n3A_709 : vector<16xi1>, vector<16xi32>
        %max3A_746 = arith.maximumf %max3A_710, %get3A_741 : vector<16xf32>
        %get3A_747 = arith.constant 71 : i32
        %get3A_748 = arith.index_cast %get3A_747 : i32 to index
        %get3A_749 = arith.index_cast %mul3A_121 : i32 to index
        %get3A_750 = tpu.vector_load %arg5[%get3A_748, %get3A_749] {strides = array<i32>} : memref<80x128xf32, #tpu.memory_space<vmem>>, vector<16xf32>,
        %gt3A_751 = arith.cmpf ogt, %get3A_750, %max3A_719 : vector<16xf32>
        %jit3A_752 = arith.constant 71 : i32
        %broadcast_in_dim3A_753 = vector.broadcast %jit3A_752 : i32 to vector<16xi32>
        %select_n3A_754 = arith.select %gt3A_751, %broadcast_in_dim3A_753, %select_n3A_718 : vector<16xi1>, vector<16xi32>
        %max3A_755 = arith.maximumf %max3A_719, %get3A_750 : vector<16xf32>
        %get3A_756 = arith.constant 72 : i32
        %get3A_757 = arith.index_cast %get3A_756 : i32 to index
        %get3A_758 = arith.index_cast %mul3A_121 : i32 to index
        %get3A_759 = tpu.vector_load %arg5[%get3A_757, %get3A_758] {strides = array<i32>} : memref<80x128xf32, #tpu.memory_space<vmem>>, vector<16xf32>,
        %gt3A_760 = arith.cmpf ogt, %get3A_759, %max3A_728 : vector<16xf32>
        %jit3A_761 = arith.constant 72 : i32
        %broadcast_in_dim3A_762 = vector.broadcast %jit3A_761 : i32 to vector<16xi32>
        %select_n3A_763 = arith.select %gt3A_760, %broadcast_in_dim3A_762, %select_n3A_727 : vector<16xi1>, vector<16xi32>
        %max3A_764 = arith.maximumf %max3A_728, %get3A_759 : vector<16xf32>
        %get3A_765 = arith.constant 73 : i32
        %get3A_766 = arith.index_cast %get3A_765 : i32 to index
        %get3A_767 = arith.index_cast %mul3A_121 : i32 to index
        %get3A_768 = tpu.vector_load %arg5[%get3A_766, %get3A_767] {strides = array<i32>} : memref<80x128xf32, #tpu.memory_space<vmem>>, vector<16xf32>,
        %gt3A_769 = arith.cmpf ogt, %get3A_768, %max3A_737 : vector<16xf32>
        %jit3A_770 = arith.constant 73 : i32
        %broadcast_in_dim3A_771 = vector.broadcast %jit3A_770 : i32 to vector<16xi32>
        %select_n3A_772 = arith.select %gt3A_769, %broadcast_in_dim3A_771, %select_n3A_736 : vector<16xi1>, vector<16xi32>
        %max3A_773 = arith.maximumf %max3A_737, %get3A_768 : vector<16xf32>
        %get3A_774 = arith.constant 74 : i32
        %get3A_775 = arith.index_cast %get3A_774 : i32 to index
        %get3A_776 = arith.index_cast %mul3A_121 : i32 to index
        %get3A_777 = tpu.vector_load %arg5[%get3A_775, %get3A_776] {strides = array<i32>} : memref<80x128xf32, #tpu.memory_space<vmem>>, vector<16xf32>,
        %gt3A_778 = arith.cmpf ogt, %get3A_777, %max3A_746 : vector<16xf32>
        %jit3A_779 = arith.constant 74 : i32
        %broadcast_in_dim3A_780 = vector.broadcast %jit3A_779 : i32 to vector<16xi32>
        %select_n3A_781 = arith.select %gt3A_778, %broadcast_in_dim3A_780, %select_n3A_745 : vector<16xi1>, vector<16xi32>
        %max3A_782 = arith.maximumf %max3A_746, %get3A_777 : vector<16xf32>
        %get3A_783 = arith.constant 75 : i32
        %get3A_784 = arith.index_cast %get3A_783 : i32 to index
        %get3A_785 = arith.index_cast %mul3A_121 : i32 to index
        %get3A_786 = tpu.vector_load %arg5[%get3A_784, %get3A_785] {strides = array<i32>} : memref<80x128xf32, #tpu.memory_space<vmem>>, vector<16xf32>,
        %gt3A_787 = arith.cmpf ogt, %get3A_786, %max3A_755 : vector<16xf32>
        %jit3A_788 = arith.constant 75 : i32
        %broadcast_in_dim3A_789 = vector.broadcast %jit3A_788 : i32 to vector<16xi32>
        %select_n3A_790 = arith.select %gt3A_787, %broadcast_in_dim3A_789, %select_n3A_754 : vector<16xi1>, vector<16xi32>
        %max3A_791 = arith.maximumf %max3A_755, %get3A_786 : vector<16xf32>
        %get3A_792 = arith.constant 76 : i32
        %get3A_793 = arith.index_cast %get3A_792 : i32 to index
        %get3A_794 = arith.index_cast %mul3A_121 : i32 to index
        %get3A_795 = tpu.vector_load %arg5[%get3A_793, %get3A_794] {strides = array<i32>} : memref<80x128xf32, #tpu.memory_space<vmem>>, vector<16xf32>,
        %gt3A_796 = arith.cmpf ogt, %get3A_795, %max3A_764 : vector<16xf32>
        %jit3A_797 = arith.constant 76 : i32
        %broadcast_in_dim3A_798 = vector.broadcast %jit3A_797 : i32 to vector<16xi32>
        %select_n3A_799 = arith.select %gt3A_796, %broadcast_in_dim3A_798, %select_n3A_763 : vector<16xi1>, vector<16xi32>
        %max3A_800 = arith.maximumf %max3A_764, %get3A_795 : vector<16xf32>
        %get3A_801 = arith.constant 77 : i32
        %get3A_802 = arith.index_cast %get3A_801 : i32 to index
        %get3A_803 = arith.index_cast %mul3A_121 : i32 to index
        %get3A_804 = tpu.vector_load %arg5[%get3A_802, %get3A_803] {strides = array<i32>} : memref<80x128xf32, #tpu.memory_space<vmem>>, vector<16xf32>,
        %gt3A_805 = arith.cmpf ogt, %get3A_804, %max3A_773 : vector<16xf32>
        %jit3A_806 = arith.constant 77 : i32
        %broadcast_in_dim3A_807 = vector.broadcast %jit3A_806 : i32 to vector<16xi32>
        %select_n3A_808 = arith.select %gt3A_805, %broadcast_in_dim3A_807, %select_n3A_772 : vector<16xi1>, vector<16xi32>
        %max3A_809 = arith.maximumf %max3A_773, %get3A_804 : vector<16xf32>
        %get3A_810 = arith.constant 78 : i32
        %get3A_811 = arith.index_cast %get3A_810 : i32 to index
        %get3A_812 = arith.index_cast %mul3A_121 : i32 to index
        %get3A_813 = tpu.vector_load %arg5[%get3A_811, %get3A_812] {strides = array<i32>} : memref<80x128xf32, #tpu.memory_space<vmem>>, vector<16xf32>,
        %gt3A_814 = arith.cmpf ogt, %get3A_813, %max3A_782 : vector<16xf32>
        %jit3A_815 = arith.constant 78 : i32
        %broadcast_in_dim3A_816 = vector.broadcast %jit3A_815 : i32 to vector<16xi32>
        %select_n3A_817 = arith.select %gt3A_814, %broadcast_in_dim3A_816, %select_n3A_781 : vector<16xi1>, vector<16xi32>
        %max3A_818 = arith.maximumf %max3A_782, %get3A_813 : vector<16xf32>
        %get3A_819 = arith.constant 79 : i32
        %get3A_820 = arith.index_cast %get3A_819 : i32 to index
        %get3A_821 = arith.index_cast %mul3A_121 : i32 to index
        %get3A_822 = tpu.vector_load %arg5[%get3A_820, %get3A_821] {strides = array<i32>} : memref<80x128xf32, #tpu.memory_space<vmem>>, vector<16xf32>,
        %gt3A_823 = arith.cmpf ogt, %get3A_822, %max3A_791 : vector<16xf32>
        %jit3A_824 = arith.constant 79 : i32
        %broadcast_in_dim3A_825 = vector.broadcast %jit3A_824 : i32 to vector<16xi32>
        %select_n3A_826 = arith.select %gt3A_823, %broadcast_in_dim3A_825, %select_n3A_790 : vector<16xi1>, vector<16xi32>
        %max3A_827 = arith.maximumf %max3A_791, %get3A_822 : vector<16xf32>
        %gt3A_828 = arith.cmpf ogt, %max3A_809, %max3A_800 : vector<16xf32>
        %eq3A = arith.cmpf oeq, %max3A_809, %max3A_800 : vector<16xf32>
        %lt3A_829 = arith.cmpi slt, %select_n3A_808, %select_n3A_799 : vector<16xi32>
        %and3A_830 = arith.andi %eq3A, %lt3A_829 : vector<16xi1>
        %or3A = arith.ori %gt3A_828, %and3A_830 : vector<16xi1>
        %select_n3A_831 = arith.select %or3A, %max3A_809, %max3A_800 : vector<16xi1>, vector<16xf32>
        %select_n3A_832 = arith.select %or3A, %select_n3A_808, %select_n3A_799 : vector<16xi1>, vector<16xi32>
        %gt3A_833 = arith.cmpf ogt, %max3A_818, %select_n3A_831 : vector<16xf32>
        %eq3A_834 = arith.cmpf oeq, %max3A_818, %select_n3A_831 : vector<16xf32>
        %lt3A_835 = arith.cmpi slt, %select_n3A_817, %select_n3A_832 : vector<16xi32>
        %and3A_836 = arith.andi %eq3A_834, %lt3A_835 : vector<16xi1>
        %or3A_837 = arith.ori %gt3A_833, %and3A_836 : vector<16xi1>
        %select_n3A_838 = arith.select %or3A_837, %max3A_818, %select_n3A_831 : vector<16xi1>, vector<16xf32>
        %select_n3A_839 = arith.select %or3A_837, %select_n3A_817, %select_n3A_832 : vector<16xi1>, vector<16xi32>
        %gt3A_840 = arith.cmpf ogt, %max3A_827, %select_n3A_838 : vector<16xf32>
        %eq3A_841 = arith.cmpf oeq, %max3A_827, %select_n3A_838 : vector<16xf32>
        %lt3A_842 = arith.cmpi slt, %select_n3A_826, %select_n3A_839 : vector<16xi32>
        %and3A_843 = arith.andi %eq3A_841, %lt3A_842 : vector<16xi1>
        %or3A_844 = arith.ori %gt3A_840, %and3A_843 : vector<16xi1>
        %select_n3A_845 = arith.select %or3A_844, %max3A_827, %select_n3A_838 : vector<16xi1>, vector<16xf32>
        %select_n3A_846 = arith.select %or3A_844, %select_n3A_826, %select_n3A_839 : vector<16xi1>, vector<16xi32>
        %lt3A_847 = arith.cmpf olt, %select_n3A_845, %get3A_1 : vector<16xf32>
        %jit3A_848 = arith.constant 0 : i32
        %broadcast_in_dim3A_849 = vector.broadcast %jit3A_848 : i32 to vector<16xi32>
        %select_n3A_850 = arith.select %lt3A_847, %broadcast_in_dim3A_849, %select_n3A_846 : vector<16xi1>, vector<16xi32>
        %swap3A = arith.index_cast %mul3A_121 : i32 to index
        %swap3A_851 = tpu.vector_load %arg7[%swap3A] {strides = array<i32>} : memref<128xi32, #tpu.memory_space<vmem>>, vector<16xi32>,
        tpu.vector_store %arg7[%swap3A], %select_n3A_850 {strides = array<i32>} : memref<128xi32, #tpu.memory_space<vmem>>, vector<16xi32>,
      }
      %scan3A_103 = arith.constant 8 : i32
      %mul3A_104 = arith.constant 32 : i32
      %mul3A_105 = arith.muli %mul3A_86, %mul3A_104 : i32
      %add3A_106 = arith.addi %add3A, %mul3A_105 : i32
      %mul3A_107 = arith.constant 128 : i32
      %mul3A_108 = arith.muli %add3A_106, %mul3A_107 : i32
      %dma_start3A_109 = tpu.memref_slice %arg4[%mul3A_108] : memref<196608xi32, #tpu.memory_space<hbm>> -> memref<128xi32, #tpu.memory_space<hbm>>
      %dma_start3A_110 = tpu.memref_slice %arg4[%mul3A_108] : memref<196608xi32, #tpu.memory_space<hbm>> -> memref<128xi32, #tpu.memory_space<hbm>>
      tpu.enqueue_dma source(%arg7 : memref<128xi32, #tpu.memory_space<vmem>>) target(%dma_start3A_110 : memref<128xi32, #tpu.memory_space<hbm>>) target_semaphore(%arg12 : memref<!tpu.dma_semaphore, #tpu.memory_space<semaphore_mem>>)
      %lt3A_111 = arith.cmpi slt, %add3A_88, %select_n3A : i32
      %convert_element_type3A_112 = arith.extui %lt3A_111 : i1 to i32
      %cond3A_113 = arith.constant 0 : i32
      %cond3A_114 = arith.cmpi ne, %convert_element_type3A_112, %cond3A_113 : i32
      scf.if %cond3A_114 {
        %add3A_115 = arith.constant 2 : i32
        %add3A_116 = arith.addi %mul3A_86, %add3A_115 : i32
        %lt3A_117 = arith.cmpi slt, %add3A_116, %select_n3A : i32
        %convert_element_type3A_118 = arith.extui %lt3A_117 : i1 to i32
        %cond3A_119 = arith.constant 0 : i32
        %cond3A_120 = arith.cmpi ne, %convert_element_type3A_118, %cond3A_119 : i32
        scf.if %cond3A_120 {
          %add3A_144 = arith.constant 2 : i32
          %add3A_145 = arith.addi %mul3A_86, %add3A_144 : i32
          %mul3A_146 = arith.constant 32 : i32
          %mul3A_147 = arith.muli %add3A_145, %mul3A_146 : i32
          %add3A_148 = arith.addi %add3A, %mul3A_147 : i32
          %mul3A_149 = arith.constant 128 : i32
          %mul3A_150 = arith.muli %add3A_148, %mul3A_149 : i32
          %dma_start3A_151 = arith.constant 0 : i32
          %dma_start3A_152 = tpu.memref_slice %arg2[%dma_start3A_151, %mul3A_150] : memref<80x500000xf32, #tpu.memory_space<hbm>> -> memref<80x128xf32, #tpu.memory_space<hbm>>
          %dma_start3A_153 = arith.constant 0 : i32
          %dma_start3A_154 = tpu.memref_slice %arg2[%dma_start3A_153, %mul3A_150] : memref<80x500000xf32, #tpu.memory_space<hbm>> -> memref<80x128xf32, #tpu.memory_space<hbm>>
          tpu.enqueue_dma source(%dma_start3A_154 : memref<80x128xf32, #tpu.memory_space<hbm>>) target(%arg5 : memref<80x128xf32, #tpu.memory_space<vmem>>) target_semaphore(%arg10 : memref<!tpu.dma_semaphore, #tpu.memory_space<semaphore_mem>>)
        } else {
        }
        %dma_wait3A_121 = arith.constant 0 : i32
        %dma_wait3A_122 = arith.constant 0 : i32
        %dma_wait3A_123 = tpu.memref_slice %arg2[%dma_wait3A_121, %dma_wait3A_122] : memref<80x500000xf32, #tpu.memory_space<hbm>> -> memref<80x128xf32, #tpu.memory_space<hbm>>
        %dma_wait3A_124 = arith.constant 0 : i32
        %dma_wait3A_125 = arith.constant 0 : i32
        %dma_wait3A_126 = tpu.memref_slice %arg2[%dma_wait3A_124, %dma_wait3A_125] : memref<80x500000xf32, #tpu.memory_space<hbm>> -> memref<80x128xf32, #tpu.memory_space<hbm>>
        tpu.wait_dma2 semaphore(%arg11 : memref<!tpu.dma_semaphore, #tpu.memory_space<semaphore_mem>>) src(%dma_wait3A_126 : memref<80x128xf32, #tpu.memory_space<hbm>>) dst(%arg6 : memref<80x128xf32, #tpu.memory_space<vmem>>)
        %gt3A_127 = arith.constant 0 : i32
        %gt3A_128 = arith.cmpi sgt, %add3A_84, %gt3A_127 : i32
        %convert_element_type3A_129 = arith.extui %gt3A_128 : i1 to i32
        %cond3A_130 = arith.constant 0 : i32
        %cond3A_131 = arith.cmpi ne, %convert_element_type3A_129, %cond3A_130 : i32
        scf.if %cond3A_131 {
          %dma_wait3A_144 = arith.constant 0 : i32
          %dma_wait3A_145 = tpu.memref_slice %arg4[%dma_wait3A_144] : memref<196608xi32, #tpu.memory_space<hbm>> -> memref<128xi32, #tpu.memory_space<hbm>>
          %dma_wait3A_146 = arith.constant 0 : i32
          %dma_wait3A_147 = tpu.memref_slice %arg4[%dma_wait3A_146] : memref<196608xi32, #tpu.memory_space<hbm>> -> memref<128xi32, #tpu.memory_space<hbm>>
          tpu.wait_dma2 semaphore(%arg13 : memref<!tpu.dma_semaphore, #tpu.memory_space<semaphore_mem>>) src(%arg8 : memref<128xi32, #tpu.memory_space<vmem>>) dst(%dma_wait3A_147 : memref<128xi32, #tpu.memory_space<hbm>>)
        } else {
        }
        %scan3A_132 = arith.constant 0 : i32
        %scan3A_133 = arith.constant 8 : i32
        %scan3A_134 = arith.addi %scan3A_132, %scan3A_133 : i32
        %scan3A_135 = arith.constant 1 : i32
        scf.for %scan3A_144 = %scan3A_132 to %scan3A_134 step %scan3A_135  : i32 {
          %mul3A_145 = arith.constant 1 : i32
          %mul3A_146 = arith.muli %scan3A_144, %mul3A_145 : i32
          %add3A_147 = arith.constant 0 : i32
          %add3A_148 = arith.addi %add3A_147, %mul3A_146 : i32
          %mul3A_149 = arith.constant 16 : i32
          %mul3A_150 = arith.muli %add3A_148, %mul3A_149 : i32
          %get3A_151 = arith.constant 0 : i32
          %get3A_152 = arith.index_cast %get3A_151 : i32 to index
          %get3A_153 = arith.index_cast %mul3A_150 : i32 to index
          %get3A_154 = tpu.vector_load %arg6[%get3A_152, %get3A_153] {strides = array<i32>} : memref<80x128xf32, #tpu.memory_space<vmem>>, vector<16xf32>,
          %broadcast_in_dim3A = arith.constant 0 : i32
          %broadcast_in_dim3A_155 = vector.broadcast %broadcast_in_dim3A : i32 to vector<16xi32>
          %get3A_156 = arith.constant 1 : i32
          %get3A_157 = arith.index_cast %get3A_156 : i32 to index
          %get3A_158 = arith.index_cast %mul3A_150 : i32 to index
          %get3A_159 = tpu.vector_load %arg6[%get3A_157, %get3A_158] {strides = array<i32>} : memref<80x128xf32, #tpu.memory_space<vmem>>, vector<16xf32>,
          %broadcast_in_dim3A_160 = arith.constant 1 : i32
          %broadcast_in_dim3A_161 = vector.broadcast %broadcast_in_dim3A_160 : i32 to vector<16xi32>
          %get3A_162 = arith.constant 2 : i32
          %get3A_163 = arith.index_cast %get3A_162 : i32 to index
          %get3A_164 = arith.index_cast %mul3A_150 : i32 to index
          %get3A_165 = tpu.vector_load %arg6[%get3A_163, %get3A_164] {strides = array<i32>} : memref<80x128xf32, #tpu.memory_space<vmem>>, vector<16xf32>,
          %broadcast_in_dim3A_166 = arith.constant 2 : i32
          %broadcast_in_dim3A_167 = vector.broadcast %broadcast_in_dim3A_166 : i32 to vector<16xi32>
          %get3A_168 = arith.constant 3 : i32
          %get3A_169 = arith.index_cast %get3A_168 : i32 to index
          %get3A_170 = arith.index_cast %mul3A_150 : i32 to index
          %get3A_171 = tpu.vector_load %arg6[%get3A_169, %get3A_170] {strides = array<i32>} : memref<80x128xf32, #tpu.memory_space<vmem>>, vector<16xf32>,
          %broadcast_in_dim3A_172 = arith.constant 3 : i32
          %broadcast_in_dim3A_173 = vector.broadcast %broadcast_in_dim3A_172 : i32 to vector<16xi32>
          %get3A_174 = arith.constant 4 : i32
          %get3A_175 = arith.index_cast %get3A_174 : i32 to index
          %get3A_176 = arith.index_cast %mul3A_150 : i32 to index
          %get3A_177 = tpu.vector_load %arg6[%get3A_175, %get3A_176] {strides = array<i32>} : memref<80x128xf32, #tpu.memory_space<vmem>>, vector<16xf32>,
          %gt3A_178 = arith.cmpf ogt, %get3A_177, %get3A_154 : vector<16xf32>
          %jit3A_179 = arith.constant 4 : i32
          %broadcast_in_dim3A_180 = vector.broadcast %jit3A_179 : i32 to vector<16xi32>
          %select_n3A_181 = arith.select %gt3A_178, %broadcast_in_dim3A_180, %broadcast_in_dim3A_155 : vector<16xi1>, vector<16xi32>
          %max3A = arith.maximumf %get3A_154, %get3A_177 : vector<16xf32>
          %get3A_182 = arith.constant 5 : i32
          %get3A_183 = arith.index_cast %get3A_182 : i32 to index
          %get3A_184 = arith.index_cast %mul3A_150 : i32 to index
          %get3A_185 = tpu.vector_load %arg6[%get3A_183, %get3A_184] {strides = array<i32>} : memref<80x128xf32, #tpu.memory_space<vmem>>, vector<16xf32>,
          %gt3A_186 = arith.cmpf ogt, %get3A_185, %get3A_159 : vector<16xf32>
          %jit3A_187 = arith.constant 5 : i32
          %broadcast_in_dim3A_188 = vector.broadcast %jit3A_187 : i32 to vector<16xi32>
          %select_n3A_189 = arith.select %gt3A_186, %broadcast_in_dim3A_188, %broadcast_in_dim3A_161 : vector<16xi1>, vector<16xi32>
          %max3A_190 = arith.maximumf %get3A_159, %get3A_185 : vector<16xf32>
          %get3A_191 = arith.constant 6 : i32
          %get3A_192 = arith.index_cast %get3A_191 : i32 to index
          %get3A_193 = arith.index_cast %mul3A_150 : i32 to index
          %get3A_194 = tpu.vector_load %arg6[%get3A_192, %get3A_193] {strides = array<i32>} : memref<80x128xf32, #tpu.memory_space<vmem>>, vector<16xf32>,
          %gt3A_195 = arith.cmpf ogt, %get3A_194, %get3A_165 : vector<16xf32>
          %jit3A_196 = arith.constant 6 : i32
          %broadcast_in_dim3A_197 = vector.broadcast %jit3A_196 : i32 to vector<16xi32>
          %select_n3A_198 = arith.select %gt3A_195, %broadcast_in_dim3A_197, %broadcast_in_dim3A_167 : vector<16xi1>, vector<16xi32>
          %max3A_199 = arith.maximumf %get3A_165, %get3A_194 : vector<16xf32>
          %get3A_200 = arith.constant 7 : i32
          %get3A_201 = arith.index_cast %get3A_200 : i32 to index
          %get3A_202 = arith.index_cast %mul3A_150 : i32 to index
          %get3A_203 = tpu.vector_load %arg6[%get3A_201, %get3A_202] {strides = array<i32>} : memref<80x128xf32, #tpu.memory_space<vmem>>, vector<16xf32>,
          %gt3A_204 = arith.cmpf ogt, %get3A_203, %get3A_171 : vector<16xf32>
          %jit3A_205 = arith.constant 7 : i32
          %broadcast_in_dim3A_206 = vector.broadcast %jit3A_205 : i32 to vector<16xi32>
          %select_n3A_207 = arith.select %gt3A_204, %broadcast_in_dim3A_206, %broadcast_in_dim3A_173 : vector<16xi1>, vector<16xi32>
          %max3A_208 = arith.maximumf %get3A_171, %get3A_203 : vector<16xf32>
          %get3A_209 = arith.constant 8 : i32
          %get3A_210 = arith.index_cast %get3A_209 : i32 to index
          %get3A_211 = arith.index_cast %mul3A_150 : i32 to index
          %get3A_212 = tpu.vector_load %arg6[%get3A_210, %get3A_211] {strides = array<i32>} : memref<80x128xf32, #tpu.memory_space<vmem>>, vector<16xf32>,
          %gt3A_213 = arith.cmpf ogt, %get3A_212, %max3A : vector<16xf32>
          %jit3A_214 = arith.constant 8 : i32
          %broadcast_in_dim3A_215 = vector.broadcast %jit3A_214 : i32 to vector<16xi32>
          %select_n3A_216 = arith.select %gt3A_213, %broadcast_in_dim3A_215, %select_n3A_181 : vector<16xi1>, vector<16xi32>
          %max3A_217 = arith.maximumf %max3A, %get3A_212 : vector<16xf32>
          %get3A_218 = arith.constant 9 : i32
          %get3A_219 = arith.index_cast %get3A_218 : i32 to index
          %get3A_220 = arith.index_cast %mul3A_150 : i32 to index
          %get3A_221 = tpu.vector_load %arg6[%get3A_219, %get3A_220] {strides = array<i32>} : memref<80x128xf32, #tpu.memory_space<vmem>>, vector<16xf32>,
          %gt3A_222 = arith.cmpf ogt, %get3A_221, %max3A_190 : vector<16xf32>
          %jit3A_223 = arith.constant 9 : i32
          %broadcast_in_dim3A_224 = vector.broadcast %jit3A_223 : i32 to vector<16xi32>
          %select_n3A_225 = arith.select %gt3A_222, %broadcast_in_dim3A_224, %select_n3A_189 : vector<16xi1>, vector<16xi32>
          %max3A_226 = arith.maximumf %max3A_190, %get3A_221 : vector<16xf32>
          %get3A_227 = arith.constant 10 : i32
          %get3A_228 = arith.index_cast %get3A_227 : i32 to index
          %get3A_229 = arith.index_cast %mul3A_150 : i32 to index
          %get3A_230 = tpu.vector_load %arg6[%get3A_228, %get3A_229] {strides = array<i32>} : memref<80x128xf32, #tpu.memory_space<vmem>>, vector<16xf32>,
          %gt3A_231 = arith.cmpf ogt, %get3A_230, %max3A_199 : vector<16xf32>
          %jit3A_232 = arith.constant 10 : i32
          %broadcast_in_dim3A_233 = vector.broadcast %jit3A_232 : i32 to vector<16xi32>
          %select_n3A_234 = arith.select %gt3A_231, %broadcast_in_dim3A_233, %select_n3A_198 : vector<16xi1>, vector<16xi32>
          %max3A_235 = arith.maximumf %max3A_199, %get3A_230 : vector<16xf32>
          %get3A_236 = arith.constant 11 : i32
          %get3A_237 = arith.index_cast %get3A_236 : i32 to index
          %get3A_238 = arith.index_cast %mul3A_150 : i32 to index
          %get3A_239 = tpu.vector_load %arg6[%get3A_237, %get3A_238] {strides = array<i32>} : memref<80x128xf32, #tpu.memory_space<vmem>>, vector<16xf32>,
          %gt3A_240 = arith.cmpf ogt, %get3A_239, %max3A_208 : vector<16xf32>
          %jit3A_241 = arith.constant 11 : i32
          %broadcast_in_dim3A_242 = vector.broadcast %jit3A_241 : i32 to vector<16xi32>
          %select_n3A_243 = arith.select %gt3A_240, %broadcast_in_dim3A_242, %select_n3A_207 : vector<16xi1>, vector<16xi32>
          %max3A_244 = arith.maximumf %max3A_208, %get3A_239 : vector<16xf32>
          %get3A_245 = arith.constant 12 : i32
          %get3A_246 = arith.index_cast %get3A_245 : i32 to index
          %get3A_247 = arith.index_cast %mul3A_150 : i32 to index
          %get3A_248 = tpu.vector_load %arg6[%get3A_246, %get3A_247] {strides = array<i32>} : memref<80x128xf32, #tpu.memory_space<vmem>>, vector<16xf32>,
          %gt3A_249 = arith.cmpf ogt, %get3A_248, %max3A_217 : vector<16xf32>
          %jit3A_250 = arith.constant 12 : i32
          %broadcast_in_dim3A_251 = vector.broadcast %jit3A_250 : i32 to vector<16xi32>
          %select_n3A_252 = arith.select %gt3A_249, %broadcast_in_dim3A_251, %select_n3A_216 : vector<16xi1>, vector<16xi32>
          %max3A_253 = arith.maximumf %max3A_217, %get3A_248 : vector<16xf32>
          %get3A_254 = arith.constant 13 : i32
          %get3A_255 = arith.index_cast %get3A_254 : i32 to index
          %get3A_256 = arith.index_cast %mul3A_150 : i32 to index
          %get3A_257 = tpu.vector_load %arg6[%get3A_255, %get3A_256] {strides = array<i32>} : memref<80x128xf32, #tpu.memory_space<vmem>>, vector<16xf32>,
          %gt3A_258 = arith.cmpf ogt, %get3A_257, %max3A_226 : vector<16xf32>
          %jit3A_259 = arith.constant 13 : i32
          %broadcast_in_dim3A_260 = vector.broadcast %jit3A_259 : i32 to vector<16xi32>
          %select_n3A_261 = arith.select %gt3A_258, %broadcast_in_dim3A_260, %select_n3A_225 : vector<16xi1>, vector<16xi32>
          %max3A_262 = arith.maximumf %max3A_226, %get3A_257 : vector<16xf32>
          %get3A_263 = arith.constant 14 : i32
          %get3A_264 = arith.index_cast %get3A_263 : i32 to index
          %get3A_265 = arith.index_cast %mul3A_150 : i32 to index
          %get3A_266 = tpu.vector_load %arg6[%get3A_264, %get3A_265] {strides = array<i32>} : memref<80x128xf32, #tpu.memory_space<vmem>>, vector<16xf32>,
          %gt3A_267 = arith.cmpf ogt, %get3A_266, %max3A_235 : vector<16xf32>
          %jit3A_268 = arith.constant 14 : i32
          %broadcast_in_dim3A_269 = vector.broadcast %jit3A_268 : i32 to vector<16xi32>
          %select_n3A_270 = arith.select %gt3A_267, %broadcast_in_dim3A_269, %select_n3A_234 : vector<16xi1>, vector<16xi32>
          %max3A_271 = arith.maximumf %max3A_235, %get3A_266 : vector<16xf32>
          %get3A_272 = arith.constant 15 : i32
          %get3A_273 = arith.index_cast %get3A_272 : i32 to index
          %get3A_274 = arith.index_cast %mul3A_150 : i32 to index
          %get3A_275 = tpu.vector_load %arg6[%get3A_273, %get3A_274] {strides = array<i32>} : memref<80x128xf32, #tpu.memory_space<vmem>>, vector<16xf32>,
          %gt3A_276 = arith.cmpf ogt, %get3A_275, %max3A_244 : vector<16xf32>
          %jit3A_277 = arith.constant 15 : i32
          %broadcast_in_dim3A_278 = vector.broadcast %jit3A_277 : i32 to vector<16xi32>
          %select_n3A_279 = arith.select %gt3A_276, %broadcast_in_dim3A_278, %select_n3A_243 : vector<16xi1>, vector<16xi32>
          %max3A_280 = arith.maximumf %max3A_244, %get3A_275 : vector<16xf32>
          %get3A_281 = arith.constant 16 : i32
          %get3A_282 = arith.index_cast %get3A_281 : i32 to index
          %get3A_283 = arith.index_cast %mul3A_150 : i32 to index
          %get3A_284 = tpu.vector_load %arg6[%get3A_282, %get3A_283] {strides = array<i32>} : memref<80x128xf32, #tpu.memory_space<vmem>>, vector<16xf32>,
          %gt3A_285 = arith.cmpf ogt, %get3A_284, %max3A_253 : vector<16xf32>
          %jit3A_286 = arith.constant 16 : i32
          %broadcast_in_dim3A_287 = vector.broadcast %jit3A_286 : i32 to vector<16xi32>
          %select_n3A_288 = arith.select %gt3A_285, %broadcast_in_dim3A_287, %select_n3A_252 : vector<16xi1>, vector<16xi32>
          %max3A_289 = arith.maximumf %max3A_253, %get3A_284 : vector<16xf32>
          %get3A_290 = arith.constant 17 : i32
          %get3A_291 = arith.index_cast %get3A_290 : i32 to index
          %get3A_292 = arith.index_cast %mul3A_150 : i32 to index
          %get3A_293 = tpu.vector_load %arg6[%get3A_291, %get3A_292] {strides = array<i32>} : memref<80x128xf32, #tpu.memory_space<vmem>>, vector<16xf32>,
          %gt3A_294 = arith.cmpf ogt, %get3A_293, %max3A_262 : vector<16xf32>
          %jit3A_295 = arith.constant 17 : i32
          %broadcast_in_dim3A_296 = vector.broadcast %jit3A_295 : i32 to vector<16xi32>
          %select_n3A_297 = arith.select %gt3A_294, %broadcast_in_dim3A_296, %select_n3A_261 : vector<16xi1>, vector<16xi32>
          %max3A_298 = arith.maximumf %max3A_262, %get3A_293 : vector<16xf32>
          %get3A_299 = arith.constant 18 : i32
          %get3A_300 = arith.index_cast %get3A_299 : i32 to index
          %get3A_301 = arith.index_cast %mul3A_150 : i32 to index
          %get3A_302 = tpu.vector_load %arg6[%get3A_300, %get3A_301] {strides = array<i32>} : memref<80x128xf32, #tpu.memory_space<vmem>>, vector<16xf32>,
          %gt3A_303 = arith.cmpf ogt, %get3A_302, %max3A_271 : vector<16xf32>
          %jit3A_304 = arith.constant 18 : i32
          %broadcast_in_dim3A_305 = vector.broadcast %jit3A_304 : i32 to vector<16xi32>
          %select_n3A_306 = arith.select %gt3A_303, %broadcast_in_dim3A_305, %select_n3A_270 : vector<16xi1>, vector<16xi32>
          %max3A_307 = arith.maximumf %max3A_271, %get3A_302 : vector<16xf32>
          %get3A_308 = arith.constant 19 : i32
          %get3A_309 = arith.index_cast %get3A_308 : i32 to index
          %get3A_310 = arith.index_cast %mul3A_150 : i32 to index
          %get3A_311 = tpu.vector_load %arg6[%get3A_309, %get3A_310] {strides = array<i32>} : memref<80x128xf32, #tpu.memory_space<vmem>>, vector<16xf32>,
          %gt3A_312 = arith.cmpf ogt, %get3A_311, %max3A_280 : vector<16xf32>
          %jit3A_313 = arith.constant 19 : i32
          %broadcast_in_dim3A_314 = vector.broadcast %jit3A_313 : i32 to vector<16xi32>
          %select_n3A_315 = arith.select %gt3A_312, %broadcast_in_dim3A_314, %select_n3A_279 : vector<16xi1>, vector<16xi32>
          %max3A_316 = arith.maximumf %max3A_280, %get3A_311 : vector<16xf32>
          %get3A_317 = arith.constant 20 : i32
          %get3A_318 = arith.index_cast %get3A_317 : i32 to index
          %get3A_319 = arith.index_cast %mul3A_150 : i32 to index
          %get3A_320 = tpu.vector_load %arg6[%get3A_318, %get3A_319] {strides = array<i32>} : memref<80x128xf32, #tpu.memory_space<vmem>>, vector<16xf32>,
          %gt3A_321 = arith.cmpf ogt, %get3A_320, %max3A_289 : vector<16xf32>
          %jit3A_322 = arith.constant 20 : i32
          %broadcast_in_dim3A_323 = vector.broadcast %jit3A_322 : i32 to vector<16xi32>
          %select_n3A_324 = arith.select %gt3A_321, %broadcast_in_dim3A_323, %select_n3A_288 : vector<16xi1>, vector<16xi32>
          %max3A_325 = arith.maximumf %max3A_289, %get3A_320 : vector<16xf32>
          %get3A_326 = arith.constant 21 : i32
          %get3A_327 = arith.index_cast %get3A_326 : i32 to index
          %get3A_328 = arith.index_cast %mul3A_150 : i32 to index
          %get3A_329 = tpu.vector_load %arg6[%get3A_327, %get3A_328] {strides = array<i32>} : memref<80x128xf32, #tpu.memory_space<vmem>>, vector<16xf32>,
          %gt3A_330 = arith.cmpf ogt, %get3A_329, %max3A_298 : vector<16xf32>
          %jit3A_331 = arith.constant 21 : i32
          %broadcast_in_dim3A_332 = vector.broadcast %jit3A_331 : i32 to vector<16xi32>
          %select_n3A_333 = arith.select %gt3A_330, %broadcast_in_dim3A_332, %select_n3A_297 : vector<16xi1>, vector<16xi32>
          %max3A_334 = arith.maximumf %max3A_298, %get3A_329 : vector<16xf32>
          %get3A_335 = arith.constant 22 : i32
          %get3A_336 = arith.index_cast %get3A_335 : i32 to index
          %get3A_337 = arith.index_cast %mul3A_150 : i32 to index
          %get3A_338 = tpu.vector_load %arg6[%get3A_336, %get3A_337] {strides = array<i32>} : memref<80x128xf32, #tpu.memory_space<vmem>>, vector<16xf32>,
          %gt3A_339 = arith.cmpf ogt, %get3A_338, %max3A_307 : vector<16xf32>
          %jit3A_340 = arith.constant 22 : i32
          %broadcast_in_dim3A_341 = vector.broadcast %jit3A_340 : i32 to vector<16xi32>
          %select_n3A_342 = arith.select %gt3A_339, %broadcast_in_dim3A_341, %select_n3A_306 : vector<16xi1>, vector<16xi32>
          %max3A_343 = arith.maximumf %max3A_307, %get3A_338 : vector<16xf32>
          %get3A_344 = arith.constant 23 : i32
          %get3A_345 = arith.index_cast %get3A_344 : i32 to index
          %get3A_346 = arith.index_cast %mul3A_150 : i32 to index
          %get3A_347 = tpu.vector_load %arg6[%get3A_345, %get3A_346] {strides = array<i32>} : memref<80x128xf32, #tpu.memory_space<vmem>>, vector<16xf32>,
          %gt3A_348 = arith.cmpf ogt, %get3A_347, %max3A_316 : vector<16xf32>
          %jit3A_349 = arith.constant 23 : i32
          %broadcast_in_dim3A_350 = vector.broadcast %jit3A_349 : i32 to vector<16xi32>
          %select_n3A_351 = arith.select %gt3A_348, %broadcast_in_dim3A_350, %select_n3A_315 : vector<16xi1>, vector<16xi32>
          %max3A_352 = arith.maximumf %max3A_316, %get3A_347 : vector<16xf32>
          %get3A_353 = arith.constant 24 : i32
          %get3A_354 = arith.index_cast %get3A_353 : i32 to index
          %get3A_355 = arith.index_cast %mul3A_150 : i32 to index
          %get3A_356 = tpu.vector_load %arg6[%get3A_354, %get3A_355] {strides = array<i32>} : memref<80x128xf32, #tpu.memory_space<vmem>>, vector<16xf32>,
          %gt3A_357 = arith.cmpf ogt, %get3A_356, %max3A_325 : vector<16xf32>
          %jit3A_358 = arith.constant 24 : i32
          %broadcast_in_dim3A_359 = vector.broadcast %jit3A_358 : i32 to vector<16xi32>
          %select_n3A_360 = arith.select %gt3A_357, %broadcast_in_dim3A_359, %select_n3A_324 : vector<16xi1>, vector<16xi32>
          %max3A_361 = arith.maximumf %max3A_325, %get3A_356 : vector<16xf32>
          %get3A_362 = arith.constant 25 : i32
          %get3A_363 = arith.index_cast %get3A_362 : i32 to index
          %get3A_364 = arith.index_cast %mul3A_150 : i32 to index
          %get3A_365 = tpu.vector_load %arg6[%get3A_363, %get3A_364] {strides = array<i32>} : memref<80x128xf32, #tpu.memory_space<vmem>>, vector<16xf32>,
          %gt3A_366 = arith.cmpf ogt, %get3A_365, %max3A_334 : vector<16xf32>
          %jit3A_367 = arith.constant 25 : i32
          %broadcast_in_dim3A_368 = vector.broadcast %jit3A_367 : i32 to vector<16xi32>
          %select_n3A_369 = arith.select %gt3A_366, %broadcast_in_dim3A_368, %select_n3A_333 : vector<16xi1>, vector<16xi32>
          %max3A_370 = arith.maximumf %max3A_334, %get3A_365 : vector<16xf32>
          %get3A_371 = arith.constant 26 : i32
          %get3A_372 = arith.index_cast %get3A_371 : i32 to index
          %get3A_373 = arith.index_cast %mul3A_150 : i32 to index
          %get3A_374 = tpu.vector_load %arg6[%get3A_372, %get3A_373] {strides = array<i32>} : memref<80x128xf32, #tpu.memory_space<vmem>>, vector<16xf32>,
          %gt3A_375 = arith.cmpf ogt, %get3A_374, %max3A_343 : vector<16xf32>
          %jit3A_376 = arith.constant 26 : i32
          %broadcast_in_dim3A_377 = vector.broadcast %jit3A_376 : i32 to vector<16xi32>
          %select_n3A_378 = arith.select %gt3A_375, %broadcast_in_dim3A_377, %select_n3A_342 : vector<16xi1>, vector<16xi32>
          %max3A_379 = arith.maximumf %max3A_343, %get3A_374 : vector<16xf32>
          %get3A_380 = arith.constant 27 : i32
          %get3A_381 = arith.index_cast %get3A_380 : i32 to index
          %get3A_382 = arith.index_cast %mul3A_150 : i32 to index
          %get3A_383 = tpu.vector_load %arg6[%get3A_381, %get3A_382] {strides = array<i32>} : memref<80x128xf32, #tpu.memory_space<vmem>>, vector<16xf32>,
          %gt3A_384 = arith.cmpf ogt, %get3A_383, %max3A_352 : vector<16xf32>
          %jit3A_385 = arith.constant 27 : i32
          %broadcast_in_dim3A_386 = vector.broadcast %jit3A_385 : i32 to vector<16xi32>
          %select_n3A_387 = arith.select %gt3A_384, %broadcast_in_dim3A_386, %select_n3A_351 : vector<16xi1>, vector<16xi32>
          %max3A_388 = arith.maximumf %max3A_352, %get3A_383 : vector<16xf32>
          %get3A_389 = arith.constant 28 : i32
          %get3A_390 = arith.index_cast %get3A_389 : i32 to index
          %get3A_391 = arith.index_cast %mul3A_150 : i32 to index
          %get3A_392 = tpu.vector_load %arg6[%get3A_390, %get3A_391] {strides = array<i32>} : memref<80x128xf32, #tpu.memory_space<vmem>>, vector<16xf32>,
          %gt3A_393 = arith.cmpf ogt, %get3A_392, %max3A_361 : vector<16xf32>
          %jit3A_394 = arith.constant 28 : i32
          %broadcast_in_dim3A_395 = vector.broadcast %jit3A_394 : i32 to vector<16xi32>
          %select_n3A_396 = arith.select %gt3A_393, %broadcast_in_dim3A_395, %select_n3A_360 : vector<16xi1>, vector<16xi32>
          %max3A_397 = arith.maximumf %max3A_361, %get3A_392 : vector<16xf32>
          %get3A_398 = arith.constant 29 : i32
          %get3A_399 = arith.index_cast %get3A_398 : i32 to index
          %get3A_400 = arith.index_cast %mul3A_150 : i32 to index
          %get3A_401 = tpu.vector_load %arg6[%get3A_399, %get3A_400] {strides = array<i32>} : memref<80x128xf32, #tpu.memory_space<vmem>>, vector<16xf32>,
          %gt3A_402 = arith.cmpf ogt, %get3A_401, %max3A_370 : vector<16xf32>
          %jit3A_403 = arith.constant 29 : i32
          %broadcast_in_dim3A_404 = vector.broadcast %jit3A_403 : i32 to vector<16xi32>
          %select_n3A_405 = arith.select %gt3A_402, %broadcast_in_dim3A_404, %select_n3A_369 : vector<16xi1>, vector<16xi32>
          %max3A_406 = arith.maximumf %max3A_370, %get3A_401 : vector<16xf32>
          %get3A_407 = arith.constant 30 : i32
          %get3A_408 = arith.index_cast %get3A_407 : i32 to index
          %get3A_409 = arith.index_cast %mul3A_150 : i32 to index
          %get3A_410 = tpu.vector_load %arg6[%get3A_408, %get3A_409] {strides = array<i32>} : memref<80x128xf32, #tpu.memory_space<vmem>>, vector<16xf32>,
          %gt3A_411 = arith.cmpf ogt, %get3A_410, %max3A_379 : vector<16xf32>
          %jit3A_412 = arith.constant 30 : i32
          %broadcast_in_dim3A_413 = vector.broadcast %jit3A_412 : i32 to vector<16xi32>
          %select_n3A_414 = arith.select %gt3A_411, %broadcast_in_dim3A_413, %select_n3A_378 : vector<16xi1>, vector<16xi32>
          %max3A_415 = arith.maximumf %max3A_379, %get3A_410 : vector<16xf32>
          %get3A_416 = arith.constant 31 : i32
          %get3A_417 = arith.index_cast %get3A_416 : i32 to index
          %get3A_418 = arith.index_cast %mul3A_150 : i32 to index
          %get3A_419 = tpu.vector_load %arg6[%get3A_417, %get3A_418] {strides = array<i32>} : memref<80x128xf32, #tpu.memory_space<vmem>>, vector<16xf32>,
          %gt3A_420 = arith.cmpf ogt, %get3A_419, %max3A_388 : vector<16xf32>
          %jit3A_421 = arith.constant 31 : i32
          %broadcast_in_dim3A_422 = vector.broadcast %jit3A_421 : i32 to vector<16xi32>
          %select_n3A_423 = arith.select %gt3A_420, %broadcast_in_dim3A_422, %select_n3A_387 : vector<16xi1>, vector<16xi32>
          %max3A_424 = arith.maximumf %max3A_388, %get3A_419 : vector<16xf32>
          %get3A_425 = arith.constant 32 : i32
          %get3A_426 = arith.index_cast %get3A_425 : i32 to index
          %get3A_427 = arith.index_cast %mul3A_150 : i32 to index
          %get3A_428 = tpu.vector_load %arg6[%get3A_426, %get3A_427] {strides = array<i32>} : memref<80x128xf32, #tpu.memory_space<vmem>>, vector<16xf32>,
          %gt3A_429 = arith.cmpf ogt, %get3A_428, %max3A_397 : vector<16xf32>
          %jit3A_430 = arith.constant 32 : i32
          %broadcast_in_dim3A_431 = vector.broadcast %jit3A_430 : i32 to vector<16xi32>
          %select_n3A_432 = arith.select %gt3A_429, %broadcast_in_dim3A_431, %select_n3A_396 : vector<16xi1>, vector<16xi32>
          %max3A_433 = arith.maximumf %max3A_397, %get3A_428 : vector<16xf32>
          %get3A_434 = arith.constant 33 : i32
          %get3A_435 = arith.index_cast %get3A_434 : i32 to index
          %get3A_436 = arith.index_cast %mul3A_150 : i32 to index
          %get3A_437 = tpu.vector_load %arg6[%get3A_435, %get3A_436] {strides = array<i32>} : memref<80x128xf32, #tpu.memory_space<vmem>>, vector<16xf32>,
          %gt3A_438 = arith.cmpf ogt, %get3A_437, %max3A_406 : vector<16xf32>
          %jit3A_439 = arith.constant 33 : i32
          %broadcast_in_dim3A_440 = vector.broadcast %jit3A_439 : i32 to vector<16xi32>
          %select_n3A_441 = arith.select %gt3A_438, %broadcast_in_dim3A_440, %select_n3A_405 : vector<16xi1>, vector<16xi32>
          %max3A_442 = arith.maximumf %max3A_406, %get3A_437 : vector<16xf32>
          %get3A_443 = arith.constant 34 : i32
          %get3A_444 = arith.index_cast %get3A_443 : i32 to index
          %get3A_445 = arith.index_cast %mul3A_150 : i32 to index
          %get3A_446 = tpu.vector_load %arg6[%get3A_444, %get3A_445] {strides = array<i32>} : memref<80x128xf32, #tpu.memory_space<vmem>>, vector<16xf32>,
          %gt3A_447 = arith.cmpf ogt, %get3A_446, %max3A_415 : vector<16xf32>
          %jit3A_448 = arith.constant 34 : i32
          %broadcast_in_dim3A_449 = vector.broadcast %jit3A_448 : i32 to vector<16xi32>
          %select_n3A_450 = arith.select %gt3A_447, %broadcast_in_dim3A_449, %select_n3A_414 : vector<16xi1>, vector<16xi32>
          %max3A_451 = arith.maximumf %max3A_415, %get3A_446 : vector<16xf32>
          %get3A_452 = arith.constant 35 : i32
          %get3A_453 = arith.index_cast %get3A_452 : i32 to index
          %get3A_454 = arith.index_cast %mul3A_150 : i32 to index
          %get3A_455 = tpu.vector_load %arg6[%get3A_453, %get3A_454] {strides = array<i32>} : memref<80x128xf32, #tpu.memory_space<vmem>>, vector<16xf32>,
          %gt3A_456 = arith.cmpf ogt, %get3A_455, %max3A_424 : vector<16xf32>
          %jit3A_457 = arith.constant 35 : i32
          %broadcast_in_dim3A_458 = vector.broadcast %jit3A_457 : i32 to vector<16xi32>
          %select_n3A_459 = arith.select %gt3A_456, %broadcast_in_dim3A_458, %select_n3A_423 : vector<16xi1>, vector<16xi32>
          %max3A_460 = arith.maximumf %max3A_424, %get3A_455 : vector<16xf32>
          %get3A_461 = arith.constant 36 : i32
          %get3A_462 = arith.index_cast %get3A_461 : i32 to index
          %get3A_463 = arith.index_cast %mul3A_150 : i32 to index
          %get3A_464 = tpu.vector_load %arg6[%get3A_462, %get3A_463] {strides = array<i32>} : memref<80x128xf32, #tpu.memory_space<vmem>>, vector<16xf32>,
          %gt3A_465 = arith.cmpf ogt, %get3A_464, %max3A_433 : vector<16xf32>
          %jit3A_466 = arith.constant 36 : i32
          %broadcast_in_dim3A_467 = vector.broadcast %jit3A_466 : i32 to vector<16xi32>
          %select_n3A_468 = arith.select %gt3A_465, %broadcast_in_dim3A_467, %select_n3A_432 : vector<16xi1>, vector<16xi32>
          %max3A_469 = arith.maximumf %max3A_433, %get3A_464 : vector<16xf32>
          %get3A_470 = arith.constant 37 : i32
          %get3A_471 = arith.index_cast %get3A_470 : i32 to index
          %get3A_472 = arith.index_cast %mul3A_150 : i32 to index
          %get3A_473 = tpu.vector_load %arg6[%get3A_471, %get3A_472] {strides = array<i32>} : memref<80x128xf32, #tpu.memory_space<vmem>>, vector<16xf32>,
          %gt3A_474 = arith.cmpf ogt, %get3A_473, %max3A_442 : vector<16xf32>
          %jit3A_475 = arith.constant 37 : i32
          %broadcast_in_dim3A_476 = vector.broadcast %jit3A_475 : i32 to vector<16xi32>
          %select_n3A_477 = arith.select %gt3A_474, %broadcast_in_dim3A_476, %select_n3A_441 : vector<16xi1>, vector<16xi32>
          %max3A_478 = arith.maximumf %max3A_442, %get3A_473 : vector<16xf32>
          %get3A_479 = arith.constant 38 : i32
          %get3A_480 = arith.index_cast %get3A_479 : i32 to index
          %get3A_481 = arith.index_cast %mul3A_150 : i32 to index
          %get3A_482 = tpu.vector_load %arg6[%get3A_480, %get3A_481] {strides = array<i32>} : memref<80x128xf32, #tpu.memory_space<vmem>>, vector<16xf32>,
          %gt3A_483 = arith.cmpf ogt, %get3A_482, %max3A_451 : vector<16xf32>
          %jit3A_484 = arith.constant 38 : i32
          %broadcast_in_dim3A_485 = vector.broadcast %jit3A_484 : i32 to vector<16xi32>
          %select_n3A_486 = arith.select %gt3A_483, %broadcast_in_dim3A_485, %select_n3A_450 : vector<16xi1>, vector<16xi32>
          %max3A_487 = arith.maximumf %max3A_451, %get3A_482 : vector<16xf32>
          %get3A_488 = arith.constant 39 : i32
          %get3A_489 = arith.index_cast %get3A_488 : i32 to index
          %get3A_490 = arith.index_cast %mul3A_150 : i32 to index
          %get3A_491 = tpu.vector_load %arg6[%get3A_489, %get3A_490] {strides = array<i32>} : memref<80x128xf32, #tpu.memory_space<vmem>>, vector<16xf32>,
          %gt3A_492 = arith.cmpf ogt, %get3A_491, %max3A_460 : vector<16xf32>
          %jit3A_493 = arith.constant 39 : i32
          %broadcast_in_dim3A_494 = vector.broadcast %jit3A_493 : i32 to vector<16xi32>
          %select_n3A_495 = arith.select %gt3A_492, %broadcast_in_dim3A_494, %select_n3A_459 : vector<16xi1>, vector<16xi32>
          %max3A_496 = arith.maximumf %max3A_460, %get3A_491 : vector<16xf32>
          %get3A_497 = arith.constant 40 : i32
          %get3A_498 = arith.index_cast %get3A_497 : i32 to index
          %get3A_499 = arith.index_cast %mul3A_150 : i32 to index
          %get3A_500 = tpu.vector_load %arg6[%get3A_498, %get3A_499] {strides = array<i32>} : memref<80x128xf32, #tpu.memory_space<vmem>>, vector<16xf32>,
          %gt3A_501 = arith.cmpf ogt, %get3A_500, %max3A_469 : vector<16xf32>
          %jit3A_502 = arith.constant 40 : i32
          %broadcast_in_dim3A_503 = vector.broadcast %jit3A_502 : i32 to vector<16xi32>
          %select_n3A_504 = arith.select %gt3A_501, %broadcast_in_dim3A_503, %select_n3A_468 : vector<16xi1>, vector<16xi32>
          %max3A_505 = arith.maximumf %max3A_469, %get3A_500 : vector<16xf32>
          %get3A_506 = arith.constant 41 : i32
          %get3A_507 = arith.index_cast %get3A_506 : i32 to index
          %get3A_508 = arith.index_cast %mul3A_150 : i32 to index
          %get3A_509 = tpu.vector_load %arg6[%get3A_507, %get3A_508] {strides = array<i32>} : memref<80x128xf32, #tpu.memory_space<vmem>>, vector<16xf32>,
          %gt3A_510 = arith.cmpf ogt, %get3A_509, %max3A_478 : vector<16xf32>
          %jit3A_511 = arith.constant 41 : i32
          %broadcast_in_dim3A_512 = vector.broadcast %jit3A_511 : i32 to vector<16xi32>
          %select_n3A_513 = arith.select %gt3A_510, %broadcast_in_dim3A_512, %select_n3A_477 : vector<16xi1>, vector<16xi32>
          %max3A_514 = arith.maximumf %max3A_478, %get3A_509 : vector<16xf32>
          %get3A_515 = arith.constant 42 : i32
          %get3A_516 = arith.index_cast %get3A_515 : i32 to index
          %get3A_517 = arith.index_cast %mul3A_150 : i32 to index
          %get3A_518 = tpu.vector_load %arg6[%get3A_516, %get3A_517] {strides = array<i32>} : memref<80x128xf32, #tpu.memory_space<vmem>>, vector<16xf32>,
          %gt3A_519 = arith.cmpf ogt, %get3A_518, %max3A_487 : vector<16xf32>
          %jit3A_520 = arith.constant 42 : i32
          %broadcast_in_dim3A_521 = vector.broadcast %jit3A_520 : i32 to vector<16xi32>
          %select_n3A_522 = arith.select %gt3A_519, %broadcast_in_dim3A_521, %select_n3A_486 : vector<16xi1>, vector<16xi32>
          %max3A_523 = arith.maximumf %max3A_487, %get3A_518 : vector<16xf32>
          %get3A_524 = arith.constant 43 : i32
          %get3A_525 = arith.index_cast %get3A_524 : i32 to index
          %get3A_526 = arith.index_cast %mul3A_150 : i32 to index
          %get3A_527 = tpu.vector_load %arg6[%get3A_525, %get3A_526] {strides = array<i32>} : memref<80x128xf32, #tpu.memory_space<vmem>>, vector<16xf32>,
          %gt3A_528 = arith.cmpf ogt, %get3A_527, %max3A_496 : vector<16xf32>
          %jit3A_529 = arith.constant 43 : i32
          %broadcast_in_dim3A_530 = vector.broadcast %jit3A_529 : i32 to vector<16xi32>
          %select_n3A_531 = arith.select %gt3A_528, %broadcast_in_dim3A_530, %select_n3A_495 : vector<16xi1>, vector<16xi32>
          %max3A_532 = arith.maximumf %max3A_496, %get3A_527 : vector<16xf32>
          %get3A_533 = arith.constant 44 : i32
          %get3A_534 = arith.index_cast %get3A_533 : i32 to index
          %get3A_535 = arith.index_cast %mul3A_150 : i32 to index
          %get3A_536 = tpu.vector_load %arg6[%get3A_534, %get3A_535] {strides = array<i32>} : memref<80x128xf32, #tpu.memory_space<vmem>>, vector<16xf32>,
          %gt3A_537 = arith.cmpf ogt, %get3A_536, %max3A_505 : vector<16xf32>
          %jit3A_538 = arith.constant 44 : i32
          %broadcast_in_dim3A_539 = vector.broadcast %jit3A_538 : i32 to vector<16xi32>
          %select_n3A_540 = arith.select %gt3A_537, %broadcast_in_dim3A_539, %select_n3A_504 : vector<16xi1>, vector<16xi32>
          %max3A_541 = arith.maximumf %max3A_505, %get3A_536 : vector<16xf32>
          %get3A_542 = arith.constant 45 : i32
          %get3A_543 = arith.index_cast %get3A_542 : i32 to index
          %get3A_544 = arith.index_cast %mul3A_150 : i32 to index
          %get3A_545 = tpu.vector_load %arg6[%get3A_543, %get3A_544] {strides = array<i32>} : memref<80x128xf32, #tpu.memory_space<vmem>>, vector<16xf32>,
          %gt3A_546 = arith.cmpf ogt, %get3A_545, %max3A_514 : vector<16xf32>
          %jit3A_547 = arith.constant 45 : i32
          %broadcast_in_dim3A_548 = vector.broadcast %jit3A_547 : i32 to vector<16xi32>
          %select_n3A_549 = arith.select %gt3A_546, %broadcast_in_dim3A_548, %select_n3A_513 : vector<16xi1>, vector<16xi32>
          %max3A_550 = arith.maximumf %max3A_514, %get3A_545 : vector<16xf32>
          %get3A_551 = arith.constant 46 : i32
          %get3A_552 = arith.index_cast %get3A_551 : i32 to index
          %get3A_553 = arith.index_cast %mul3A_150 : i32 to index
          %get3A_554 = tpu.vector_load %arg6[%get3A_552, %get3A_553] {strides = array<i32>} : memref<80x128xf32, #tpu.memory_space<vmem>>, vector<16xf32>,
          %gt3A_555 = arith.cmpf ogt, %get3A_554, %max3A_523 : vector<16xf32>
          %jit3A_556 = arith.constant 46 : i32
          %broadcast_in_dim3A_557 = vector.broadcast %jit3A_556 : i32 to vector<16xi32>
          %select_n3A_558 = arith.select %gt3A_555, %broadcast_in_dim3A_557, %select_n3A_522 : vector<16xi1>, vector<16xi32>
          %max3A_559 = arith.maximumf %max3A_523, %get3A_554 : vector<16xf32>
          %get3A_560 = arith.constant 47 : i32
          %get3A_561 = arith.index_cast %get3A_560 : i32 to index
          %get3A_562 = arith.index_cast %mul3A_150 : i32 to index
          %get3A_563 = tpu.vector_load %arg6[%get3A_561, %get3A_562] {strides = array<i32>} : memref<80x128xf32, #tpu.memory_space<vmem>>, vector<16xf32>,
          %gt3A_564 = arith.cmpf ogt, %get3A_563, %max3A_532 : vector<16xf32>
          %jit3A_565 = arith.constant 47 : i32
          %broadcast_in_dim3A_566 = vector.broadcast %jit3A_565 : i32 to vector<16xi32>
          %select_n3A_567 = arith.select %gt3A_564, %broadcast_in_dim3A_566, %select_n3A_531 : vector<16xi1>, vector<16xi32>
          %max3A_568 = arith.maximumf %max3A_532, %get3A_563 : vector<16xf32>
          %get3A_569 = arith.constant 48 : i32
          %get3A_570 = arith.index_cast %get3A_569 : i32 to index
          %get3A_571 = arith.index_cast %mul3A_150 : i32 to index
          %get3A_572 = tpu.vector_load %arg6[%get3A_570, %get3A_571] {strides = array<i32>} : memref<80x128xf32, #tpu.memory_space<vmem>>, vector<16xf32>,
          %gt3A_573 = arith.cmpf ogt, %get3A_572, %max3A_541 : vector<16xf32>
          %jit3A_574 = arith.constant 48 : i32
          %broadcast_in_dim3A_575 = vector.broadcast %jit3A_574 : i32 to vector<16xi32>
          %select_n3A_576 = arith.select %gt3A_573, %broadcast_in_dim3A_575, %select_n3A_540 : vector<16xi1>, vector<16xi32>
          %max3A_577 = arith.maximumf %max3A_541, %get3A_572 : vector<16xf32>
          %get3A_578 = arith.constant 49 : i32
          %get3A_579 = arith.index_cast %get3A_578 : i32 to index
          %get3A_580 = arith.index_cast %mul3A_150 : i32 to index
          %get3A_581 = tpu.vector_load %arg6[%get3A_579, %get3A_580] {strides = array<i32>} : memref<80x128xf32, #tpu.memory_space<vmem>>, vector<16xf32>,
          %gt3A_582 = arith.cmpf ogt, %get3A_581, %max3A_550 : vector<16xf32>
          %jit3A_583 = arith.constant 49 : i32
          %broadcast_in_dim3A_584 = vector.broadcast %jit3A_583 : i32 to vector<16xi32>
          %select_n3A_585 = arith.select %gt3A_582, %broadcast_in_dim3A_584, %select_n3A_549 : vector<16xi1>, vector<16xi32>
          %max3A_586 = arith.maximumf %max3A_550, %get3A_581 : vector<16xf32>
          %get3A_587 = arith.constant 50 : i32
          %get3A_588 = arith.index_cast %get3A_587 : i32 to index
          %get3A_589 = arith.index_cast %mul3A_150 : i32 to index
          %get3A_590 = tpu.vector_load %arg6[%get3A_588, %get3A_589] {strides = array<i32>} : memref<80x128xf32, #tpu.memory_space<vmem>>, vector<16xf32>,
          %gt3A_591 = arith.cmpf ogt, %get3A_590, %max3A_559 : vector<16xf32>
          %jit3A_592 = arith.constant 50 : i32
          %broadcast_in_dim3A_593 = vector.broadcast %jit3A_592 : i32 to vector<16xi32>
          %select_n3A_594 = arith.select %gt3A_591, %broadcast_in_dim3A_593, %select_n3A_558 : vector<16xi1>, vector<16xi32>
          %max3A_595 = arith.maximumf %max3A_559, %get3A_590 : vector<16xf32>
          %get3A_596 = arith.constant 51 : i32
          %get3A_597 = arith.index_cast %get3A_596 : i32 to index
          %get3A_598 = arith.index_cast %mul3A_150 : i32 to index
          %get3A_599 = tpu.vector_load %arg6[%get3A_597, %get3A_598] {strides = array<i32>} : memref<80x128xf32, #tpu.memory_space<vmem>>, vector<16xf32>,
          %gt3A_600 = arith.cmpf ogt, %get3A_599, %max3A_568 : vector<16xf32>
          %jit3A_601 = arith.constant 51 : i32
          %broadcast_in_dim3A_602 = vector.broadcast %jit3A_601 : i32 to vector<16xi32>
          %select_n3A_603 = arith.select %gt3A_600, %broadcast_in_dim3A_602, %select_n3A_567 : vector<16xi1>, vector<16xi32>
          %max3A_604 = arith.maximumf %max3A_568, %get3A_599 : vector<16xf32>
          %get3A_605 = arith.constant 52 : i32
          %get3A_606 = arith.index_cast %get3A_605 : i32 to index
          %get3A_607 = arith.index_cast %mul3A_150 : i32 to index
          %get3A_608 = tpu.vector_load %arg6[%get3A_606, %get3A_607] {strides = array<i32>} : memref<80x128xf32, #tpu.memory_space<vmem>>, vector<16xf32>,
          %gt3A_609 = arith.cmpf ogt, %get3A_608, %max3A_577 : vector<16xf32>
          %jit3A_610 = arith.constant 52 : i32
          %broadcast_in_dim3A_611 = vector.broadcast %jit3A_610 : i32 to vector<16xi32>
          %select_n3A_612 = arith.select %gt3A_609, %broadcast_in_dim3A_611, %select_n3A_576 : vector<16xi1>, vector<16xi32>
          %max3A_613 = arith.maximumf %max3A_577, %get3A_608 : vector<16xf32>
          %get3A_614 = arith.constant 53 : i32
          %get3A_615 = arith.index_cast %get3A_614 : i32 to index
          %get3A_616 = arith.index_cast %mul3A_150 : i32 to index
          %get3A_617 = tpu.vector_load %arg6[%get3A_615, %get3A_616] {strides = array<i32>} : memref<80x128xf32, #tpu.memory_space<vmem>>, vector<16xf32>,
          %gt3A_618 = arith.cmpf ogt, %get3A_617, %max3A_586 : vector<16xf32>
          %jit3A_619 = arith.constant 53 : i32
          %broadcast_in_dim3A_620 = vector.broadcast %jit3A_619 : i32 to vector<16xi32>
          %select_n3A_621 = arith.select %gt3A_618, %broadcast_in_dim3A_620, %select_n3A_585 : vector<16xi1>, vector<16xi32>
          %max3A_622 = arith.maximumf %max3A_586, %get3A_617 : vector<16xf32>
          %get3A_623 = arith.constant 54 : i32
          %get3A_624 = arith.index_cast %get3A_623 : i32 to index
          %get3A_625 = arith.index_cast %mul3A_150 : i32 to index
          %get3A_626 = tpu.vector_load %arg6[%get3A_624, %get3A_625] {strides = array<i32>} : memref<80x128xf32, #tpu.memory_space<vmem>>, vector<16xf32>,
          %gt3A_627 = arith.cmpf ogt, %get3A_626, %max3A_595 : vector<16xf32>
          %jit3A_628 = arith.constant 54 : i32
          %broadcast_in_dim3A_629 = vector.broadcast %jit3A_628 : i32 to vector<16xi32>
          %select_n3A_630 = arith.select %gt3A_627, %broadcast_in_dim3A_629, %select_n3A_594 : vector<16xi1>, vector<16xi32>
          %max3A_631 = arith.maximumf %max3A_595, %get3A_626 : vector<16xf32>
          %get3A_632 = arith.constant 55 : i32
          %get3A_633 = arith.index_cast %get3A_632 : i32 to index
          %get3A_634 = arith.index_cast %mul3A_150 : i32 to index
          %get3A_635 = tpu.vector_load %arg6[%get3A_633, %get3A_634] {strides = array<i32>} : memref<80x128xf32, #tpu.memory_space<vmem>>, vector<16xf32>,
          %gt3A_636 = arith.cmpf ogt, %get3A_635, %max3A_604 : vector<16xf32>
          %jit3A_637 = arith.constant 55 : i32
          %broadcast_in_dim3A_638 = vector.broadcast %jit3A_637 : i32 to vector<16xi32>
          %select_n3A_639 = arith.select %gt3A_636, %broadcast_in_dim3A_638, %select_n3A_603 : vector<16xi1>, vector<16xi32>
          %max3A_640 = arith.maximumf %max3A_604, %get3A_635 : vector<16xf32>
          %get3A_641 = arith.constant 56 : i32
          %get3A_642 = arith.index_cast %get3A_641 : i32 to index
          %get3A_643 = arith.index_cast %mul3A_150 : i32 to index
          %get3A_644 = tpu.vector_load %arg6[%get3A_642, %get3A_643] {strides = array<i32>} : memref<80x128xf32, #tpu.memory_space<vmem>>, vector<16xf32>,
          %gt3A_645 = arith.cmpf ogt, %get3A_644, %max3A_613 : vector<16xf32>
          %jit3A_646 = arith.constant 56 : i32
          %broadcast_in_dim3A_647 = vector.broadcast %jit3A_646 : i32 to vector<16xi32>
          %select_n3A_648 = arith.select %gt3A_645, %broadcast_in_dim3A_647, %select_n3A_612 : vector<16xi1>, vector<16xi32>
          %max3A_649 = arith.maximumf %max3A_613, %get3A_644 : vector<16xf32>
          %get3A_650 = arith.constant 57 : i32
          %get3A_651 = arith.index_cast %get3A_650 : i32 to index
          %get3A_652 = arith.index_cast %mul3A_150 : i32 to index
          %get3A_653 = tpu.vector_load %arg6[%get3A_651, %get3A_652] {strides = array<i32>} : memref<80x128xf32, #tpu.memory_space<vmem>>, vector<16xf32>,
          %gt3A_654 = arith.cmpf ogt, %get3A_653, %max3A_622 : vector<16xf32>
          %jit3A_655 = arith.constant 57 : i32
          %broadcast_in_dim3A_656 = vector.broadcast %jit3A_655 : i32 to vector<16xi32>
          %select_n3A_657 = arith.select %gt3A_654, %broadcast_in_dim3A_656, %select_n3A_621 : vector<16xi1>, vector<16xi32>
          %max3A_658 = arith.maximumf %max3A_622, %get3A_653 : vector<16xf32>
          %get3A_659 = arith.constant 58 : i32
          %get3A_660 = arith.index_cast %get3A_659 : i32 to index
          %get3A_661 = arith.index_cast %mul3A_150 : i32 to index
          %get3A_662 = tpu.vector_load %arg6[%get3A_660, %get3A_661] {strides = array<i32>} : memref<80x128xf32, #tpu.memory_space<vmem>>, vector<16xf32>,
          %gt3A_663 = arith.cmpf ogt, %get3A_662, %max3A_631 : vector<16xf32>
          %jit3A_664 = arith.constant 58 : i32
          %broadcast_in_dim3A_665 = vector.broadcast %jit3A_664 : i32 to vector<16xi32>
          %select_n3A_666 = arith.select %gt3A_663, %broadcast_in_dim3A_665, %select_n3A_630 : vector<16xi1>, vector<16xi32>
          %max3A_667 = arith.maximumf %max3A_631, %get3A_662 : vector<16xf32>
          %get3A_668 = arith.constant 59 : i32
          %get3A_669 = arith.index_cast %get3A_668 : i32 to index
          %get3A_670 = arith.index_cast %mul3A_150 : i32 to index
          %get3A_671 = tpu.vector_load %arg6[%get3A_669, %get3A_670] {strides = array<i32>} : memref<80x128xf32, #tpu.memory_space<vmem>>, vector<16xf32>,
          %gt3A_672 = arith.cmpf ogt, %get3A_671, %max3A_640 : vector<16xf32>
          %jit3A_673 = arith.constant 59 : i32
          %broadcast_in_dim3A_674 = vector.broadcast %jit3A_673 : i32 to vector<16xi32>
          %select_n3A_675 = arith.select %gt3A_672, %broadcast_in_dim3A_674, %select_n3A_639 : vector<16xi1>, vector<16xi32>
          %max3A_676 = arith.maximumf %max3A_640, %get3A_671 : vector<16xf32>
          %get3A_677 = arith.constant 60 : i32
          %get3A_678 = arith.index_cast %get3A_677 : i32 to index
          %get3A_679 = arith.index_cast %mul3A_150 : i32 to index
          %get3A_680 = tpu.vector_load %arg6[%get3A_678, %get3A_679] {strides = array<i32>} : memref<80x128xf32, #tpu.memory_space<vmem>>, vector<16xf32>,
          %gt3A_681 = arith.cmpf ogt, %get3A_680, %max3A_649 : vector<16xf32>
          %jit3A_682 = arith.constant 60 : i32
          %broadcast_in_dim3A_683 = vector.broadcast %jit3A_682 : i32 to vector<16xi32>
          %select_n3A_684 = arith.select %gt3A_681, %broadcast_in_dim3A_683, %select_n3A_648 : vector<16xi1>, vector<16xi32>
          %max3A_685 = arith.maximumf %max3A_649, %get3A_680 : vector<16xf32>
          %get3A_686 = arith.constant 61 : i32
          %get3A_687 = arith.index_cast %get3A_686 : i32 to index
          %get3A_688 = arith.index_cast %mul3A_150 : i32 to index
          %get3A_689 = tpu.vector_load %arg6[%get3A_687, %get3A_688] {strides = array<i32>} : memref<80x128xf32, #tpu.memory_space<vmem>>, vector<16xf32>,
          %gt3A_690 = arith.cmpf ogt, %get3A_689, %max3A_658 : vector<16xf32>
          %jit3A_691 = arith.constant 61 : i32
          %broadcast_in_dim3A_692 = vector.broadcast %jit3A_691 : i32 to vector<16xi32>
          %select_n3A_693 = arith.select %gt3A_690, %broadcast_in_dim3A_692, %select_n3A_657 : vector<16xi1>, vector<16xi32>
          %max3A_694 = arith.maximumf %max3A_658, %get3A_689 : vector<16xf32>
          %get3A_695 = arith.constant 62 : i32
          %get3A_696 = arith.index_cast %get3A_695 : i32 to index
          %get3A_697 = arith.index_cast %mul3A_150 : i32 to index
          %get3A_698 = tpu.vector_load %arg6[%get3A_696, %get3A_697] {strides = array<i32>} : memref<80x128xf32, #tpu.memory_space<vmem>>, vector<16xf32>,
          %gt3A_699 = arith.cmpf ogt, %get3A_698, %max3A_667 : vector<16xf32>
          %jit3A_700 = arith.constant 62 : i32
          %broadcast_in_dim3A_701 = vector.broadcast %jit3A_700 : i32 to vector<16xi32>
          %select_n3A_702 = arith.select %gt3A_699, %broadcast_in_dim3A_701, %select_n3A_666 : vector<16xi1>, vector<16xi32>
          %max3A_703 = arith.maximumf %max3A_667, %get3A_698 : vector<16xf32>
          %get3A_704 = arith.constant 63 : i32
          %get3A_705 = arith.index_cast %get3A_704 : i32 to index
          %get3A_706 = arith.index_cast %mul3A_150 : i32 to index
          %get3A_707 = tpu.vector_load %arg6[%get3A_705, %get3A_706] {strides = array<i32>} : memref<80x128xf32, #tpu.memory_space<vmem>>, vector<16xf32>,
          %gt3A_708 = arith.cmpf ogt, %get3A_707, %max3A_676 : vector<16xf32>
          %jit3A_709 = arith.constant 63 : i32
          %broadcast_in_dim3A_710 = vector.broadcast %jit3A_709 : i32 to vector<16xi32>
          %select_n3A_711 = arith.select %gt3A_708, %broadcast_in_dim3A_710, %select_n3A_675 : vector<16xi1>, vector<16xi32>
          %max3A_712 = arith.maximumf %max3A_676, %get3A_707 : vector<16xf32>
          %get3A_713 = arith.constant 64 : i32
          %get3A_714 = arith.index_cast %get3A_713 : i32 to index
          %get3A_715 = arith.index_cast %mul3A_150 : i32 to index
          %get3A_716 = tpu.vector_load %arg6[%get3A_714, %get3A_715] {strides = array<i32>} : memref<80x128xf32, #tpu.memory_space<vmem>>, vector<16xf32>,
          %gt3A_717 = arith.cmpf ogt, %get3A_716, %max3A_685 : vector<16xf32>
          %jit3A_718 = arith.constant 64 : i32
          %broadcast_in_dim3A_719 = vector.broadcast %jit3A_718 : i32 to vector<16xi32>
          %select_n3A_720 = arith.select %gt3A_717, %broadcast_in_dim3A_719, %select_n3A_684 : vector<16xi1>, vector<16xi32>
          %max3A_721 = arith.maximumf %max3A_685, %get3A_716 : vector<16xf32>
          %get3A_722 = arith.constant 65 : i32
          %get3A_723 = arith.index_cast %get3A_722 : i32 to index
          %get3A_724 = arith.index_cast %mul3A_150 : i32 to index
          %get3A_725 = tpu.vector_load %arg6[%get3A_723, %get3A_724] {strides = array<i32>} : memref<80x128xf32, #tpu.memory_space<vmem>>, vector<16xf32>,
          %gt3A_726 = arith.cmpf ogt, %get3A_725, %max3A_694 : vector<16xf32>
          %jit3A_727 = arith.constant 65 : i32
          %broadcast_in_dim3A_728 = vector.broadcast %jit3A_727 : i32 to vector<16xi32>
          %select_n3A_729 = arith.select %gt3A_726, %broadcast_in_dim3A_728, %select_n3A_693 : vector<16xi1>, vector<16xi32>
          %max3A_730 = arith.maximumf %max3A_694, %get3A_725 : vector<16xf32>
          %get3A_731 = arith.constant 66 : i32
          %get3A_732 = arith.index_cast %get3A_731 : i32 to index
          %get3A_733 = arith.index_cast %mul3A_150 : i32 to index
          %get3A_734 = tpu.vector_load %arg6[%get3A_732, %get3A_733] {strides = array<i32>} : memref<80x128xf32, #tpu.memory_space<vmem>>, vector<16xf32>,
          %gt3A_735 = arith.cmpf ogt, %get3A_734, %max3A_703 : vector<16xf32>
          %jit3A_736 = arith.constant 66 : i32
          %broadcast_in_dim3A_737 = vector.broadcast %jit3A_736 : i32 to vector<16xi32>
          %select_n3A_738 = arith.select %gt3A_735, %broadcast_in_dim3A_737, %select_n3A_702 : vector<16xi1>, vector<16xi32>
          %max3A_739 = arith.maximumf %max3A_703, %get3A_734 : vector<16xf32>
          %get3A_740 = arith.constant 67 : i32
          %get3A_741 = arith.index_cast %get3A_740 : i32 to index
          %get3A_742 = arith.index_cast %mul3A_150 : i32 to index
          %get3A_743 = tpu.vector_load %arg6[%get3A_741, %get3A_742] {strides = array<i32>} : memref<80x128xf32, #tpu.memory_space<vmem>>, vector<16xf32>,
          %gt3A_744 = arith.cmpf ogt, %get3A_743, %max3A_712 : vector<16xf32>
          %jit3A_745 = arith.constant 67 : i32
          %broadcast_in_dim3A_746 = vector.broadcast %jit3A_745 : i32 to vector<16xi32>
          %select_n3A_747 = arith.select %gt3A_744, %broadcast_in_dim3A_746, %select_n3A_711 : vector<16xi1>, vector<16xi32>
          %max3A_748 = arith.maximumf %max3A_712, %get3A_743 : vector<16xf32>
          %get3A_749 = arith.constant 68 : i32
          %get3A_750 = arith.index_cast %get3A_749 : i32 to index
          %get3A_751 = arith.index_cast %mul3A_150 : i32 to index
          %get3A_752 = tpu.vector_load %arg6[%get3A_750, %get3A_751] {strides = array<i32>} : memref<80x128xf32, #tpu.memory_space<vmem>>, vector<16xf32>,
          %gt3A_753 = arith.cmpf ogt, %get3A_752, %max3A_721 : vector<16xf32>
          %jit3A_754 = arith.constant 68 : i32
          %broadcast_in_dim3A_755 = vector.broadcast %jit3A_754 : i32 to vector<16xi32>
          %select_n3A_756 = arith.select %gt3A_753, %broadcast_in_dim3A_755, %select_n3A_720 : vector<16xi1>, vector<16xi32>
          %max3A_757 = arith.maximumf %max3A_721, %get3A_752 : vector<16xf32>
          %get3A_758 = arith.constant 69 : i32
          %get3A_759 = arith.index_cast %get3A_758 : i32 to index
          %get3A_760 = arith.index_cast %mul3A_150 : i32 to index
          %get3A_761 = tpu.vector_load %arg6[%get3A_759, %get3A_760] {strides = array<i32>} : memref<80x128xf32, #tpu.memory_space<vmem>>, vector<16xf32>,
          %gt3A_762 = arith.cmpf ogt, %get3A_761, %max3A_730 : vector<16xf32>
          %jit3A_763 = arith.constant 69 : i32
          %broadcast_in_dim3A_764 = vector.broadcast %jit3A_763 : i32 to vector<16xi32>
          %select_n3A_765 = arith.select %gt3A_762, %broadcast_in_dim3A_764, %select_n3A_729 : vector<16xi1>, vector<16xi32>
          %max3A_766 = arith.maximumf %max3A_730, %get3A_761 : vector<16xf32>
          %get3A_767 = arith.constant 70 : i32
          %get3A_768 = arith.index_cast %get3A_767 : i32 to index
          %get3A_769 = arith.index_cast %mul3A_150 : i32 to index
          %get3A_770 = tpu.vector_load %arg6[%get3A_768, %get3A_769] {strides = array<i32>} : memref<80x128xf32, #tpu.memory_space<vmem>>, vector<16xf32>,
          %gt3A_771 = arith.cmpf ogt, %get3A_770, %max3A_739 : vector<16xf32>
          %jit3A_772 = arith.constant 70 : i32
          %broadcast_in_dim3A_773 = vector.broadcast %jit3A_772 : i32 to vector<16xi32>
          %select_n3A_774 = arith.select %gt3A_771, %broadcast_in_dim3A_773, %select_n3A_738 : vector<16xi1>, vector<16xi32>
          %max3A_775 = arith.maximumf %max3A_739, %get3A_770 : vector<16xf32>
          %get3A_776 = arith.constant 71 : i32
          %get3A_777 = arith.index_cast %get3A_776 : i32 to index
          %get3A_778 = arith.index_cast %mul3A_150 : i32 to index
          %get3A_779 = tpu.vector_load %arg6[%get3A_777, %get3A_778] {strides = array<i32>} : memref<80x128xf32, #tpu.memory_space<vmem>>, vector<16xf32>,
          %gt3A_780 = arith.cmpf ogt, %get3A_779, %max3A_748 : vector<16xf32>
          %jit3A_781 = arith.constant 71 : i32
          %broadcast_in_dim3A_782 = vector.broadcast %jit3A_781 : i32 to vector<16xi32>
          %select_n3A_783 = arith.select %gt3A_780, %broadcast_in_dim3A_782, %select_n3A_747 : vector<16xi1>, vector<16xi32>
          %max3A_784 = arith.maximumf %max3A_748, %get3A_779 : vector<16xf32>
          %get3A_785 = arith.constant 72 : i32
          %get3A_786 = arith.index_cast %get3A_785 : i32 to index
          %get3A_787 = arith.index_cast %mul3A_150 : i32 to index
          %get3A_788 = tpu.vector_load %arg6[%get3A_786, %get3A_787] {strides = array<i32>} : memref<80x128xf32, #tpu.memory_space<vmem>>, vector<16xf32>,
          %gt3A_789 = arith.cmpf ogt, %get3A_788, %max3A_757 : vector<16xf32>
          %jit3A_790 = arith.constant 72 : i32
          %broadcast_in_dim3A_791 = vector.broadcast %jit3A_790 : i32 to vector<16xi32>
          %select_n3A_792 = arith.select %gt3A_789, %broadcast_in_dim3A_791, %select_n3A_756 : vector<16xi1>, vector<16xi32>
          %max3A_793 = arith.maximumf %max3A_757, %get3A_788 : vector<16xf32>
          %get3A_794 = arith.constant 73 : i32
          %get3A_795 = arith.index_cast %get3A_794 : i32 to index
          %get3A_796 = arith.index_cast %mul3A_150 : i32 to index
          %get3A_797 = tpu.vector_load %arg6[%get3A_795, %get3A_796] {strides = array<i32>} : memref<80x128xf32, #tpu.memory_space<vmem>>, vector<16xf32>,
          %gt3A_798 = arith.cmpf ogt, %get3A_797, %max3A_766 : vector<16xf32>
          %jit3A_799 = arith.constant 73 : i32
          %broadcast_in_dim3A_800 = vector.broadcast %jit3A_799 : i32 to vector<16xi32>
          %select_n3A_801 = arith.select %gt3A_798, %broadcast_in_dim3A_800, %select_n3A_765 : vector<16xi1>, vector<16xi32>
          %max3A_802 = arith.maximumf %max3A_766, %get3A_797 : vector<16xf32>
          %get3A_803 = arith.constant 74 : i32
          %get3A_804 = arith.index_cast %get3A_803 : i32 to index
          %get3A_805 = arith.index_cast %mul3A_150 : i32 to index
          %get3A_806 = tpu.vector_load %arg6[%get3A_804, %get3A_805] {strides = array<i32>} : memref<80x128xf32, #tpu.memory_space<vmem>>, vector<16xf32>,
          %gt3A_807 = arith.cmpf ogt, %get3A_806, %max3A_775 : vector<16xf32>
          %jit3A_808 = arith.constant 74 : i32
          %broadcast_in_dim3A_809 = vector.broadcast %jit3A_808 : i32 to vector<16xi32>
          %select_n3A_810 = arith.select %gt3A_807, %broadcast_in_dim3A_809, %select_n3A_774 : vector<16xi1>, vector<16xi32>
          %max3A_811 = arith.maximumf %max3A_775, %get3A_806 : vector<16xf32>
          %get3A_812 = arith.constant 75 : i32
          %get3A_813 = arith.index_cast %get3A_812 : i32 to index
          %get3A_814 = arith.index_cast %mul3A_150 : i32 to index
          %get3A_815 = tpu.vector_load %arg6[%get3A_813, %get3A_814] {strides = array<i32>} : memref<80x128xf32, #tpu.memory_space<vmem>>, vector<16xf32>,
          %gt3A_816 = arith.cmpf ogt, %get3A_815, %max3A_784 : vector<16xf32>
          %jit3A_817 = arith.constant 75 : i32
          %broadcast_in_dim3A_818 = vector.broadcast %jit3A_817 : i32 to vector<16xi32>
          %select_n3A_819 = arith.select %gt3A_816, %broadcast_in_dim3A_818, %select_n3A_783 : vector<16xi1>, vector<16xi32>
          %max3A_820 = arith.maximumf %max3A_784, %get3A_815 : vector<16xf32>
          %get3A_821 = arith.constant 76 : i32
          %get3A_822 = arith.index_cast %get3A_821 : i32 to index
          %get3A_823 = arith.index_cast %mul3A_150 : i32 to index
          %get3A_824 = tpu.vector_load %arg6[%get3A_822, %get3A_823] {strides = array<i32>} : memref<80x128xf32, #tpu.memory_space<vmem>>, vector<16xf32>,
          %gt3A_825 = arith.cmpf ogt, %get3A_824, %max3A_793 : vector<16xf32>
          %jit3A_826 = arith.constant 76 : i32
          %broadcast_in_dim3A_827 = vector.broadcast %jit3A_826 : i32 to vector<16xi32>
          %select_n3A_828 = arith.select %gt3A_825, %broadcast_in_dim3A_827, %select_n3A_792 : vector<16xi1>, vector<16xi32>
          %max3A_829 = arith.maximumf %max3A_793, %get3A_824 : vector<16xf32>
          %get3A_830 = arith.constant 77 : i32
          %get3A_831 = arith.index_cast %get3A_830 : i32 to index
          %get3A_832 = arith.index_cast %mul3A_150 : i32 to index
          %get3A_833 = tpu.vector_load %arg6[%get3A_831, %get3A_832] {strides = array<i32>} : memref<80x128xf32, #tpu.memory_space<vmem>>, vector<16xf32>,
          %gt3A_834 = arith.cmpf ogt, %get3A_833, %max3A_802 : vector<16xf32>
          %jit3A_835 = arith.constant 77 : i32
          %broadcast_in_dim3A_836 = vector.broadcast %jit3A_835 : i32 to vector<16xi32>
          %select_n3A_837 = arith.select %gt3A_834, %broadcast_in_dim3A_836, %select_n3A_801 : vector<16xi1>, vector<16xi32>
          %max3A_838 = arith.maximumf %max3A_802, %get3A_833 : vector<16xf32>
          %get3A_839 = arith.constant 78 : i32
          %get3A_840 = arith.index_cast %get3A_839 : i32 to index
          %get3A_841 = arith.index_cast %mul3A_150 : i32 to index
          %get3A_842 = tpu.vector_load %arg6[%get3A_840, %get3A_841] {strides = array<i32>} : memref<80x128xf32, #tpu.memory_space<vmem>>, vector<16xf32>,
          %gt3A_843 = arith.cmpf ogt, %get3A_842, %max3A_811 : vector<16xf32>
          %jit3A_844 = arith.constant 78 : i32
          %broadcast_in_dim3A_845 = vector.broadcast %jit3A_844 : i32 to vector<16xi32>
          %select_n3A_846 = arith.select %gt3A_843, %broadcast_in_dim3A_845, %select_n3A_810 : vector<16xi1>, vector<16xi32>
          %max3A_847 = arith.maximumf %max3A_811, %get3A_842 : vector<16xf32>
          %get3A_848 = arith.constant 79 : i32
          %get3A_849 = arith.index_cast %get3A_848 : i32 to index
          %get3A_850 = arith.index_cast %mul3A_150 : i32 to index
          %get3A_851 = tpu.vector_load %arg6[%get3A_849, %get3A_850] {strides = array<i32>} : memref<80x128xf32, #tpu.memory_space<vmem>>, vector<16xf32>,
          %gt3A_852 = arith.cmpf ogt, %get3A_851, %max3A_820 : vector<16xf32>
          %jit3A_853 = arith.constant 79 : i32
          %broadcast_in_dim3A_854 = vector.broadcast %jit3A_853 : i32 to vector<16xi32>
          %select_n3A_855 = arith.select %gt3A_852, %broadcast_in_dim3A_854, %select_n3A_819 : vector<16xi1>, vector<16xi32>
          %max3A_856 = arith.maximumf %max3A_820, %get3A_851 : vector<16xf32>
          %gt3A_857 = arith.cmpf ogt, %max3A_838, %max3A_829 : vector<16xf32>
          %eq3A = arith.cmpf oeq, %max3A_838, %max3A_829 : vector<16xf32>
          %lt3A_858 = arith.cmpi slt, %select_n3A_837, %select_n3A_828 : vector<16xi32>
          %and3A_859 = arith.andi %eq3A, %lt3A_858 : vector<16xi1>
          %or3A = arith.ori %gt3A_857, %and3A_859 : vector<16xi1>
          %select_n3A_860 = arith.select %or3A, %max3A_838, %max3A_829 : vector<16xi1>, vector<16xf32>
          %select_n3A_861 = arith.select %or3A, %select_n3A_837, %select_n3A_828 : vector<16xi1>, vector<16xi32>
          %gt3A_862 = arith.cmpf ogt, %max3A_847, %select_n3A_860 : vector<16xf32>
          %eq3A_863 = arith.cmpf oeq, %max3A_847, %select_n3A_860 : vector<16xf32>
          %lt3A_864 = arith.cmpi slt, %select_n3A_846, %select_n3A_861 : vector<16xi32>
          %and3A_865 = arith.andi %eq3A_863, %lt3A_864 : vector<16xi1>
          %or3A_866 = arith.ori %gt3A_862, %and3A_865 : vector<16xi1>
          %select_n3A_867 = arith.select %or3A_866, %max3A_847, %select_n3A_860 : vector<16xi1>, vector<16xf32>
          %select_n3A_868 = arith.select %or3A_866, %select_n3A_846, %select_n3A_861 : vector<16xi1>, vector<16xi32>
          %gt3A_869 = arith.cmpf ogt, %max3A_856, %select_n3A_867 : vector<16xf32>
          %eq3A_870 = arith.cmpf oeq, %max3A_856, %select_n3A_867 : vector<16xf32>
          %lt3A_871 = arith.cmpi slt, %select_n3A_855, %select_n3A_868 : vector<16xi32>
          %and3A_872 = arith.andi %eq3A_870, %lt3A_871 : vector<16xi1>
          %or3A_873 = arith.ori %gt3A_869, %and3A_872 : vector<16xi1>
          %select_n3A_874 = arith.select %or3A_873, %max3A_856, %select_n3A_867 : vector<16xi1>, vector<16xf32>
          %select_n3A_875 = arith.select %or3A_873, %select_n3A_855, %select_n3A_868 : vector<16xi1>, vector<16xi32>
          %lt3A_876 = arith.cmpf olt, %select_n3A_874, %get3A_1 : vector<16xf32>
          %jit3A_877 = arith.constant 0 : i32
          %broadcast_in_dim3A_878 = vector.broadcast %jit3A_877 : i32 to vector<16xi32>
          %select_n3A_879 = arith.select %lt3A_876, %broadcast_in_dim3A_878, %select_n3A_875 : vector<16xi1>, vector<16xi32>
          %swap3A = arith.index_cast %mul3A_150 : i32 to index
          %swap3A_880 = tpu.vector_load %arg8[%swap3A] {strides = array<i32>} : memref<128xi32, #tpu.memory_space<vmem>>, vector<16xi32>,
          tpu.vector_store %arg8[%swap3A], %select_n3A_879 {strides = array<i32>} : memref<128xi32, #tpu.memory_space<vmem>>, vector<16xi32>,
        }
        %scan3A_136 = arith.constant 8 : i32
        %mul3A_137 = arith.constant 32 : i32
        %mul3A_138 = arith.muli %add3A_88, %mul3A_137 : i32
        %add3A_139 = arith.addi %add3A, %mul3A_138 : i32
        %mul3A_140 = arith.constant 128 : i32
        %mul3A_141 = arith.muli %add3A_139, %mul3A_140 : i32
        %dma_start3A_142 = tpu.memref_slice %arg4[%mul3A_141] : memref<196608xi32, #tpu.memory_space<hbm>> -> memref<128xi32, #tpu.memory_space<hbm>>
        %dma_start3A_143 = tpu.memref_slice %arg4[%mul3A_141] : memref<196608xi32, #tpu.memory_space<hbm>> -> memref<128xi32, #tpu.memory_space<hbm>>
        tpu.enqueue_dma source(%arg8 : memref<128xi32, #tpu.memory_space<vmem>>) target(%dma_start3A_143 : memref<128xi32, #tpu.memory_space<hbm>>) target_semaphore(%arg13 : memref<!tpu.dma_semaphore, #tpu.memory_space<semaphore_mem>>)
      } else {
      }
    }
    %while3A_74 = arith.constant 1 : i32
    scf.for %while3A_82 = %while3A_72 to %while3A_68 step %while3A_74  : i32 {
      %mul3A_83 = arith.muli %while3A_82, %while3A : i32
      %add3A_84 = arith.addi %while3A_65, %mul3A_83 : i32
      %mul3A_85 = arith.constant 2 : i32
      %mul3A_86 = arith.muli %mul3A_85, %add3A_84 : i32
      %add3A_87 = arith.constant 1 : i32
      %add3A_88 = arith.addi %mul3A_86, %add3A_87 : i32
      %lt3A = arith.cmpi slt, %add3A_88, %select_n3A : i32
      %convert_element_type3A = arith.extui %lt3A : i1 to i32
      %cond3A = arith.constant 0 : i32
      %cond3A_89 = arith.cmpi ne, %convert_element_type3A, %cond3A : i32
      scf.if %cond3A_89 {
        %mul3A_115 = arith.constant 32 : i32
        %mul3A_116 = arith.muli %add3A_88, %mul3A_115 : i32
        %add3A_117 = arith.addi %add3A, %mul3A_116 : i32
        %mul3A_118 = arith.constant 128 : i32
        %mul3A_119 = arith.muli %add3A_117, %mul3A_118 : i32
        %dma_start3A_120 = arith.constant 0 : i32
        %dma_start3A_121 = tpu.memref_slice %arg2[%dma_start3A_120, %mul3A_119] : memref<80x500000xf32, #tpu.memory_space<hbm>> -> memref<80x128xf32, #tpu.memory_space<hbm>>
        %dma_start3A_122 = arith.constant 0 : i32
        %dma_start3A_123 = tpu.memref_slice %arg2[%dma_start3A_122, %mul3A_119] : memref<80x500000xf32, #tpu.memory_space<hbm>> -> memref<80x128xf32, #tpu.memory_space<hbm>>
        tpu.enqueue_dma source(%dma_start3A_123 : memref<80x128xf32, #tpu.memory_space<hbm>>) target(%arg6 : memref<80x128xf32, #tpu.memory_space<vmem>>) target_semaphore(%arg11 : memref<!tpu.dma_semaphore, #tpu.memory_space<semaphore_mem>>)
      } else {
      }
      %dma_wait3A_90 = arith.constant 0 : i32
      %dma_wait3A_91 = arith.constant 0 : i32
      %dma_wait3A_92 = tpu.memref_slice %arg2[%dma_wait3A_90, %dma_wait3A_91] : memref<80x500000xf32, #tpu.memory_space<hbm>> -> memref<80x128xf32, #tpu.memory_space<hbm>>
      %dma_wait3A_93 = arith.constant 0 : i32
      %dma_wait3A_94 = arith.constant 0 : i32
      %dma_wait3A_95 = tpu.memref_slice %arg2[%dma_wait3A_93, %dma_wait3A_94] : memref<80x500000xf32, #tpu.memory_space<hbm>> -> memref<80x128xf32, #tpu.memory_space<hbm>>
      tpu.wait_dma2 semaphore(%arg10 : memref<!tpu.dma_semaphore, #tpu.memory_space<semaphore_mem>>) src(%dma_wait3A_95 : memref<80x128xf32, #tpu.memory_space<hbm>>) dst(%arg5 : memref<80x128xf32, #tpu.memory_space<vmem>>)
      %gt3A = arith.constant 0 : i32
      %gt3A_96 = arith.cmpi sgt, %add3A_84, %gt3A : i32
      %convert_element_type3A_97 = arith.extui %gt3A_96 : i1 to i32
      %cond3A_98 = arith.constant 0 : i32
      %cond3A_99 = arith.cmpi ne, %convert_element_type3A_97, %cond3A_98 : i32
      scf.if %cond3A_99 {
        %dma_wait3A_115 = arith.constant 0 : i32
        %dma_wait3A_116 = tpu.memref_slice %arg4[%dma_wait3A_115] : memref<196608xi32, #tpu.memory_space<hbm>> -> memref<128xi32, #tpu.memory_space<hbm>>
        %dma_wait3A_117 = arith.constant 0 : i32
        %dma_wait3A_118 = tpu.memref_slice %arg4[%dma_wait3A_117] : memref<196608xi32, #tpu.memory_space<hbm>> -> memref<128xi32, #tpu.memory_space<hbm>>
        tpu.wait_dma2 semaphore(%arg12 : memref<!tpu.dma_semaphore, #tpu.memory_space<semaphore_mem>>) src(%arg7 : memref<128xi32, #tpu.memory_space<vmem>>) dst(%dma_wait3A_118 : memref<128xi32, #tpu.memory_space<hbm>>)
      } else {
      }
      %scan3A = arith.constant 0 : i32
      %scan3A_100 = arith.constant 8 : i32
      %scan3A_101 = arith.addi %scan3A, %scan3A_100 : i32
      %scan3A_102 = arith.constant 1 : i32
      scf.for %scan3A_115 = %scan3A to %scan3A_101 step %scan3A_102  : i32 {
        %mul3A_116 = arith.constant 1 : i32
        %mul3A_117 = arith.muli %scan3A_115, %mul3A_116 : i32
        %add3A_118 = arith.constant 0 : i32
        %add3A_119 = arith.addi %add3A_118, %mul3A_117 : i32
        %mul3A_120 = arith.constant 16 : i32
        %mul3A_121 = arith.muli %add3A_119, %mul3A_120 : i32
        %get3A_122 = arith.constant 0 : i32
        %get3A_123 = arith.index_cast %get3A_122 : i32 to index
        %get3A_124 = arith.index_cast %mul3A_121 : i32 to index
        %get3A_125 = tpu.vector_load %arg5[%get3A_123, %get3A_124] {strides = array<i32>} : memref<80x128xf32, #tpu.memory_space<vmem>>, vector<16xf32>,
        %broadcast_in_dim3A = arith.constant 0 : i32
        %broadcast_in_dim3A_126 = vector.broadcast %broadcast_in_dim3A : i32 to vector<16xi32>
        %get3A_127 = arith.constant 1 : i32
        %get3A_128 = arith.index_cast %get3A_127 : i32 to index
        %get3A_129 = arith.index_cast %mul3A_121 : i32 to index
        %get3A_130 = tpu.vector_load %arg5[%get3A_128, %get3A_129] {strides = array<i32>} : memref<80x128xf32, #tpu.memory_space<vmem>>, vector<16xf32>,
        %broadcast_in_dim3A_131 = arith.constant 1 : i32
        %broadcast_in_dim3A_132 = vector.broadcast %broadcast_in_dim3A_131 : i32 to vector<16xi32>
        %get3A_133 = arith.constant 2 : i32
        %get3A_134 = arith.index_cast %get3A_133 : i32 to index
        %get3A_135 = arith.index_cast %mul3A_121 : i32 to index
        %get3A_136 = tpu.vector_load %arg5[%get3A_134, %get3A_135] {strides = array<i32>} : memref<80x128xf32, #tpu.memory_space<vmem>>, vector<16xf32>,
        %broadcast_in_dim3A_137 = arith.constant 2 : i32
        %broadcast_in_dim3A_138 = vector.broadcast %broadcast_in_dim3A_137 : i32 to vector<16xi32>
        %get3A_139 = arith.constant 3 : i32
        %get3A_140 = arith.index_cast %get3A_139 : i32 to index
        %get3A_141 = arith.index_cast %mul3A_121 : i32 to index
        %get3A_142 = tpu.vector_load %arg5[%get3A_140, %get3A_141] {strides = array<i32>} : memref<80x128xf32, #tpu.memory_space<vmem>>, vector<16xf32>,
        %broadcast_in_dim3A_143 = arith.constant 3 : i32
        %broadcast_in_dim3A_144 = vector.broadcast %broadcast_in_dim3A_143 : i32 to vector<16xi32>
        %get3A_145 = arith.constant 4 : i32
        %get3A_146 = arith.index_cast %get3A_145 : i32 to index
        %get3A_147 = arith.index_cast %mul3A_121 : i32 to index
        %get3A_148 = tpu.vector_load %arg5[%get3A_146, %get3A_147] {strides = array<i32>} : memref<80x128xf32, #tpu.memory_space<vmem>>, vector<16xf32>,
        %gt3A_149 = arith.cmpf ogt, %get3A_148, %get3A_125 : vector<16xf32>
        %jit3A_150 = arith.constant 4 : i32
        %broadcast_in_dim3A_151 = vector.broadcast %jit3A_150 : i32 to vector<16xi32>
        %select_n3A_152 = arith.select %gt3A_149, %broadcast_in_dim3A_151, %broadcast_in_dim3A_126 : vector<16xi1>, vector<16xi32>
        %max3A = arith.maximumf %get3A_125, %get3A_148 : vector<16xf32>
        %get3A_153 = arith.constant 5 : i32
        %get3A_154 = arith.index_cast %get3A_153 : i32 to index
        %get3A_155 = arith.index_cast %mul3A_121 : i32 to index
        %get3A_156 = tpu.vector_load %arg5[%get3A_154, %get3A_155] {strides = array<i32>} : memref<80x128xf32, #tpu.memory_space<vmem>>, vector<16xf32>,
        %gt3A_157 = arith.cmpf ogt, %get3A_156, %get3A_130 : vector<16xf32>
        %jit3A_158 = arith.constant 5 : i32
        %broadcast_in_dim3A_159 = vector.broadcast %jit3A_158 : i32 to vector<16xi32>
        %select_n3A_160 = arith.select %gt3A_157, %broadcast_in_dim3A_159, %broadcast_in_dim3A_132 : vector<16xi1>, vector<16xi32>
        %max3A_161 = arith.maximumf %get3A_130, %get3A_156 : vector<16xf32>
        %get3A_162 = arith.constant 6 : i32
        %get3A_163 = arith.index_cast %get3A_162 : i32 to index
        %get3A_164 = arith.index_cast %mul3A_121 : i32 to index
        %get3A_165 = tpu.vector_load %arg5[%get3A_163, %get3A_164] {strides = array<i32>} : memref<80x128xf32, #tpu.memory_space<vmem>>, vector<16xf32>,
        %gt3A_166 = arith.cmpf ogt, %get3A_165, %get3A_136 : vector<16xf32>
        %jit3A_167 = arith.constant 6 : i32
        %broadcast_in_dim3A_168 = vector.broadcast %jit3A_167 : i32 to vector<16xi32>
        %select_n3A_169 = arith.select %gt3A_166, %broadcast_in_dim3A_168, %broadcast_in_dim3A_138 : vector<16xi1>, vector<16xi32>
        %max3A_170 = arith.maximumf %get3A_136, %get3A_165 : vector<16xf32>
        %get3A_171 = arith.constant 7 : i32
        %get3A_172 = arith.index_cast %get3A_171 : i32 to index
        %get3A_173 = arith.index_cast %mul3A_121 : i32 to index
        %get3A_174 = tpu.vector_load %arg5[%get3A_172, %get3A_173] {strides = array<i32>} : memref<80x128xf32, #tpu.memory_space<vmem>>, vector<16xf32>,
        %gt3A_175 = arith.cmpf ogt, %get3A_174, %get3A_142 : vector<16xf32>
        %jit3A_176 = arith.constant 7 : i32
        %broadcast_in_dim3A_177 = vector.broadcast %jit3A_176 : i32 to vector<16xi32>
        %select_n3A_178 = arith.select %gt3A_175, %broadcast_in_dim3A_177, %broadcast_in_dim3A_144 : vector<16xi1>, vector<16xi32>
        %max3A_179 = arith.maximumf %get3A_142, %get3A_174 : vector<16xf32>
        %get3A_180 = arith.constant 8 : i32
        %get3A_181 = arith.index_cast %get3A_180 : i32 to index
        %get3A_182 = arith.index_cast %mul3A_121 : i32 to index
        %get3A_183 = tpu.vector_load %arg5[%get3A_181, %get3A_182] {strides = array<i32>} : memref<80x128xf32, #tpu.memory_space<vmem>>, vector<16xf32>,
        %gt3A_184 = arith.cmpf ogt, %get3A_183, %max3A : vector<16xf32>
        %jit3A_185 = arith.constant 8 : i32
        %broadcast_in_dim3A_186 = vector.broadcast %jit3A_185 : i32 to vector<16xi32>
        %select_n3A_187 = arith.select %gt3A_184, %broadcast_in_dim3A_186, %select_n3A_152 : vector<16xi1>, vector<16xi32>
        %max3A_188 = arith.maximumf %max3A, %get3A_183 : vector<16xf32>
        %get3A_189 = arith.constant 9 : i32
        %get3A_190 = arith.index_cast %get3A_189 : i32 to index
        %get3A_191 = arith.index_cast %mul3A_121 : i32 to index
        %get3A_192 = tpu.vector_load %arg5[%get3A_190, %get3A_191] {strides = array<i32>} : memref<80x128xf32, #tpu.memory_space<vmem>>, vector<16xf32>,
        %gt3A_193 = arith.cmpf ogt, %get3A_192, %max3A_161 : vector<16xf32>
        %jit3A_194 = arith.constant 9 : i32
        %broadcast_in_dim3A_195 = vector.broadcast %jit3A_194 : i32 to vector<16xi32>
        %select_n3A_196 = arith.select %gt3A_193, %broadcast_in_dim3A_195, %select_n3A_160 : vector<16xi1>, vector<16xi32>
        %max3A_197 = arith.maximumf %max3A_161, %get3A_192 : vector<16xf32>
        %get3A_198 = arith.constant 10 : i32
        %get3A_199 = arith.index_cast %get3A_198 : i32 to index
        %get3A_200 = arith.index_cast %mul3A_121 : i32 to index
        %get3A_201 = tpu.vector_load %arg5[%get3A_199, %get3A_200] {strides = array<i32>} : memref<80x128xf32, #tpu.memory_space<vmem>>, vector<16xf32>,
        %gt3A_202 = arith.cmpf ogt, %get3A_201, %max3A_170 : vector<16xf32>
        %jit3A_203 = arith.constant 10 : i32
        %broadcast_in_dim3A_204 = vector.broadcast %jit3A_203 : i32 to vector<16xi32>
        %select_n3A_205 = arith.select %gt3A_202, %broadcast_in_dim3A_204, %select_n3A_169 : vector<16xi1>, vector<16xi32>
        %max3A_206 = arith.maximumf %max3A_170, %get3A_201 : vector<16xf32>
        %get3A_207 = arith.constant 11 : i32
        %get3A_208 = arith.index_cast %get3A_207 : i32 to index
        %get3A_209 = arith.index_cast %mul3A_121 : i32 to index
        %get3A_210 = tpu.vector_load %arg5[%get3A_208, %get3A_209] {strides = array<i32>} : memref<80x128xf32, #tpu.memory_space<vmem>>, vector<16xf32>,
        %gt3A_211 = arith.cmpf ogt, %get3A_210, %max3A_179 : vector<16xf32>
        %jit3A_212 = arith.constant 11 : i32
        %broadcast_in_dim3A_213 = vector.broadcast %jit3A_212 : i32 to vector<16xi32>
        %select_n3A_214 = arith.select %gt3A_211, %broadcast_in_dim3A_213, %select_n3A_178 : vector<16xi1>, vector<16xi32>
        %max3A_215 = arith.maximumf %max3A_179, %get3A_210 : vector<16xf32>
        %get3A_216 = arith.constant 12 : i32
        %get3A_217 = arith.index_cast %get3A_216 : i32 to index
        %get3A_218 = arith.index_cast %mul3A_121 : i32 to index
        %get3A_219 = tpu.vector_load %arg5[%get3A_217, %get3A_218] {strides = array<i32>} : memref<80x128xf32, #tpu.memory_space<vmem>>, vector<16xf32>,
        %gt3A_220 = arith.cmpf ogt, %get3A_219, %max3A_188 : vector<16xf32>
        %jit3A_221 = arith.constant 12 : i32
        %broadcast_in_dim3A_222 = vector.broadcast %jit3A_221 : i32 to vector<16xi32>
        %select_n3A_223 = arith.select %gt3A_220, %broadcast_in_dim3A_222, %select_n3A_187 : vector<16xi1>, vector<16xi32>
        %max3A_224 = arith.maximumf %max3A_188, %get3A_219 : vector<16xf32>
        %get3A_225 = arith.constant 13 : i32
        %get3A_226 = arith.index_cast %get3A_225 : i32 to index
        %get3A_227 = arith.index_cast %mul3A_121 : i32 to index
        %get3A_228 = tpu.vector_load %arg5[%get3A_226, %get3A_227] {strides = array<i32>} : memref<80x128xf32, #tpu.memory_space<vmem>>, vector<16xf32>,
        %gt3A_229 = arith.cmpf ogt, %get3A_228, %max3A_197 : vector<16xf32>
        %jit3A_230 = arith.constant 13 : i32
        %broadcast_in_dim3A_231 = vector.broadcast %jit3A_230 : i32 to vector<16xi32>
        %select_n3A_232 = arith.select %gt3A_229, %broadcast_in_dim3A_231, %select_n3A_196 : vector<16xi1>, vector<16xi32>
        %max3A_233 = arith.maximumf %max3A_197, %get3A_228 : vector<16xf32>
        %get3A_234 = arith.constant 14 : i32
        %get3A_235 = arith.index_cast %get3A_234 : i32 to index
        %get3A_236 = arith.index_cast %mul3A_121 : i32 to index
        %get3A_237 = tpu.vector_load %arg5[%get3A_235, %get3A_236] {strides = array<i32>} : memref<80x128xf32, #tpu.memory_space<vmem>>, vector<16xf32>,
        %gt3A_238 = arith.cmpf ogt, %get3A_237, %max3A_206 : vector<16xf32>
        %jit3A_239 = arith.constant 14 : i32
        %broadcast_in_dim3A_240 = vector.broadcast %jit3A_239 : i32 to vector<16xi32>
        %select_n3A_241 = arith.select %gt3A_238, %broadcast_in_dim3A_240, %select_n3A_205 : vector<16xi1>, vector<16xi32>
        %max3A_242 = arith.maximumf %max3A_206, %get3A_237 : vector<16xf32>
        %get3A_243 = arith.constant 15 : i32
        %get3A_244 = arith.index_cast %get3A_243 : i32 to index
        %get3A_245 = arith.index_cast %mul3A_121 : i32 to index
        %get3A_246 = tpu.vector_load %arg5[%get3A_244, %get3A_245] {strides = array<i32>} : memref<80x128xf32, #tpu.memory_space<vmem>>, vector<16xf32>,
        %gt3A_247 = arith.cmpf ogt, %get3A_246, %max3A_215 : vector<16xf32>
        %jit3A_248 = arith.constant 15 : i32
        %broadcast_in_dim3A_249 = vector.broadcast %jit3A_248 : i32 to vector<16xi32>
        %select_n3A_250 = arith.select %gt3A_247, %broadcast_in_dim3A_249, %select_n3A_214 : vector<16xi1>, vector<16xi32>
        %max3A_251 = arith.maximumf %max3A_215, %get3A_246 : vector<16xf32>
        %get3A_252 = arith.constant 16 : i32
        %get3A_253 = arith.index_cast %get3A_252 : i32 to index
        %get3A_254 = arith.index_cast %mul3A_121 : i32 to index
        %get3A_255 = tpu.vector_load %arg5[%get3A_253, %get3A_254] {strides = array<i32>} : memref<80x128xf32, #tpu.memory_space<vmem>>, vector<16xf32>,
        %gt3A_256 = arith.cmpf ogt, %get3A_255, %max3A_224 : vector<16xf32>
        %jit3A_257 = arith.constant 16 : i32
        %broadcast_in_dim3A_258 = vector.broadcast %jit3A_257 : i32 to vector<16xi32>
        %select_n3A_259 = arith.select %gt3A_256, %broadcast_in_dim3A_258, %select_n3A_223 : vector<16xi1>, vector<16xi32>
        %max3A_260 = arith.maximumf %max3A_224, %get3A_255 : vector<16xf32>
        %get3A_261 = arith.constant 17 : i32
        %get3A_262 = arith.index_cast %get3A_261 : i32 to index
        %get3A_263 = arith.index_cast %mul3A_121 : i32 to index
        %get3A_264 = tpu.vector_load %arg5[%get3A_262, %get3A_263] {strides = array<i32>} : memref<80x128xf32, #tpu.memory_space<vmem>>, vector<16xf32>,
        %gt3A_265 = arith.cmpf ogt, %get3A_264, %max3A_233 : vector<16xf32>
        %jit3A_266 = arith.constant 17 : i32
        %broadcast_in_dim3A_267 = vector.broadcast %jit3A_266 : i32 to vector<16xi32>
        %select_n3A_268 = arith.select %gt3A_265, %broadcast_in_dim3A_267, %select_n3A_232 : vector<16xi1>, vector<16xi32>
        %max3A_269 = arith.maximumf %max3A_233, %get3A_264 : vector<16xf32>
        %get3A_270 = arith.constant 18 : i32
        %get3A_271 = arith.index_cast %get3A_270 : i32 to index
        %get3A_272 = arith.index_cast %mul3A_121 : i32 to index
        %get3A_273 = tpu.vector_load %arg5[%get3A_271, %get3A_272] {strides = array<i32>} : memref<80x128xf32, #tpu.memory_space<vmem>>, vector<16xf32>,
        %gt3A_274 = arith.cmpf ogt, %get3A_273, %max3A_242 : vector<16xf32>
        %jit3A_275 = arith.constant 18 : i32
        %broadcast_in_dim3A_276 = vector.broadcast %jit3A_275 : i32 to vector<16xi32>
        %select_n3A_277 = arith.select %gt3A_274, %broadcast_in_dim3A_276, %select_n3A_241 : vector<16xi1>, vector<16xi32>
        %max3A_278 = arith.maximumf %max3A_242, %get3A_273 : vector<16xf32>
        %get3A_279 = arith.constant 19 : i32
        %get3A_280 = arith.index_cast %get3A_279 : i32 to index
        %get3A_281 = arith.index_cast %mul3A_121 : i32 to index
        %get3A_282 = tpu.vector_load %arg5[%get3A_280, %get3A_281] {strides = array<i32>} : memref<80x128xf32, #tpu.memory_space<vmem>>, vector<16xf32>,
        %gt3A_283 = arith.cmpf ogt, %get3A_282, %max3A_251 : vector<16xf32>
        %jit3A_284 = arith.constant 19 : i32
        %broadcast_in_dim3A_285 = vector.broadcast %jit3A_284 : i32 to vector<16xi32>
        %select_n3A_286 = arith.select %gt3A_283, %broadcast_in_dim3A_285, %select_n3A_250 : vector<16xi1>, vector<16xi32>
        %max3A_287 = arith.maximumf %max3A_251, %get3A_282 : vector<16xf32>
        %get3A_288 = arith.constant 20 : i32
        %get3A_289 = arith.index_cast %get3A_288 : i32 to index
        %get3A_290 = arith.index_cast %mul3A_121 : i32 to index
        %get3A_291 = tpu.vector_load %arg5[%get3A_289, %get3A_290] {strides = array<i32>} : memref<80x128xf32, #tpu.memory_space<vmem>>, vector<16xf32>,
        %gt3A_292 = arith.cmpf ogt, %get3A_291, %max3A_260 : vector<16xf32>
        %jit3A_293 = arith.constant 20 : i32
        %broadcast_in_dim3A_294 = vector.broadcast %jit3A_293 : i32 to vector<16xi32>
        %select_n3A_295 = arith.select %gt3A_292, %broadcast_in_dim3A_294, %select_n3A_259 : vector<16xi1>, vector<16xi32>
        %max3A_296 = arith.maximumf %max3A_260, %get3A_291 : vector<16xf32>
        %get3A_297 = arith.constant 21 : i32
        %get3A_298 = arith.index_cast %get3A_297 : i32 to index
        %get3A_299 = arith.index_cast %mul3A_121 : i32 to index
        %get3A_300 = tpu.vector_load %arg5[%get3A_298, %get3A_299] {strides = array<i32>} : memref<80x128xf32, #tpu.memory_space<vmem>>, vector<16xf32>,
        %gt3A_301 = arith.cmpf ogt, %get3A_300, %max3A_269 : vector<16xf32>
        %jit3A_302 = arith.constant 21 : i32
        %broadcast_in_dim3A_303 = vector.broadcast %jit3A_302 : i32 to vector<16xi32>
        %select_n3A_304 = arith.select %gt3A_301, %broadcast_in_dim3A_303, %select_n3A_268 : vector<16xi1>, vector<16xi32>
        %max3A_305 = arith.maximumf %max3A_269, %get3A_300 : vector<16xf32>
        %get3A_306 = arith.constant 22 : i32
        %get3A_307 = arith.index_cast %get3A_306 : i32 to index
        %get3A_308 = arith.index_cast %mul3A_121 : i32 to index
        %get3A_309 = tpu.vector_load %arg5[%get3A_307, %get3A_308] {strides = array<i32>} : memref<80x128xf32, #tpu.memory_space<vmem>>, vector<16xf32>,
        %gt3A_310 = arith.cmpf ogt, %get3A_309, %max3A_278 : vector<16xf32>
        %jit3A_311 = arith.constant 22 : i32
        %broadcast_in_dim3A_312 = vector.broadcast %jit3A_311 : i32 to vector<16xi32>
        %select_n3A_313 = arith.select %gt3A_310, %broadcast_in_dim3A_312, %select_n3A_277 : vector<16xi1>, vector<16xi32>
        %max3A_314 = arith.maximumf %max3A_278, %get3A_309 : vector<16xf32>
        %get3A_315 = arith.constant 23 : i32
        %get3A_316 = arith.index_cast %get3A_315 : i32 to index
        %get3A_317 = arith.index_cast %mul3A_121 : i32 to index
        %get3A_318 = tpu.vector_load %arg5[%get3A_316, %get3A_317] {strides = array<i32>} : memref<80x128xf32, #tpu.memory_space<vmem>>, vector<16xf32>,
        %gt3A_319 = arith.cmpf ogt, %get3A_318, %max3A_287 : vector<16xf32>
        %jit3A_320 = arith.constant 23 : i32
        %broadcast_in_dim3A_321 = vector.broadcast %jit3A_320 : i32 to vector<16xi32>
        %select_n3A_322 = arith.select %gt3A_319, %broadcast_in_dim3A_321, %select_n3A_286 : vector<16xi1>, vector<16xi32>
        %max3A_323 = arith.maximumf %max3A_287, %get3A_318 : vector<16xf32>
        %get3A_324 = arith.constant 24 : i32
        %get3A_325 = arith.index_cast %get3A_324 : i32 to index
        %get3A_326 = arith.index_cast %mul3A_121 : i32 to index
        %get3A_327 = tpu.vector_load %arg5[%get3A_325, %get3A_326] {strides = array<i32>} : memref<80x128xf32, #tpu.memory_space<vmem>>, vector<16xf32>,
        %gt3A_328 = arith.cmpf ogt, %get3A_327, %max3A_296 : vector<16xf32>
        %jit3A_329 = arith.constant 24 : i32
        %broadcast_in_dim3A_330 = vector.broadcast %jit3A_329 : i32 to vector<16xi32>
        %select_n3A_331 = arith.select %gt3A_328, %broadcast_in_dim3A_330, %select_n3A_295 : vector<16xi1>, vector<16xi32>
        %max3A_332 = arith.maximumf %max3A_296, %get3A_327 : vector<16xf32>
        %get3A_333 = arith.constant 25 : i32
        %get3A_334 = arith.index_cast %get3A_333 : i32 to index
        %get3A_335 = arith.index_cast %mul3A_121 : i32 to index
        %get3A_336 = tpu.vector_load %arg5[%get3A_334, %get3A_335] {strides = array<i32>} : memref<80x128xf32, #tpu.memory_space<vmem>>, vector<16xf32>,
        %gt3A_337 = arith.cmpf ogt, %get3A_336, %max3A_305 : vector<16xf32>
        %jit3A_338 = arith.constant 25 : i32
        %broadcast_in_dim3A_339 = vector.broadcast %jit3A_338 : i32 to vector<16xi32>
        %select_n3A_340 = arith.select %gt3A_337, %broadcast_in_dim3A_339, %select_n3A_304 : vector<16xi1>, vector<16xi32>
        %max3A_341 = arith.maximumf %max3A_305, %get3A_336 : vector<16xf32>
        %get3A_342 = arith.constant 26 : i32
        %get3A_343 = arith.index_cast %get3A_342 : i32 to index
        %get3A_344 = arith.index_cast %mul3A_121 : i32 to index
        %get3A_345 = tpu.vector_load %arg5[%get3A_343, %get3A_344] {strides = array<i32>} : memref<80x128xf32, #tpu.memory_space<vmem>>, vector<16xf32>,
        %gt3A_346 = arith.cmpf ogt, %get3A_345, %max3A_314 : vector<16xf32>
        %jit3A_347 = arith.constant 26 : i32
        %broadcast_in_dim3A_348 = vector.broadcast %jit3A_347 : i32 to vector<16xi32>
        %select_n3A_349 = arith.select %gt3A_346, %broadcast_in_dim3A_348, %select_n3A_313 : vector<16xi1>, vector<16xi32>
        %max3A_350 = arith.maximumf %max3A_314, %get3A_345 : vector<16xf32>
        %get3A_351 = arith.constant 27 : i32
        %get3A_352 = arith.index_cast %get3A_351 : i32 to index
        %get3A_353 = arith.index_cast %mul3A_121 : i32 to index
        %get3A_354 = tpu.vector_load %arg5[%get3A_352, %get3A_353] {strides = array<i32>} : memref<80x128xf32, #tpu.memory_space<vmem>>, vector<16xf32>,
        %gt3A_355 = arith.cmpf ogt, %get3A_354, %max3A_323 : vector<16xf32>
        %jit3A_356 = arith.constant 27 : i32
        %broadcast_in_dim3A_357 = vector.broadcast %jit3A_356 : i32 to vector<16xi32>
        %select_n3A_358 = arith.select %gt3A_355, %broadcast_in_dim3A_357, %select_n3A_322 : vector<16xi1>, vector<16xi32>
        %max3A_359 = arith.maximumf %max3A_323, %get3A_354 : vector<16xf32>
        %get3A_360 = arith.constant 28 : i32
        %get3A_361 = arith.index_cast %get3A_360 : i32 to index
        %get3A_362 = arith.index_cast %mul3A_121 : i32 to index
        %get3A_363 = tpu.vector_load %arg5[%get3A_361, %get3A_362] {strides = array<i32>} : memref<80x128xf32, #tpu.memory_space<vmem>>, vector<16xf32>,
        %gt3A_364 = arith.cmpf ogt, %get3A_363, %max3A_332 : vector<16xf32>
        %jit3A_365 = arith.constant 28 : i32
        %broadcast_in_dim3A_366 = vector.broadcast %jit3A_365 : i32 to vector<16xi32>
        %select_n3A_367 = arith.select %gt3A_364, %broadcast_in_dim3A_366, %select_n3A_331 : vector<16xi1>, vector<16xi32>
        %max3A_368 = arith.maximumf %max3A_332, %get3A_363 : vector<16xf32>
        %get3A_369 = arith.constant 29 : i32
        %get3A_370 = arith.index_cast %get3A_369 : i32 to index
        %get3A_371 = arith.index_cast %mul3A_121 : i32 to index
        %get3A_372 = tpu.vector_load %arg5[%get3A_370, %get3A_371] {strides = array<i32>} : memref<80x128xf32, #tpu.memory_space<vmem>>, vector<16xf32>,
        %gt3A_373 = arith.cmpf ogt, %get3A_372, %max3A_341 : vector<16xf32>
        %jit3A_374 = arith.constant 29 : i32
        %broadcast_in_dim3A_375 = vector.broadcast %jit3A_374 : i32 to vector<16xi32>
        %select_n3A_376 = arith.select %gt3A_373, %broadcast_in_dim3A_375, %select_n3A_340 : vector<16xi1>, vector<16xi32>
        %max3A_377 = arith.maximumf %max3A_341, %get3A_372 : vector<16xf32>
        %get3A_378 = arith.constant 30 : i32
        %get3A_379 = arith.index_cast %get3A_378 : i32 to index
        %get3A_380 = arith.index_cast %mul3A_121 : i32 to index
        %get3A_381 = tpu.vector_load %arg5[%get3A_379, %get3A_380] {strides = array<i32>} : memref<80x128xf32, #tpu.memory_space<vmem>>, vector<16xf32>,
        %gt3A_382 = arith.cmpf ogt, %get3A_381, %max3A_350 : vector<16xf32>
        %jit3A_383 = arith.constant 30 : i32
        %broadcast_in_dim3A_384 = vector.broadcast %jit3A_383 : i32 to vector<16xi32>
        %select_n3A_385 = arith.select %gt3A_382, %broadcast_in_dim3A_384, %select_n3A_349 : vector<16xi1>, vector<16xi32>
        %max3A_386 = arith.maximumf %max3A_350, %get3A_381 : vector<16xf32>
        %get3A_387 = arith.constant 31 : i32
        %get3A_388 = arith.index_cast %get3A_387 : i32 to index
        %get3A_389 = arith.index_cast %mul3A_121 : i32 to index
        %get3A_390 = tpu.vector_load %arg5[%get3A_388, %get3A_389] {strides = array<i32>} : memref<80x128xf32, #tpu.memory_space<vmem>>, vector<16xf32>,
        %gt3A_391 = arith.cmpf ogt, %get3A_390, %max3A_359 : vector<16xf32>
        %jit3A_392 = arith.constant 31 : i32
        %broadcast_in_dim3A_393 = vector.broadcast %jit3A_392 : i32 to vector<16xi32>
        %select_n3A_394 = arith.select %gt3A_391, %broadcast_in_dim3A_393, %select_n3A_358 : vector<16xi1>, vector<16xi32>
        %max3A_395 = arith.maximumf %max3A_359, %get3A_390 : vector<16xf32>
        %get3A_396 = arith.constant 32 : i32
        %get3A_397 = arith.index_cast %get3A_396 : i32 to index
        %get3A_398 = arith.index_cast %mul3A_121 : i32 to index
        %get3A_399 = tpu.vector_load %arg5[%get3A_397, %get3A_398] {strides = array<i32>} : memref<80x128xf32, #tpu.memory_space<vmem>>, vector<16xf32>,
        %gt3A_400 = arith.cmpf ogt, %get3A_399, %max3A_368 : vector<16xf32>
        %jit3A_401 = arith.constant 32 : i32
        %broadcast_in_dim3A_402 = vector.broadcast %jit3A_401 : i32 to vector<16xi32>
        %select_n3A_403 = arith.select %gt3A_400, %broadcast_in_dim3A_402, %select_n3A_367 : vector<16xi1>, vector<16xi32>
        %max3A_404 = arith.maximumf %max3A_368, %get3A_399 : vector<16xf32>
        %get3A_405 = arith.constant 33 : i32
        %get3A_406 = arith.index_cast %get3A_405 : i32 to index
        %get3A_407 = arith.index_cast %mul3A_121 : i32 to index
        %get3A_408 = tpu.vector_load %arg5[%get3A_406, %get3A_407] {strides = array<i32>} : memref<80x128xf32, #tpu.memory_space<vmem>>, vector<16xf32>,
        %gt3A_409 = arith.cmpf ogt, %get3A_408, %max3A_377 : vector<16xf32>
        %jit3A_410 = arith.constant 33 : i32
        %broadcast_in_dim3A_411 = vector.broadcast %jit3A_410 : i32 to vector<16xi32>
        %select_n3A_412 = arith.select %gt3A_409, %broadcast_in_dim3A_411, %select_n3A_376 : vector<16xi1>, vector<16xi32>
        %max3A_413 = arith.maximumf %max3A_377, %get3A_408 : vector<16xf32>
        %get3A_414 = arith.constant 34 : i32
        %get3A_415 = arith.index_cast %get3A_414 : i32 to index
        %get3A_416 = arith.index_cast %mul3A_121 : i32 to index
        %get3A_417 = tpu.vector_load %arg5[%get3A_415, %get3A_416] {strides = array<i32>} : memref<80x128xf32, #tpu.memory_space<vmem>>, vector<16xf32>,
        %gt3A_418 = arith.cmpf ogt, %get3A_417, %max3A_386 : vector<16xf32>
        %jit3A_419 = arith.constant 34 : i32
        %broadcast_in_dim3A_420 = vector.broadcast %jit3A_419 : i32 to vector<16xi32>
        %select_n3A_421 = arith.select %gt3A_418, %broadcast_in_dim3A_420, %select_n3A_385 : vector<16xi1>, vector<16xi32>
        %max3A_422 = arith.maximumf %max3A_386, %get3A_417 : vector<16xf32>
        %get3A_423 = arith.constant 35 : i32
        %get3A_424 = arith.index_cast %get3A_423 : i32 to index
        %get3A_425 = arith.index_cast %mul3A_121 : i32 to index
        %get3A_426 = tpu.vector_load %arg5[%get3A_424, %get3A_425] {strides = array<i32>} : memref<80x128xf32, #tpu.memory_space<vmem>>, vector<16xf32>,
        %gt3A_427 = arith.cmpf ogt, %get3A_426, %max3A_395 : vector<16xf32>
        %jit3A_428 = arith.constant 35 : i32
        %broadcast_in_dim3A_429 = vector.broadcast %jit3A_428 : i32 to vector<16xi32>
        %select_n3A_430 = arith.select %gt3A_427, %broadcast_in_dim3A_429, %select_n3A_394 : vector<16xi1>, vector<16xi32>
        %max3A_431 = arith.maximumf %max3A_395, %get3A_426 : vector<16xf32>
        %get3A_432 = arith.constant 36 : i32
        %get3A_433 = arith.index_cast %get3A_432 : i32 to index
        %get3A_434 = arith.index_cast %mul3A_121 : i32 to index
        %get3A_435 = tpu.vector_load %arg5[%get3A_433, %get3A_434] {strides = array<i32>} : memref<80x128xf32, #tpu.memory_space<vmem>>, vector<16xf32>,
        %gt3A_436 = arith.cmpf ogt, %get3A_435, %max3A_404 : vector<16xf32>
        %jit3A_437 = arith.constant 36 : i32
        %broadcast_in_dim3A_438 = vector.broadcast %jit3A_437 : i32 to vector<16xi32>
        %select_n3A_439 = arith.select %gt3A_436, %broadcast_in_dim3A_438, %select_n3A_403 : vector<16xi1>, vector<16xi32>
        %max3A_440 = arith.maximumf %max3A_404, %get3A_435 : vector<16xf32>
        %get3A_441 = arith.constant 37 : i32
        %get3A_442 = arith.index_cast %get3A_441 : i32 to index
        %get3A_443 = arith.index_cast %mul3A_121 : i32 to index
        %get3A_444 = tpu.vector_load %arg5[%get3A_442, %get3A_443] {strides = array<i32>} : memref<80x128xf32, #tpu.memory_space<vmem>>, vector<16xf32>,
        %gt3A_445 = arith.cmpf ogt, %get3A_444, %max3A_413 : vector<16xf32>
        %jit3A_446 = arith.constant 37 : i32
        %broadcast_in_dim3A_447 = vector.broadcast %jit3A_446 : i32 to vector<16xi32>
        %select_n3A_448 = arith.select %gt3A_445, %broadcast_in_dim3A_447, %select_n3A_412 : vector<16xi1>, vector<16xi32>
        %max3A_449 = arith.maximumf %max3A_413, %get3A_444 : vector<16xf32>
        %get3A_450 = arith.constant 38 : i32
        %get3A_451 = arith.index_cast %get3A_450 : i32 to index
        %get3A_452 = arith.index_cast %mul3A_121 : i32 to index
        %get3A_453 = tpu.vector_load %arg5[%get3A_451, %get3A_452] {strides = array<i32>} : memref<80x128xf32, #tpu.memory_space<vmem>>, vector<16xf32>,
        %gt3A_454 = arith.cmpf ogt, %get3A_453, %max3A_422 : vector<16xf32>
        %jit3A_455 = arith.constant 38 : i32
        %broadcast_in_dim3A_456 = vector.broadcast %jit3A_455 : i32 to vector<16xi32>
        %select_n3A_457 = arith.select %gt3A_454, %broadcast_in_dim3A_456, %select_n3A_421 : vector<16xi1>, vector<16xi32>
        %max3A_458 = arith.maximumf %max3A_422, %get3A_453 : vector<16xf32>
        %get3A_459 = arith.constant 39 : i32
        %get3A_460 = arith.index_cast %get3A_459 : i32 to index
        %get3A_461 = arith.index_cast %mul3A_121 : i32 to index
        %get3A_462 = tpu.vector_load %arg5[%get3A_460, %get3A_461] {strides = array<i32>} : memref<80x128xf32, #tpu.memory_space<vmem>>, vector<16xf32>,
        %gt3A_463 = arith.cmpf ogt, %get3A_462, %max3A_431 : vector<16xf32>
        %jit3A_464 = arith.constant 39 : i32
        %broadcast_in_dim3A_465 = vector.broadcast %jit3A_464 : i32 to vector<16xi32>
        %select_n3A_466 = arith.select %gt3A_463, %broadcast_in_dim3A_465, %select_n3A_430 : vector<16xi1>, vector<16xi32>
        %max3A_467 = arith.maximumf %max3A_431, %get3A_462 : vector<16xf32>
        %get3A_468 = arith.constant 40 : i32
        %get3A_469 = arith.index_cast %get3A_468 : i32 to index
        %get3A_470 = arith.index_cast %mul3A_121 : i32 to index
        %get3A_471 = tpu.vector_load %arg5[%get3A_469, %get3A_470] {strides = array<i32>} : memref<80x128xf32, #tpu.memory_space<vmem>>, vector<16xf32>,
        %gt3A_472 = arith.cmpf ogt, %get3A_471, %max3A_440 : vector<16xf32>
        %jit3A_473 = arith.constant 40 : i32
        %broadcast_in_dim3A_474 = vector.broadcast %jit3A_473 : i32 to vector<16xi32>
        %select_n3A_475 = arith.select %gt3A_472, %broadcast_in_dim3A_474, %select_n3A_439 : vector<16xi1>, vector<16xi32>
        %max3A_476 = arith.maximumf %max3A_440, %get3A_471 : vector<16xf32>
        %get3A_477 = arith.constant 41 : i32
        %get3A_478 = arith.index_cast %get3A_477 : i32 to index
        %get3A_479 = arith.index_cast %mul3A_121 : i32 to index
        %get3A_480 = tpu.vector_load %arg5[%get3A_478, %get3A_479] {strides = array<i32>} : memref<80x128xf32, #tpu.memory_space<vmem>>, vector<16xf32>,
        %gt3A_481 = arith.cmpf ogt, %get3A_480, %max3A_449 : vector<16xf32>
        %jit3A_482 = arith.constant 41 : i32
        %broadcast_in_dim3A_483 = vector.broadcast %jit3A_482 : i32 to vector<16xi32>
        %select_n3A_484 = arith.select %gt3A_481, %broadcast_in_dim3A_483, %select_n3A_448 : vector<16xi1>, vector<16xi32>
        %max3A_485 = arith.maximumf %max3A_449, %get3A_480 : vector<16xf32>
        %get3A_486 = arith.constant 42 : i32
        %get3A_487 = arith.index_cast %get3A_486 : i32 to index
        %get3A_488 = arith.index_cast %mul3A_121 : i32 to index
        %get3A_489 = tpu.vector_load %arg5[%get3A_487, %get3A_488] {strides = array<i32>} : memref<80x128xf32, #tpu.memory_space<vmem>>, vector<16xf32>,
        %gt3A_490 = arith.cmpf ogt, %get3A_489, %max3A_458 : vector<16xf32>
        %jit3A_491 = arith.constant 42 : i32
        %broadcast_in_dim3A_492 = vector.broadcast %jit3A_491 : i32 to vector<16xi32>
        %select_n3A_493 = arith.select %gt3A_490, %broadcast_in_dim3A_492, %select_n3A_457 : vector<16xi1>, vector<16xi32>
        %max3A_494 = arith.maximumf %max3A_458, %get3A_489 : vector<16xf32>
        %get3A_495 = arith.constant 43 : i32
        %get3A_496 = arith.index_cast %get3A_495 : i32 to index
        %get3A_497 = arith.index_cast %mul3A_121 : i32 to index
        %get3A_498 = tpu.vector_load %arg5[%get3A_496, %get3A_497] {strides = array<i32>} : memref<80x128xf32, #tpu.memory_space<vmem>>, vector<16xf32>,
        %gt3A_499 = arith.cmpf ogt, %get3A_498, %max3A_467 : vector<16xf32>
        %jit3A_500 = arith.constant 43 : i32
        %broadcast_in_dim3A_501 = vector.broadcast %jit3A_500 : i32 to vector<16xi32>
        %select_n3A_502 = arith.select %gt3A_499, %broadcast_in_dim3A_501, %select_n3A_466 : vector<16xi1>, vector<16xi32>
        %max3A_503 = arith.maximumf %max3A_467, %get3A_498 : vector<16xf32>
        %get3A_504 = arith.constant 44 : i32
        %get3A_505 = arith.index_cast %get3A_504 : i32 to index
        %get3A_506 = arith.index_cast %mul3A_121 : i32 to index
        %get3A_507 = tpu.vector_load %arg5[%get3A_505, %get3A_506] {strides = array<i32>} : memref<80x128xf32, #tpu.memory_space<vmem>>, vector<16xf32>,
        %gt3A_508 = arith.cmpf ogt, %get3A_507, %max3A_476 : vector<16xf32>
        %jit3A_509 = arith.constant 44 : i32
        %broadcast_in_dim3A_510 = vector.broadcast %jit3A_509 : i32 to vector<16xi32>
        %select_n3A_511 = arith.select %gt3A_508, %broadcast_in_dim3A_510, %select_n3A_475 : vector<16xi1>, vector<16xi32>
        %max3A_512 = arith.maximumf %max3A_476, %get3A_507 : vector<16xf32>
        %get3A_513 = arith.constant 45 : i32
        %get3A_514 = arith.index_cast %get3A_513 : i32 to index
        %get3A_515 = arith.index_cast %mul3A_121 : i32 to index
        %get3A_516 = tpu.vector_load %arg5[%get3A_514, %get3A_515] {strides = array<i32>} : memref<80x128xf32, #tpu.memory_space<vmem>>, vector<16xf32>,
        %gt3A_517 = arith.cmpf ogt, %get3A_516, %max3A_485 : vector<16xf32>
        %jit3A_518 = arith.constant 45 : i32
        %broadcast_in_dim3A_519 = vector.broadcast %jit3A_518 : i32 to vector<16xi32>
        %select_n3A_520 = arith.select %gt3A_517, %broadcast_in_dim3A_519, %select_n3A_484 : vector<16xi1>, vector<16xi32>
        %max3A_521 = arith.maximumf %max3A_485, %get3A_516 : vector<16xf32>
        %get3A_522 = arith.constant 46 : i32
        %get3A_523 = arith.index_cast %get3A_522 : i32 to index
        %get3A_524 = arith.index_cast %mul3A_121 : i32 to index
        %get3A_525 = tpu.vector_load %arg5[%get3A_523, %get3A_524] {strides = array<i32>} : memref<80x128xf32, #tpu.memory_space<vmem>>, vector<16xf32>,
        %gt3A_526 = arith.cmpf ogt, %get3A_525, %max3A_494 : vector<16xf32>
        %jit3A_527 = arith.constant 46 : i32
        %broadcast_in_dim3A_528 = vector.broadcast %jit3A_527 : i32 to vector<16xi32>
        %select_n3A_529 = arith.select %gt3A_526, %broadcast_in_dim3A_528, %select_n3A_493 : vector<16xi1>, vector<16xi32>
        %max3A_530 = arith.maximumf %max3A_494, %get3A_525 : vector<16xf32>
        %get3A_531 = arith.constant 47 : i32
        %get3A_532 = arith.index_cast %get3A_531 : i32 to index
        %get3A_533 = arith.index_cast %mul3A_121 : i32 to index
        %get3A_534 = tpu.vector_load %arg5[%get3A_532, %get3A_533] {strides = array<i32>} : memref<80x128xf32, #tpu.memory_space<vmem>>, vector<16xf32>,
        %gt3A_535 = arith.cmpf ogt, %get3A_534, %max3A_503 : vector<16xf32>
        %jit3A_536 = arith.constant 47 : i32
        %broadcast_in_dim3A_537 = vector.broadcast %jit3A_536 : i32 to vector<16xi32>
        %select_n3A_538 = arith.select %gt3A_535, %broadcast_in_dim3A_537, %select_n3A_502 : vector<16xi1>, vector<16xi32>
        %max3A_539 = arith.maximumf %max3A_503, %get3A_534 : vector<16xf32>
        %get3A_540 = arith.constant 48 : i32
        %get3A_541 = arith.index_cast %get3A_540 : i32 to index
        %get3A_542 = arith.index_cast %mul3A_121 : i32 to index
        %get3A_543 = tpu.vector_load %arg5[%get3A_541, %get3A_542] {strides = array<i32>} : memref<80x128xf32, #tpu.memory_space<vmem>>, vector<16xf32>,
        %gt3A_544 = arith.cmpf ogt, %get3A_543, %max3A_512 : vector<16xf32>
        %jit3A_545 = arith.constant 48 : i32
        %broadcast_in_dim3A_546 = vector.broadcast %jit3A_545 : i32 to vector<16xi32>
        %select_n3A_547 = arith.select %gt3A_544, %broadcast_in_dim3A_546, %select_n3A_511 : vector<16xi1>, vector<16xi32>
        %max3A_548 = arith.maximumf %max3A_512, %get3A_543 : vector<16xf32>
        %get3A_549 = arith.constant 49 : i32
        %get3A_550 = arith.index_cast %get3A_549 : i32 to index
        %get3A_551 = arith.index_cast %mul3A_121 : i32 to index
        %get3A_552 = tpu.vector_load %arg5[%get3A_550, %get3A_551] {strides = array<i32>} : memref<80x128xf32, #tpu.memory_space<vmem>>, vector<16xf32>,
        %gt3A_553 = arith.cmpf ogt, %get3A_552, %max3A_521 : vector<16xf32>
        %jit3A_554 = arith.constant 49 : i32
        %broadcast_in_dim3A_555 = vector.broadcast %jit3A_554 : i32 to vector<16xi32>
        %select_n3A_556 = arith.select %gt3A_553, %broadcast_in_dim3A_555, %select_n3A_520 : vector<16xi1>, vector<16xi32>
        %max3A_557 = arith.maximumf %max3A_521, %get3A_552 : vector<16xf32>
        %get3A_558 = arith.constant 50 : i32
        %get3A_559 = arith.index_cast %get3A_558 : i32 to index
        %get3A_560 = arith.index_cast %mul3A_121 : i32 to index
        %get3A_561 = tpu.vector_load %arg5[%get3A_559, %get3A_560] {strides = array<i32>} : memref<80x128xf32, #tpu.memory_space<vmem>>, vector<16xf32>,
        %gt3A_562 = arith.cmpf ogt, %get3A_561, %max3A_530 : vector<16xf32>
        %jit3A_563 = arith.constant 50 : i32
        %broadcast_in_dim3A_564 = vector.broadcast %jit3A_563 : i32 to vector<16xi32>
        %select_n3A_565 = arith.select %gt3A_562, %broadcast_in_dim3A_564, %select_n3A_529 : vector<16xi1>, vector<16xi32>
        %max3A_566 = arith.maximumf %max3A_530, %get3A_561 : vector<16xf32>
        %get3A_567 = arith.constant 51 : i32
        %get3A_568 = arith.index_cast %get3A_567 : i32 to index
        %get3A_569 = arith.index_cast %mul3A_121 : i32 to index
        %get3A_570 = tpu.vector_load %arg5[%get3A_568, %get3A_569] {strides = array<i32>} : memref<80x128xf32, #tpu.memory_space<vmem>>, vector<16xf32>,
        %gt3A_571 = arith.cmpf ogt, %get3A_570, %max3A_539 : vector<16xf32>
        %jit3A_572 = arith.constant 51 : i32
        %broadcast_in_dim3A_573 = vector.broadcast %jit3A_572 : i32 to vector<16xi32>
        %select_n3A_574 = arith.select %gt3A_571, %broadcast_in_dim3A_573, %select_n3A_538 : vector<16xi1>, vector<16xi32>
        %max3A_575 = arith.maximumf %max3A_539, %get3A_570 : vector<16xf32>
        %get3A_576 = arith.constant 52 : i32
        %get3A_577 = arith.index_cast %get3A_576 : i32 to index
        %get3A_578 = arith.index_cast %mul3A_121 : i32 to index
        %get3A_579 = tpu.vector_load %arg5[%get3A_577, %get3A_578] {strides = array<i32>} : memref<80x128xf32, #tpu.memory_space<vmem>>, vector<16xf32>,
        %gt3A_580 = arith.cmpf ogt, %get3A_579, %max3A_548 : vector<16xf32>
        %jit3A_581 = arith.constant 52 : i32
        %broadcast_in_dim3A_582 = vector.broadcast %jit3A_581 : i32 to vector<16xi32>
        %select_n3A_583 = arith.select %gt3A_580, %broadcast_in_dim3A_582, %select_n3A_547 : vector<16xi1>, vector<16xi32>
        %max3A_584 = arith.maximumf %max3A_548, %get3A_579 : vector<16xf32>
        %get3A_585 = arith.constant 53 : i32
        %get3A_586 = arith.index_cast %get3A_585 : i32 to index
        %get3A_587 = arith.index_cast %mul3A_121 : i32 to index
        %get3A_588 = tpu.vector_load %arg5[%get3A_586, %get3A_587] {strides = array<i32>} : memref<80x128xf32, #tpu.memory_space<vmem>>, vector<16xf32>,
        %gt3A_589 = arith.cmpf ogt, %get3A_588, %max3A_557 : vector<16xf32>
        %jit3A_590 = arith.constant 53 : i32
        %broadcast_in_dim3A_591 = vector.broadcast %jit3A_590 : i32 to vector<16xi32>
        %select_n3A_592 = arith.select %gt3A_589, %broadcast_in_dim3A_591, %select_n3A_556 : vector<16xi1>, vector<16xi32>
        %max3A_593 = arith.maximumf %max3A_557, %get3A_588 : vector<16xf32>
        %get3A_594 = arith.constant 54 : i32
        %get3A_595 = arith.index_cast %get3A_594 : i32 to index
        %get3A_596 = arith.index_cast %mul3A_121 : i32 to index
        %get3A_597 = tpu.vector_load %arg5[%get3A_595, %get3A_596] {strides = array<i32>} : memref<80x128xf32, #tpu.memory_space<vmem>>, vector<16xf32>,
        %gt3A_598 = arith.cmpf ogt, %get3A_597, %max3A_566 : vector<16xf32>
        %jit3A_599 = arith.constant 54 : i32
        %broadcast_in_dim3A_600 = vector.broadcast %jit3A_599 : i32 to vector<16xi32>
        %select_n3A_601 = arith.select %gt3A_598, %broadcast_in_dim3A_600, %select_n3A_565 : vector<16xi1>, vector<16xi32>
        %max3A_602 = arith.maximumf %max3A_566, %get3A_597 : vector<16xf32>
        %get3A_603 = arith.constant 55 : i32
        %get3A_604 = arith.index_cast %get3A_603 : i32 to index
        %get3A_605 = arith.index_cast %mul3A_121 : i32 to index
        %get3A_606 = tpu.vector_load %arg5[%get3A_604, %get3A_605] {strides = array<i32>} : memref<80x128xf32, #tpu.memory_space<vmem>>, vector<16xf32>,
        %gt3A_607 = arith.cmpf ogt, %get3A_606, %max3A_575 : vector<16xf32>
        %jit3A_608 = arith.constant 55 : i32
        %broadcast_in_dim3A_609 = vector.broadcast %jit3A_608 : i32 to vector<16xi32>
        %select_n3A_610 = arith.select %gt3A_607, %broadcast_in_dim3A_609, %select_n3A_574 : vector<16xi1>, vector<16xi32>
        %max3A_611 = arith.maximumf %max3A_575, %get3A_606 : vector<16xf32>
        %get3A_612 = arith.constant 56 : i32
        %get3A_613 = arith.index_cast %get3A_612 : i32 to index
        %get3A_614 = arith.index_cast %mul3A_121 : i32 to index
        %get3A_615 = tpu.vector_load %arg5[%get3A_613, %get3A_614] {strides = array<i32>} : memref<80x128xf32, #tpu.memory_space<vmem>>, vector<16xf32>,
        %gt3A_616 = arith.cmpf ogt, %get3A_615, %max3A_584 : vector<16xf32>
        %jit3A_617 = arith.constant 56 : i32
        %broadcast_in_dim3A_618 = vector.broadcast %jit3A_617 : i32 to vector<16xi32>
        %select_n3A_619 = arith.select %gt3A_616, %broadcast_in_dim3A_618, %select_n3A_583 : vector<16xi1>, vector<16xi32>
        %max3A_620 = arith.maximumf %max3A_584, %get3A_615 : vector<16xf32>
        %get3A_621 = arith.constant 57 : i32
        %get3A_622 = arith.index_cast %get3A_621 : i32 to index
        %get3A_623 = arith.index_cast %mul3A_121 : i32 to index
        %get3A_624 = tpu.vector_load %arg5[%get3A_622, %get3A_623] {strides = array<i32>} : memref<80x128xf32, #tpu.memory_space<vmem>>, vector<16xf32>,
        %gt3A_625 = arith.cmpf ogt, %get3A_624, %max3A_593 : vector<16xf32>
        %jit3A_626 = arith.constant 57 : i32
        %broadcast_in_dim3A_627 = vector.broadcast %jit3A_626 : i32 to vector<16xi32>
        %select_n3A_628 = arith.select %gt3A_625, %broadcast_in_dim3A_627, %select_n3A_592 : vector<16xi1>, vector<16xi32>
        %max3A_629 = arith.maximumf %max3A_593, %get3A_624 : vector<16xf32>
        %get3A_630 = arith.constant 58 : i32
        %get3A_631 = arith.index_cast %get3A_630 : i32 to index
        %get3A_632 = arith.index_cast %mul3A_121 : i32 to index
        %get3A_633 = tpu.vector_load %arg5[%get3A_631, %get3A_632] {strides = array<i32>} : memref<80x128xf32, #tpu.memory_space<vmem>>, vector<16xf32>,
        %gt3A_634 = arith.cmpf ogt, %get3A_633, %max3A_602 : vector<16xf32>
        %jit3A_635 = arith.constant 58 : i32
        %broadcast_in_dim3A_636 = vector.broadcast %jit3A_635 : i32 to vector<16xi32>
        %select_n3A_637 = arith.select %gt3A_634, %broadcast_in_dim3A_636, %select_n3A_601 : vector<16xi1>, vector<16xi32>
        %max3A_638 = arith.maximumf %max3A_602, %get3A_633 : vector<16xf32>
        %get3A_639 = arith.constant 59 : i32
        %get3A_640 = arith.index_cast %get3A_639 : i32 to index
        %get3A_641 = arith.index_cast %mul3A_121 : i32 to index
        %get3A_642 = tpu.vector_load %arg5[%get3A_640, %get3A_641] {strides = array<i32>} : memref<80x128xf32, #tpu.memory_space<vmem>>, vector<16xf32>,
        %gt3A_643 = arith.cmpf ogt, %get3A_642, %max3A_611 : vector<16xf32>
        %jit3A_644 = arith.constant 59 : i32
        %broadcast_in_dim3A_645 = vector.broadcast %jit3A_644 : i32 to vector<16xi32>
        %select_n3A_646 = arith.select %gt3A_643, %broadcast_in_dim3A_645, %select_n3A_610 : vector<16xi1>, vector<16xi32>
        %max3A_647 = arith.maximumf %max3A_611, %get3A_642 : vector<16xf32>
        %get3A_648 = arith.constant 60 : i32
        %get3A_649 = arith.index_cast %get3A_648 : i32 to index
        %get3A_650 = arith.index_cast %mul3A_121 : i32 to index
        %get3A_651 = tpu.vector_load %arg5[%get3A_649, %get3A_650] {strides = array<i32>} : memref<80x128xf32, #tpu.memory_space<vmem>>, vector<16xf32>,
        %gt3A_652 = arith.cmpf ogt, %get3A_651, %max3A_620 : vector<16xf32>
        %jit3A_653 = arith.constant 60 : i32
        %broadcast_in_dim3A_654 = vector.broadcast %jit3A_653 : i32 to vector<16xi32>
        %select_n3A_655 = arith.select %gt3A_652, %broadcast_in_dim3A_654, %select_n3A_619 : vector<16xi1>, vector<16xi32>
        %max3A_656 = arith.maximumf %max3A_620, %get3A_651 : vector<16xf32>
        %get3A_657 = arith.constant 61 : i32
        %get3A_658 = arith.index_cast %get3A_657 : i32 to index
        %get3A_659 = arith.index_cast %mul3A_121 : i32 to index
        %get3A_660 = tpu.vector_load %arg5[%get3A_658, %get3A_659] {strides = array<i32>} : memref<80x128xf32, #tpu.memory_space<vmem>>, vector<16xf32>,
        %gt3A_661 = arith.cmpf ogt, %get3A_660, %max3A_629 : vector<16xf32>
        %jit3A_662 = arith.constant 61 : i32
        %broadcast_in_dim3A_663 = vector.broadcast %jit3A_662 : i32 to vector<16xi32>
        %select_n3A_664 = arith.select %gt3A_661, %broadcast_in_dim3A_663, %select_n3A_628 : vector<16xi1>, vector<16xi32>
        %max3A_665 = arith.maximumf %max3A_629, %get3A_660 : vector<16xf32>
        %get3A_666 = arith.constant 62 : i32
        %get3A_667 = arith.index_cast %get3A_666 : i32 to index
        %get3A_668 = arith.index_cast %mul3A_121 : i32 to index
        %get3A_669 = tpu.vector_load %arg5[%get3A_667, %get3A_668] {strides = array<i32>} : memref<80x128xf32, #tpu.memory_space<vmem>>, vector<16xf32>,
        %gt3A_670 = arith.cmpf ogt, %get3A_669, %max3A_638 : vector<16xf32>
        %jit3A_671 = arith.constant 62 : i32
        %broadcast_in_dim3A_672 = vector.broadcast %jit3A_671 : i32 to vector<16xi32>
        %select_n3A_673 = arith.select %gt3A_670, %broadcast_in_dim3A_672, %select_n3A_637 : vector<16xi1>, vector<16xi32>
        %max3A_674 = arith.maximumf %max3A_638, %get3A_669 : vector<16xf32>
        %get3A_675 = arith.constant 63 : i32
        %get3A_676 = arith.index_cast %get3A_675 : i32 to index
        %get3A_677 = arith.index_cast %mul3A_121 : i32 to index
        %get3A_678 = tpu.vector_load %arg5[%get3A_676, %get3A_677] {strides = array<i32>} : memref<80x128xf32, #tpu.memory_space<vmem>>, vector<16xf32>,
        %gt3A_679 = arith.cmpf ogt, %get3A_678, %max3A_647 : vector<16xf32>
        %jit3A_680 = arith.constant 63 : i32
        %broadcast_in_dim3A_681 = vector.broadcast %jit3A_680 : i32 to vector<16xi32>
        %select_n3A_682 = arith.select %gt3A_679, %broadcast_in_dim3A_681, %select_n3A_646 : vector<16xi1>, vector<16xi32>
        %max3A_683 = arith.maximumf %max3A_647, %get3A_678 : vector<16xf32>
        %get3A_684 = arith.constant 64 : i32
        %get3A_685 = arith.index_cast %get3A_684 : i32 to index
        %get3A_686 = arith.index_cast %mul3A_121 : i32 to index
        %get3A_687 = tpu.vector_load %arg5[%get3A_685, %get3A_686] {strides = array<i32>} : memref<80x128xf32, #tpu.memory_space<vmem>>, vector<16xf32>,
        %gt3A_688 = arith.cmpf ogt, %get3A_687, %max3A_656 : vector<16xf32>
        %jit3A_689 = arith.constant 64 : i32
        %broadcast_in_dim3A_690 = vector.broadcast %jit3A_689 : i32 to vector<16xi32>
        %select_n3A_691 = arith.select %gt3A_688, %broadcast_in_dim3A_690, %select_n3A_655 : vector<16xi1>, vector<16xi32>
        %max3A_692 = arith.maximumf %max3A_656, %get3A_687 : vector<16xf32>
        %get3A_693 = arith.constant 65 : i32
        %get3A_694 = arith.index_cast %get3A_693 : i32 to index
        %get3A_695 = arith.index_cast %mul3A_121 : i32 to index
        %get3A_696 = tpu.vector_load %arg5[%get3A_694, %get3A_695] {strides = array<i32>} : memref<80x128xf32, #tpu.memory_space<vmem>>, vector<16xf32>,
        %gt3A_697 = arith.cmpf ogt, %get3A_696, %max3A_665 : vector<16xf32>
        %jit3A_698 = arith.constant 65 : i32
        %broadcast_in_dim3A_699 = vector.broadcast %jit3A_698 : i32 to vector<16xi32>
        %select_n3A_700 = arith.select %gt3A_697, %broadcast_in_dim3A_699, %select_n3A_664 : vector<16xi1>, vector<16xi32>
        %max3A_701 = arith.maximumf %max3A_665, %get3A_696 : vector<16xf32>
        %get3A_702 = arith.constant 66 : i32
        %get3A_703 = arith.index_cast %get3A_702 : i32 to index
        %get3A_704 = arith.index_cast %mul3A_121 : i32 to index
        %get3A_705 = tpu.vector_load %arg5[%get3A_703, %get3A_704] {strides = array<i32>} : memref<80x128xf32, #tpu.memory_space<vmem>>, vector<16xf32>,
        %gt3A_706 = arith.cmpf ogt, %get3A_705, %max3A_674 : vector<16xf32>
        %jit3A_707 = arith.constant 66 : i32
        %broadcast_in_dim3A_708 = vector.broadcast %jit3A_707 : i32 to vector<16xi32>
        %select_n3A_709 = arith.select %gt3A_706, %broadcast_in_dim3A_708, %select_n3A_673 : vector<16xi1>, vector<16xi32>
        %max3A_710 = arith.maximumf %max3A_674, %get3A_705 : vector<16xf32>
        %get3A_711 = arith.constant 67 : i32
        %get3A_712 = arith.index_cast %get3A_711 : i32 to index
        %get3A_713 = arith.index_cast %mul3A_121 : i32 to index
        %get3A_714 = tpu.vector_load %arg5[%get3A_712, %get3A_713] {strides = array<i32>} : memref<80x128xf32, #tpu.memory_space<vmem>>, vector<16xf32>,
        %gt3A_715 = arith.cmpf ogt, %get3A_714, %max3A_683 : vector<16xf32>
        %jit3A_716 = arith.constant 67 : i32
        %broadcast_in_dim3A_717 = vector.broadcast %jit3A_716 : i32 to vector<16xi32>
        %select_n3A_718 = arith.select %gt3A_715, %broadcast_in_dim3A_717, %select_n3A_682 : vector<16xi1>, vector<16xi32>
        %max3A_719 = arith.maximumf %max3A_683, %get3A_714 : vector<16xf32>
        %get3A_720 = arith.constant 68 : i32
        %get3A_721 = arith.index_cast %get3A_720 : i32 to index
        %get3A_722 = arith.index_cast %mul3A_121 : i32 to index
        %get3A_723 = tpu.vector_load %arg5[%get3A_721, %get3A_722] {strides = array<i32>} : memref<80x128xf32, #tpu.memory_space<vmem>>, vector<16xf32>,
        %gt3A_724 = arith.cmpf ogt, %get3A_723, %max3A_692 : vector<16xf32>
        %jit3A_725 = arith.constant 68 : i32
        %broadcast_in_dim3A_726 = vector.broadcast %jit3A_725 : i32 to vector<16xi32>
        %select_n3A_727 = arith.select %gt3A_724, %broadcast_in_dim3A_726, %select_n3A_691 : vector<16xi1>, vector<16xi32>
        %max3A_728 = arith.maximumf %max3A_692, %get3A_723 : vector<16xf32>
        %get3A_729 = arith.constant 69 : i32
        %get3A_730 = arith.index_cast %get3A_729 : i32 to index
        %get3A_731 = arith.index_cast %mul3A_121 : i32 to index
        %get3A_732 = tpu.vector_load %arg5[%get3A_730, %get3A_731] {strides = array<i32>} : memref<80x128xf32, #tpu.memory_space<vmem>>, vector<16xf32>,
        %gt3A_733 = arith.cmpf ogt, %get3A_732, %max3A_701 : vector<16xf32>
        %jit3A_734 = arith.constant 69 : i32
        %broadcast_in_dim3A_735 = vector.broadcast %jit3A_734 : i32 to vector<16xi32>
        %select_n3A_736 = arith.select %gt3A_733, %broadcast_in_dim3A_735, %select_n3A_700 : vector<16xi1>, vector<16xi32>
        %max3A_737 = arith.maximumf %max3A_701, %get3A_732 : vector<16xf32>
        %get3A_738 = arith.constant 70 : i32
        %get3A_739 = arith.index_cast %get3A_738 : i32 to index
        %get3A_740 = arith.index_cast %mul3A_121 : i32 to index
        %get3A_741 = tpu.vector_load %arg5[%get3A_739, %get3A_740] {strides = array<i32>} : memref<80x128xf32, #tpu.memory_space<vmem>>, vector<16xf32>,
        %gt3A_742 = arith.cmpf ogt, %get3A_741, %max3A_710 : vector<16xf32>
        %jit3A_743 = arith.constant 70 : i32
        %broadcast_in_dim3A_744 = vector.broadcast %jit3A_743 : i32 to vector<16xi32>
        %select_n3A_745 = arith.select %gt3A_742, %broadcast_in_dim3A_744, %select_n3A_709 : vector<16xi1>, vector<16xi32>
        %max3A_746 = arith.maximumf %max3A_710, %get3A_741 : vector<16xf32>
        %get3A_747 = arith.constant 71 : i32
        %get3A_748 = arith.index_cast %get3A_747 : i32 to index
        %get3A_749 = arith.index_cast %mul3A_121 : i32 to index
        %get3A_750 = tpu.vector_load %arg5[%get3A_748, %get3A_749] {strides = array<i32>} : memref<80x128xf32, #tpu.memory_space<vmem>>, vector<16xf32>,
        %gt3A_751 = arith.cmpf ogt, %get3A_750, %max3A_719 : vector<16xf32>
        %jit3A_752 = arith.constant 71 : i32
        %broadcast_in_dim3A_753 = vector.broadcast %jit3A_752 : i32 to vector<16xi32>
        %select_n3A_754 = arith.select %gt3A_751, %broadcast_in_dim3A_753, %select_n3A_718 : vector<16xi1>, vector<16xi32>
        %max3A_755 = arith.maximumf %max3A_719, %get3A_750 : vector<16xf32>
        %get3A_756 = arith.constant 72 : i32
        %get3A_757 = arith.index_cast %get3A_756 : i32 to index
        %get3A_758 = arith.index_cast %mul3A_121 : i32 to index
        %get3A_759 = tpu.vector_load %arg5[%get3A_757, %get3A_758] {strides = array<i32>} : memref<80x128xf32, #tpu.memory_space<vmem>>, vector<16xf32>,
        %gt3A_760 = arith.cmpf ogt, %get3A_759, %max3A_728 : vector<16xf32>
        %jit3A_761 = arith.constant 72 : i32
        %broadcast_in_dim3A_762 = vector.broadcast %jit3A_761 : i32 to vector<16xi32>
        %select_n3A_763 = arith.select %gt3A_760, %broadcast_in_dim3A_762, %select_n3A_727 : vector<16xi1>, vector<16xi32>
        %max3A_764 = arith.maximumf %max3A_728, %get3A_759 : vector<16xf32>
        %get3A_765 = arith.constant 73 : i32
        %get3A_766 = arith.index_cast %get3A_765 : i32 to index
        %get3A_767 = arith.index_cast %mul3A_121 : i32 to index
        %get3A_768 = tpu.vector_load %arg5[%get3A_766, %get3A_767] {strides = array<i32>} : memref<80x128xf32, #tpu.memory_space<vmem>>, vector<16xf32>,
        %gt3A_769 = arith.cmpf ogt, %get3A_768, %max3A_737 : vector<16xf32>
        %jit3A_770 = arith.constant 73 : i32
        %broadcast_in_dim3A_771 = vector.broadcast %jit3A_770 : i32 to vector<16xi32>
        %select_n3A_772 = arith.select %gt3A_769, %broadcast_in_dim3A_771, %select_n3A_736 : vector<16xi1>, vector<16xi32>
        %max3A_773 = arith.maximumf %max3A_737, %get3A_768 : vector<16xf32>
        %get3A_774 = arith.constant 74 : i32
        %get3A_775 = arith.index_cast %get3A_774 : i32 to index
        %get3A_776 = arith.index_cast %mul3A_121 : i32 to index
        %get3A_777 = tpu.vector_load %arg5[%get3A_775, %get3A_776] {strides = array<i32>} : memref<80x128xf32, #tpu.memory_space<vmem>>, vector<16xf32>,
        %gt3A_778 = arith.cmpf ogt, %get3A_777, %max3A_746 : vector<16xf32>
        %jit3A_779 = arith.constant 74 : i32
        %broadcast_in_dim3A_780 = vector.broadcast %jit3A_779 : i32 to vector<16xi32>
        %select_n3A_781 = arith.select %gt3A_778, %broadcast_in_dim3A_780, %select_n3A_745 : vector<16xi1>, vector<16xi32>
        %max3A_782 = arith.maximumf %max3A_746, %get3A_777 : vector<16xf32>
        %get3A_783 = arith.constant 75 : i32
        %get3A_784 = arith.index_cast %get3A_783 : i32 to index
        %get3A_785 = arith.index_cast %mul3A_121 : i32 to index
        %get3A_786 = tpu.vector_load %arg5[%get3A_784, %get3A_785] {strides = array<i32>} : memref<80x128xf32, #tpu.memory_space<vmem>>, vector<16xf32>,
        %gt3A_787 = arith.cmpf ogt, %get3A_786, %max3A_755 : vector<16xf32>
        %jit3A_788 = arith.constant 75 : i32
        %broadcast_in_dim3A_789 = vector.broadcast %jit3A_788 : i32 to vector<16xi32>
        %select_n3A_790 = arith.select %gt3A_787, %broadcast_in_dim3A_789, %select_n3A_754 : vector<16xi1>, vector<16xi32>
        %max3A_791 = arith.maximumf %max3A_755, %get3A_786 : vector<16xf32>
        %get3A_792 = arith.constant 76 : i32
        %get3A_793 = arith.index_cast %get3A_792 : i32 to index
        %get3A_794 = arith.index_cast %mul3A_121 : i32 to index
        %get3A_795 = tpu.vector_load %arg5[%get3A_793, %get3A_794] {strides = array<i32>} : memref<80x128xf32, #tpu.memory_space<vmem>>, vector<16xf32>,
        %gt3A_796 = arith.cmpf ogt, %get3A_795, %max3A_764 : vector<16xf32>
        %jit3A_797 = arith.constant 76 : i32
        %broadcast_in_dim3A_798 = vector.broadcast %jit3A_797 : i32 to vector<16xi32>
        %select_n3A_799 = arith.select %gt3A_796, %broadcast_in_dim3A_798, %select_n3A_763 : vector<16xi1>, vector<16xi32>
        %max3A_800 = arith.maximumf %max3A_764, %get3A_795 : vector<16xf32>
        %get3A_801 = arith.constant 77 : i32
        %get3A_802 = arith.index_cast %get3A_801 : i32 to index
        %get3A_803 = arith.index_cast %mul3A_121 : i32 to index
        %get3A_804 = tpu.vector_load %arg5[%get3A_802, %get3A_803] {strides = array<i32>} : memref<80x128xf32, #tpu.memory_space<vmem>>, vector<16xf32>,
        %gt3A_805 = arith.cmpf ogt, %get3A_804, %max3A_773 : vector<16xf32>
        %jit3A_806 = arith.constant 77 : i32
        %broadcast_in_dim3A_807 = vector.broadcast %jit3A_806 : i32 to vector<16xi32>
        %select_n3A_808 = arith.select %gt3A_805, %broadcast_in_dim3A_807, %select_n3A_772 : vector<16xi1>, vector<16xi32>
        %max3A_809 = arith.maximumf %max3A_773, %get3A_804 : vector<16xf32>
        %get3A_810 = arith.constant 78 : i32
        %get3A_811 = arith.index_cast %get3A_810 : i32 to index
        %get3A_812 = arith.index_cast %mul3A_121 : i32 to index
        %get3A_813 = tpu.vector_load %arg5[%get3A_811, %get3A_812] {strides = array<i32>} : memref<80x128xf32, #tpu.memory_space<vmem>>, vector<16xf32>,
        %gt3A_814 = arith.cmpf ogt, %get3A_813, %max3A_782 : vector<16xf32>
        %jit3A_815 = arith.constant 78 : i32
        %broadcast_in_dim3A_816 = vector.broadcast %jit3A_815 : i32 to vector<16xi32>
        %select_n3A_817 = arith.select %gt3A_814, %broadcast_in_dim3A_816, %select_n3A_781 : vector<16xi1>, vector<16xi32>
        %max3A_818 = arith.maximumf %max3A_782, %get3A_813 : vector<16xf32>
        %get3A_819 = arith.constant 79 : i32
        %get3A_820 = arith.index_cast %get3A_819 : i32 to index
        %get3A_821 = arith.index_cast %mul3A_121 : i32 to index
        %get3A_822 = tpu.vector_load %arg5[%get3A_820, %get3A_821] {strides = array<i32>} : memref<80x128xf32, #tpu.memory_space<vmem>>, vector<16xf32>,
        %gt3A_823 = arith.cmpf ogt, %get3A_822, %max3A_791 : vector<16xf32>
        %jit3A_824 = arith.constant 79 : i32
        %broadcast_in_dim3A_825 = vector.broadcast %jit3A_824 : i32 to vector<16xi32>
        %select_n3A_826 = arith.select %gt3A_823, %broadcast_in_dim3A_825, %select_n3A_790 : vector<16xi1>, vector<16xi32>
        %max3A_827 = arith.maximumf %max3A_791, %get3A_822 : vector<16xf32>
        %gt3A_828 = arith.cmpf ogt, %max3A_809, %max3A_800 : vector<16xf32>
        %eq3A = arith.cmpf oeq, %max3A_809, %max3A_800 : vector<16xf32>
        %lt3A_829 = arith.cmpi slt, %select_n3A_808, %select_n3A_799 : vector<16xi32>
        %and3A_830 = arith.andi %eq3A, %lt3A_829 : vector<16xi1>
        %or3A = arith.ori %gt3A_828, %and3A_830 : vector<16xi1>
        %select_n3A_831 = arith.select %or3A, %max3A_809, %max3A_800 : vector<16xi1>, vector<16xf32>
        %select_n3A_832 = arith.select %or3A, %select_n3A_808, %select_n3A_799 : vector<16xi1>, vector<16xi32>
        %gt3A_833 = arith.cmpf ogt, %max3A_818, %select_n3A_831 : vector<16xf32>
        %eq3A_834 = arith.cmpf oeq, %max3A_818, %select_n3A_831 : vector<16xf32>
        %lt3A_835 = arith.cmpi slt, %select_n3A_817, %select_n3A_832 : vector<16xi32>
        %and3A_836 = arith.andi %eq3A_834, %lt3A_835 : vector<16xi1>
        %or3A_837 = arith.ori %gt3A_833, %and3A_836 : vector<16xi1>
        %select_n3A_838 = arith.select %or3A_837, %max3A_818, %select_n3A_831 : vector<16xi1>, vector<16xf32>
        %select_n3A_839 = arith.select %or3A_837, %select_n3A_817, %select_n3A_832 : vector<16xi1>, vector<16xi32>
        %gt3A_840 = arith.cmpf ogt, %max3A_827, %select_n3A_838 : vector<16xf32>
        %eq3A_841 = arith.cmpf oeq, %max3A_827, %select_n3A_838 : vector<16xf32>
        %lt3A_842 = arith.cmpi slt, %select_n3A_826, %select_n3A_839 : vector<16xi32>
        %and3A_843 = arith.andi %eq3A_841, %lt3A_842 : vector<16xi1>
        %or3A_844 = arith.ori %gt3A_840, %and3A_843 : vector<16xi1>
        %select_n3A_845 = arith.select %or3A_844, %max3A_827, %select_n3A_838 : vector<16xi1>, vector<16xf32>
        %select_n3A_846 = arith.select %or3A_844, %select_n3A_826, %select_n3A_839 : vector<16xi1>, vector<16xi32>
        %lt3A_847 = arith.cmpf olt, %select_n3A_845, %get3A_1 : vector<16xf32>
        %jit3A_848 = arith.constant 0 : i32
        %broadcast_in_dim3A_849 = vector.broadcast %jit3A_848 : i32 to vector<16xi32>
        %select_n3A_850 = arith.select %lt3A_847, %broadcast_in_dim3A_849, %select_n3A_846 : vector<16xi1>, vector<16xi32>
        %swap3A = arith.index_cast %mul3A_121 : i32 to index
        %swap3A_851 = tpu.vector_load %arg7[%swap3A] {strides = array<i32>} : memref<128xi32, #tpu.memory_space<vmem>>, vector<16xi32>,
        tpu.vector_store %arg7[%swap3A], %select_n3A_850 {strides = array<i32>} : memref<128xi32, #tpu.memory_space<vmem>>, vector<16xi32>,
      }
      %scan3A_103 = arith.constant 8 : i32
      %mul3A_104 = arith.constant 32 : i32
      %mul3A_105 = arith.muli %mul3A_86, %mul3A_104 : i32
      %add3A_106 = arith.addi %add3A, %mul3A_105 : i32
      %mul3A_107 = arith.constant 128 : i32
      %mul3A_108 = arith.muli %add3A_106, %mul3A_107 : i32
      %dma_start3A_109 = tpu.memref_slice %arg4[%mul3A_108] : memref<196608xi32, #tpu.memory_space<hbm>> -> memref<128xi32, #tpu.memory_space<hbm>>
      %dma_start3A_110 = tpu.memref_slice %arg4[%mul3A_108] : memref<196608xi32, #tpu.memory_space<hbm>> -> memref<128xi32, #tpu.memory_space<hbm>>
      tpu.enqueue_dma source(%arg7 : memref<128xi32, #tpu.memory_space<vmem>>) target(%dma_start3A_110 : memref<128xi32, #tpu.memory_space<hbm>>) target_semaphore(%arg12 : memref<!tpu.dma_semaphore, #tpu.memory_space<semaphore_mem>>)
      %lt3A_111 = arith.cmpi slt, %add3A_88, %select_n3A : i32
      %convert_element_type3A_112 = arith.extui %lt3A_111 : i1 to i32
      %cond3A_113 = arith.constant 0 : i32
      %cond3A_114 = arith.cmpi ne, %convert_element_type3A_112, %cond3A_113 : i32
      scf.if %cond3A_114 {
        %add3A_115 = arith.constant 2 : i32
        %add3A_116 = arith.addi %mul3A_86, %add3A_115 : i32
        %lt3A_117 = arith.cmpi slt, %add3A_116, %select_n3A : i32
        %convert_element_type3A_118 = arith.extui %lt3A_117 : i1 to i32
        %cond3A_119 = arith.constant 0 : i32
        %cond3A_120 = arith.cmpi ne, %convert_element_type3A_118, %cond3A_119 : i32
        scf.if %cond3A_120 {
          %add3A_144 = arith.constant 2 : i32
          %add3A_145 = arith.addi %mul3A_86, %add3A_144 : i32
          %mul3A_146 = arith.constant 32 : i32
          %mul3A_147 = arith.muli %add3A_145, %mul3A_146 : i32
          %add3A_148 = arith.addi %add3A, %mul3A_147 : i32
          %mul3A_149 = arith.constant 128 : i32
          %mul3A_150 = arith.muli %add3A_148, %mul3A_149 : i32
          %dma_start3A_151 = arith.constant 0 : i32
          %dma_start3A_152 = tpu.memref_slice %arg2[%dma_start3A_151, %mul3A_150] : memref<80x500000xf32, #tpu.memory_space<hbm>> -> memref<80x128xf32, #tpu.memory_space<hbm>>
          %dma_start3A_153 = arith.constant 0 : i32
          %dma_start3A_154 = tpu.memref_slice %arg2[%dma_start3A_153, %mul3A_150] : memref<80x500000xf32, #tpu.memory_space<hbm>> -> memref<80x128xf32, #tpu.memory_space<hbm>>
          tpu.enqueue_dma source(%dma_start3A_154 : memref<80x128xf32, #tpu.memory_space<hbm>>) target(%arg5 : memref<80x128xf32, #tpu.memory_space<vmem>>) target_semaphore(%arg10 : memref<!tpu.dma_semaphore, #tpu.memory_space<semaphore_mem>>)
        } else {
        }
        %dma_wait3A_121 = arith.constant 0 : i32
        %dma_wait3A_122 = arith.constant 0 : i32
        %dma_wait3A_123 = tpu.memref_slice %arg2[%dma_wait3A_121, %dma_wait3A_122] : memref<80x500000xf32, #tpu.memory_space<hbm>> -> memref<80x128xf32, #tpu.memory_space<hbm>>
        %dma_wait3A_124 = arith.constant 0 : i32
        %dma_wait3A_125 = arith.constant 0 : i32
        %dma_wait3A_126 = tpu.memref_slice %arg2[%dma_wait3A_124, %dma_wait3A_125] : memref<80x500000xf32, #tpu.memory_space<hbm>> -> memref<80x128xf32, #tpu.memory_space<hbm>>
        tpu.wait_dma2 semaphore(%arg11 : memref<!tpu.dma_semaphore, #tpu.memory_space<semaphore_mem>>) src(%dma_wait3A_126 : memref<80x128xf32, #tpu.memory_space<hbm>>) dst(%arg6 : memref<80x128xf32, #tpu.memory_space<vmem>>)
        %gt3A_127 = arith.constant 0 : i32
        %gt3A_128 = arith.cmpi sgt, %add3A_84, %gt3A_127 : i32
        %convert_element_type3A_129 = arith.extui %gt3A_128 : i1 to i32
        %cond3A_130 = arith.constant 0 : i32
        %cond3A_131 = arith.cmpi ne, %convert_element_type3A_129, %cond3A_130 : i32
        scf.if %cond3A_131 {
          %dma_wait3A_144 = arith.constant 0 : i32
          %dma_wait3A_145 = tpu.memref_slice %arg4[%dma_wait3A_144] : memref<196608xi32, #tpu.memory_space<hbm>> -> memref<128xi32, #tpu.memory_space<hbm>>
          %dma_wait3A_146 = arith.constant 0 : i32
          %dma_wait3A_147 = tpu.memref_slice %arg4[%dma_wait3A_146] : memref<196608xi32, #tpu.memory_space<hbm>> -> memref<128xi32, #tpu.memory_space<hbm>>
          tpu.wait_dma2 semaphore(%arg13 : memref<!tpu.dma_semaphore, #tpu.memory_space<semaphore_mem>>) src(%arg8 : memref<128xi32, #tpu.memory_space<vmem>>) dst(%dma_wait3A_147 : memref<128xi32, #tpu.memory_space<hbm>>)
        } else {
        }
        %scan3A_132 = arith.constant 0 : i32
        %scan3A_133 = arith.constant 8 : i32
        %scan3A_134 = arith.addi %scan3A_132, %scan3A_133 : i32
        %scan3A_135 = arith.constant 1 : i32
        scf.for %scan3A_144 = %scan3A_132 to %scan3A_134 step %scan3A_135  : i32 {
          %mul3A_145 = arith.constant 1 : i32
          %mul3A_146 = arith.muli %scan3A_144, %mul3A_145 : i32
          %add3A_147 = arith.constant 0 : i32
          %add3A_148 = arith.addi %add3A_147, %mul3A_146 : i32
          %mul3A_149 = arith.constant 16 : i32
          %mul3A_150 = arith.muli %add3A_148, %mul3A_149 : i32
          %get3A_151 = arith.constant 0 : i32
          %get3A_152 = arith.index_cast %get3A_151 : i32 to index
          %get3A_153 = arith.index_cast %mul3A_150 : i32 to index
          %get3A_154 = tpu.vector_load %arg6[%get3A_152, %get3A_153] {strides = array<i32>} : memref<80x128xf32, #tpu.memory_space<vmem>>, vector<16xf32>,
          %broadcast_in_dim3A = arith.constant 0 : i32
          %broadcast_in_dim3A_155 = vector.broadcast %broadcast_in_dim3A : i32 to vector<16xi32>
          %get3A_156 = arith.constant 1 : i32
          %get3A_157 = arith.index_cast %get3A_156 : i32 to index
          %get3A_158 = arith.index_cast %mul3A_150 : i32 to index
          %get3A_159 = tpu.vector_load %arg6[%get3A_157, %get3A_158] {strides = array<i32>} : memref<80x128xf32, #tpu.memory_space<vmem>>, vector<16xf32>,
          %broadcast_in_dim3A_160 = arith.constant 1 : i32
          %broadcast_in_dim3A_161 = vector.broadcast %broadcast_in_dim3A_160 : i32 to vector<16xi32>
          %get3A_162 = arith.constant 2 : i32
          %get3A_163 = arith.index_cast %get3A_162 : i32 to index
          %get3A_164 = arith.index_cast %mul3A_150 : i32 to index
          %get3A_165 = tpu.vector_load %arg6[%get3A_163, %get3A_164] {strides = array<i32>} : memref<80x128xf32, #tpu.memory_space<vmem>>, vector<16xf32>,
          %broadcast_in_dim3A_166 = arith.constant 2 : i32
          %broadcast_in_dim3A_167 = vector.broadcast %broadcast_in_dim3A_166 : i32 to vector<16xi32>
          %get3A_168 = arith.constant 3 : i32
          %get3A_169 = arith.index_cast %get3A_168 : i32 to index
          %get3A_170 = arith.index_cast %mul3A_150 : i32 to index
          %get3A_171 = tpu.vector_load %arg6[%get3A_169, %get3A_170] {strides = array<i32>} : memref<80x128xf32, #tpu.memory_space<vmem>>, vector<16xf32>,
          %broadcast_in_dim3A_172 = arith.constant 3 : i32
          %broadcast_in_dim3A_173 = vector.broadcast %broadcast_in_dim3A_172 : i32 to vector<16xi32>
          %get3A_174 = arith.constant 4 : i32
          %get3A_175 = arith.index_cast %get3A_174 : i32 to index
          %get3A_176 = arith.index_cast %mul3A_150 : i32 to index
          %get3A_177 = tpu.vector_load %arg6[%get3A_175, %get3A_176] {strides = array<i32>} : memref<80x128xf32, #tpu.memory_space<vmem>>, vector<16xf32>,
          %gt3A_178 = arith.cmpf ogt, %get3A_177, %get3A_154 : vector<16xf32>
          %jit3A_179 = arith.constant 4 : i32
          %broadcast_in_dim3A_180 = vector.broadcast %jit3A_179 : i32 to vector<16xi32>
          %select_n3A_181 = arith.select %gt3A_178, %broadcast_in_dim3A_180, %broadcast_in_dim3A_155 : vector<16xi1>, vector<16xi32>
          %max3A = arith.maximumf %get3A_154, %get3A_177 : vector<16xf32>
          %get3A_182 = arith.constant 5 : i32
          %get3A_183 = arith.index_cast %get3A_182 : i32 to index
          %get3A_184 = arith.index_cast %mul3A_150 : i32 to index
          %get3A_185 = tpu.vector_load %arg6[%get3A_183, %get3A_184] {strides = array<i32>} : memref<80x128xf32, #tpu.memory_space<vmem>>, vector<16xf32>,
          %gt3A_186 = arith.cmpf ogt, %get3A_185, %get3A_159 : vector<16xf32>
          %jit3A_187 = arith.constant 5 : i32
          %broadcast_in_dim3A_188 = vector.broadcast %jit3A_187 : i32 to vector<16xi32>
          %select_n3A_189 = arith.select %gt3A_186, %broadcast_in_dim3A_188, %broadcast_in_dim3A_161 : vector<16xi1>, vector<16xi32>
          %max3A_190 = arith.maximumf %get3A_159, %get3A_185 : vector<16xf32>
          %get3A_191 = arith.constant 6 : i32
          %get3A_192 = arith.index_cast %get3A_191 : i32 to index
          %get3A_193 = arith.index_cast %mul3A_150 : i32 to index
          %get3A_194 = tpu.vector_load %arg6[%get3A_192, %get3A_193] {strides = array<i32>} : memref<80x128xf32, #tpu.memory_space<vmem>>, vector<16xf32>,
          %gt3A_195 = arith.cmpf ogt, %get3A_194, %get3A_165 : vector<16xf32>
          %jit3A_196 = arith.constant 6 : i32
          %broadcast_in_dim3A_197 = vector.broadcast %jit3A_196 : i32 to vector<16xi32>
          %select_n3A_198 = arith.select %gt3A_195, %broadcast_in_dim3A_197, %broadcast_in_dim3A_167 : vector<16xi1>, vector<16xi32>
          %max3A_199 = arith.maximumf %get3A_165, %get3A_194 : vector<16xf32>
          %get3A_200 = arith.constant 7 : i32
          %get3A_201 = arith.index_cast %get3A_200 : i32 to index
          %get3A_202 = arith.index_cast %mul3A_150 : i32 to index
          %get3A_203 = tpu.vector_load %arg6[%get3A_201, %get3A_202] {strides = array<i32>} : memref<80x128xf32, #tpu.memory_space<vmem>>, vector<16xf32>,
          %gt3A_204 = arith.cmpf ogt, %get3A_203, %get3A_171 : vector<16xf32>
          %jit3A_205 = arith.constant 7 : i32
          %broadcast_in_dim3A_206 = vector.broadcast %jit3A_205 : i32 to vector<16xi32>
          %select_n3A_207 = arith.select %gt3A_204, %broadcast_in_dim3A_206, %broadcast_in_dim3A_173 : vector<16xi1>, vector<16xi32>
          %max3A_208 = arith.maximumf %get3A_171, %get3A_203 : vector<16xf32>
          %get3A_209 = arith.constant 8 : i32
          %get3A_210 = arith.index_cast %get3A_209 : i32 to index
          %get3A_211 = arith.index_cast %mul3A_150 : i32 to index
          %get3A_212 = tpu.vector_load %arg6[%get3A_210, %get3A_211] {strides = array<i32>} : memref<80x128xf32, #tpu.memory_space<vmem>>, vector<16xf32>,
          %gt3A_213 = arith.cmpf ogt, %get3A_212, %max3A : vector<16xf32>
          %jit3A_214 = arith.constant 8 : i32
          %broadcast_in_dim3A_215 = vector.broadcast %jit3A_214 : i32 to vector<16xi32>
          %select_n3A_216 = arith.select %gt3A_213, %broadcast_in_dim3A_215, %select_n3A_181 : vector<16xi1>, vector<16xi32>
          %max3A_217 = arith.maximumf %max3A, %get3A_212 : vector<16xf32>
          %get3A_218 = arith.constant 9 : i32
          %get3A_219 = arith.index_cast %get3A_218 : i32 to index
          %get3A_220 = arith.index_cast %mul3A_150 : i32 to index
          %get3A_221 = tpu.vector_load %arg6[%get3A_219, %get3A_220] {strides = array<i32>} : memref<80x128xf32, #tpu.memory_space<vmem>>, vector<16xf32>,
          %gt3A_222 = arith.cmpf ogt, %get3A_221, %max3A_190 : vector<16xf32>
          %jit3A_223 = arith.constant 9 : i32
          %broadcast_in_dim3A_224 = vector.broadcast %jit3A_223 : i32 to vector<16xi32>
          %select_n3A_225 = arith.select %gt3A_222, %broadcast_in_dim3A_224, %select_n3A_189 : vector<16xi1>, vector<16xi32>
          %max3A_226 = arith.maximumf %max3A_190, %get3A_221 : vector<16xf32>
          %get3A_227 = arith.constant 10 : i32
          %get3A_228 = arith.index_cast %get3A_227 : i32 to index
          %get3A_229 = arith.index_cast %mul3A_150 : i32 to index
          %get3A_230 = tpu.vector_load %arg6[%get3A_228, %get3A_229] {strides = array<i32>} : memref<80x128xf32, #tpu.memory_space<vmem>>, vector<16xf32>,
          %gt3A_231 = arith.cmpf ogt, %get3A_230, %max3A_199 : vector<16xf32>
          %jit3A_232 = arith.constant 10 : i32
          %broadcast_in_dim3A_233 = vector.broadcast %jit3A_232 : i32 to vector<16xi32>
          %select_n3A_234 = arith.select %gt3A_231, %broadcast_in_dim3A_233, %select_n3A_198 : vector<16xi1>, vector<16xi32>
          %max3A_235 = arith.maximumf %max3A_199, %get3A_230 : vector<16xf32>
          %get3A_236 = arith.constant 11 : i32
          %get3A_237 = arith.index_cast %get3A_236 : i32 to index
          %get3A_238 = arith.index_cast %mul3A_150 : i32 to index
          %get3A_239 = tpu.vector_load %arg6[%get3A_237, %get3A_238] {strides = array<i32>} : memref<80x128xf32, #tpu.memory_space<vmem>>, vector<16xf32>,
          %gt3A_240 = arith.cmpf ogt, %get3A_239, %max3A_208 : vector<16xf32>
          %jit3A_241 = arith.constant 11 : i32
          %broadcast_in_dim3A_242 = vector.broadcast %jit3A_241 : i32 to vector<16xi32>
          %select_n3A_243 = arith.select %gt3A_240, %broadcast_in_dim3A_242, %select_n3A_207 : vector<16xi1>, vector<16xi32>
          %max3A_244 = arith.maximumf %max3A_208, %get3A_239 : vector<16xf32>
          %get3A_245 = arith.constant 12 : i32
          %get3A_246 = arith.index_cast %get3A_245 : i32 to index
          %get3A_247 = arith.index_cast %mul3A_150 : i32 to index
          %get3A_248 = tpu.vector_load %arg6[%get3A_246, %get3A_247] {strides = array<i32>} : memref<80x128xf32, #tpu.memory_space<vmem>>, vector<16xf32>,
          %gt3A_249 = arith.cmpf ogt, %get3A_248, %max3A_217 : vector<16xf32>
          %jit3A_250 = arith.constant 12 : i32
          %broadcast_in_dim3A_251 = vector.broadcast %jit3A_250 : i32 to vector<16xi32>
          %select_n3A_252 = arith.select %gt3A_249, %broadcast_in_dim3A_251, %select_n3A_216 : vector<16xi1>, vector<16xi32>
          %max3A_253 = arith.maximumf %max3A_217, %get3A_248 : vector<16xf32>
          %get3A_254 = arith.constant 13 : i32
          %get3A_255 = arith.index_cast %get3A_254 : i32 to index
          %get3A_256 = arith.index_cast %mul3A_150 : i32 to index
          %get3A_257 = tpu.vector_load %arg6[%get3A_255, %get3A_256] {strides = array<i32>} : memref<80x128xf32, #tpu.memory_space<vmem>>, vector<16xf32>,
          %gt3A_258 = arith.cmpf ogt, %get3A_257, %max3A_226 : vector<16xf32>
          %jit3A_259 = arith.constant 13 : i32
          %broadcast_in_dim3A_260 = vector.broadcast %jit3A_259 : i32 to vector<16xi32>
          %select_n3A_261 = arith.select %gt3A_258, %broadcast_in_dim3A_260, %select_n3A_225 : vector<16xi1>, vector<16xi32>
          %max3A_262 = arith.maximumf %max3A_226, %get3A_257 : vector<16xf32>
          %get3A_263 = arith.constant 14 : i32
          %get3A_264 = arith.index_cast %get3A_263 : i32 to index
          %get3A_265 = arith.index_cast %mul3A_150 : i32 to index
          %get3A_266 = tpu.vector_load %arg6[%get3A_264, %get3A_265] {strides = array<i32>} : memref<80x128xf32, #tpu.memory_space<vmem>>, vector<16xf32>,
          %gt3A_267 = arith.cmpf ogt, %get3A_266, %max3A_235 : vector<16xf32>
          %jit3A_268 = arith.constant 14 : i32
          %broadcast_in_dim3A_269 = vector.broadcast %jit3A_268 : i32 to vector<16xi32>
          %select_n3A_270 = arith.select %gt3A_267, %broadcast_in_dim3A_269, %select_n3A_234 : vector<16xi1>, vector<16xi32>
          %max3A_271 = arith.maximumf %max3A_235, %get3A_266 : vector<16xf32>
          %get3A_272 = arith.constant 15 : i32
          %get3A_273 = arith.index_cast %get3A_272 : i32 to index
          %get3A_274 = arith.index_cast %mul3A_150 : i32 to index
          %get3A_275 = tpu.vector_load %arg6[%get3A_273, %get3A_274] {strides = array<i32>} : memref<80x128xf32, #tpu.memory_space<vmem>>, vector<16xf32>,
          %gt3A_276 = arith.cmpf ogt, %get3A_275, %max3A_244 : vector<16xf32>
          %jit3A_277 = arith.constant 15 : i32
          %broadcast_in_dim3A_278 = vector.broadcast %jit3A_277 : i32 to vector<16xi32>
          %select_n3A_279 = arith.select %gt3A_276, %broadcast_in_dim3A_278, %select_n3A_243 : vector<16xi1>, vector<16xi32>
          %max3A_280 = arith.maximumf %max3A_244, %get3A_275 : vector<16xf32>
          %get3A_281 = arith.constant 16 : i32
          %get3A_282 = arith.index_cast %get3A_281 : i32 to index
          %get3A_283 = arith.index_cast %mul3A_150 : i32 to index
          %get3A_284 = tpu.vector_load %arg6[%get3A_282, %get3A_283] {strides = array<i32>} : memref<80x128xf32, #tpu.memory_space<vmem>>, vector<16xf32>,
          %gt3A_285 = arith.cmpf ogt, %get3A_284, %max3A_253 : vector<16xf32>
          %jit3A_286 = arith.constant 16 : i32
          %broadcast_in_dim3A_287 = vector.broadcast %jit3A_286 : i32 to vector<16xi32>
          %select_n3A_288 = arith.select %gt3A_285, %broadcast_in_dim3A_287, %select_n3A_252 : vector<16xi1>, vector<16xi32>
          %max3A_289 = arith.maximumf %max3A_253, %get3A_284 : vector<16xf32>
          %get3A_290 = arith.constant 17 : i32
          %get3A_291 = arith.index_cast %get3A_290 : i32 to index
          %get3A_292 = arith.index_cast %mul3A_150 : i32 to index
          %get3A_293 = tpu.vector_load %arg6[%get3A_291, %get3A_292] {strides = array<i32>} : memref<80x128xf32, #tpu.memory_space<vmem>>, vector<16xf32>,
          %gt3A_294 = arith.cmpf ogt, %get3A_293, %max3A_262 : vector<16xf32>
          %jit3A_295 = arith.constant 17 : i32
          %broadcast_in_dim3A_296 = vector.broadcast %jit3A_295 : i32 to vector<16xi32>
          %select_n3A_297 = arith.select %gt3A_294, %broadcast_in_dim3A_296, %select_n3A_261 : vector<16xi1>, vector<16xi32>
          %max3A_298 = arith.maximumf %max3A_262, %get3A_293 : vector<16xf32>
          %get3A_299 = arith.constant 18 : i32
          %get3A_300 = arith.index_cast %get3A_299 : i32 to index
          %get3A_301 = arith.index_cast %mul3A_150 : i32 to index
          %get3A_302 = tpu.vector_load %arg6[%get3A_300, %get3A_301] {strides = array<i32>} : memref<80x128xf32, #tpu.memory_space<vmem>>, vector<16xf32>,
          %gt3A_303 = arith.cmpf ogt, %get3A_302, %max3A_271 : vector<16xf32>
          %jit3A_304 = arith.constant 18 : i32
          %broadcast_in_dim3A_305 = vector.broadcast %jit3A_304 : i32 to vector<16xi32>
          %select_n3A_306 = arith.select %gt3A_303, %broadcast_in_dim3A_305, %select_n3A_270 : vector<16xi1>, vector<16xi32>
          %max3A_307 = arith.maximumf %max3A_271, %get3A_302 : vector<16xf32>
          %get3A_308 = arith.constant 19 : i32
          %get3A_309 = arith.index_cast %get3A_308 : i32 to index
          %get3A_310 = arith.index_cast %mul3A_150 : i32 to index
          %get3A_311 = tpu.vector_load %arg6[%get3A_309, %get3A_310] {strides = array<i32>} : memref<80x128xf32, #tpu.memory_space<vmem>>, vector<16xf32>,
          %gt3A_312 = arith.cmpf ogt, %get3A_311, %max3A_280 : vector<16xf32>
          %jit3A_313 = arith.constant 19 : i32
          %broadcast_in_dim3A_314 = vector.broadcast %jit3A_313 : i32 to vector<16xi32>
          %select_n3A_315 = arith.select %gt3A_312, %broadcast_in_dim3A_314, %select_n3A_279 : vector<16xi1>, vector<16xi32>
          %max3A_316 = arith.maximumf %max3A_280, %get3A_311 : vector<16xf32>
          %get3A_317 = arith.constant 20 : i32
          %get3A_318 = arith.index_cast %get3A_317 : i32 to index
          %get3A_319 = arith.index_cast %mul3A_150 : i32 to index
          %get3A_320 = tpu.vector_load %arg6[%get3A_318, %get3A_319] {strides = array<i32>} : memref<80x128xf32, #tpu.memory_space<vmem>>, vector<16xf32>,
          %gt3A_321 = arith.cmpf ogt, %get3A_320, %max3A_289 : vector<16xf32>
          %jit3A_322 = arith.constant 20 : i32
          %broadcast_in_dim3A_323 = vector.broadcast %jit3A_322 : i32 to vector<16xi32>
          %select_n3A_324 = arith.select %gt3A_321, %broadcast_in_dim3A_323, %select_n3A_288 : vector<16xi1>, vector<16xi32>
          %max3A_325 = arith.maximumf %max3A_289, %get3A_320 : vector<16xf32>
          %get3A_326 = arith.constant 21 : i32
          %get3A_327 = arith.index_cast %get3A_326 : i32 to index
          %get3A_328 = arith.index_cast %mul3A_150 : i32 to index
          %get3A_329 = tpu.vector_load %arg6[%get3A_327, %get3A_328] {strides = array<i32>} : memref<80x128xf32, #tpu.memory_space<vmem>>, vector<16xf32>,
          %gt3A_330 = arith.cmpf ogt, %get3A_329, %max3A_298 : vector<16xf32>
          %jit3A_331 = arith.constant 21 : i32
          %broadcast_in_dim3A_332 = vector.broadcast %jit3A_331 : i32 to vector<16xi32>
          %select_n3A_333 = arith.select %gt3A_330, %broadcast_in_dim3A_332, %select_n3A_297 : vector<16xi1>, vector<16xi32>
          %max3A_334 = arith.maximumf %max3A_298, %get3A_329 : vector<16xf32>
          %get3A_335 = arith.constant 22 : i32
          %get3A_336 = arith.index_cast %get3A_335 : i32 to index
          %get3A_337 = arith.index_cast %mul3A_150 : i32 to index
          %get3A_338 = tpu.vector_load %arg6[%get3A_336, %get3A_337] {strides = array<i32>} : memref<80x128xf32, #tpu.memory_space<vmem>>, vector<16xf32>,
          %gt3A_339 = arith.cmpf ogt, %get3A_338, %max3A_307 : vector<16xf32>
          %jit3A_340 = arith.constant 22 : i32
          %broadcast_in_dim3A_341 = vector.broadcast %jit3A_340 : i32 to vector<16xi32>
          %select_n3A_342 = arith.select %gt3A_339, %broadcast_in_dim3A_341, %select_n3A_306 : vector<16xi1>, vector<16xi32>
          %max3A_343 = arith.maximumf %max3A_307, %get3A_338 : vector<16xf32>
          %get3A_344 = arith.constant 23 : i32
          %get3A_345 = arith.index_cast %get3A_344 : i32 to index
          %get3A_346 = arith.index_cast %mul3A_150 : i32 to index
          %get3A_347 = tpu.vector_load %arg6[%get3A_345, %get3A_346] {strides = array<i32>} : memref<80x128xf32, #tpu.memory_space<vmem>>, vector<16xf32>,
          %gt3A_348 = arith.cmpf ogt, %get3A_347, %max3A_316 : vector<16xf32>
          %jit3A_349 = arith.constant 23 : i32
          %broadcast_in_dim3A_350 = vector.broadcast %jit3A_349 : i32 to vector<16xi32>
          %select_n3A_351 = arith.select %gt3A_348, %broadcast_in_dim3A_350, %select_n3A_315 : vector<16xi1>, vector<16xi32>
          %max3A_352 = arith.maximumf %max3A_316, %get3A_347 : vector<16xf32>
          %get3A_353 = arith.constant 24 : i32
          %get3A_354 = arith.index_cast %get3A_353 : i32 to index
          %get3A_355 = arith.index_cast %mul3A_150 : i32 to index
          %get3A_356 = tpu.vector_load %arg6[%get3A_354, %get3A_355] {strides = array<i32>} : memref<80x128xf32, #tpu.memory_space<vmem>>, vector<16xf32>,
          %gt3A_357 = arith.cmpf ogt, %get3A_356, %max3A_325 : vector<16xf32>
          %jit3A_358 = arith.constant 24 : i32
          %broadcast_in_dim3A_359 = vector.broadcast %jit3A_358 : i32 to vector<16xi32>
          %select_n3A_360 = arith.select %gt3A_357, %broadcast_in_dim3A_359, %select_n3A_324 : vector<16xi1>, vector<16xi32>
          %max3A_361 = arith.maximumf %max3A_325, %get3A_356 : vector<16xf32>
          %get3A_362 = arith.constant 25 : i32
          %get3A_363 = arith.index_cast %get3A_362 : i32 to index
          %get3A_364 = arith.index_cast %mul3A_150 : i32 to index
          %get3A_365 = tpu.vector_load %arg6[%get3A_363, %get3A_364] {strides = array<i32>} : memref<80x128xf32, #tpu.memory_space<vmem>>, vector<16xf32>,
          %gt3A_366 = arith.cmpf ogt, %get3A_365, %max3A_334 : vector<16xf32>
          %jit3A_367 = arith.constant 25 : i32
          %broadcast_in_dim3A_368 = vector.broadcast %jit3A_367 : i32 to vector<16xi32>
          %select_n3A_369 = arith.select %gt3A_366, %broadcast_in_dim3A_368, %select_n3A_333 : vector<16xi1>, vector<16xi32>
          %max3A_370 = arith.maximumf %max3A_334, %get3A_365 : vector<16xf32>
          %get3A_371 = arith.constant 26 : i32
          %get3A_372 = arith.index_cast %get3A_371 : i32 to index
          %get3A_373 = arith.index_cast %mul3A_150 : i32 to index
          %get3A_374 = tpu.vector_load %arg6[%get3A_372, %get3A_373] {strides = array<i32>} : memref<80x128xf32, #tpu.memory_space<vmem>>, vector<16xf32>,
          %gt3A_375 = arith.cmpf ogt, %get3A_374, %max3A_343 : vector<16xf32>
          %jit3A_376 = arith.constant 26 : i32
          %broadcast_in_dim3A_377 = vector.broadcast %jit3A_376 : i32 to vector<16xi32>
          %select_n3A_378 = arith.select %gt3A_375, %broadcast_in_dim3A_377, %select_n3A_342 : vector<16xi1>, vector<16xi32>
          %max3A_379 = arith.maximumf %max3A_343, %get3A_374 : vector<16xf32>
          %get3A_380 = arith.constant 27 : i32
          %get3A_381 = arith.index_cast %get3A_380 : i32 to index
          %get3A_382 = arith.index_cast %mul3A_150 : i32 to index
          %get3A_383 = tpu.vector_load %arg6[%get3A_381, %get3A_382] {strides = array<i32>} : memref<80x128xf32, #tpu.memory_space<vmem>>, vector<16xf32>,
          %gt3A_384 = arith.cmpf ogt, %get3A_383, %max3A_352 : vector<16xf32>
          %jit3A_385 = arith.constant 27 : i32
          %broadcast_in_dim3A_386 = vector.broadcast %jit3A_385 : i32 to vector<16xi32>
          %select_n3A_387 = arith.select %gt3A_384, %broadcast_in_dim3A_386, %select_n3A_351 : vector<16xi1>, vector<16xi32>
          %max3A_388 = arith.maximumf %max3A_352, %get3A_383 : vector<16xf32>
          %get3A_389 = arith.constant 28 : i32
          %get3A_390 = arith.index_cast %get3A_389 : i32 to index
          %get3A_391 = arith.index_cast %mul3A_150 : i32 to index
          %get3A_392 = tpu.vector_load %arg6[%get3A_390, %get3A_391] {strides = array<i32>} : memref<80x128xf32, #tpu.memory_space<vmem>>, vector<16xf32>,
          %gt3A_393 = arith.cmpf ogt, %get3A_392, %max3A_361 : vector<16xf32>
          %jit3A_394 = arith.constant 28 : i32
          %broadcast_in_dim3A_395 = vector.broadcast %jit3A_394 : i32 to vector<16xi32>
          %select_n3A_396 = arith.select %gt3A_393, %broadcast_in_dim3A_395, %select_n3A_360 : vector<16xi1>, vector<16xi32>
          %max3A_397 = arith.maximumf %max3A_361, %get3A_392 : vector<16xf32>
          %get3A_398 = arith.constant 29 : i32
          %get3A_399 = arith.index_cast %get3A_398 : i32 to index
          %get3A_400 = arith.index_cast %mul3A_150 : i32 to index
          %get3A_401 = tpu.vector_load %arg6[%get3A_399, %get3A_400] {strides = array<i32>} : memref<80x128xf32, #tpu.memory_space<vmem>>, vector<16xf32>,
          %gt3A_402 = arith.cmpf ogt, %get3A_401, %max3A_370 : vector<16xf32>
          %jit3A_403 = arith.constant 29 : i32
          %broadcast_in_dim3A_404 = vector.broadcast %jit3A_403 : i32 to vector<16xi32>
          %select_n3A_405 = arith.select %gt3A_402, %broadcast_in_dim3A_404, %select_n3A_369 : vector<16xi1>, vector<16xi32>
          %max3A_406 = arith.maximumf %max3A_370, %get3A_401 : vector<16xf32>
          %get3A_407 = arith.constant 30 : i32
          %get3A_408 = arith.index_cast %get3A_407 : i32 to index
          %get3A_409 = arith.index_cast %mul3A_150 : i32 to index
          %get3A_410 = tpu.vector_load %arg6[%get3A_408, %get3A_409] {strides = array<i32>} : memref<80x128xf32, #tpu.memory_space<vmem>>, vector<16xf32>,
          %gt3A_411 = arith.cmpf ogt, %get3A_410, %max3A_379 : vector<16xf32>
          %jit3A_412 = arith.constant 30 : i32
          %broadcast_in_dim3A_413 = vector.broadcast %jit3A_412 : i32 to vector<16xi32>
          %select_n3A_414 = arith.select %gt3A_411, %broadcast_in_dim3A_413, %select_n3A_378 : vector<16xi1>, vector<16xi32>
          %max3A_415 = arith.maximumf %max3A_379, %get3A_410 : vector<16xf32>
          %get3A_416 = arith.constant 31 : i32
          %get3A_417 = arith.index_cast %get3A_416 : i32 to index
          %get3A_418 = arith.index_cast %mul3A_150 : i32 to index
          %get3A_419 = tpu.vector_load %arg6[%get3A_417, %get3A_418] {strides = array<i32>} : memref<80x128xf32, #tpu.memory_space<vmem>>, vector<16xf32>,
          %gt3A_420 = arith.cmpf ogt, %get3A_419, %max3A_388 : vector<16xf32>
          %jit3A_421 = arith.constant 31 : i32
          %broadcast_in_dim3A_422 = vector.broadcast %jit3A_421 : i32 to vector<16xi32>
          %select_n3A_423 = arith.select %gt3A_420, %broadcast_in_dim3A_422, %select_n3A_387 : vector<16xi1>, vector<16xi32>
          %max3A_424 = arith.maximumf %max3A_388, %get3A_419 : vector<16xf32>
          %get3A_425 = arith.constant 32 : i32
          %get3A_426 = arith.index_cast %get3A_425 : i32 to index
          %get3A_427 = arith.index_cast %mul3A_150 : i32 to index
          %get3A_428 = tpu.vector_load %arg6[%get3A_426, %get3A_427] {strides = array<i32>} : memref<80x128xf32, #tpu.memory_space<vmem>>, vector<16xf32>,
          %gt3A_429 = arith.cmpf ogt, %get3A_428, %max3A_397 : vector<16xf32>
          %jit3A_430 = arith.constant 32 : i32
          %broadcast_in_dim3A_431 = vector.broadcast %jit3A_430 : i32 to vector<16xi32>
          %select_n3A_432 = arith.select %gt3A_429, %broadcast_in_dim3A_431, %select_n3A_396 : vector<16xi1>, vector<16xi32>
          %max3A_433 = arith.maximumf %max3A_397, %get3A_428 : vector<16xf32>
          %get3A_434 = arith.constant 33 : i32
          %get3A_435 = arith.index_cast %get3A_434 : i32 to index
          %get3A_436 = arith.index_cast %mul3A_150 : i32 to index
          %get3A_437 = tpu.vector_load %arg6[%get3A_435, %get3A_436] {strides = array<i32>} : memref<80x128xf32, #tpu.memory_space<vmem>>, vector<16xf32>,
          %gt3A_438 = arith.cmpf ogt, %get3A_437, %max3A_406 : vector<16xf32>
          %jit3A_439 = arith.constant 33 : i32
          %broadcast_in_dim3A_440 = vector.broadcast %jit3A_439 : i32 to vector<16xi32>
          %select_n3A_441 = arith.select %gt3A_438, %broadcast_in_dim3A_440, %select_n3A_405 : vector<16xi1>, vector<16xi32>
          %max3A_442 = arith.maximumf %max3A_406, %get3A_437 : vector<16xf32>
          %get3A_443 = arith.constant 34 : i32
          %get3A_444 = arith.index_cast %get3A_443 : i32 to index
          %get3A_445 = arith.index_cast %mul3A_150 : i32 to index
          %get3A_446 = tpu.vector_load %arg6[%get3A_444, %get3A_445] {strides = array<i32>} : memref<80x128xf32, #tpu.memory_space<vmem>>, vector<16xf32>,
          %gt3A_447 = arith.cmpf ogt, %get3A_446, %max3A_415 : vector<16xf32>
          %jit3A_448 = arith.constant 34 : i32
          %broadcast_in_dim3A_449 = vector.broadcast %jit3A_448 : i32 to vector<16xi32>
          %select_n3A_450 = arith.select %gt3A_447, %broadcast_in_dim3A_449, %select_n3A_414 : vector<16xi1>, vector<16xi32>
          %max3A_451 = arith.maximumf %max3A_415, %get3A_446 : vector<16xf32>
          %get3A_452 = arith.constant 35 : i32
          %get3A_453 = arith.index_cast %get3A_452 : i32 to index
          %get3A_454 = arith.index_cast %mul3A_150 : i32 to index
          %get3A_455 = tpu.vector_load %arg6[%get3A_453, %get3A_454] {strides = array<i32>} : memref<80x128xf32, #tpu.memory_space<vmem>>, vector<16xf32>,
          %gt3A_456 = arith.cmpf ogt, %get3A_455, %max3A_424 : vector<16xf32>
          %jit3A_457 = arith.constant 35 : i32
          %broadcast_in_dim3A_458 = vector.broadcast %jit3A_457 : i32 to vector<16xi32>
          %select_n3A_459 = arith.select %gt3A_456, %broadcast_in_dim3A_458, %select_n3A_423 : vector<16xi1>, vector<16xi32>
          %max3A_460 = arith.maximumf %max3A_424, %get3A_455 : vector<16xf32>
          %get3A_461 = arith.constant 36 : i32
          %get3A_462 = arith.index_cast %get3A_461 : i32 to index
          %get3A_463 = arith.index_cast %mul3A_150 : i32 to index
          %get3A_464 = tpu.vector_load %arg6[%get3A_462, %get3A_463] {strides = array<i32>} : memref<80x128xf32, #tpu.memory_space<vmem>>, vector<16xf32>,
          %gt3A_465 = arith.cmpf ogt, %get3A_464, %max3A_433 : vector<16xf32>
          %jit3A_466 = arith.constant 36 : i32
          %broadcast_in_dim3A_467 = vector.broadcast %jit3A_466 : i32 to vector<16xi32>
          %select_n3A_468 = arith.select %gt3A_465, %broadcast_in_dim3A_467, %select_n3A_432 : vector<16xi1>, vector<16xi32>
          %max3A_469 = arith.maximumf %max3A_433, %get3A_464 : vector<16xf32>
          %get3A_470 = arith.constant 37 : i32
          %get3A_471 = arith.index_cast %get3A_470 : i32 to index
          %get3A_472 = arith.index_cast %mul3A_150 : i32 to index
          %get3A_473 = tpu.vector_load %arg6[%get3A_471, %get3A_472] {strides = array<i32>} : memref<80x128xf32, #tpu.memory_space<vmem>>, vector<16xf32>,
          %gt3A_474 = arith.cmpf ogt, %get3A_473, %max3A_442 : vector<16xf32>
          %jit3A_475 = arith.constant 37 : i32
          %broadcast_in_dim3A_476 = vector.broadcast %jit3A_475 : i32 to vector<16xi32>
          %select_n3A_477 = arith.select %gt3A_474, %broadcast_in_dim3A_476, %select_n3A_441 : vector<16xi1>, vector<16xi32>
          %max3A_478 = arith.maximumf %max3A_442, %get3A_473 : vector<16xf32>
          %get3A_479 = arith.constant 38 : i32
          %get3A_480 = arith.index_cast %get3A_479 : i32 to index
          %get3A_481 = arith.index_cast %mul3A_150 : i32 to index
          %get3A_482 = tpu.vector_load %arg6[%get3A_480, %get3A_481] {strides = array<i32>} : memref<80x128xf32, #tpu.memory_space<vmem>>, vector<16xf32>,
          %gt3A_483 = arith.cmpf ogt, %get3A_482, %max3A_451 : vector<16xf32>
          %jit3A_484 = arith.constant 38 : i32
          %broadcast_in_dim3A_485 = vector.broadcast %jit3A_484 : i32 to vector<16xi32>
          %select_n3A_486 = arith.select %gt3A_483, %broadcast_in_dim3A_485, %select_n3A_450 : vector<16xi1>, vector<16xi32>
          %max3A_487 = arith.maximumf %max3A_451, %get3A_482 : vector<16xf32>
          %get3A_488 = arith.constant 39 : i32
          %get3A_489 = arith.index_cast %get3A_488 : i32 to index
          %get3A_490 = arith.index_cast %mul3A_150 : i32 to index
          %get3A_491 = tpu.vector_load %arg6[%get3A_489, %get3A_490] {strides = array<i32>} : memref<80x128xf32, #tpu.memory_space<vmem>>, vector<16xf32>,
          %gt3A_492 = arith.cmpf ogt, %get3A_491, %max3A_460 : vector<16xf32>
          %jit3A_493 = arith.constant 39 : i32
          %broadcast_in_dim3A_494 = vector.broadcast %jit3A_493 : i32 to vector<16xi32>
          %select_n3A_495 = arith.select %gt3A_492, %broadcast_in_dim3A_494, %select_n3A_459 : vector<16xi1>, vector<16xi32>
          %max3A_496 = arith.maximumf %max3A_460, %get3A_491 : vector<16xf32>
          %get3A_497 = arith.constant 40 : i32
          %get3A_498 = arith.index_cast %get3A_497 : i32 to index
          %get3A_499 = arith.index_cast %mul3A_150 : i32 to index
          %get3A_500 = tpu.vector_load %arg6[%get3A_498, %get3A_499] {strides = array<i32>} : memref<80x128xf32, #tpu.memory_space<vmem>>, vector<16xf32>,
          %gt3A_501 = arith.cmpf ogt, %get3A_500, %max3A_469 : vector<16xf32>
          %jit3A_502 = arith.constant 40 : i32
          %broadcast_in_dim3A_503 = vector.broadcast %jit3A_502 : i32 to vector<16xi32>
          %select_n3A_504 = arith.select %gt3A_501, %broadcast_in_dim3A_503, %select_n3A_468 : vector<16xi1>, vector<16xi32>
          %max3A_505 = arith.maximumf %max3A_469, %get3A_500 : vector<16xf32>
          %get3A_506 = arith.constant 41 : i32
          %get3A_507 = arith.index_cast %get3A_506 : i32 to index
          %get3A_508 = arith.index_cast %mul3A_150 : i32 to index
          %get3A_509 = tpu.vector_load %arg6[%get3A_507, %get3A_508] {strides = array<i32>} : memref<80x128xf32, #tpu.memory_space<vmem>>, vector<16xf32>,
          %gt3A_510 = arith.cmpf ogt, %get3A_509, %max3A_478 : vector<16xf32>
          %jit3A_511 = arith.constant 41 : i32
          %broadcast_in_dim3A_512 = vector.broadcast %jit3A_511 : i32 to vector<16xi32>
          %select_n3A_513 = arith.select %gt3A_510, %broadcast_in_dim3A_512, %select_n3A_477 : vector<16xi1>, vector<16xi32>
          %max3A_514 = arith.maximumf %max3A_478, %get3A_509 : vector<16xf32>
          %get3A_515 = arith.constant 42 : i32
          %get3A_516 = arith.index_cast %get3A_515 : i32 to index
          %get3A_517 = arith.index_cast %mul3A_150 : i32 to index
          %get3A_518 = tpu.vector_load %arg6[%get3A_516, %get3A_517] {strides = array<i32>} : memref<80x128xf32, #tpu.memory_space<vmem>>, vector<16xf32>,
          %gt3A_519 = arith.cmpf ogt, %get3A_518, %max3A_487 : vector<16xf32>
          %jit3A_520 = arith.constant 42 : i32
          %broadcast_in_dim3A_521 = vector.broadcast %jit3A_520 : i32 to vector<16xi32>
          %select_n3A_522 = arith.select %gt3A_519, %broadcast_in_dim3A_521, %select_n3A_486 : vector<16xi1>, vector<16xi32>
          %max3A_523 = arith.maximumf %max3A_487, %get3A_518 : vector<16xf32>
          %get3A_524 = arith.constant 43 : i32
          %get3A_525 = arith.index_cast %get3A_524 : i32 to index
          %get3A_526 = arith.index_cast %mul3A_150 : i32 to index
          %get3A_527 = tpu.vector_load %arg6[%get3A_525, %get3A_526] {strides = array<i32>} : memref<80x128xf32, #tpu.memory_space<vmem>>, vector<16xf32>,
          %gt3A_528 = arith.cmpf ogt, %get3A_527, %max3A_496 : vector<16xf32>
          %jit3A_529 = arith.constant 43 : i32
          %broadcast_in_dim3A_530 = vector.broadcast %jit3A_529 : i32 to vector<16xi32>
          %select_n3A_531 = arith.select %gt3A_528, %broadcast_in_dim3A_530, %select_n3A_495 : vector<16xi1>, vector<16xi32>
          %max3A_532 = arith.maximumf %max3A_496, %get3A_527 : vector<16xf32>
          %get3A_533 = arith.constant 44 : i32
          %get3A_534 = arith.index_cast %get3A_533 : i32 to index
          %get3A_535 = arith.index_cast %mul3A_150 : i32 to index
          %get3A_536 = tpu.vector_load %arg6[%get3A_534, %get3A_535] {strides = array<i32>} : memref<80x128xf32, #tpu.memory_space<vmem>>, vector<16xf32>,
          %gt3A_537 = arith.cmpf ogt, %get3A_536, %max3A_505 : vector<16xf32>
          %jit3A_538 = arith.constant 44 : i32
          %broadcast_in_dim3A_539 = vector.broadcast %jit3A_538 : i32 to vector<16xi32>
          %select_n3A_540 = arith.select %gt3A_537, %broadcast_in_dim3A_539, %select_n3A_504 : vector<16xi1>, vector<16xi32>
          %max3A_541 = arith.maximumf %max3A_505, %get3A_536 : vector<16xf32>
          %get3A_542 = arith.constant 45 : i32
          %get3A_543 = arith.index_cast %get3A_542 : i32 to index
          %get3A_544 = arith.index_cast %mul3A_150 : i32 to index
          %get3A_545 = tpu.vector_load %arg6[%get3A_543, %get3A_544] {strides = array<i32>} : memref<80x128xf32, #tpu.memory_space<vmem>>, vector<16xf32>,
          %gt3A_546 = arith.cmpf ogt, %get3A_545, %max3A_514 : vector<16xf32>
          %jit3A_547 = arith.constant 45 : i32
          %broadcast_in_dim3A_548 = vector.broadcast %jit3A_547 : i32 to vector<16xi32>
          %select_n3A_549 = arith.select %gt3A_546, %broadcast_in_dim3A_548, %select_n3A_513 : vector<16xi1>, vector<16xi32>
          %max3A_550 = arith.maximumf %max3A_514, %get3A_545 : vector<16xf32>
          %get3A_551 = arith.constant 46 : i32
          %get3A_552 = arith.index_cast %get3A_551 : i32 to index
          %get3A_553 = arith.index_cast %mul3A_150 : i32 to index
          %get3A_554 = tpu.vector_load %arg6[%get3A_552, %get3A_553] {strides = array<i32>} : memref<80x128xf32, #tpu.memory_space<vmem>>, vector<16xf32>,
          %gt3A_555 = arith.cmpf ogt, %get3A_554, %max3A_523 : vector<16xf32>
          %jit3A_556 = arith.constant 46 : i32
          %broadcast_in_dim3A_557 = vector.broadcast %jit3A_556 : i32 to vector<16xi32>
          %select_n3A_558 = arith.select %gt3A_555, %broadcast_in_dim3A_557, %select_n3A_522 : vector<16xi1>, vector<16xi32>
          %max3A_559 = arith.maximumf %max3A_523, %get3A_554 : vector<16xf32>
          %get3A_560 = arith.constant 47 : i32
          %get3A_561 = arith.index_cast %get3A_560 : i32 to index
          %get3A_562 = arith.index_cast %mul3A_150 : i32 to index
          %get3A_563 = tpu.vector_load %arg6[%get3A_561, %get3A_562] {strides = array<i32>} : memref<80x128xf32, #tpu.memory_space<vmem>>, vector<16xf32>,
          %gt3A_564 = arith.cmpf ogt, %get3A_563, %max3A_532 : vector<16xf32>
          %jit3A_565 = arith.constant 47 : i32
          %broadcast_in_dim3A_566 = vector.broadcast %jit3A_565 : i32 to vector<16xi32>
          %select_n3A_567 = arith.select %gt3A_564, %broadcast_in_dim3A_566, %select_n3A_531 : vector<16xi1>, vector<16xi32>
          %max3A_568 = arith.maximumf %max3A_532, %get3A_563 : vector<16xf32>
          %get3A_569 = arith.constant 48 : i32
          %get3A_570 = arith.index_cast %get3A_569 : i32 to index
          %get3A_571 = arith.index_cast %mul3A_150 : i32 to index
          %get3A_572 = tpu.vector_load %arg6[%get3A_570, %get3A_571] {strides = array<i32>} : memref<80x128xf32, #tpu.memory_space<vmem>>, vector<16xf32>,
          %gt3A_573 = arith.cmpf ogt, %get3A_572, %max3A_541 : vector<16xf32>
          %jit3A_574 = arith.constant 48 : i32
          %broadcast_in_dim3A_575 = vector.broadcast %jit3A_574 : i32 to vector<16xi32>
          %select_n3A_576 = arith.select %gt3A_573, %broadcast_in_dim3A_575, %select_n3A_540 : vector<16xi1>, vector<16xi32>
          %max3A_577 = arith.maximumf %max3A_541, %get3A_572 : vector<16xf32>
          %get3A_578 = arith.constant 49 : i32
          %get3A_579 = arith.index_cast %get3A_578 : i32 to index
          %get3A_580 = arith.index_cast %mul3A_150 : i32 to index
          %get3A_581 = tpu.vector_load %arg6[%get3A_579, %get3A_580] {strides = array<i32>} : memref<80x128xf32, #tpu.memory_space<vmem>>, vector<16xf32>,
          %gt3A_582 = arith.cmpf ogt, %get3A_581, %max3A_550 : vector<16xf32>
          %jit3A_583 = arith.constant 49 : i32
          %broadcast_in_dim3A_584 = vector.broadcast %jit3A_583 : i32 to vector<16xi32>
          %select_n3A_585 = arith.select %gt3A_582, %broadcast_in_dim3A_584, %select_n3A_549 : vector<16xi1>, vector<16xi32>
          %max3A_586 = arith.maximumf %max3A_550, %get3A_581 : vector<16xf32>
          %get3A_587 = arith.constant 50 : i32
          %get3A_588 = arith.index_cast %get3A_587 : i32 to index
          %get3A_589 = arith.index_cast %mul3A_150 : i32 to index
          %get3A_590 = tpu.vector_load %arg6[%get3A_588, %get3A_589] {strides = array<i32>} : memref<80x128xf32, #tpu.memory_space<vmem>>, vector<16xf32>,
          %gt3A_591 = arith.cmpf ogt, %get3A_590, %max3A_559 : vector<16xf32>
          %jit3A_592 = arith.constant 50 : i32
          %broadcast_in_dim3A_593 = vector.broadcast %jit3A_592 : i32 to vector<16xi32>
          %select_n3A_594 = arith.select %gt3A_591, %broadcast_in_dim3A_593, %select_n3A_558 : vector<16xi1>, vector<16xi32>
          %max3A_595 = arith.maximumf %max3A_559, %get3A_590 : vector<16xf32>
          %get3A_596 = arith.constant 51 : i32
          %get3A_597 = arith.index_cast %get3A_596 : i32 to index
          %get3A_598 = arith.index_cast %mul3A_150 : i32 to index
          %get3A_599 = tpu.vector_load %arg6[%get3A_597, %get3A_598] {strides = array<i32>} : memref<80x128xf32, #tpu.memory_space<vmem>>, vector<16xf32>,
          %gt3A_600 = arith.cmpf ogt, %get3A_599, %max3A_568 : vector<16xf32>
          %jit3A_601 = arith.constant 51 : i32
          %broadcast_in_dim3A_602 = vector.broadcast %jit3A_601 : i32 to vector<16xi32>
          %select_n3A_603 = arith.select %gt3A_600, %broadcast_in_dim3A_602, %select_n3A_567 : vector<16xi1>, vector<16xi32>
          %max3A_604 = arith.maximumf %max3A_568, %get3A_599 : vector<16xf32>
          %get3A_605 = arith.constant 52 : i32
          %get3A_606 = arith.index_cast %get3A_605 : i32 to index
          %get3A_607 = arith.index_cast %mul3A_150 : i32 to index
          %get3A_608 = tpu.vector_load %arg6[%get3A_606, %get3A_607] {strides = array<i32>} : memref<80x128xf32, #tpu.memory_space<vmem>>, vector<16xf32>,
          %gt3A_609 = arith.cmpf ogt, %get3A_608, %max3A_577 : vector<16xf32>
          %jit3A_610 = arith.constant 52 : i32
          %broadcast_in_dim3A_611 = vector.broadcast %jit3A_610 : i32 to vector<16xi32>
          %select_n3A_612 = arith.select %gt3A_609, %broadcast_in_dim3A_611, %select_n3A_576 : vector<16xi1>, vector<16xi32>
          %max3A_613 = arith.maximumf %max3A_577, %get3A_608 : vector<16xf32>
          %get3A_614 = arith.constant 53 : i32
          %get3A_615 = arith.index_cast %get3A_614 : i32 to index
          %get3A_616 = arith.index_cast %mul3A_150 : i32 to index
          %get3A_617 = tpu.vector_load %arg6[%get3A_615, %get3A_616] {strides = array<i32>} : memref<80x128xf32, #tpu.memory_space<vmem>>, vector<16xf32>,
          %gt3A_618 = arith.cmpf ogt, %get3A_617, %max3A_586 : vector<16xf32>
          %jit3A_619 = arith.constant 53 : i32
          %broadcast_in_dim3A_620 = vector.broadcast %jit3A_619 : i32 to vector<16xi32>
          %select_n3A_621 = arith.select %gt3A_618, %broadcast_in_dim3A_620, %select_n3A_585 : vector<16xi1>, vector<16xi32>
          %max3A_622 = arith.maximumf %max3A_586, %get3A_617 : vector<16xf32>
          %get3A_623 = arith.constant 54 : i32
          %get3A_624 = arith.index_cast %get3A_623 : i32 to index
          %get3A_625 = arith.index_cast %mul3A_150 : i32 to index
          %get3A_626 = tpu.vector_load %arg6[%get3A_624, %get3A_625] {strides = array<i32>} : memref<80x128xf32, #tpu.memory_space<vmem>>, vector<16xf32>,
          %gt3A_627 = arith.cmpf ogt, %get3A_626, %max3A_595 : vector<16xf32>
          %jit3A_628 = arith.constant 54 : i32
          %broadcast_in_dim3A_629 = vector.broadcast %jit3A_628 : i32 to vector<16xi32>
          %select_n3A_630 = arith.select %gt3A_627, %broadcast_in_dim3A_629, %select_n3A_594 : vector<16xi1>, vector<16xi32>
          %max3A_631 = arith.maximumf %max3A_595, %get3A_626 : vector<16xf32>
          %get3A_632 = arith.constant 55 : i32
          %get3A_633 = arith.index_cast %get3A_632 : i32 to index
          %get3A_634 = arith.index_cast %mul3A_150 : i32 to index
          %get3A_635 = tpu.vector_load %arg6[%get3A_633, %get3A_634] {strides = array<i32>} : memref<80x128xf32, #tpu.memory_space<vmem>>, vector<16xf32>,
          %gt3A_636 = arith.cmpf ogt, %get3A_635, %max3A_604 : vector<16xf32>
          %jit3A_637 = arith.constant 55 : i32
          %broadcast_in_dim3A_638 = vector.broadcast %jit3A_637 : i32 to vector<16xi32>
          %select_n3A_639 = arith.select %gt3A_636, %broadcast_in_dim3A_638, %select_n3A_603 : vector<16xi1>, vector<16xi32>
          %max3A_640 = arith.maximumf %max3A_604, %get3A_635 : vector<16xf32>
          %get3A_641 = arith.constant 56 : i32
          %get3A_642 = arith.index_cast %get3A_641 : i32 to index
          %get3A_643 = arith.index_cast %mul3A_150 : i32 to index
          %get3A_644 = tpu.vector_load %arg6[%get3A_642, %get3A_643] {strides = array<i32>} : memref<80x128xf32, #tpu.memory_space<vmem>>, vector<16xf32>,
          %gt3A_645 = arith.cmpf ogt, %get3A_644, %max3A_613 : vector<16xf32>
          %jit3A_646 = arith.constant 56 : i32
          %broadcast_in_dim3A_647 = vector.broadcast %jit3A_646 : i32 to vector<16xi32>
          %select_n3A_648 = arith.select %gt3A_645, %broadcast_in_dim3A_647, %select_n3A_612 : vector<16xi1>, vector<16xi32>
          %max3A_649 = arith.maximumf %max3A_613, %get3A_644 : vector<16xf32>
          %get3A_650 = arith.constant 57 : i32
          %get3A_651 = arith.index_cast %get3A_650 : i32 to index
          %get3A_652 = arith.index_cast %mul3A_150 : i32 to index
          %get3A_653 = tpu.vector_load %arg6[%get3A_651, %get3A_652] {strides = array<i32>} : memref<80x128xf32, #tpu.memory_space<vmem>>, vector<16xf32>,
          %gt3A_654 = arith.cmpf ogt, %get3A_653, %max3A_622 : vector<16xf32>
          %jit3A_655 = arith.constant 57 : i32
          %broadcast_in_dim3A_656 = vector.broadcast %jit3A_655 : i32 to vector<16xi32>
          %select_n3A_657 = arith.select %gt3A_654, %broadcast_in_dim3A_656, %select_n3A_621 : vector<16xi1>, vector<16xi32>
          %max3A_658 = arith.maximumf %max3A_622, %get3A_653 : vector<16xf32>
          %get3A_659 = arith.constant 58 : i32
          %get3A_660 = arith.index_cast %get3A_659 : i32 to index
          %get3A_661 = arith.index_cast %mul3A_150 : i32 to index
          %get3A_662 = tpu.vector_load %arg6[%get3A_660, %get3A_661] {strides = array<i32>} : memref<80x128xf32, #tpu.memory_space<vmem>>, vector<16xf32>,
          %gt3A_663 = arith.cmpf ogt, %get3A_662, %max3A_631 : vector<16xf32>
          %jit3A_664 = arith.constant 58 : i32
          %broadcast_in_dim3A_665 = vector.broadcast %jit3A_664 : i32 to vector<16xi32>
          %select_n3A_666 = arith.select %gt3A_663, %broadcast_in_dim3A_665, %select_n3A_630 : vector<16xi1>, vector<16xi32>
          %max3A_667 = arith.maximumf %max3A_631, %get3A_662 : vector<16xf32>
          %get3A_668 = arith.constant 59 : i32
          %get3A_669 = arith.index_cast %get3A_668 : i32 to index
          %get3A_670 = arith.index_cast %mul3A_150 : i32 to index
          %get3A_671 = tpu.vector_load %arg6[%get3A_669, %get3A_670] {strides = array<i32>} : memref<80x128xf32, #tpu.memory_space<vmem>>, vector<16xf32>,
          %gt3A_672 = arith.cmpf ogt, %get3A_671, %max3A_640 : vector<16xf32>
          %jit3A_673 = arith.constant 59 : i32
          %broadcast_in_dim3A_674 = vector.broadcast %jit3A_673 : i32 to vector<16xi32>
          %select_n3A_675 = arith.select %gt3A_672, %broadcast_in_dim3A_674, %select_n3A_639 : vector<16xi1>, vector<16xi32>
          %max3A_676 = arith.maximumf %max3A_640, %get3A_671 : vector<16xf32>
          %get3A_677 = arith.constant 60 : i32
          %get3A_678 = arith.index_cast %get3A_677 : i32 to index
          %get3A_679 = arith.index_cast %mul3A_150 : i32 to index
          %get3A_680 = tpu.vector_load %arg6[%get3A_678, %get3A_679] {strides = array<i32>} : memref<80x128xf32, #tpu.memory_space<vmem>>, vector<16xf32>,
          %gt3A_681 = arith.cmpf ogt, %get3A_680, %max3A_649 : vector<16xf32>
          %jit3A_682 = arith.constant 60 : i32
          %broadcast_in_dim3A_683 = vector.broadcast %jit3A_682 : i32 to vector<16xi32>
          %select_n3A_684 = arith.select %gt3A_681, %broadcast_in_dim3A_683, %select_n3A_648 : vector<16xi1>, vector<16xi32>
          %max3A_685 = arith.maximumf %max3A_649, %get3A_680 : vector<16xf32>
          %get3A_686 = arith.constant 61 : i32
          %get3A_687 = arith.index_cast %get3A_686 : i32 to index
          %get3A_688 = arith.index_cast %mul3A_150 : i32 to index
          %get3A_689 = tpu.vector_load %arg6[%get3A_687, %get3A_688] {strides = array<i32>} : memref<80x128xf32, #tpu.memory_space<vmem>>, vector<16xf32>,
          %gt3A_690 = arith.cmpf ogt, %get3A_689, %max3A_658 : vector<16xf32>
          %jit3A_691 = arith.constant 61 : i32
          %broadcast_in_dim3A_692 = vector.broadcast %jit3A_691 : i32 to vector<16xi32>
          %select_n3A_693 = arith.select %gt3A_690, %broadcast_in_dim3A_692, %select_n3A_657 : vector<16xi1>, vector<16xi32>
          %max3A_694 = arith.maximumf %max3A_658, %get3A_689 : vector<16xf32>
          %get3A_695 = arith.constant 62 : i32
          %get3A_696 = arith.index_cast %get3A_695 : i32 to index
          %get3A_697 = arith.index_cast %mul3A_150 : i32 to index
          %get3A_698 = tpu.vector_load %arg6[%get3A_696, %get3A_697] {strides = array<i32>} : memref<80x128xf32, #tpu.memory_space<vmem>>, vector<16xf32>,
          %gt3A_699 = arith.cmpf ogt, %get3A_698, %max3A_667 : vector<16xf32>
          %jit3A_700 = arith.constant 62 : i32
          %broadcast_in_dim3A_701 = vector.broadcast %jit3A_700 : i32 to vector<16xi32>
          %select_n3A_702 = arith.select %gt3A_699, %broadcast_in_dim3A_701, %select_n3A_666 : vector<16xi1>, vector<16xi32>
          %max3A_703 = arith.maximumf %max3A_667, %get3A_698 : vector<16xf32>
          %get3A_704 = arith.constant 63 : i32
          %get3A_705 = arith.index_cast %get3A_704 : i32 to index
          %get3A_706 = arith.index_cast %mul3A_150 : i32 to index
          %get3A_707 = tpu.vector_load %arg6[%get3A_705, %get3A_706] {strides = array<i32>} : memref<80x128xf32, #tpu.memory_space<vmem>>, vector<16xf32>,
          %gt3A_708 = arith.cmpf ogt, %get3A_707, %max3A_676 : vector<16xf32>
          %jit3A_709 = arith.constant 63 : i32
          %broadcast_in_dim3A_710 = vector.broadcast %jit3A_709 : i32 to vector<16xi32>
          %select_n3A_711 = arith.select %gt3A_708, %broadcast_in_dim3A_710, %select_n3A_675 : vector<16xi1>, vector<16xi32>
          %max3A_712 = arith.maximumf %max3A_676, %get3A_707 : vector<16xf32>
          %get3A_713 = arith.constant 64 : i32
          %get3A_714 = arith.index_cast %get3A_713 : i32 to index
          %get3A_715 = arith.index_cast %mul3A_150 : i32 to index
          %get3A_716 = tpu.vector_load %arg6[%get3A_714, %get3A_715] {strides = array<i32>} : memref<80x128xf32, #tpu.memory_space<vmem>>, vector<16xf32>,
          %gt3A_717 = arith.cmpf ogt, %get3A_716, %max3A_685 : vector<16xf32>
          %jit3A_718 = arith.constant 64 : i32
          %broadcast_in_dim3A_719 = vector.broadcast %jit3A_718 : i32 to vector<16xi32>
          %select_n3A_720 = arith.select %gt3A_717, %broadcast_in_dim3A_719, %select_n3A_684 : vector<16xi1>, vector<16xi32>
          %max3A_721 = arith.maximumf %max3A_685, %get3A_716 : vector<16xf32>
          %get3A_722 = arith.constant 65 : i32
          %get3A_723 = arith.index_cast %get3A_722 : i32 to index
          %get3A_724 = arith.index_cast %mul3A_150 : i32 to index
          %get3A_725 = tpu.vector_load %arg6[%get3A_723, %get3A_724] {strides = array<i32>} : memref<80x128xf32, #tpu.memory_space<vmem>>, vector<16xf32>,
          %gt3A_726 = arith.cmpf ogt, %get3A_725, %max3A_694 : vector<16xf32>
          %jit3A_727 = arith.constant 65 : i32
          %broadcast_in_dim3A_728 = vector.broadcast %jit3A_727 : i32 to vector<16xi32>
          %select_n3A_729 = arith.select %gt3A_726, %broadcast_in_dim3A_728, %select_n3A_693 : vector<16xi1>, vector<16xi32>
          %max3A_730 = arith.maximumf %max3A_694, %get3A_725 : vector<16xf32>
          %get3A_731 = arith.constant 66 : i32
          %get3A_732 = arith.index_cast %get3A_731 : i32 to index
          %get3A_733 = arith.index_cast %mul3A_150 : i32 to index
          %get3A_734 = tpu.vector_load %arg6[%get3A_732, %get3A_733] {strides = array<i32>} : memref<80x128xf32, #tpu.memory_space<vmem>>, vector<16xf32>,
          %gt3A_735 = arith.cmpf ogt, %get3A_734, %max3A_703 : vector<16xf32>
          %jit3A_736 = arith.constant 66 : i32
          %broadcast_in_dim3A_737 = vector.broadcast %jit3A_736 : i32 to vector<16xi32>
          %select_n3A_738 = arith.select %gt3A_735, %broadcast_in_dim3A_737, %select_n3A_702 : vector<16xi1>, vector<16xi32>
          %max3A_739 = arith.maximumf %max3A_703, %get3A_734 : vector<16xf32>
          %get3A_740 = arith.constant 67 : i32
          %get3A_741 = arith.index_cast %get3A_740 : i32 to index
          %get3A_742 = arith.index_cast %mul3A_150 : i32 to index
          %get3A_743 = tpu.vector_load %arg6[%get3A_741, %get3A_742] {strides = array<i32>} : memref<80x128xf32, #tpu.memory_space<vmem>>, vector<16xf32>,
          %gt3A_744 = arith.cmpf ogt, %get3A_743, %max3A_712 : vector<16xf32>
          %jit3A_745 = arith.constant 67 : i32
          %broadcast_in_dim3A_746 = vector.broadcast %jit3A_745 : i32 to vector<16xi32>
          %select_n3A_747 = arith.select %gt3A_744, %broadcast_in_dim3A_746, %select_n3A_711 : vector<16xi1>, vector<16xi32>
          %max3A_748 = arith.maximumf %max3A_712, %get3A_743 : vector<16xf32>
          %get3A_749 = arith.constant 68 : i32
          %get3A_750 = arith.index_cast %get3A_749 : i32 to index
          %get3A_751 = arith.index_cast %mul3A_150 : i32 to index
          %get3A_752 = tpu.vector_load %arg6[%get3A_750, %get3A_751] {strides = array<i32>} : memref<80x128xf32, #tpu.memory_space<vmem>>, vector<16xf32>,
          %gt3A_753 = arith.cmpf ogt, %get3A_752, %max3A_721 : vector<16xf32>
          %jit3A_754 = arith.constant 68 : i32
          %broadcast_in_dim3A_755 = vector.broadcast %jit3A_754 : i32 to vector<16xi32>
          %select_n3A_756 = arith.select %gt3A_753, %broadcast_in_dim3A_755, %select_n3A_720 : vector<16xi1>, vector<16xi32>
          %max3A_757 = arith.maximumf %max3A_721, %get3A_752 : vector<16xf32>
          %get3A_758 = arith.constant 69 : i32
          %get3A_759 = arith.index_cast %get3A_758 : i32 to index
          %get3A_760 = arith.index_cast %mul3A_150 : i32 to index
          %get3A_761 = tpu.vector_load %arg6[%get3A_759, %get3A_760] {strides = array<i32>} : memref<80x128xf32, #tpu.memory_space<vmem>>, vector<16xf32>,
          %gt3A_762 = arith.cmpf ogt, %get3A_761, %max3A_730 : vector<16xf32>
          %jit3A_763 = arith.constant 69 : i32
          %broadcast_in_dim3A_764 = vector.broadcast %jit3A_763 : i32 to vector<16xi32>
          %select_n3A_765 = arith.select %gt3A_762, %broadcast_in_dim3A_764, %select_n3A_729 : vector<16xi1>, vector<16xi32>
          %max3A_766 = arith.maximumf %max3A_730, %get3A_761 : vector<16xf32>
          %get3A_767 = arith.constant 70 : i32
          %get3A_768 = arith.index_cast %get3A_767 : i32 to index
          %get3A_769 = arith.index_cast %mul3A_150 : i32 to index
          %get3A_770 = tpu.vector_load %arg6[%get3A_768, %get3A_769] {strides = array<i32>} : memref<80x128xf32, #tpu.memory_space<vmem>>, vector<16xf32>,
          %gt3A_771 = arith.cmpf ogt, %get3A_770, %max3A_739 : vector<16xf32>
          %jit3A_772 = arith.constant 70 : i32
          %broadcast_in_dim3A_773 = vector.broadcast %jit3A_772 : i32 to vector<16xi32>
          %select_n3A_774 = arith.select %gt3A_771, %broadcast_in_dim3A_773, %select_n3A_738 : vector<16xi1>, vector<16xi32>
          %max3A_775 = arith.maximumf %max3A_739, %get3A_770 : vector<16xf32>
          %get3A_776 = arith.constant 71 : i32
          %get3A_777 = arith.index_cast %get3A_776 : i32 to index
          %get3A_778 = arith.index_cast %mul3A_150 : i32 to index
          %get3A_779 = tpu.vector_load %arg6[%get3A_777, %get3A_778] {strides = array<i32>} : memref<80x128xf32, #tpu.memory_space<vmem>>, vector<16xf32>,
          %gt3A_780 = arith.cmpf ogt, %get3A_779, %max3A_748 : vector<16xf32>
          %jit3A_781 = arith.constant 71 : i32
          %broadcast_in_dim3A_782 = vector.broadcast %jit3A_781 : i32 to vector<16xi32>
          %select_n3A_783 = arith.select %gt3A_780, %broadcast_in_dim3A_782, %select_n3A_747 : vector<16xi1>, vector<16xi32>
          %max3A_784 = arith.maximumf %max3A_748, %get3A_779 : vector<16xf32>
          %get3A_785 = arith.constant 72 : i32
          %get3A_786 = arith.index_cast %get3A_785 : i32 to index
          %get3A_787 = arith.index_cast %mul3A_150 : i32 to index
          %get3A_788 = tpu.vector_load %arg6[%get3A_786, %get3A_787] {strides = array<i32>} : memref<80x128xf32, #tpu.memory_space<vmem>>, vector<16xf32>,
          %gt3A_789 = arith.cmpf ogt, %get3A_788, %max3A_757 : vector<16xf32>
          %jit3A_790 = arith.constant 72 : i32
          %broadcast_in_dim3A_791 = vector.broadcast %jit3A_790 : i32 to vector<16xi32>
          %select_n3A_792 = arith.select %gt3A_789, %broadcast_in_dim3A_791, %select_n3A_756 : vector<16xi1>, vector<16xi32>
          %max3A_793 = arith.maximumf %max3A_757, %get3A_788 : vector<16xf32>
          %get3A_794 = arith.constant 73 : i32
          %get3A_795 = arith.index_cast %get3A_794 : i32 to index
          %get3A_796 = arith.index_cast %mul3A_150 : i32 to index
          %get3A_797 = tpu.vector_load %arg6[%get3A_795, %get3A_796] {strides = array<i32>} : memref<80x128xf32, #tpu.memory_space<vmem>>, vector<16xf32>,
          %gt3A_798 = arith.cmpf ogt, %get3A_797, %max3A_766 : vector<16xf32>
          %jit3A_799 = arith.constant 73 : i32
          %broadcast_in_dim3A_800 = vector.broadcast %jit3A_799 : i32 to vector<16xi32>
          %select_n3A_801 = arith.select %gt3A_798, %broadcast_in_dim3A_800, %select_n3A_765 : vector<16xi1>, vector<16xi32>
          %max3A_802 = arith.maximumf %max3A_766, %get3A_797 : vector<16xf32>
          %get3A_803 = arith.constant 74 : i32
          %get3A_804 = arith.index_cast %get3A_803 : i32 to index
          %get3A_805 = arith.index_cast %mul3A_150 : i32 to index
          %get3A_806 = tpu.vector_load %arg6[%get3A_804, %get3A_805] {strides = array<i32>} : memref<80x128xf32, #tpu.memory_space<vmem>>, vector<16xf32>,
          %gt3A_807 = arith.cmpf ogt, %get3A_806, %max3A_775 : vector<16xf32>
          %jit3A_808 = arith.constant 74 : i32
          %broadcast_in_dim3A_809 = vector.broadcast %jit3A_808 : i32 to vector<16xi32>
          %select_n3A_810 = arith.select %gt3A_807, %broadcast_in_dim3A_809, %select_n3A_774 : vector<16xi1>, vector<16xi32>
          %max3A_811 = arith.maximumf %max3A_775, %get3A_806 : vector<16xf32>
          %get3A_812 = arith.constant 75 : i32
          %get3A_813 = arith.index_cast %get3A_812 : i32 to index
          %get3A_814 = arith.index_cast %mul3A_150 : i32 to index
          %get3A_815 = tpu.vector_load %arg6[%get3A_813, %get3A_814] {strides = array<i32>} : memref<80x128xf32, #tpu.memory_space<vmem>>, vector<16xf32>,
          %gt3A_816 = arith.cmpf ogt, %get3A_815, %max3A_784 : vector<16xf32>
          %jit3A_817 = arith.constant 75 : i32
          %broadcast_in_dim3A_818 = vector.broadcast %jit3A_817 : i32 to vector<16xi32>
          %select_n3A_819 = arith.select %gt3A_816, %broadcast_in_dim3A_818, %select_n3A_783 : vector<16xi1>, vector<16xi32>
          %max3A_820 = arith.maximumf %max3A_784, %get3A_815 : vector<16xf32>
          %get3A_821 = arith.constant 76 : i32
          %get3A_822 = arith.index_cast %get3A_821 : i32 to index
          %get3A_823 = arith.index_cast %mul3A_150 : i32 to index
          %get3A_824 = tpu.vector_load %arg6[%get3A_822, %get3A_823] {strides = array<i32>} : memref<80x128xf32, #tpu.memory_space<vmem>>, vector<16xf32>,
          %gt3A_825 = arith.cmpf ogt, %get3A_824, %max3A_793 : vector<16xf32>
          %jit3A_826 = arith.constant 76 : i32
          %broadcast_in_dim3A_827 = vector.broadcast %jit3A_826 : i32 to vector<16xi32>
          %select_n3A_828 = arith.select %gt3A_825, %broadcast_in_dim3A_827, %select_n3A_792 : vector<16xi1>, vector<16xi32>
          %max3A_829 = arith.maximumf %max3A_793, %get3A_824 : vector<16xf32>
          %get3A_830 = arith.constant 77 : i32
          %get3A_831 = arith.index_cast %get3A_830 : i32 to index
          %get3A_832 = arith.index_cast %mul3A_150 : i32 to index
          %get3A_833 = tpu.vector_load %arg6[%get3A_831, %get3A_832] {strides = array<i32>} : memref<80x128xf32, #tpu.memory_space<vmem>>, vector<16xf32>,
          %gt3A_834 = arith.cmpf ogt, %get3A_833, %max3A_802 : vector<16xf32>
          %jit3A_835 = arith.constant 77 : i32
          %broadcast_in_dim3A_836 = vector.broadcast %jit3A_835 : i32 to vector<16xi32>
          %select_n3A_837 = arith.select %gt3A_834, %broadcast_in_dim3A_836, %select_n3A_801 : vector<16xi1>, vector<16xi32>
          %max3A_838 = arith.maximumf %max3A_802, %get3A_833 : vector<16xf32>
          %get3A_839 = arith.constant 78 : i32
          %get3A_840 = arith.index_cast %get3A_839 : i32 to index
          %get3A_841 = arith.index_cast %mul3A_150 : i32 to index
          %get3A_842 = tpu.vector_load %arg6[%get3A_840, %get3A_841] {strides = array<i32>} : memref<80x128xf32, #tpu.memory_space<vmem>>, vector<16xf32>,
          %gt3A_843 = arith.cmpf ogt, %get3A_842, %max3A_811 : vector<16xf32>
          %jit3A_844 = arith.constant 78 : i32
          %broadcast_in_dim3A_845 = vector.broadcast %jit3A_844 : i32 to vector<16xi32>
          %select_n3A_846 = arith.select %gt3A_843, %broadcast_in_dim3A_845, %select_n3A_810 : vector<16xi1>, vector<16xi32>
          %max3A_847 = arith.maximumf %max3A_811, %get3A_842 : vector<16xf32>
          %get3A_848 = arith.constant 79 : i32
          %get3A_849 = arith.index_cast %get3A_848 : i32 to index
          %get3A_850 = arith.index_cast %mul3A_150 : i32 to index
          %get3A_851 = tpu.vector_load %arg6[%get3A_849, %get3A_850] {strides = array<i32>} : memref<80x128xf32, #tpu.memory_space<vmem>>, vector<16xf32>,
          %gt3A_852 = arith.cmpf ogt, %get3A_851, %max3A_820 : vector<16xf32>
          %jit3A_853 = arith.constant 79 : i32
          %broadcast_in_dim3A_854 = vector.broadcast %jit3A_853 : i32 to vector<16xi32>
          %select_n3A_855 = arith.select %gt3A_852, %broadcast_in_dim3A_854, %select_n3A_819 : vector<16xi1>, vector<16xi32>
          %max3A_856 = arith.maximumf %max3A_820, %get3A_851 : vector<16xf32>
          %gt3A_857 = arith.cmpf ogt, %max3A_838, %max3A_829 : vector<16xf32>
          %eq3A = arith.cmpf oeq, %max3A_838, %max3A_829 : vector<16xf32>
          %lt3A_858 = arith.cmpi slt, %select_n3A_837, %select_n3A_828 : vector<16xi32>
          %and3A_859 = arith.andi %eq3A, %lt3A_858 : vector<16xi1>
          %or3A = arith.ori %gt3A_857, %and3A_859 : vector<16xi1>
          %select_n3A_860 = arith.select %or3A, %max3A_838, %max3A_829 : vector<16xi1>, vector<16xf32>
          %select_n3A_861 = arith.select %or3A, %select_n3A_837, %select_n3A_828 : vector<16xi1>, vector<16xi32>
          %gt3A_862 = arith.cmpf ogt, %max3A_847, %select_n3A_860 : vector<16xf32>
          %eq3A_863 = arith.cmpf oeq, %max3A_847, %select_n3A_860 : vector<16xf32>
          %lt3A_864 = arith.cmpi slt, %select_n3A_846, %select_n3A_861 : vector<16xi32>
          %and3A_865 = arith.andi %eq3A_863, %lt3A_864 : vector<16xi1>
          %or3A_866 = arith.ori %gt3A_862, %and3A_865 : vector<16xi1>
          %select_n3A_867 = arith.select %or3A_866, %max3A_847, %select_n3A_860 : vector<16xi1>, vector<16xf32>
          %select_n3A_868 = arith.select %or3A_866, %select_n3A_846, %select_n3A_861 : vector<16xi1>, vector<16xi32>
          %gt3A_869 = arith.cmpf ogt, %max3A_856, %select_n3A_867 : vector<16xf32>
          %eq3A_870 = arith.cmpf oeq, %max3A_856, %select_n3A_867 : vector<16xf32>
          %lt3A_871 = arith.cmpi slt, %select_n3A_855, %select_n3A_868 : vector<16xi32>
          %and3A_872 = arith.andi %eq3A_870, %lt3A_871 : vector<16xi1>
          %or3A_873 = arith.ori %gt3A_869, %and3A_872 : vector<16xi1>
          %select_n3A_874 = arith.select %or3A_873, %max3A_856, %select_n3A_867 : vector<16xi1>, vector<16xf32>
          %select_n3A_875 = arith.select %or3A_873, %select_n3A_855, %select_n3A_868 : vector<16xi1>, vector<16xi32>
          %lt3A_876 = arith.cmpf olt, %select_n3A_874, %get3A_1 : vector<16xf32>
          %jit3A_877 = arith.constant 0 : i32
          %broadcast_in_dim3A_878 = vector.broadcast %jit3A_877 : i32 to vector<16xi32>
          %select_n3A_879 = arith.select %lt3A_876, %broadcast_in_dim3A_878, %select_n3A_875 : vector<16xi1>, vector<16xi32>
          %swap3A = arith.index_cast %mul3A_150 : i32 to index
          %swap3A_880 = tpu.vector_load %arg8[%swap3A] {strides = array<i32>} : memref<128xi32, #tpu.memory_space<vmem>>, vector<16xi32>,
          tpu.vector_store %arg8[%swap3A], %select_n3A_879 {strides = array<i32>} : memref<128xi32, #tpu.memory_space<vmem>>, vector<16xi32>,
        }
        %scan3A_136 = arith.constant 8 : i32
        %mul3A_137 = arith.constant 32 : i32
        %mul3A_138 = arith.muli %add3A_88, %mul3A_137 : i32
        %add3A_139 = arith.addi %add3A, %mul3A_138 : i32
        %mul3A_140 = arith.constant 128 : i32
        %mul3A_141 = arith.muli %add3A_139, %mul3A_140 : i32
        %dma_start3A_142 = tpu.memref_slice %arg4[%mul3A_141] : memref<196608xi32, #tpu.memory_space<hbm>> -> memref<128xi32, #tpu.memory_space<hbm>>
        %dma_start3A_143 = tpu.memref_slice %arg4[%mul3A_141] : memref<196608xi32, #tpu.memory_space<hbm>> -> memref<128xi32, #tpu.memory_space<hbm>>
        tpu.enqueue_dma source(%arg8 : memref<128xi32, #tpu.memory_space<vmem>>) target(%dma_start3A_143 : memref<128xi32, #tpu.memory_space<hbm>>) target_semaphore(%arg13 : memref<!tpu.dma_semaphore, #tpu.memory_space<semaphore_mem>>)
      } else {
      }
    }
    %dma_wait3A = arith.constant 0 : i32
    %dma_wait3A_75 = tpu.memref_slice %arg4[%dma_wait3A] : memref<196608xi32, #tpu.memory_space<hbm>> -> memref<128xi32, #tpu.memory_space<hbm>>
    %dma_wait3A_76 = arith.constant 0 : i32
    %dma_wait3A_77 = tpu.memref_slice %arg4[%dma_wait3A_76] : memref<196608xi32, #tpu.memory_space<hbm>> -> memref<128xi32, #tpu.memory_space<hbm>>
    tpu.wait_dma2 semaphore(%arg12 : memref<!tpu.dma_semaphore, #tpu.memory_space<semaphore_mem>>) src(%arg7 : memref<128xi32, #tpu.memory_space<vmem>>) dst(%dma_wait3A_77 : memref<128xi32, #tpu.memory_space<hbm>>)
    %dma_wait3A_78 = arith.constant 0 : i32
    %dma_wait3A_79 = tpu.memref_slice %arg4[%dma_wait3A_78] : memref<196608xi32, #tpu.memory_space<hbm>> -> memref<128xi32, #tpu.memory_space<hbm>>
    %dma_wait3A_80 = arith.constant 0 : i32
    %dma_wait3A_81 = tpu.memref_slice %arg4[%dma_wait3A_80] : memref<196608xi32, #tpu.memory_space<hbm>> -> memref<128xi32, #tpu.memory_space<hbm>>
    tpu.wait_dma2 semaphore(%arg13 : memref<!tpu.dma_semaphore, #tpu.memory_space<semaphore_mem>>) src(%arg8 : memref<128xi32, #tpu.memory_space<vmem>>) dst(%dma_wait3A_81 : memref<128xi32, #tpu.memory_space<hbm>>)
    return
  }
}

module attributes {stable_mosaic.version = 14 : i64} {
  func.func @_tc_body(%arg0: i32, %arg1: memref<1xf32, #tpu.memory_space<smem>>, %arg2: memref<80x32768xf32, #tpu.memory_space<vmem>>, %arg3: memref<32768xi32, #tpu.memory_space<vmem>>) attributes {dimension_semantics = [#tpu.dimension_semantics<arbitrary>], iteration_bounds = array<i64: 10>, scalar_prefetch = 0 : i64, scratch_operands = 0 : i64, tpu.core_type = #tpu.core_type<tc>, window_params = [{transform_indices = @transform_0, window_bounds = array<i64: 1>}, {transform_indices = @transform_1, window_bounds = array<i64: 80, 32768>}, {transform_indices = @transform_2, window_bounds = array<i64: 32768>}]} {
    %get3A = arith.constant 0 : index
    %get3A_0 = arith.constant 0 : index
    %get3A_1 = vector.load %arg2[%get3A, %get3A_0] : memref<80x32768xf32, #tpu.memory_space<vmem>>, vector<80x32768xf32>
    %reduce_max3A = arith.constant dense<0xFF800000> : vector<32768xf32>
    %reduce_max3A_2 = vector.multi_reduction <maximumf>, %get3A_1, %reduce_max3A [0] : vector<80x32768xf32> to vector<32768xf32>
    %iota3A = tpu.iota {dimensions = array<i32: 0>} : vector<80x32768xi32>
    %broadcast_in_dim3A = vector.shape_cast %reduce_max3A_2 : vector<32768xf32> to vector<1x32768xf32>
    %eq3A = vector.broadcast %broadcast_in_dim3A : vector<1x32768xf32> to vector<80x32768xf32>
    %eq3A_3 = arith.cmpf oeq, %get3A_1, %eq3A : vector<80x32768xf32>
    %jit3A = arith.constant 80 : i32
    %broadcast_in_dim3A_4 = vector.broadcast %jit3A : i32 to vector<80x32768xi32>
    %select_n3A = arith.select %eq3A_3, %iota3A, %broadcast_in_dim3A_4 : vector<80x32768xi1>, vector<80x32768xi32>
    %reduce_min3A = arith.constant dense<2147483647> : vector<32768xi32>
    %reduce_min3A_5 = vector.multi_reduction <minsi>, %select_n3A, %reduce_min3A [0] : vector<80x32768xi32> to vector<32768xi32>
    %get3A_6 = arith.constant 0 : index
    %get3A_7 = memref.load %arg1[%get3A_6] : memref<1xf32, #tpu.memory_space<smem>>
    %lt3A = vector.broadcast %get3A_7 : f32 to vector<32768xf32>
    %lt3A_8 = arith.cmpf olt, %reduce_max3A_2, %lt3A : vector<32768xf32>
    %jit3A_9 = arith.constant 0 : i32
    %broadcast_in_dim3A_10 = vector.broadcast %jit3A_9 : i32 to vector<32768xi32>
    %select_n3A_11 = arith.select %lt3A_8, %broadcast_in_dim3A_10, %reduce_min3A_5 : vector<32768xi1>, vector<32768xi32>
    %swap3A = arith.constant 0 : index
    %swap3A_12 = vector.load %arg3[%swap3A] : memref<32768xi32, #tpu.memory_space<vmem>>, vector<32768xi32>
    tpu.vector_store %arg3[%swap3A], %select_n3A_11 {strides = array<i32>} : memref<32768xi32, #tpu.memory_space<vmem>>, vector<32768xi32>,
    return
  }
  func.func @transform_0(%arg0: i32) -> i32 {
    %c0_i32 = arith.constant 0 : i32
    %c0_i32_0 = arith.constant 0 : i32
    return %c0_i32 : i32
  }
  func.func @transform_1(%arg0: i32) -> (i32, i32) {
    %add3A = arith.constant 6 : i32
    %add3A_0 = arith.addi %add3A, %arg0 : i32
    %c0_i32 = arith.constant 0 : i32
    %c0_i32_1 = arith.constant 0 : i32
    return %c0_i32, %add3A_0 : i32, i32
  }
  func.func @transform_2(%arg0: i32) -> i32 {
    %c0_i32 = arith.constant 0 : i32
    return %arg0 : i32
  }
}

</mosaic_0001>

<sc_bundles>
// kernel: kernel.4.cloned.1.call-start
scs
__scs_entry_jumppad:
0x0: {  	(pc) =	sbr.rel $0x88, $3  }
0x1: {  	(tag) =	ssettag $0x0;
	lr =	simm.s32 $0x1  }
0x2: {  	[smem:$0x3F9F] =	sst lr;
	_ =	strace $0xD0000000  }
0x3: {  	_ = 	snop  }
0x4: {  	_ = 	snop  }
0x5: {  	_ = 	snop  }
0x6: {  	_ = 	snop  }
0x7: {  	_ = 	snop  }
__scs_overlays_trampoline_lowered:
0x8: {  	[smem:$0x3FAE] =	sst s0  }
0x9: {  	[smem:$0x3FAF] =	sst s1  }
0xa: {  	[smem:$0x3FB0] =	sst s2  }
0xb: {  	[smem:$0x3FB1] =	sst s3  }
0xc: {  	[smem:$0x3FB2] =	sst s4  }
0xd: {  	[smem:$0x3FB3] =	sst s5  }
0xe: {  	[smem:$0x3FB4] =	sst s6  }
0xf: {  	[smem:$0x3FB5] =	sst s7  }
0x10: {  	[smem:$0x3FB6] =	sst s8  }
0x11: {  	[smem:$0x3FB7] =	sst s9;
	s0 =	simm.s32 @!p0 $0x0  }
0x12: {  	s1 =	sld [smem:$0x3F9D];
	s0 =	simm.s32 @p0 $0x1  }
0x13: {  	[smem:$0x3FB8] =	sst s0;
	s0 =	simm.s32 @!p1 $0x0  }
0x14: {  	s2 =	sld [smem:$0x3F9C];
	s0 =	simm.s32 @p1 $0x1  }
0x15: {  	[smem:$0x3FB9] =	sst s0;
	s0 =	simm.s32 @!p2 $0x0  }
0x16: {  	s3 =	sld [smem:$0x3FDB];
	s0 =	simm.s32 @p2 $0x1  }
0x17: {  	s4 =	simm.s32 $0x1BF5;
	[smem:$0x3FBB] =	sst s0  }
0x18: {  	s0 =	sld [smem:$0x3F9E];
	_ =	swait.ge [sflag:s4], $0x0  }
0x19: {  	s7 =	sld [smem:$0x3F9F]  }
0x1a: {  	s8 =	sadd.s32 $0xFFFFE003, lr  }
0x1b: {  	s9 =	sadd.s32 $0xFFFFFEF7, lr;
	s5 =	simm.s32 $0xFFFFFFFF;
	p2 =	slt.u32 s8, $0xFFFFF086  }
0x1c: {  	p1 =	slt.u32 s9, $0xF7A;
	s5 =	simm.s32 @!p2 $0x0  }
0x1d: {  	s5 =	simm.s32 @p1 $0x1;
	p0 =	seq.s32 s7, s2  }
0x1e: {  	s7 =	smul.u32 @!p0 $0xF7A, s2;
	p2 =	seq.s32 @!p0 s5, $0x0  }
0x1f: {  	s9 =	smul.u32 $0xF7A, s1;
	s8 =	simm.s32 @!p0 $0x1BF5;
	p2 =	por !p2, p0  }
0x20: {  	[sflag:s8] =	ssyncset.s32 @!p0 $0xFFFFF086;
	s6 =	sadd.s32 @!p0 s3, s7;
	s7 =	simm.s32 @!p0 $0x108  }
0x21: {  	s3 =	sadd.s32 s3, s9;
	s6 =	sadd.s32 @!p0 $0x88, s6;
	s7 =	simm.s32 @p2 $0x1082  }
0x22: {  	[simem:s7], [sflag:s8] =	dma.local @!p0 [hbm:s6], $0xF7A  }
0x23: {  	s9 =	sor.u32 $0xD0000000, s2;
	s6 =	simm.s32 $0x108;
	_ =	swait.ge @!p0 [sflag:s8], $0x0  }
0x24: {  	s3 =	sadd.s32 $0x88, s3;
	s6 =	simm.s32 @!p1 $0x1082;
	[sflag:s4] =	ssyncset.s32 $0xFFFFF086  }
0x25: {  	[simem:s6], [sflag:s4] =	dma.local [hbm:s3], $0xF7A  }
0x26: {  	[smem:$0x3F9F] =	sst s1;
	(tag) =	ssettag s2;
	_ =	strace s9  }
0x27: {  	s1 =	sld [smem:$0x3FAF]  }
0x28: {  	s2 =	sld [smem:$0x3FB0]  }
0x29: {  	s4 =	sld [smem:$0x3FB2]  }
0x2a: {  	p0 =	seq.s32 s5, $0x0;
	s5 =	sld [smem:$0x3FB3]  }
0x2b: {  	s6 =	sld [smem:$0x3FB4]  }
0x2c: {  	s7 =	sld [smem:$0x3FB5]  }
0x2d: {  	s3 =	simm.s32 $0x108;
	s8 =	sld [smem:$0x3FB6]  }
0x2e: {  	s3 =	simm.s32 @!p0 $0x1082;
	s9 =	sld [smem:$0x3FB7]  }
0x2f: {  	lr =	sadd.s32 s0, s3;
	s0 =	sld [smem:$0x3FAE]  }
0x30: {  	s3 =	sld [smem:$0x3FB1]  }
0x31: {  	[smem:$0x3FBA] =	sst s10  }
0x32: {  	s10 =	sld [smem:$0x3FB8];
	_ =	sdelay $0x3  }
0x33: {  	p0 =	seq.s32 s10, $0x1;
	s10 =	sld [smem:$0x3FBA];
	_ =	sdelay $0x3  }
0x34: {  	[smem:$0x3FBA] =	sst s10  }
0x35: {  	s10 =	sld [smem:$0x3FB9];
	_ =	sdelay $0x3  }
0x36: {  	p1 =	seq.s32 s10, $0x1;
	s10 =	sld [smem:$0x3FBA];
	_ =	sdelay $0x3  }
0x37: {  	[smem:$0x3FBA] =	sst s10  }
0x38: {  	s10 =	sld [smem:$0x3FBB]  }
0x39: {  	_ = 	snop;
	(pc) =	sbr.ind lr, $3  }
0x3a: {  	_ = 	snop  }
0x3b: {  	_ = 	snop  }
0x3c: {  	p2 =	seq.s32 s10, $0x1;
	s10 =	sld [smem:$0x3FBA]  }
0x3d: {  	_ =	shalt  }
0x3e: {  	_ =	shalt  }
0x3f: {  	_ =	shalt  }
0x40: {  	_ =	shalt  }
0x41: {  	_ =	shalt  }
0x42: {  	_ =	shalt  }
0x43: {  	_ =	shalt  }
0x44: {  	_ =	shalt  }
0x45: {  	_ =	shalt  }
0x46: {  	_ =	shalt  }
0x47: {  	_ =	shalt  }
0x48: {  	_ =	shalt  }
0x49: {  	_ =	shalt  }
0x4a: {  	_ =	shalt  }
0x4b: {  	_ =	shalt  }
0x4c: {  	_ =	shalt  }
0x4d: {  	_ =	shalt  }
0x4e: {  	_ =	shalt  }
0x4f: {  	_ =	shalt  }
0x50: {  	_ =	shalt  }
0x51: {  	_ =	shalt  }
0x52: {  	_ =	shalt  }
0x53: {  	_ =	shalt  }
0x54: {  	_ =	shalt  }
0x55: {  	_ =	shalt  }
0x56: {  	_ =	shalt  }
0x57: {  	_ =	shalt  }
0x58: {  	_ =	shalt  }
0x59: {  	_ =	shalt  }
0x5a: {  	_ =	shalt  }
0x5b: {  	_ =	shalt  }
0x5c: {  	_ =	shalt  }
0x5d: {  	_ =	shalt  }
0x5e: {  	_ =	shalt  }
0x5f: {  	_ =	shalt  }
0x60: {  	_ =	shalt  }
0x61: {  	_ =	shalt  }
0x62: {  	_ =	shalt  }
0x63: {  	_ =	shalt  }
0x64: {  	_ =	shalt  }
0x65: {  	_ =	shalt  }
0x66: {  	_ =	shalt  }
0x67: {  	_ =	shalt  }
0x68: {  	_ =	shalt  }
0x69: {  	_ =	shalt  }
0x6a: {  	_ =	shalt  }
0x6b: {  	_ =	shalt  }
0x6c: {  	_ =	shalt  }
0x6d: {  	_ =	shalt  }
0x6e: {  	_ =	shalt  }
0x6f: {  	_ =	shalt  }
0x70: {  	_ =	shalt  }
0x71: {  	_ =	shalt  }
0x72: {  	_ =	shalt  }
0x73: {  	_ =	shalt  }
0x74: {  	_ =	shalt  }
0x75: {  	_ =	shalt  }
0x76: {  	_ =	shalt  }
0x77: {  	_ =	shalt  }
0x78: {  	_ =	shalt  }
0x79: {  	_ =	shalt  }
0x7a: {  	_ =	shalt  }
0x7b: {  	_ =	shalt  }
0x7c: {  	_ =	shalt  }
0x7d: {  	_ =	shalt  }
0x7e: {  	_ =	shalt  }
0x7f: {  	_ =	shalt  }
0x80: {  	_ =	shalt  }
0x81: {  	_ =	shalt  }
0x82: {  	_ =	shalt  }
0x83: {  	_ =	shalt  }
0x84: {  	_ =	shalt  }
0x85: {  	_ =	shalt  }
0x86: {  	_ =	shalt  }
0x87: {  	_ =	shalt  }
.Lfunc_end0:
.L_simem_size_0:
called_computation_lowered:
.L_overlay_start_0:
0x88: {  	s2 =	sld [smem:$0x3FD9]  }
0x89: {  	s3 =	sld [smem:$0x3FFE];
	_ =	sdelay $0x1  }
0x8a: {  	s1 =	srdreg.scid  }
0x8b: {  	s0 =	sand.u32 $0x1, s1  }
0x8c: {  	s17 =	sshll.u32 s0, $0xA;
	s2 =	sadd.s32 s3, s2  }
0x8d: {  	s2 =	sadd.s32 s2, s17  }
0x8e: {  	[smem:$0x3FC6] =	sst s2  }
0x8f: {  	_ = 	snop  }
0x90: {  	s2 =	sld [smem:$0x3FC9];
	(tm) =	ssettm $0x1  }
0x91: {  	s18 =	sld [smem:$0x3FFB];
	_ =	sdelay $0x3  }
0x92: {  	_ =	strace s18  }
0x93: {  	s3 =	sld [smem:$0x3FFC];
	_ =	sdelay $0x3  }
0x94: {  	_ =	strace s3  }
0x95: {  	s3 =	sld [smem:$0x3FFD];
	_ =	sdelay $0x3  }
0x96: {  	_ =	strace s3  }
0x97: {  	_ =	strace $0x8FFFFFFF  }
0x98: {  	s19 =	sld [smem:$0x3FDB];
	_ =	sdelay $0x1  }
0x99: {  	s4 =	simm.s32 $_scs_section_size  }
0x9a: {  	s5 =	simm.s32 $_size__tile_overlayer_lowered;
	s6 =	simm.s32 $_tile_overlayer_lowered  }
0x9b: {  	s22 =	simm.s32 $0x1BFF;
	s21 =	sshll.u32 s6, $0x1;
	s3 =	sadd.s32 s4, s19  }
0x9c: {  	s7 =	simm.s32 $0x0;
	s20 =	sshll.u32 s5, $0x1;
	s5 =	sadd.s32 s21, s3  }
0x9d: {  	[timem:s7], [sflag:s22] =	dma.local [hbm:s5], s20  }
0x9e: {  	_ =	swait.ge [sflag:s22], s20  }
0x9f: {  	s4 =	ssub.s32 $0x0, s20;
	[sflag:s22] =	ssyncset.done $0x0  }
0xa0: {  	[sflag:s22] =	ssyncadd.s32 s4;
	_ =	sdelay $0x1  }
0xa1: {  	s23 =	simm.s32 $0x1B8B  }
0xa2: {  	_ =	swait.ge [sflag:s23], $0x1  }
0xa3: {  	[sflag:s23] =	ssyncset.done $0x0  }
0xa4: {  	s25 =	simm.s32 $0x1B8E;
	s24 =	sld [smem:$0x3FFE];
	[sflag:s23] =	ssyncadd.s32 $0xFFFFFFFF  }
0xa5: {  	s26 =	simm.s32 $execute0_lowered;
	[smem:$0x3FD2] =	sst s25  }
0xa6: {  	s5 =	sshll.u32 s26, $0x1;
	_ =	strace $0x80000046;
	[dreg:$0x1] =	wrdreg $0xFFFFFFFF  }
0xa7: {  	s28 =	simm.s32 $_size_execute0_lowered;
	s3 =	sadd.s32 s3, s5;
	[dreg:$0x0] =	wrdreg $0x0  }
0xa8: {  	s5 =	sshll.u32 s28, $0x1;
	[dreg:$0x2] =	wrdreg s3  }
0xa9: {  	[dreg:$0x3] =	wrdreg s5  }
0xaa: {  	[dreg:$0x4] =	wrdreg $0xC0  }
0xab: {  	_ =	task [dreg:s7], $0x5FFFF  }
0xac: {  	[dreg:$0x1] =	wrdreg $0xFFFFFFFF  }
0xad: {  	[dreg:$0x0] =	wrdreg $0x60  }
0xae: {  	[dreg:$0x2] =	wrdreg s2  }
0xaf: {  	[dreg:$0x3] =	wrdreg s24  }
0xb0: {  	[dreg:$0x4] =	wrdreg $0x9  }
0xb1: {  	_ =	task.clear_ibuf [dreg:s7], $0x5FFFF;
	_ =	strace $0x90000046  }
0xb2: {  	s29 =	simm.s32 $0x9;
	_ =	strace $0x80000048  }
0xb3: {  	_ =	swait.ge [sflag:s29], $0x1  }
0xb4: {  	[sflag:s29] =	ssyncadd.s32 $0xFFFFFFFF  }
0xb5: {  	_ =	strace $0x90000048  }
0xb6: {  	_ =	sfence  }
0xb7: {  	s30 =	sld [smem:$0x0];
	_ =	sdelay $0x2  }
0xb8: {  	s31 =	sshll.u32 s1, $0xD;
	s1 =	sshrl.u32 s1, $0x2  }
0xb9: {  	s3 =	sand.u32 $0x4000, s31;
	s1 =	sadd.s32 s1, s30  }
0xba: {  	s0 =	sor.u32 s3, s0;
	s1 =	sshll.u32 s1, $0x11  }
0xbb: {  	s0 =	sor.u32 s1, s0  }
0xbc: {  	s0 =	sadd.s32 $0x8F2B, s0  }
0xbd: {  	[sflag:s0] =	ssyncadd.remote.s32 $0x1  }
0xbe: {  	_ =	sfence.sel $0xFFFF  }
0xbf: {  	[dreg:$0x0] =	wrdreg $0xFFFFFFFF;
	(pc) =	sbr.abs _section_cstart, $3  }
0xc0: {  	[dreg:$0x1] =	wrdreg $0xFFFFFFFF  }
0xc1: {  	_ =	task.clear_ibuf [dreg:s7], $0x2FFFF;
	_ =	strace $0x9FFFFFFF  }
0xc2: {  	(tm) =	ssettm $0x7FFFFFFF  }
0xc3: {  	_ =	shalt  }
tec
execute0_lowered:
.L_overlay_start_1:
0x0: {  	(tag) =	ssettag $0x1  }
0x1: {  	s4 =	rddreg [dreg:$0x0]  }
0x2: {  	s5 =	rddreg [dreg:$0x1]  }
0x3: {  	s0 =	rddreg [dreg:$0x2];
	s2 =	simm.s32 $0x0  }
0x4: {  	s3 =	srdreg.scid;
	s1 =	stileid.u32;
	s10 =	simm.s32 $0x400  }
0x5: {  	s11 =	simm.s32 $0x3D0C00;
	s12 =	simm.s32 $0x2800;
	s13 =	simm.s32 $0x1  }
0x6: {  	s14 =	simm.s32 $0x5000;
	s15 =	simm.s32 $0x2;
	s16 =	simm.s32 $0x4  }
0x7: {  	s17 =	simm.s32 $0x5080;
	s18 =	simm.s32 $0x3;
	s19 =	simm.s32 $0x0  }
0x8: {  	[smem:$0x7FF] =	sst s2;
	s6 =	sand.u32 $0x1, s3;
	s7 =	sshll.u32 s1, $0x1  }
0x9: {  	s3 =	sadd.s32 $0x400, s5;
	s7 =	sor.u32 s6, s7;
	s6 =	ssub.s32 $0x2, s6  }
0xa: {  	_ =	strace $0x80000047;
	s8 =	sshll.u32 s7, $0x4;
	s9 =	sshrl.u32 s6, $0x1  }
0xb: {  	s7 =	sshll.u32 s7, $0x7;
	s5 =	sadd.s32 s8, s5;
	s31 =	ssub.s32 s6, s9  }
0xc: {  	v0 =	vimm.s32 $0x0;
	s4 =	sadd.s32 s4, s7;
	s8 =	simm.s32 $0x5100;
	s9 =	simm.s32 $0x5  }
0xd: {  	v1 =	vimm.s32 $0x1;
	v2 =	vimm.s32 $0x2;
	v3 =	vimm.s32 $0x3;
	s5 =	sadd.s32 $0x600, s5;
	s6 =	sadd.s32 $0x2000, s4;
	s7 =	smax.u32 s31, $0x1  }
.LBB2_1:
0xe: {  	[tilespmem:s8], [sflag:$0x5] =	stream.linear.gather [hbm4b:s3+s2], $0x80, $0x38;
	[tilespmem:$0x5180] =	vst v63  }
0xf: {  	_ =	swait.ge [sflag:s9], $0x80  }
0x10: {  	[sflag:s9] =	ssyncset.done $0x0  }
0x11: {  	s20 =	simm.s32 $0x0;
	[sflag:s9] =	ssyncadd.s32 $0xFFFFFF80  }
0x12: {  	v4 =	vld [tilespmem:$0x5100];
	[tilespmem:s2], [sflag:$0x1] =	stream.strided.gather [hbm4b:s4+s10], $0x2800, s11, s10, $0x38  }
.LBB2_2:
0x13: {  	s21 =	sshllo.u32 s20, $0x1  }
0x14: {  	s22 =	sshll.u32 s21, $0xC  }
0x15: {  	s22 =	sadd.s32 s22, s4  }
0x16: {  	[tilespmem:s12], [sflag:$0x2] =	stream.strided.gather [hbm4b:s22+s10], $0x2800, s11, s10, $0x38;
	[tilespmem:$0x5180] =	vst v63  }
0x17: {  	_ =	swait.ge [sflag:s13], $0x2800  }
0x18: {  	p0 =	seq.s32 s20, $0x0;
	[sflag:s13] =	ssyncset.done $0x0  }
0x19: {  	s22 =	simm.s32 @!p0 $0x3;
	[sflag:s13] =	ssyncadd.s32 $0xFFFFD800  }
0x1a: {  	_ =	swait.ge @!p0 [sflag:s22], $0x80  }
0x1b: {  	[sflag:s22] =	ssyncset.done @!p0 $0x0  }
0x1c: {  	[sflag:s22] =	ssyncadd.s32 @!p0 $0xFFFFFF80;
	s22 =	simm.s32 $0x0  }
0x1d: {  	v5 =	vld [tilespmem:s22+$0x2580]  }
0x1e: {  	v6 =	vld [tilespmem:s22+$0x180]  }
0x1f: {  	v7 =	vld [tilespmem:s22+$0x380]  }
0x20: {  	v8 =	vld [tilespmem:s22+$0x100]  }
0x21: {  	v9 =	vld [tilespmem:s22+$0x300]  }
0x22: {  	v10 =	vld [tilespmem:s22+$0x0]  }
0x23: {  	v11 =	vld [tilespmem:s22+$0x200]  }
0x24: {  	v12 =	vld [tilespmem:s22+$0x80]  }
0x25: {  	v13 =	vld [tilespmem:s22+$0x280]  }
0x26: {  	v14 =	vld [tilespmem:s22+$0x580]  }
0x27: {  	v15 =	vld [tilespmem:s22+$0x500]  }
0x28: {  	v16 =	vld [tilespmem:s22+$0x400];
	vm0 =	vgt.f32 v7, v6;
	vm1 =	vgt.f32 v9, v8  }
0x29: {  	v6 =	vmax.f32 v6, v7;
	vm2 =	vgt.f32 v11, v10;
	v7 =	vmax.f32 v8, v9;
	v8 =	vld [tilespmem:s22+$0x480]  }
0x2a: {  	v9 =	vmax.f32 v10, v11;
	vm3 =	vgt.f32 v13, v12;
	v10 =	vmax.f32 v12, v13;
	v11 =	vld [tilespmem:s22+$0x780]  }
0x2b: {  	v13 =	vld [tilespmem:s22+$0x700];
	v12 =	vsel vm0, $0x7, v3;
	vm0 =	vgt.f32 v14, v6;
	v6 =	vmax.f32 v6, v14  }
0x2c: {  	v14 =	vsel vm1, $0x6, v2;
	vm1 =	vgt.f32 v15, v7;
	v7 =	vmax.f32 v7, v15;
	v15 =	vld [tilespmem:s22+$0x600]  }
0x2d: {  	v19 =	vld [tilespmem:s22+$0x680];
	v17 =	vsel vm2, $0x4, v0;
	v18 =	vsel vm3, $0x5, v1;
	vm2 =	vgt.f32 v16, v9  }
0x2e: {  	v9 =	vmax.f32 v9, v16;
	vm3 =	vgt.f32 v8, v10;
	v8 =	vmax.f32 v10, v8;
	v10 =	vld [tilespmem:s22+$0x980]  }
0x2f: {  	v12 =	vsel vm0, $0xB, v12;
	vm0 =	vgt.f32 v11, v6;
	v6 =	vmax.f32 v6, v11;
	v11 =	vld [tilespmem:s22+$0x900]  }
0x30: {  	v14 =	vsel vm1, $0xA, v14;
	vm1 =	vgt.f32 v13, v7;
	v7 =	vmax.f32 v7, v13;
	v13 =	vld [tilespmem:s22+$0x800]  }
0x31: {  	v16 =	vsel vm2, $0x8, v17;
	v17 =	vsel vm3, $0x9, v18;
	vm2 =	vgt.f32 v15, v9;
	v18 =	vld [tilespmem:s22+$0x880]  }
0x32: {  	v9 =	vmax.f32 v9, v15;
	vm3 =	vgt.f32 v19, v8;
	v8 =	vmax.f32 v8, v19;
	v15 =	vld [tilespmem:s22+$0xB80]  }
0x33: {  	v12 =	vsel vm0, $0xF, v12;
	v14 =	vsel vm1, $0xE, v14;
	v19 =	vld [tilespmem:s22+$0xA80];
	v16 =	vsel vm2, $0xC, v16  }
0x34: {  	v17 =	vsel vm3, $0xD, v17;
	vm0 =	vgt.f32 v10, v6;
	v6 =	vmax.f32 v6, v10;
	v10 =	vld [tilespmem:s22+$0xB00]  }
0x35: {  	vm1 =	vgt.f32 v11, v7;
	v7 =	vmax.f32 v7, v11;
	v11 =	vld [tilespmem:s22+$0xA00];
	vm2 =	vgt.f32 v13, v9  }
0x36: {  	v9 =	vmax.f32 v9, v13;
	v13 =	vld [tilespmem:s22+$0xD80];
	vm3 =	vgt.f32 v18, v8;
	v8 =	vmax.f32 v8, v18  }
0x37: {  	v12 =	vsel vm0, $0x13, v12;
	vm0 =	vgt.f32 v15, v6;
	v6 =	vmax.f32 v6, v15;
	v15 =	vld [tilespmem:s22+$0xD00]  }
0x38: {  	v14 =	vsel vm1, $0x12, v14;
	v16 =	vsel vm2, $0x10, v16;
	v18 =	vld [tilespmem:s22+$0xC80];
	v17 =	vsel vm3, $0x11, v17  }
0x39: {  	vm3 =	vgt.f32 v19, v8;
	v8 =	vmax.f32 v8, v19;
	v12 =	vsel vm0, $0x17, v12;
	v19 =	vld [tilespmem:s22+$0xE80]  }
0x3a: {  	v17 =	vsel vm3, $0x15, v17;
	vm1 =	vgt.f32 v10, v7;
	v7 =	vmax.f32 v7, v10;
	v10 =	vld [tilespmem:s22+$0xC00]  }
0x3b: {  	vm2 =	vgt.f32 v11, v9;
	v9 =	vmax.f32 v9, v11;
	v11 =	vld [tilespmem:s22+$0xF80];
	vm0 =	vgt.f32 v13, v6  }
0x3c: {  	v6 =	vmax.f32 v6, v13;
	v13 =	vld [tilespmem:s22+$0xF00];
	v14 =	vsel vm1, $0x16, v14;
	vm1 =	vgt.f32 v15, v7  }
0x3d: {  	v7 =	vmax.f32 v7, v15;
	v15 =	vld [tilespmem:s22+$0xE00];
	v16 =	vsel vm2, $0x14, v16;
	vm3 =	vgt.f32 v18, v8  }
0x3e: {  	v8 =	vmax.f32 v8, v18;
	v12 =	vsel vm0, $0x1B, v12;
	v18 =	vld [tilespmem:s22+$0x1080];
	v14 =	vsel vm1, $0x1A, v14  }
0x3f: {  	v17 =	vsel vm3, $0x19, v17;
	vm2 =	vgt.f32 v10, v9;
	v9 =	vmax.f32 v9, v10;
	v10 =	vld [tilespmem:s22+$0x1180]  }
0x40: {  	vm3 =	vgt.f32 v19, v8;
	vm0 =	vgt.f32 v11, v6;
	v6 =	vmax.f32 v6, v11;
	v11 =	vld [tilespmem:s22+$0x1100]  }
0x41: {  	v8 =	vmax.f32 v8, v19;
	vm1 =	vgt.f32 v13, v7;
	v7 =	vmax.f32 v7, v13;
	v13 =	vld [tilespmem:s22+$0x1000]  }
0x42: {  	v16 =	vsel vm2, $0x18, v16;
	vm2 =	vgt.f32 v15, v9;
	v9 =	vmax.f32 v9, v15;
	v15 =	vld [tilespmem:s22+$0x1380]  }
0x43: {  	v19 =	vld [tilespmem:s22+$0x1280];
	v17 =	vsel vm3, $0x1D, v17;
	v12 =	vsel vm0, $0x1F, v12;
	v14 =	vsel vm1, $0x1E, v14  }
0x44: {  	vm3 =	vgt.f32 v18, v8;
	vm0 =	vgt.f32 v10, v6;
	v6 =	vmax.f32 v6, v10;
	v10 =	vld [tilespmem:s22+$0x1300]  }
0x45: {  	v8 =	vmax.f32 v8, v18;
	vm1 =	vgt.f32 v11, v7;
	v7 =	vmax.f32 v7, v11;
	v11 =	vld [tilespmem:s22+$0x1200]  }
0x46: {  	v16 =	vsel vm2, $0x1C, v16;
	vm2 =	vgt.f32 v13, v9;
	v9 =	vmax.f32 v9, v13;
	v13 =	vld [tilespmem:s22+$0x1580]  }
0x47: {  	v12 =	vsel vm0, $0x23, v12;
	vm0 =	vgt.f32 v15, v6;
	v6 =	vmax.f32 v6, v15;
	v15 =	vld [tilespmem:s22+$0x1500]  }
0x48: {  	v18 =	vld [tilespmem:s22+$0x1480];
	v17 =	vsel vm3, $0x21, v17;
	vm3 =	vgt.f32 v19, v8;
	v8 =	vmax.f32 v8, v19  }
0x49: {  	v14 =	vsel vm1, $0x22, v14;
	vm1 =	vgt.f32 v10, v7;
	v7 =	vmax.f32 v7, v10;
	v10 =	vld [tilespmem:s22+$0x1400]  }
0x4a: {  	v16 =	vsel vm2, $0x20, v16;
	vm2 =	vgt.f32 v11, v9;
	v9 =	vmax.f32 v9, v11;
	v11 =	vld [tilespmem:s22+$0x1780]  }
0x4b: {  	v12 =	vsel vm0, $0x27, v12;
	vm0 =	vgt.f32 v13, v6;
	v6 =	vmax.f32 v6, v13;
	v13 =	vld [tilespmem:s22+$0x1700]  }
0x4c: {  	v14 =	vsel vm1, $0x26, v14;
	vm1 =	vgt.f32 v15, v7;
	v7 =	vmax.f32 v7, v15;
	v15 =	vld [tilespmem:s22+$0x1600]  }
0x4d: {  	v19 =	vld [tilespmem:s22+$0x1680];
	v17 =	vsel vm3, $0x25, v17;
	vm3 =	vgt.f32 v18, v8;
	v8 =	vmax.f32 v8, v18  }
0x4e: {  	v18 =	vld [tilespmem:s22+$0x1900];
	v16 =	vsel vm2, $0x24, v16;
	v12 =	vsel vm0, $0x2B, v12;
	vm2 =	vgt.f32 v10, v9  }
0x4f: {  	v9 =	vmax.f32 v9, v10;
	v10 =	vld [tilespmem:s22+$0x1980];
	vm0 =	vgt.f32 v11, v6;
	v6 =	vmax.f32 v6, v11  }
0x50: {  	v20 =	vld [tilespmem:s22+$0x1800];
	v11 =	vsel vm1, $0x2A, v14;
	vm1 =	vgt.f32 v13, v7;
	v13 =	vmax.f32 v7, v13  }
0x51: {  	v14 =	vsel vm2, $0x28, v16;
	v16 =	vsel vm3, $0x29, v17;
	vm2 =	vgt.f32 v15, v9;
	v17 =	vld [tilespmem:s22+$0x1880]  }
0x52: {  	v21 =	vld [tilespmem:s22+$0x1B80];
	v9 =	vmax.f32 v9, v15;
	vm3 =	vgt.f32 v19, v8;
	v19 =	vmax.f32 v8, v19  }
0x53: {  	v7 =	vld [tilespmem:s22+$0x1B00];
	v22 =	vsel vm0, $0x2F, v12;
	v11 =	vsel vm1, $0x2E, v11;
	vm0 =	vgt.f32 v18, v13  }
0x54: {  	v12 =	vmax.f32 v13, v18;
	vm4 =	vgt.f32 v10, v6;
	v10 =	vmax.f32 v6, v10;
	v6 =	vld [tilespmem:s22+$0x1A00]  }
0x55: {  	v8 =	vld [tilespmem:s22+$0x1A80];
	v13 =	vsel vm2, $0x2C, v14;
	v14 =	vsel vm3, $0x2D, v16;
	vm2 =	vgt.f32 v20, v9  }
0x56: {  	v15 =	vmax.f32 v9, v20;
	v9 =	vld [tilespmem:s22+$0x1D80];
	vm3 =	vgt.f32 v17, v19;
	v16 =	vmax.f32 v19, v17  }
0x57: {  	s23 =	simm.s32 $0x40;
	v17 =	vsel vm4, $0x33, v22;
	vm1 =	vgt.f32 v21, v10;
	v18 =	vmax.f32 v10, v21;
	v10 =	vld [tilespmem:s22+$0x1D00]  }
.LBB2_3:
0x58: {  	p1 =	sne.s32 s23, $0x1C0;
	v11 =	vsel vm0, $0x32, v11;
	vm0 =	vgt.f32 v7, v12;
	v7 =	vmax.f32 v12, v7;
	v12 =	vld [tilespmem:s22+$0x1C00]  }
0x59: {  	v13 =	vsel vm2, $0x30, v13;
	v14 =	vsel vm3, $0x31, v14;
	vm2 =	vgt.f32 v6, v15;
	v19 =	vld [tilespmem:s22+$0x1C80]  }
0x5a: {  	v6 =	vmax.f32 v15, v6;
	vm3 =	vgt.f32 v8, v16;
	v8 =	vmax.f32 v16, v8;
	v15 =	vld [tilespmem:s22+$0x1F80]  }
0x5b: {  	v16 =	vsel vm1, $0x37, v17;
	vm1 =	vgt.f32 v9, v18;
	v9 =	vmax.f32 v18, v9;
	v17 =	vld [tilespmem:s22+$0x1F00]  }
0x5c: {  	v11 =	vsel vm0, $0x36, v11;
	vm0 =	vgt.f32 v10, v7;
	v7 =	vmax.f32 v7, v10;
	v10 =	vld [tilespmem:s22+$0x1E00]  }
0x5d: {  	v13 =	vsel vm2, $0x34, v13;
	v14 =	vsel vm3, $0x35, v14;
	vm2 =	vgt.f32 v12, v6;
	v18 =	vld [tilespmem:s22+$0x1E80]  }
0x5e: {  	v6 =	vmax.f32 v6, v12;
	vm3 =	vgt.f32 v19, v8;
	v8 =	vmax.f32 v8, v19;
	v12 =	vld [tilespmem:s22+$0x2180]  }
0x5f: {  	v16 =	vsel vm1, $0x3B, v16;
	vm1 =	vgt.f32 v15, v9;
	v9 =	vmax.f32 v9, v15;
	v15 =	vld [tilespmem:s22+$0x2100]  }
0x60: {  	v11 =	vsel vm0, $0x3A, v11;
	vm0 =	vgt.f32 v17, v7;
	v7 =	vmax.f32 v7, v17;
	v17 =	vld [tilespmem:s22+$0x2000]  }
0x61: {  	v13 =	vsel vm2, $0x38, v13;
	v14 =	vsel vm3, $0x39, v14;
	vm2 =	vgt.f32 v10, v6;
	v19 =	vld [tilespmem:s22+$0x2080]  }
0x62: {  	v6 =	vmax.f32 v6, v10;
	vm3 =	vgt.f32 v18, v8;
	v8 =	vmax.f32 v8, v18;
	v10 =	vld [tilespmem:s22+$0x2380]  }
0x63: {  	v16 =	vsel vm1, $0x3F, v16;
	vm1 =	vgt.f32 v12, v9;
	v9 =	vmax.f32 v9, v12;
	v12 =	vld [tilespmem:s22+$0x2300]  }
0x64: {  	v11 =	vsel vm0, $0x3E, v11;
	vm0 =	vgt.f32 v15, v7;
	v7 =	vmax.f32 v7, v15;
	v15 =	vld [tilespmem:s22+$0x2200]  }
0x65: {  	v13 =	vsel vm2, $0x3C, v13;
	v14 =	vsel vm3, $0x3D, v14;
	vm2 =	vgt.f32 v17, v6;
	v18 =	vld [tilespmem:s22+$0x2280]  }
0x66: {  	v6 =	vmax.f32 v6, v17;
	vm3 =	vgt.f32 v19, v8;
	v8 =	vmax.f32 v8, v19;
	v17 =	vld [tilespmem:s22+$0x2500]  }
0x67: {  	v16 =	vsel vm1, $0x43, v16;
	vm1 =	vgt.f32 v10, v9;
	v9 =	vmax.f32 v9, v10;
	v10 =	vld [tilespmem:s22+$0x2400]  }
0x68: {  	v11 =	vsel vm0, $0x42, v11;
	vm0 =	vgt.f32 v12, v7;
	v7 =	vmax.f32 v7, v12;
	v12 =	vld [tilespmem:s22+$0x2480]  }
0x69: {  	v13 =	vsel vm2, $0x40, v13;
	v14 =	vsel vm3, $0x41, v14;
	vm2 =	vgt.f32 v15, v6;
	v19 =	vld [tilespmem:s22+$0x2600]  }
0x6a: {  	v6 =	vmax.f32 v6, v15;
	vm3 =	vgt.f32 v18, v8;
	v8 =	vmax.f32 v8, v18;
	v15 =	vld [tilespmem:s22+$0x2680]  }
0x6b: {  	v16 =	vsel vm1, $0x47, v16;
	v11 =	vsel vm0, $0x46, v11;
	vm0 =	vgt.f32 v5, v9  }
0x6c: {  	v13 =	vsel vm2, $0x44, v13;
	v14 =	vsel vm3, $0x45, v14;
	vm1 =	vgt.f32 v17, v7  }
0x6d: {  	vm2 =	vgt.f32 v10, v6;
	v6 =	vmax.f32 v6, v10;
	vm3 =	vgt.f32 v12, v8;
	v10 =	vld [tilespmem:s22+$0x2700]  }
0x6e: {  	v13 =	vsel vm2, $0x48, v13;
	v8 =	vmax.f32 v8, v12;
	v12 =	vmax.f32 v6, v19  }
0x6f: {  	v14 =	vsel vm3, $0x49, v14;
	vm2 =	vgt.f32 v19, v6;
	vm3 =	vgt.f32 v15, v8  }
0x70: {  	s24 =	sshra.s32 s23, $0x2;
	v6 =	vsel vm2, $0x4C, v13;
	v8 =	vmax.f32 v8, v15;
	v13 =	vsel vm3, $0x4D, v14;
	v14 =	vld [tilespmem:s22+$0x2780]  }
0x71: {  	v7 =	vmax.f32 v7, v17;
	vm2 =	veq.f32 v8, v12;
	v15 =	vld [tilespmem:s24+$0x2580];
	vm3 =	vlt.u32 v13, v6  }
0x72: {  	vm4 =	vgt.f32 v8, v12;
	v17 =	vld [tilespmem:s24+$0x180];
	v18 =	vmax.f32 v7, v10;
	vm2 =	vmand vm2, vm3  }
0x73: {  	v11 =	vsel vm1, $0x4A, v11;
	vm1 =	vgt.f32 v10, v7;
	v19 =	vld [tilespmem:s24+$0x380];
	vm2 =	vmor vm4, vm2  }
0x74: {  	v10 =	vsel vm1, $0x4E, v11;
	v7 =	vld [tilespmem:s24+$0x100];
	v8 =	vsel vm2, v8, v12;
	v6 =	vsel vm2, v13, v6  }
0x75: {  	v9 =	vmax.f32 v9, v5;
	v11 =	vld [tilespmem:s24+$0x300];
	vm1 =	veq.f32 v18, v8;
	vm2 =	vlt.u32 v10, v6  }
0x76: {  	v13 =	vmax.f32 v9, v14;
	vm3 =	vgt.f32 v18, v8;
	v12 =	vld [tilespmem:s24+$0x0];
	vm1 =	vmand vm1, vm2;
	v5 =	vmovc v15  }
0x77: {  	v16 =	vsel vm0, $0x4B, v16;
	vm0 =	vgt.f32 v14, v9;
	v15 =	vld [tilespmem:s24+$0x200];
	vm1 =	vmor vm3, vm1  }
0x78: {  	v14 =	vsel vm0, $0x4F, v16;
	v9 =	vld [tilespmem:s24+$0x80];
	v8 =	vsel vm1, v18, v8;
	v6 =	vsel vm1, v10, v6  }
0x79: {  	v10 =	vld [tilespmem:s24+$0x280];
	vm0 =	veq.f32 v13, v8;
	vm1 =	vlt.u32 v14, v6  }
0x7a: {  	vm2 =	vgt.f32 v19, v17;
	vm3 =	vgt.f32 v13, v8;
	v16 =	vld [tilespmem:s24+$0x580];
	vm0 =	vmand vm0, vm1  }
0x7b: {  	v17 =	vmax.f32 v17, v19;
	vm1 =	vgt.f32 v11, v7;
	v18 =	vld [tilespmem:s24+$0x500];
	vm0 =	vmor vm3, vm0  }
0x7c: {  	v7 =	vmax.f32 v7, v11;
	vm3 =	vgt.f32 v15, v12;
	v11 =	vld [tilespmem:s24+$0x400];
	v8 =	vsel vm0, v13, v8  }
0x7d: {  	v12 =	vmax.f32 v12, v15;
	v6 =	vsel vm0, v14, v6;
	v13 =	vld [tilespmem:s24+$0x480];
	vm0 =	vlt.f32 v8, v4  }
0x7e: {  	vm4 =	vgt.f32 v10, v9;
	v8 =	vmax.f32 v9, v10;
	v9 =	vld [tilespmem:s24+$0x780];
	v6 =	vsel vm0, $0x0, v6  }
0x7f: {  	v10 =	vsel vm2, $0x7, v3;
	vm0 =	vgt.f32 v16, v17;
	v14 =	vmax.f32 v17, v16;
	v15 =	vld [tilespmem:s24+$0x700];
	[tilespmem:s22+$0x5000] =	vst v6;
	s22 =	smov.u32 s24  }
0x80: {  	v6 =	vsel vm1, $0x6, v2;
	vm1 =	vgt.f32 v18, v7;
	v7 =	vmax.f32 v7, v18;
	v16 =	vld [tilespmem:s22+$0x600]  }
0x81: {  	v17 =	vsel vm3, $0x4, v0;
	v18 =	vsel vm4, $0x5, v1;
	vm2 =	vgt.f32 v11, v12;
	v19 =	vld [tilespmem:s22+$0x680]  }
0x82: {  	v11 =	vmax.f32 v12, v11;
	vm3 =	vgt.f32 v13, v8;
	v8 =	vmax.f32 v8, v13;
	v12 =	vld [tilespmem:s22+$0x980]  }
0x83: {  	v10 =	vsel vm0, $0xB, v10;
	vm0 =	vgt.f32 v9, v14;
	v9 =	vmax.f32 v14, v9;
	v13 =	vld [tilespmem:s22+$0x900]  }
0x84: {  	v6 =	vsel vm1, $0xA, v6;
	vm1 =	vgt.f32 v15, v7;
	v7 =	vmax.f32 v7, v15;
	v14 =	vld [tilespmem:s22+$0x800]  }
0x85: {  	v15 =	vsel vm2, $0x8, v17;
	v17 =	vsel vm3, $0x9, v18;
	vm2 =	vgt.f32 v16, v11;
	v18 =	vld [tilespmem:s22+$0x880]  }
0x86: {  	v11 =	vmax.f32 v11, v16;
	vm3 =	vgt.f32 v19, v8;
	v8 =	vmax.f32 v8, v19;
	v16 =	vld [tilespmem:s22+$0xB80]  }
0x87: {  	v10 =	vsel vm0, $0xF, v10;
	vm0 =	vgt.f32 v12, v9;
	v9 =	vmax.f32 v9, v12;
	v12 =	vld [tilespmem:s22+$0xB00]  }
0x88: {  	v6 =	vsel vm1, $0xE, v6;
	vm1 =	vgt.f32 v13, v7;
	v7 =	vmax.f32 v7, v13;
	v13 =	vld [tilespmem:s22+$0xA00]  }
0x89: {  	v15 =	vsel vm2, $0xC, v15;
	v17 =	vsel vm3, $0xD, v17;
	vm2 =	vgt.f32 v14, v11;
	v19 =	vld [tilespmem:s22+$0xA80]  }
0x8a: {  	v11 =	vmax.f32 v11, v14;
	vm3 =	vgt.f32 v18, v8;
	v8 =	vmax.f32 v8, v18;
	v14 =	vld [tilespmem:s22+$0xD80]  }
0x8b: {  	v10 =	vsel vm0, $0x13, v10;
	vm0 =	vgt.f32 v16, v9;
	v9 =	vmax.f32 v9, v16;
	v16 =	vld [tilespmem:s22+$0xD00]  }
0x8c: {  	v6 =	vsel vm1, $0x12, v6;
	vm1 =	vgt.f32 v12, v7;
	v7 =	vmax.f32 v7, v12;
	v12 =	vld [tilespmem:s22+$0xC00]  }
0x8d: {  	v15 =	vsel vm2, $0x10, v15;
	v17 =	vsel vm3, $0x11, v17;
	vm2 =	vgt.f32 v13, v11;
	v18 =	vld [tilespmem:s22+$0xC80]  }
0x8e: {  	v11 =	vmax.f32 v11, v13;
	vm3 =	vgt.f32 v19, v8;
	v8 =	vmax.f32 v8, v19;
	v13 =	vld [tilespmem:s22+$0xF80]  }
0x8f: {  	v10 =	vsel vm0, $0x17, v10;
	vm0 =	vgt.f32 v14, v9;
	v9 =	vmax.f32 v9, v14;
	v14 =	vld [tilespmem:s22+$0xF00]  }
0x90: {  	v6 =	vsel vm1, $0x16, v6;
	vm1 =	vgt.f32 v16, v7;
	v7 =	vmax.f32 v7, v16;
	v16 =	vld [tilespmem:s22+$0xE00]  }
0x91: {  	v15 =	vsel vm2, $0x14, v15;
	v17 =	vsel vm3, $0x15, v17;
	vm2 =	vgt.f32 v12, v11;
	v19 =	vld [tilespmem:s22+$0xE80]  }
0x92: {  	v11 =	vmax.f32 v11, v12;
	vm3 =	vgt.f32 v18, v8;
	v8 =	vmax.f32 v8, v18;
	v12 =	vld [tilespmem:s22+$0x1180]  }
0x93: {  	v10 =	vsel vm0, $0x1B, v10;
	vm0 =	vgt.f32 v13, v9;
	v9 =	vmax.f32 v9, v13;
	v13 =	vld [tilespmem:s22+$0x1100]  }
0x94: {  	v6 =	vsel vm1, $0x1A, v6;
	vm1 =	vgt.f32 v14, v7;
	v7 =	vmax.f32 v7, v14;
	v14 =	vld [tilespmem:s22+$0x1000]  }
0x95: {  	v15 =	vsel vm2, $0x18, v15;
	v17 =	vsel vm3, $0x19, v17;
	vm2 =	vgt.f32 v16, v11;
	v18 =	vld [tilespmem:s22+$0x1080]  }
0x96: {  	v11 =	vmax.f32 v11, v16;
	vm3 =	vgt.f32 v19, v8;
	v8 =	vmax.f32 v8, v19;
	v16 =	vld [tilespmem:s22+$0x1380]  }
0x97: {  	v10 =	vsel vm0, $0x1F, v10;
	vm0 =	vgt.f32 v12, v9;
	v9 =	vmax.f32 v9, v12;
	v12 =	vld [tilespmem:s22+$0x1300]  }
0x98: {  	v6 =	vsel vm1, $0x1E, v6;
	vm1 =	vgt.f32 v13, v7;
	v7 =	vmax.f32 v7, v13;
	v13 =	vld [tilespmem:s22+$0x1200]  }
0x99: {  	v15 =	vsel vm2, $0x1C, v15;
	v17 =	vsel vm3, $0x1D, v17;
	vm2 =	vgt.f32 v14, v11;
	v19 =	vld [tilespmem:s22+$0x1280]  }
0x9a: {  	v11 =	vmax.f32 v11, v14;
	vm3 =	vgt.f32 v18, v8;
	v8 =	vmax.f32 v8, v18;
	v14 =	vld [tilespmem:s22+$0x1580]  }
0x9b: {  	v10 =	vsel vm0, $0x23, v10;
	vm0 =	vgt.f32 v16, v9;
	v9 =	vmax.f32 v9, v16;
	v16 =	vld [tilespmem:s22+$0x1500]  }
0x9c: {  	v6 =	vsel vm1, $0x22, v6;
	vm1 =	vgt.f32 v12, v7;
	v7 =	vmax.f32 v7, v12;
	v12 =	vld [tilespmem:s22+$0x1400]  }
0x9d: {  	v15 =	vsel vm2, $0x20, v15;
	v17 =	vsel vm3, $0x21, v17;
	vm2 =	vgt.f32 v13, v11;
	v18 =	vld [tilespmem:s22+$0x1480]  }
0x9e: {  	v11 =	vmax.f32 v11, v13;
	vm3 =	vgt.f32 v19, v8;
	v8 =	vmax.f32 v8, v19;
	v13 =	vld [tilespmem:s22+$0x1780]  }
0x9f: {  	v10 =	vsel vm0, $0x27, v10;
	vm0 =	vgt.f32 v14, v9;
	v9 =	vmax.f32 v9, v14;
	v14 =	vld [tilespmem:s22+$0x1700]  }
0xa0: {  	v6 =	vsel vm1, $0x26, v6;
	vm1 =	vgt.f32 v16, v7;
	v7 =	vmax.f32 v7, v16;
	v16 =	vld [tilespmem:s22+$0x1600]  }
0xa1: {  	v15 =	vsel vm2, $0x24, v15;
	v17 =	vsel vm3, $0x25, v17;
	vm2 =	vgt.f32 v12, v11;
	v19 =	vld [tilespmem:s22+$0x1680]  }
0xa2: {  	v11 =	vmax.f32 v11, v12;
	vm3 =	vgt.f32 v18, v8;
	v8 =	vmax.f32 v8, v18;
	v12 =	vld [tilespmem:s22+$0x1980]  }
0xa3: {  	v10 =	vsel vm0, $0x2B, v10;
	vm0 =	vgt.f32 v13, v9;
	v9 =	vmax.f32 v9, v13;
	v13 =	vld [tilespmem:s22+$0x1900]  }
0xa4: {  	v6 =	vsel vm1, $0x2A, v6;
	vm1 =	vgt.f32 v14, v7;
	v14 =	vmax.f32 v7, v14;
	v18 =	vld [tilespmem:s22+$0x1800]  }
0xa5: {  	v15 =	vsel vm2, $0x28, v15;
	v17 =	vsel vm3, $0x29, v17;
	vm2 =	vgt.f32 v16, v11;
	v20 =	vld [tilespmem:s22+$0x1880]  }
0xa6: {  	v16 =	vmax.f32 v11, v16;
	vm3 =	vgt.f32 v19, v8;
	v19 =	vmax.f32 v8, v19;
	v21 =	vld [tilespmem:s22+$0x1B80]  }
.Ltmp0:
0xa7: {  	v10 =	vsel vm0, $0x2F, v10;
	vm4 =	vgt.f32 v12, v9;
	v22 =	vmax.f32 v9, v12;
	v7 =	vld [tilespmem:s22+$0x1B00];
	(pc) =	sbr.rel @p1 .LBB2_3-.Ltmp0, $4  }
0xa8: {  	v11 =	vsel vm1, $0x2E, v6;
	vm0 =	vgt.f32 v13, v14;
	v12 =	vmax.f32 v14, v13;
	v6 =	vld [tilespmem:s22+$0x1A00]  }
0xa9: {  	v13 =	vsel vm2, $0x2C, v15;
	v14 =	vsel vm3, $0x2D, v17;
	vm2 =	vgt.f32 v18, v16;
	v8 =	vld [tilespmem:s22+$0x1A80]  }
0xaa: {  	v15 =	vmax.f32 v16, v18;
	vm3 =	vgt.f32 v20, v19;
	v16 =	vmax.f32 v19, v20;
	v9 =	vld [tilespmem:s22+$0x1D80]  }
0xab: {  	s23 =	sadd.s32 $0x40, s23;
	v17 =	vsel vm4, $0x33, v10;
	vm1 =	vgt.f32 v21, v22;
	v18 =	vmax.f32 v22, v21;
	v10 =	vld [tilespmem:s22+$0x1D00]  }
0xac: {  	v11 =	vsel vm0, $0x32, v11;
	vm13 =	vgt.f32 v7, v12;
	v7 =	vmax.f32 v12, v7;
	v37 =	vld [tilespmem:s22+$0x1C00]  }
0xad: {  	v13 =	vsel vm2, $0x30, v13;
	v14 =	vsel vm3, $0x31, v14;
	v19 =	vld [tilespmem:s22+$0x1C80];
	v40 =	vsel vm1, $0x37, v17  }
0xae: {  	v39 =	vld [tilespmem:s22+$0x1F80];
	vm14 =	vgt.f32 v6, v15;
	v6 =	vmax.f32 v15, v6;
	v11 =	vsel vm13, $0x36, v11  }
0xaf: {  	v42 =	vld [tilespmem:s22+$0x1F00];
	vm15 =	vgt.f32 v8, v16;
	v38 =	vmax.f32 v16, v8;
	v13 =	vsel vm14, $0x34, v13  }
0xb0: {  	v43 =	vld [tilespmem:s22+$0x1E00];
	vm6 =	vgt.f32 v9, v18;
	v41 =	vmax.f32 v18, v9;
	v14 =	vsel vm15, $0x35, v14  }
0xb1: {  	v44 =	vld [tilespmem:s22+$0x1E80];
	vm7 =	vgt.f32 v10, v7;
	v7 =	vmax.f32 v7, v10;
	v16 =	vsel vm6, $0x3B, v40  }
0xb2: {  	v45 =	vld [tilespmem:s22+$0x2180];
	vm8 =	vgt.f32 v37, v6;
	v6 =	vmax.f32 v6, v37;
	vm9 =	vgt.f32 v19, v38  }
0xb3: {  	v46 =	vld [tilespmem:s22+$0x2100];
	v8 =	vmax.f32 v38, v19;
	vm10 =	vgt.f32 v39, v41;
	v9 =	vmax.f32 v41, v39  }
0xb4: {  	v47 =	vld [tilespmem:s22+$0x2000];
	v11 =	vsel vm7, $0x3A, v11;
	vm11 =	vgt.f32 v42, v7;
	v7 =	vmax.f32 v7, v42  }
0xb5: {  	v48 =	vld [tilespmem:s22+$0x2080];
	v13 =	vsel vm8, $0x38, v13;
	v14 =	vsel vm9, $0x39, v14;
	vm12 =	vgt.f32 v43, v6  }
0xb6: {  	v49 =	vld [tilespmem:s22+$0x2380];
	v6 =	vmax.f32 v6, v43;
	vm13 =	vgt.f32 v44, v8;
	v8 =	vmax.f32 v8, v44  }
0xb7: {  	v50 =	vld [tilespmem:s22+$0x2300];
	v16 =	vsel vm10, $0x3F, v16;
	vm14 =	vgt.f32 v45, v9;
	v9 =	vmax.f32 v9, v45  }
0xb8: {  	v51 =	vld [tilespmem:s22+$0x2200];
	v11 =	vsel vm11, $0x3E, v11;
	vm15 =	vgt.f32 v46, v7;
	v7 =	vmax.f32 v7, v46  }
0xb9: {  	v52 =	vld [tilespmem:s22+$0x2280];
	v13 =	vsel vm12, $0x3C, v13;
	v14 =	vsel vm13, $0x3D, v14;
	vm6 =	vgt.f32 v47, v6  }
0xba: {  	v53 =	vld [tilespmem:s22+$0x2500];
	v6 =	vmax.f32 v6, v47;
	vm7 =	vgt.f32 v48, v8;
	v8 =	vmax.f32 v8, v48  }
0xbb: {  	v54 =	vld [tilespmem:s22+$0x2400];
	v16 =	vsel vm14, $0x43, v16;
	vm8 =	vgt.f32 v49, v9;
	v9 =	vmax.f32 v9, v49  }
0xbc: {  	v55 =	vld [tilespmem:s22+$0x2480];
	v11 =	vsel vm15, $0x42, v11;
	vm9 =	vgt.f32 v50, v7;
	v7 =	vmax.f32 v7, v50  }
0xbd: {  	v56 =	vld [tilespmem:s22+$0x2600];
	v13 =	vsel vm6, $0x40, v13;
	v14 =	vsel vm7, $0x41, v14;
	vm10 =	vgt.f32 v51, v6  }
0xbe: {  	v57 =	vld [tilespmem:s22+$0x2680];
	v6 =	vmax.f32 v6, v51;
	vm11 =	vgt.f32 v52, v8;
	v8 =	vmax.f32 v8, v52  }
0xbf: {  	v11 =	vsel vm9, $0x46, v11;
	v16 =	vsel vm8, $0x47, v16;
	vm12 =	vgt.f32 v5, v9  }
0xc0: {  	vm13 =	vgt.f32 v53, v7;
	v13 =	vsel vm10, $0x44, v13;
	v14 =	vsel vm11, $0x45, v14  }
0xc1: {  	v58 =	vld [tilespmem:s22+$0x2700];
	vm14 =	vgt.f32 v54, v6;
	v6 =	vmax.f32 v6, v54;
	vm15 =	vgt.f32 v55, v8  }
0xc2: {  	v8 =	vmax.f32 v8, v55;
	v13 =	vsel vm14, $0x48, v13;
	v59 =	vmax.f32 v6, v56  }
0xc3: {  	v14 =	vsel vm15, $0x49, v14;
	vm6 =	vgt.f32 v56, v6;
	vm7 =	vgt.f32 v57, v8  }
0xc4: {  	v8 =	vmax.f32 v8, v57;
	v6 =	vsel vm6, $0x4C, v13;
	v60 =	vsel vm7, $0x4D, v14  }
0xc5: {  	v61 =	vld [tilespmem:s22+$0x2780];
	v7 =	vmax.f32 v7, v53;
	vm8 =	veq.f32 v8, v59;
	vm3 =	vlt.u32 v60, v6  }
0xc6: {  	v62 =	vmax.f32 v7, v58;
	vm4 =	vgt.f32 v8, v59;
	vm2 =	vmand vm8, vm3  }
0xc7: {  	v11 =	vsel vm13, $0x4A, v11;
	vm9 =	vgt.f32 v58, v7;
	vm2 =	vmor vm4, vm2  }
0xc8: {  	v7 =	vsel vm9, $0x4E, v11;
	v8 =	vsel vm2, v8, v59;
	v6 =	vsel vm2, v60, v6  }
0xc9: {  	v5 =	vmax.f32 v9, v5;
	vm10 =	veq.f32 v62, v8;
	vm2 =	vlt.u32 v7, v6  }
0xca: {  	v9 =	vmax.f32 v5, v61;
	vm11 =	vgt.f32 v62, v8;
	vm1 =	vmand vm10, vm2  }
0xcb: {  	v63 =	vsel vm12, $0x4B, v16;
	vm12 =	vgt.f32 v61, v5;
	vm1 =	vmor vm11, vm1  }
0xcc: {  	v5 =	vsel vm12, $0x4F, v63;
	v8 =	vsel vm1, v62, v8;
	v6 =	vsel vm1, v7, v6  }
0xcd: {  	vm13 =	veq.f32 v9, v8;
	vm1 =	vlt.u32 v5, v6  }
0xce: {  	vm14 =	vgt.f32 v9, v8;
	vm0 =	vmand vm13, vm1  }
0xcf: {  	p1 =	sne.s32 s20, $0x17;
	vm0 =	vmor vm14, vm0  }
.Ltmp1:
0xd0: {  	v7 =	vsel vm0, v9, v8;
	(pc) =	sbr.rel @p1 .LBB2_6-.Ltmp1, $4  }
0xd1: {  	v5 =	vsel vm0, v5, v6;
	vm15 =	vlt.f32 v7, v4  }
0xd2: {  	s23 =	sshll.u32 s20, $0xA;
	v5 =	vsel vm15, $0x0, v5  }
0xd3: {  	s31 =	sadd.s32 s23, s5;
	[tilespmem:s22+$0x5000] =	vst v5  }
0xd4: {  	[hbm4b:s31+s2] =	stream.linear.scatter [tilespmem:s14], [sflag:$0x3], $0x80, $0x38;
	[tilespmem:$0x5180] =	vst v63  }
.Ltmp2:
0xd5: {  	(pc) =	sbr.rel .LBB2_7-.Ltmp2, $4  }
0xd6: {  	_ = 	snop  }
0xd7: {  	_ =	swait.ge [sflag:s15], $0x2800  }
0xd8: {  	[sflag:s15] =	ssyncset.done $0x0  }
0xd9: {  	[sflag:s15] =	ssyncadd.s32 $0xFFFFD800  }
.LBB2_6:
0xda: {  	s22 =	sshll.u32 s20, $0xD  }
.Ltmp3:
0xdb: {  	s22 =	sadd.s32 s22, s6;
	(pc) =	sbr.rel @p0 .LBB2_8-.Ltmp3, $4  }
0xdc: {  	[tilespmem:s2], [sflag:$0x1] =	stream.strided.gather [hbm4b:s22+s10], $0x2800, s11, s10, $0x38;
	[tilespmem:$0x5180] =	vst v63  }
0xdd: {  	_ =	swait.ge [sflag:s15], $0x2800  }
0xde: {  	[sflag:s15] =	ssyncset.done $0x0  }
0xdf: {  	[sflag:s15] =	ssyncadd.s32 $0xFFFFD800  }
.LBB2_7:
0xe0: {  	_ =	swait.ge [sflag:s16], $0x80  }
0xe1: {  	[sflag:s16] =	ssyncset.done $0x0  }
0xe2: {  	[sflag:s16] =	ssyncadd.s32 $0xFFFFFF80  }
.LBB2_8:
0xe3: {  	s22 =	simm.s32 $0x0  }
0xe4: {  	v5 =	vld [tilespmem:s22+$0x4D80]  }
0xe5: {  	v6 =	vld [tilespmem:s22+$0x2980]  }
0xe6: {  	v7 =	vld [tilespmem:s22+$0x2B80]  }
0xe7: {  	v8 =	vld [tilespmem:s22+$0x2900]  }
0xe8: {  	v9 =	vld [tilespmem:s22+$0x2B00]  }
0xe9: {  	v10 =	vld [tilespmem:s22+$0x2800]  }
0xea: {  	v11 =	vld [tilespmem:s22+$0x2A00]  }
0xeb: {  	v12 =	vld [tilespmem:s22+$0x2880]  }
0xec: {  	v13 =	vld [tilespmem:s22+$0x2A80]  }
0xed: {  	v14 =	vld [tilespmem:s22+$0x2D80]  }
0xee: {  	v15 =	vld [tilespmem:s22+$0x2D00]  }
0xef: {  	v16 =	vld [tilespmem:s22+$0x2C00];
	vm0 =	vgt.f32 v7, v6;
	vm1 =	vgt.f32 v9, v8  }
0xf0: {  	v6 =	vmax.f32 v6, v7;
	vm2 =	vgt.f32 v11, v10;
	v7 =	vmax.f32 v8, v9;
	v8 =	vld [tilespmem:s22+$0x2C80]  }
0xf1: {  	v9 =	vmax.f32 v10, v11;
	vm3 =	vgt.f32 v13, v12;
	v10 =	vmax.f32 v12, v13;
	v11 =	vld [tilespmem:s22+$0x2F80]  }
0xf2: {  	v13 =	vld [tilespmem:s22+$0x2F00];
	v12 =	vsel vm0, $0x7, v3;
	vm0 =	vgt.f32 v14, v6;
	v6 =	vmax.f32 v6, v14  }
0xf3: {  	v14 =	vsel vm1, $0x6, v2;
	vm1 =	vgt.f32 v15, v7;
	v7 =	vmax.f32 v7, v15;
	v15 =	vld [tilespmem:s22+$0x2E00]  }
0xf4: {  	v19 =	vld [tilespmem:s22+$0x2E80];
	v17 =	vsel vm2, $0x4, v0;
	v18 =	vsel vm3, $0x5, v1;
	vm2 =	vgt.f32 v16, v9  }
0xf5: {  	v9 =	vmax.f32 v9, v16;
	vm3 =	vgt.f32 v8, v10;
	v8 =	vmax.f32 v10, v8;
	v10 =	vld [tilespmem:s22+$0x3180]  }
0xf6: {  	v12 =	vsel vm0, $0xB, v12;
	vm0 =	vgt.f32 v11, v6;
	v6 =	vmax.f32 v6, v11;
	v11 =	vld [tilespmem:s22+$0x3100]  }
0xf7: {  	v14 =	vsel vm1, $0xA, v14;
	vm1 =	vgt.f32 v13, v7;
	v7 =	vmax.f32 v7, v13;
	v13 =	vld [tilespmem:s22+$0x3000]  }
0xf8: {  	v16 =	vsel vm2, $0x8, v17;
	v17 =	vsel vm3, $0x9, v18;
	vm2 =	vgt.f32 v15, v9;
	v18 =	vld [tilespmem:s22+$0x3080]  }
0xf9: {  	v9 =	vmax.f32 v9, v15;
	vm3 =	vgt.f32 v19, v8;
	v8 =	vmax.f32 v8, v19;
	v15 =	vld [tilespmem:s22+$0x3380]  }
0xfa: {  	v12 =	vsel vm0, $0xF, v12;
	v14 =	vsel vm1, $0xE, v14;
	v19 =	vld [tilespmem:s22+$0x3280];
	v16 =	vsel vm2, $0xC, v16  }
0xfb: {  	v17 =	vsel vm3, $0xD, v17;
	vm0 =	vgt.f32 v10, v6;
	v6 =	vmax.f32 v6, v10;
	v10 =	vld [tilespmem:s22+$0x3300]  }
0xfc: {  	vm1 =	vgt.f32 v11, v7;
	v7 =	vmax.f32 v7, v11;
	v11 =	vld [tilespmem:s22+$0x3200];
	vm2 =	vgt.f32 v13, v9  }
0xfd: {  	v9 =	vmax.f32 v9, v13;
	v13 =	vld [tilespmem:s22+$0x3580];
	vm3 =	vgt.f32 v18, v8;
	v8 =	vmax.f32 v8, v18  }
0xfe: {  	v12 =	vsel vm0, $0x13, v12;
	vm0 =	vgt.f32 v15, v6;
	v6 =	vmax.f32 v6, v15;
	v15 =	vld [tilespmem:s22+$0x3500]  }
0xff: {  	v14 =	vsel vm1, $0x12, v14;
	v16 =	vsel vm2, $0x10, v16;
	v18 =	vld [tilespmem:s22+$0x3480];
	v17 =	vsel vm3, $0x11, v17  }
0x100: {  	vm3 =	vgt.f32 v19, v8;
	v8 =	vmax.f32 v8, v19;
	v12 =	vsel vm0, $0x17, v12;
	v19 =	vld [tilespmem:s22+$0x3680]  }
0x101: {  	v17 =	vsel vm3, $0x15, v17;
	vm1 =	vgt.f32 v10, v7;
	v7 =	vmax.f32 v7, v10;
	v10 =	vld [tilespmem:s22+$0x3400]  }
0x102: {  	vm2 =	vgt.f32 v11, v9;
	v9 =	vmax.f32 v9, v11;
	v11 =	vld [tilespmem:s22+$0x3780];
	vm0 =	vgt.f32 v13, v6  }
0x103: {  	v6 =	vmax.f32 v6, v13;
	v13 =	vld [tilespmem:s22+$0x3700];
	v14 =	vsel vm1, $0x16, v14;
	vm1 =	vgt.f32 v15, v7  }
0x104: {  	v7 =	vmax.f32 v7, v15;
	v15 =	vld [tilespmem:s22+$0x3600];
	v16 =	vsel vm2, $0x14, v16;
	vm3 =	vgt.f32 v18, v8  }
0x105: {  	v8 =	vmax.f32 v8, v18;
	v12 =	vsel vm0, $0x1B, v12;
	v18 =	vld [tilespmem:s22+$0x3880];
	v14 =	vsel vm1, $0x1A, v14  }
0x106: {  	v17 =	vsel vm3, $0x19, v17;
	vm2 =	vgt.f32 v10, v9;
	v9 =	vmax.f32 v9, v10;
	v10 =	vld [tilespmem:s22+$0x3980]  }
0x107: {  	vm3 =	vgt.f32 v19, v8;
	vm0 =	vgt.f32 v11, v6;
	v6 =	vmax.f32 v6, v11;
	v11 =	vld [tilespmem:s22+$0x3900]  }
0x108: {  	v8 =	vmax.f32 v8, v19;
	vm1 =	vgt.f32 v13, v7;
	v7 =	vmax.f32 v7, v13;
	v13 =	vld [tilespmem:s22+$0x3800]  }
0x109: {  	v16 =	vsel vm2, $0x18, v16;
	vm2 =	vgt.f32 v15, v9;
	v9 =	vmax.f32 v9, v15;
	v15 =	vld [tilespmem:s22+$0x3B80]  }
0x10a: {  	v19 =	vld [tilespmem:s22+$0x3A80];
	v17 =	vsel vm3, $0x1D, v17;
	v12 =	vsel vm0, $0x1F, v12;
	v14 =	vsel vm1, $0x1E, v14  }
0x10b: {  	vm3 =	vgt.f32 v18, v8;
	vm0 =	vgt.f32 v10, v6;
	v6 =	vmax.f32 v6, v10;
	v10 =	vld [tilespmem:s22+$0x3B00]  }
0x10c: {  	v8 =	vmax.f32 v8, v18;
	vm1 =	vgt.f32 v11, v7;
	v7 =	vmax.f32 v7, v11;
	v11 =	vld [tilespmem:s22+$0x3A00]  }
0x10d: {  	v16 =	vsel vm2, $0x1C, v16;
	vm2 =	vgt.f32 v13, v9;
	v9 =	vmax.f32 v9, v13;
	v13 =	vld [tilespmem:s22+$0x3D80]  }
0x10e: {  	v12 =	vsel vm0, $0x23, v12;
	vm0 =	vgt.f32 v15, v6;
	v6 =	vmax.f32 v6, v15;
	v15 =	vld [tilespmem:s22+$0x3D00]  }
0x10f: {  	v18 =	vld [tilespmem:s22+$0x3C80];
	v17 =	vsel vm3, $0x21, v17;
	vm3 =	vgt.f32 v19, v8;
	v8 =	vmax.f32 v8, v19  }
0x110: {  	v14 =	vsel vm1, $0x22, v14;
	vm1 =	vgt.f32 v10, v7;
	v7 =	vmax.f32 v7, v10;
	v10 =	vld [tilespmem:s22+$0x3C00]  }
0x111: {  	v16 =	vsel vm2, $0x20, v16;
	vm2 =	vgt.f32 v11, v9;
	v9 =	vmax.f32 v9, v11;
	v11 =	vld [tilespmem:s22+$0x3F80]  }
0x112: {  	v12 =	vsel vm0, $0x27, v12;
	vm0 =	vgt.f32 v13, v6;
	v6 =	vmax.f32 v6, v13;
	v13 =	vld [tilespmem:s22+$0x3F00]  }
0x113: {  	v14 =	vsel vm1, $0x26, v14;
	vm1 =	vgt.f32 v15, v7;
	v7 =	vmax.f32 v7, v15;
	v15 =	vld [tilespmem:s22+$0x3E00]  }
0x114: {  	v19 =	vld [tilespmem:s22+$0x3E80];
	v17 =	vsel vm3, $0x25, v17;
	vm3 =	vgt.f32 v18, v8;
	v8 =	vmax.f32 v8, v18  }
0x115: {  	v18 =	vld [tilespmem:s22+$0x4100];
	v16 =	vsel vm2, $0x24, v16;
	v12 =	vsel vm0, $0x2B, v12;
	vm2 =	vgt.f32 v10, v9  }
0x116: {  	v9 =	vmax.f32 v9, v10;
	v10 =	vld [tilespmem:s22+$0x4180];
	vm0 =	vgt.f32 v11, v6;
	v6 =	vmax.f32 v6, v11  }
0x117: {  	v20 =	vld [tilespmem:s22+$0x4000];
	v11 =	vsel vm1, $0x2A, v14;
	vm1 =	vgt.f32 v13, v7;
	v13 =	vmax.f32 v7, v13  }
0x118: {  	v14 =	vsel vm2, $0x28, v16;
	v16 =	vsel vm3, $0x29, v17;
	vm2 =	vgt.f32 v15, v9;
	v17 =	vld [tilespmem:s22+$0x4080]  }
0x119: {  	v21 =	vld [tilespmem:s22+$0x4380];
	v9 =	vmax.f32 v9, v15;
	vm3 =	vgt.f32 v19, v8;
	v19 =	vmax.f32 v8, v19  }
0x11a: {  	v7 =	vld [tilespmem:s22+$0x4300];
	v22 =	vsel vm0, $0x2F, v12;
	v11 =	vsel vm1, $0x2E, v11;
	vm0 =	vgt.f32 v18, v13  }
0x11b: {  	v12 =	vmax.f32 v13, v18;
	vm4 =	vgt.f32 v10, v6;
	v10 =	vmax.f32 v6, v10;
	v6 =	vld [tilespmem:s22+$0x4200]  }
0x11c: {  	v8 =	vld [tilespmem:s22+$0x4280];
	v13 =	vsel vm2, $0x2C, v14;
	v14 =	vsel vm3, $0x2D, v16;
	vm2 =	vgt.f32 v20, v9  }
0x11d: {  	v15 =	vmax.f32 v9, v20;
	v9 =	vld [tilespmem:s22+$0x4580];
	vm3 =	vgt.f32 v17, v19;
	v16 =	vmax.f32 v19, v17  }
0x11e: {  	s23 =	simm.s32 $0x40;
	v17 =	vsel vm4, $0x33, v22;
	vm1 =	vgt.f32 v21, v10;
	v18 =	vmax.f32 v10, v21;
	v10 =	vld [tilespmem:s22+$0x4500]  }
.LBB2_9:
0x11f: {  	p0 =	sne.s32 s23, $0x1C0;
	v11 =	vsel vm0, $0x32, v11;
	vm0 =	vgt.f32 v7, v12;
	v7 =	vmax.f32 v12, v7;
	v12 =	vld [tilespmem:s22+$0x4400]  }
0x120: {  	v13 =	vsel vm2, $0x30, v13;
	v14 =	vsel vm3, $0x31, v14;
	vm2 =	vgt.f32 v6, v15;
	v19 =	vld [tilespmem:s22+$0x4480]  }
0x121: {  	v6 =	vmax.f32 v15, v6;
	vm3 =	vgt.f32 v8, v16;
	v8 =	vmax.f32 v16, v8;
	v15 =	vld [tilespmem:s22+$0x4780]  }
0x122: {  	v16 =	vsel vm1, $0x37, v17;
	vm1 =	vgt.f32 v9, v18;
	v9 =	vmax.f32 v18, v9;
	v17 =	vld [tilespmem:s22+$0x4700]  }
0x123: {  	v11 =	vsel vm0, $0x36, v11;
	vm0 =	vgt.f32 v10, v7;
	v7 =	vmax.f32 v7, v10;
	v10 =	vld [tilespmem:s22+$0x4600]  }
0x124: {  	v13 =	vsel vm2, $0x34, v13;
	v14 =	vsel vm3, $0x35, v14;
	vm2 =	vgt.f32 v12, v6;
	v18 =	vld [tilespmem:s22+$0x4680]  }
0x125: {  	v6 =	vmax.f32 v6, v12;
	vm3 =	vgt.f32 v19, v8;
	v8 =	vmax.f32 v8, v19;
	v12 =	vld [tilespmem:s22+$0x4980]  }
0x126: {  	v16 =	vsel vm1, $0x3B, v16;
	vm1 =	vgt.f32 v15, v9;
	v9 =	vmax.f32 v9, v15;
	v15 =	vld [tilespmem:s22+$0x4900]  }
0x127: {  	v11 =	vsel vm0, $0x3A, v11;
	vm0 =	vgt.f32 v17, v7;
	v7 =	vmax.f32 v7, v17;
	v17 =	vld [tilespmem:s22+$0x4800]  }
0x128: {  	v13 =	vsel vm2, $0x38, v13;
	v14 =	vsel vm3, $0x39, v14;
	vm2 =	vgt.f32 v10, v6;
	v19 =	vld [tilespmem:s22+$0x4880]  }
0x129: {  	v6 =	vmax.f32 v6, v10;
	vm3 =	vgt.f32 v18, v8;
	v8 =	vmax.f32 v8, v18;
	v10 =	vld [tilespmem:s22+$0x4B80]  }
0x12a: {  	v16 =	vsel vm1, $0x3F, v16;
	vm1 =	vgt.f32 v12, v9;
	v9 =	vmax.f32 v9, v12;
	v12 =	vld [tilespmem:s22+$0x4B00]  }
0x12b: {  	v11 =	vsel vm0, $0x3E, v11;
	vm0 =	vgt.f32 v15, v7;
	v7 =	vmax.f32 v7, v15;
	v15 =	vld [tilespmem:s22+$0x4A00]  }
0x12c: {  	v13 =	vsel vm2, $0x3C, v13;
	v14 =	vsel vm3, $0x3D, v14;
	vm2 =	vgt.f32 v17, v6;
	v18 =	vld [tilespmem:s22+$0x4A80]  }
0x12d: {  	v6 =	vmax.f32 v6, v17;
	vm3 =	vgt.f32 v19, v8;
	v8 =	vmax.f32 v8, v19;
	v17 =	vld [tilespmem:s22+$0x4D00]  }
0x12e: {  	v16 =	vsel vm1, $0x43, v16;
	vm1 =	vgt.f32 v10, v9;
	v9 =	vmax.f32 v9, v10;
	v10 =	vld [tilespmem:s22+$0x4C00]  }
0x12f: {  	v11 =	vsel vm0, $0x42, v11;
	vm0 =	vgt.f32 v12, v7;
	v7 =	vmax.f32 v7, v12;
	v12 =	vld [tilespmem:s22+$0x4C80]  }
0x130: {  	v13 =	vsel vm2, $0x40, v13;
	v14 =	vsel vm3, $0x41, v14;
	vm2 =	vgt.f32 v15, v6;
	v19 =	vld [tilespmem:s22+$0x4E00]  }
0x131: {  	v6 =	vmax.f32 v6, v15;
	vm3 =	vgt.f32 v18, v8;
	v8 =	vmax.f32 v8, v18;
	v15 =	vld [tilespmem:s22+$0x4E80]  }
0x132: {  	v16 =	vsel vm1, $0x47, v16;
	v11 =	vsel vm0, $0x46, v11;
	vm0 =	vgt.f32 v5, v9  }
0x133: {  	v13 =	vsel vm2, $0x44, v13;
	v14 =	vsel vm3, $0x45, v14;
	vm1 =	vgt.f32 v17, v7  }
0x134: {  	vm2 =	vgt.f32 v10, v6;
	v6 =	vmax.f32 v6, v10;
	vm3 =	vgt.f32 v12, v8;
	v10 =	vld [tilespmem:s22+$0x4F00]  }
0x135: {  	v13 =	vsel vm2, $0x48, v13;
	v8 =	vmax.f32 v8, v12;
	v12 =	vmax.f32 v6, v19  }
0x136: {  	v14 =	vsel vm3, $0x49, v14;
	vm2 =	vgt.f32 v19, v6;
	vm3 =	vgt.f32 v15, v8  }
0x137: {  	s24 =	sshra.s32 s23, $0x2;
	v6 =	vsel vm2, $0x4C, v13;
	v8 =	vmax.f32 v8, v15;
	v13 =	vsel vm3, $0x4D, v14;
	v14 =	vld [tilespmem:s22+$0x4F80]  }
0x138: {  	v7 =	vmax.f32 v7, v17;
	vm2 =	veq.f32 v8, v12;
	v15 =	vld [tilespmem:s24+$0x4D80];
	vm3 =	vlt.u32 v13, v6  }
0x139: {  	vm4 =	vgt.f32 v8, v12;
	v17 =	vld [tilespmem:s24+$0x2980];
	v18 =	vmax.f32 v7, v10;
	vm2 =	vmand vm2, vm3  }
0x13a: {  	v11 =	vsel vm1, $0x4A, v11;
	vm1 =	vgt.f32 v10, v7;
	v19 =	vld [tilespmem:s24+$0x2B80];
	vm2 =	vmor vm4, vm2  }
0x13b: {  	v10 =	vsel vm1, $0x4E, v11;
	v7 =	vld [tilespmem:s24+$0x2900];
	v8 =	vsel vm2, v8, v12;
	v6 =	vsel vm2, v13, v6  }
0x13c: {  	v9 =	vmax.f32 v9, v5;
	v11 =	vld [tilespmem:s24+$0x2B00];
	vm1 =	veq.f32 v18, v8;
	vm2 =	vlt.u32 v10, v6  }
0x13d: {  	v13 =	vmax.f32 v9, v14;
	vm3 =	vgt.f32 v18, v8;
	v12 =	vld [tilespmem:s24+$0x2800];
	vm1 =	vmand vm1, vm2;
	v5 =	vmovc v15  }
0x13e: {  	v16 =	vsel vm0, $0x4B, v16;
	vm0 =	vgt.f32 v14, v9;
	v15 =	vld [tilespmem:s24+$0x2A00];
	vm1 =	vmor vm3, vm1  }
0x13f: {  	v14 =	vsel vm0, $0x4F, v16;
	v9 =	vld [tilespmem:s24+$0x2880];
	v8 =	vsel vm1, v18, v8;
	v6 =	vsel vm1, v10, v6  }
0x140: {  	v10 =	vld [tilespmem:s24+$0x2A80];
	vm0 =	veq.f32 v13, v8;
	vm1 =	vlt.u32 v14, v6  }
0x141: {  	vm2 =	vgt.f32 v19, v17;
	vm3 =	vgt.f32 v13, v8;
	v16 =	vld [tilespmem:s24+$0x2D80];
	vm0 =	vmand vm0, vm1  }
0x142: {  	v17 =	vmax.f32 v17, v19;
	vm1 =	vgt.f32 v11, v7;
	v18 =	vld [tilespmem:s24+$0x2D00];
	vm0 =	vmor vm3, vm0  }
0x143: {  	v7 =	vmax.f32 v7, v11;
	vm3 =	vgt.f32 v15, v12;
	v11 =	vld [tilespmem:s24+$0x2C00];
	v8 =	vsel vm0, v13, v8  }
0x144: {  	v12 =	vmax.f32 v12, v15;
	v6 =	vsel vm0, v14, v6;
	v13 =	vld [tilespmem:s24+$0x2C80];
	vm0 =	vlt.f32 v8, v4  }
0x145: {  	vm4 =	vgt.f32 v10, v9;
	v8 =	vmax.f32 v9, v10;
	v9 =	vld [tilespmem:s24+$0x2F80];
	v6 =	vsel vm0, $0x0, v6  }
0x146: {  	v10 =	vsel vm2, $0x7, v3;
	vm0 =	vgt.f32 v16, v17;
	v14 =	vmax.f32 v17, v16;
	v15 =	vld [tilespmem:s24+$0x2F00];
	[tilespmem:s22+$0x5080] =	vst v6;
	s22 =	smov.u32 s24  }
0x147: {  	v6 =	vsel vm1, $0x6, v2;
	vm1 =	vgt.f32 v18, v7;
	v7 =	vmax.f32 v7, v18;
	v16 =	vld [tilespmem:s22+$0x2E00]  }
0x148: {  	v17 =	vsel vm3, $0x4, v0;
	v18 =	vsel vm4, $0x5, v1;
	vm2 =	vgt.f32 v11, v12;
	v19 =	vld [tilespmem:s22+$0x2E80]  }
0x149: {  	v11 =	vmax.f32 v12, v11;
	vm3 =	vgt.f32 v13, v8;
	v8 =	vmax.f32 v8, v13;
	v12 =	vld [tilespmem:s22+$0x3180]  }
0x14a: {  	v10 =	vsel vm0, $0xB, v10;
	vm0 =	vgt.f32 v9, v14;
	v9 =	vmax.f32 v14, v9;
	v13 =	vld [tilespmem:s22+$0x3100]  }
0x14b: {  	v6 =	vsel vm1, $0xA, v6;
	vm1 =	vgt.f32 v15, v7;
	v7 =	vmax.f32 v7, v15;
	v14 =	vld [tilespmem:s22+$0x3000]  }
0x14c: {  	v15 =	vsel vm2, $0x8, v17;
	v17 =	vsel vm3, $0x9, v18;
	vm2 =	vgt.f32 v16, v11;
	v18 =	vld [tilespmem:s22+$0x3080]  }
0x14d: {  	v11 =	vmax.f32 v11, v16;
	vm3 =	vgt.f32 v19, v8;
	v8 =	vmax.f32 v8, v19;
	v16 =	vld [tilespmem:s22+$0x3380]  }
0x14e: {  	v10 =	vsel vm0, $0xF, v10;
	vm0 =	vgt.f32 v12, v9;
	v9 =	vmax.f32 v9, v12;
	v12 =	vld [tilespmem:s22+$0x3300]  }
0x14f: {  	v6 =	vsel vm1, $0xE, v6;
	vm1 =	vgt.f32 v13, v7;
	v7 =	vmax.f32 v7, v13;
	v13 =	vld [tilespmem:s22+$0x3200]  }
0x150: {  	v15 =	vsel vm2, $0xC, v15;
	v17 =	vsel vm3, $0xD, v17;
	vm2 =	vgt.f32 v14, v11;
	v19 =	vld [tilespmem:s22+$0x3280]  }
0x151: {  	v11 =	vmax.f32 v11, v14;
	vm3 =	vgt.f32 v18, v8;
	v8 =	vmax.f32 v8, v18;
	v14 =	vld [tilespmem:s22+$0x3580]  }
0x152: {  	v10 =	vsel vm0, $0x13, v10;
	vm0 =	vgt.f32 v16, v9;
	v9 =	vmax.f32 v9, v16;
	v16 =	vld [tilespmem:s22+$0x3500]  }
0x153: {  	v6 =	vsel vm1, $0x12, v6;
	vm1 =	vgt.f32 v12, v7;
	v7 =	vmax.f32 v7, v12;
	v12 =	vld [tilespmem:s22+$0x3400]  }
0x154: {  	v15 =	vsel vm2, $0x10, v15;
	v17 =	vsel vm3, $0x11, v17;
	vm2 =	vgt.f32 v13, v11;
	v18 =	vld [tilespmem:s22+$0x3480]  }
0x155: {  	v11 =	vmax.f32 v11, v13;
	vm3 =	vgt.f32 v19, v8;
	v8 =	vmax.f32 v8, v19;
	v13 =	vld [tilespmem:s22+$0x3780]  }
0x156: {  	v10 =	vsel vm0, $0x17, v10;
	vm0 =	vgt.f32 v14, v9;
	v9 =	vmax.f32 v9, v14;
	v14 =	vld [tilespmem:s22+$0x3700]  }
0x157: {  	v6 =	vsel vm1, $0x16, v6;
	vm1 =	vgt.f32 v16, v7;
	v7 =	vmax.f32 v7, v16;
	v16 =	vld [tilespmem:s22+$0x3600]  }
0x158: {  	v15 =	vsel vm2, $0x14, v15;
	v17 =	vsel vm3, $0x15, v17;
	vm2 =	vgt.f32 v12, v11;
	v19 =	vld [tilespmem:s22+$0x3680]  }
0x159: {  	v11 =	vmax.f32 v11, v12;
	vm3 =	vgt.f32 v18, v8;
	v8 =	vmax.f32 v8, v18;
	v12 =	vld [tilespmem:s22+$0x3980]  }
0x15a: {  	v10 =	vsel vm0, $0x1B, v10;
	vm0 =	vgt.f32 v13, v9;
	v9 =	vmax.f32 v9, v13;
	v13 =	vld [tilespmem:s22+$0x3900]  }
0x15b: {  	v6 =	vsel vm1, $0x1A, v6;
	vm1 =	vgt.f32 v14, v7;
	v7 =	vmax.f32 v7, v14;
	v14 =	vld [tilespmem:s22+$0x3800]  }
0x15c: {  	v15 =	vsel vm2, $0x18, v15;
	v17 =	vsel vm3, $0x19, v17;
	vm2 =	vgt.f32 v16, v11;
	v18 =	vld [tilespmem:s22+$0x3880]  }
0x15d: {  	v11 =	vmax.f32 v11, v16;
	vm3 =	vgt.f32 v19, v8;
	v8 =	vmax.f32 v8, v19;
	v16 =	vld [tilespmem:s22+$0x3B80]  }
0x15e: {  	v10 =	vsel vm0, $0x1F, v10;
	vm0 =	vgt.f32 v12, v9;
	v9 =	vmax.f32 v9, v12;
	v12 =	vld [tilespmem:s22+$0x3B00]  }
0x15f: {  	v6 =	vsel vm1, $0x1E, v6;
	vm1 =	vgt.f32 v13, v7;
	v7 =	vmax.f32 v7, v13;
	v13 =	vld [tilespmem:s22+$0x3A00]  }
0x160: {  	v15 =	vsel vm2, $0x1C, v15;
	v17 =	vsel vm3, $0x1D, v17;
	vm2 =	vgt.f32 v14, v11;
	v19 =	vld [tilespmem:s22+$0x3A80]  }
0x161: {  	v11 =	vmax.f32 v11, v14;
	vm3 =	vgt.f32 v18, v8;
	v8 =	vmax.f32 v8, v18;
	v14 =	vld [tilespmem:s22+$0x3D80]  }
0x162: {  	v10 =	vsel vm0, $0x23, v10;
	vm0 =	vgt.f32 v16, v9;
	v9 =	vmax.f32 v9, v16;
	v16 =	vld [tilespmem:s22+$0x3D00]  }
0x163: {  	v6 =	vsel vm1, $0x22, v6;
	vm1 =	vgt.f32 v12, v7;
	v7 =	vmax.f32 v7, v12;
	v12 =	vld [tilespmem:s22+$0x3C00]  }
0x164: {  	v15 =	vsel vm2, $0x20, v15;
	v17 =	vsel vm3, $0x21, v17;
	vm2 =	vgt.f32 v13, v11;
	v18 =	vld [tilespmem:s22+$0x3C80]  }
0x165: {  	v11 =	vmax.f32 v11, v13;
	vm3 =	vgt.f32 v19, v8;
	v8 =	vmax.f32 v8, v19;
	v13 =	vld [tilespmem:s22+$0x3F80]  }
0x166: {  	v10 =	vsel vm0, $0x27, v10;
	vm0 =	vgt.f32 v14, v9;
	v9 =	vmax.f32 v9, v14;
	v14 =	vld [tilespmem:s22+$0x3F00]  }
0x167: {  	v6 =	vsel vm1, $0x26, v6;
	vm1 =	vgt.f32 v16, v7;
	v7 =	vmax.f32 v7, v16;
	v16 =	vld [tilespmem:s22+$0x3E00]  }
0x168: {  	v15 =	vsel vm2, $0x24, v15;
	v17 =	vsel vm3, $0x25, v17;
	vm2 =	vgt.f32 v12, v11;
	v19 =	vld [tilespmem:s22+$0x3E80]  }
0x169: {  	v11 =	vmax.f32 v11, v12;
	vm3 =	vgt.f32 v18, v8;
	v8 =	vmax.f32 v8, v18;
	v12 =	vld [tilespmem:s22+$0x4180]  }
0x16a: {  	v10 =	vsel vm0, $0x2B, v10;
	vm0 =	vgt.f32 v13, v9;
	v9 =	vmax.f32 v9, v13;
	v13 =	vld [tilespmem:s22+$0x4100]  }
0x16b: {  	v6 =	vsel vm1, $0x2A, v6;
	vm1 =	vgt.f32 v14, v7;
	v14 =	vmax.f32 v7, v14;
	v18 =	vld [tilespmem:s22+$0x4000]  }
0x16c: {  	v15 =	vsel vm2, $0x28, v15;
	v17 =	vsel vm3, $0x29, v17;
	vm2 =	vgt.f32 v16, v11;
	v20 =	vld [tilespmem:s22+$0x4080]  }
0x16d: {  	v16 =	vmax.f32 v11, v16;
	vm3 =	vgt.f32 v19, v8;
	v19 =	vmax.f32 v8, v19;
	v21 =	vld [tilespmem:s22+$0x4380]  }
.Ltmp4:
0x16e: {  	v10 =	vsel vm0, $0x2F, v10;
	vm4 =	vgt.f32 v12, v9;
	v22 =	vmax.f32 v9, v12;
	v7 =	vld [tilespmem:s22+$0x4300];
	(pc) =	sbr.rel @p0 .LBB2_9-.Ltmp4, $4  }
0x16f: {  	v11 =	vsel vm1, $0x2E, v6;
	vm0 =	vgt.f32 v13, v14;
	v12 =	vmax.f32 v14, v13;
	v6 =	vld [tilespmem:s22+$0x4200]  }
0x170: {  	v13 =	vsel vm2, $0x2C, v15;
	v14 =	vsel vm3, $0x2D, v17;
	vm2 =	vgt.f32 v18, v16;
	v8 =	vld [tilespmem:s22+$0x4280]  }
0x171: {  	v15 =	vmax.f32 v16, v18;
	vm3 =	vgt.f32 v20, v19;
	v16 =	vmax.f32 v19, v20;
	v9 =	vld [tilespmem:s22+$0x4580]  }
0x172: {  	s23 =	sadd.s32 $0x40, s23;
	v17 =	vsel vm4, $0x33, v10;
	vm1 =	vgt.f32 v21, v22;
	v18 =	vmax.f32 v22, v21;
	v10 =	vld [tilespmem:s22+$0x4500]  }
0x173: {  	v11 =	vsel vm0, $0x32, v11;
	vm13 =	vgt.f32 v7, v12;
	v7 =	vmax.f32 v12, v7;
	v37 =	vld [tilespmem:s22+$0x4400]  }
0x174: {  	v13 =	vsel vm2, $0x30, v13;
	v14 =	vsel vm3, $0x31, v14;
	v19 =	vld [tilespmem:s22+$0x4480];
	v40 =	vsel vm1, $0x37, v17  }
0x175: {  	v39 =	vld [tilespmem:s22+$0x4780];
	vm14 =	vgt.f32 v6, v15;
	v6 =	vmax.f32 v15, v6;
	v11 =	vsel vm13, $0x36, v11  }
0x176: {  	v42 =	vld [tilespmem:s22+$0x4700];
	vm15 =	vgt.f32 v8, v16;
	v38 =	vmax.f32 v16, v8;
	v13 =	vsel vm14, $0x34, v13  }
0x177: {  	v43 =	vld [tilespmem:s22+$0x4600];
	vm6 =	vgt.f32 v9, v18;
	v41 =	vmax.f32 v18, v9;
	v14 =	vsel vm15, $0x35, v14  }
0x178: {  	v44 =	vld [tilespmem:s22+$0x4680];
	vm7 =	vgt.f32 v10, v7;
	v7 =	vmax.f32 v7, v10;
	v16 =	vsel vm6, $0x3B, v40  }
0x179: {  	v45 =	vld [tilespmem:s22+$0x4980];
	vm8 =	vgt.f32 v37, v6;
	v6 =	vmax.f32 v6, v37;
	vm9 =	vgt.f32 v19, v38  }
0x17a: {  	v46 =	vld [tilespmem:s22+$0x4900];
	v8 =	vmax.f32 v38, v19;
	vm10 =	vgt.f32 v39, v41;
	v9 =	vmax.f32 v41, v39  }
0x17b: {  	v47 =	vld [tilespmem:s22+$0x4800];
	v11 =	vsel vm7, $0x3A, v11;
	vm11 =	vgt.f32 v42, v7;
	v7 =	vmax.f32 v7, v42  }
0x17c: {  	v48 =	vld [tilespmem:s22+$0x4880];
	v13 =	vsel vm8, $0x38, v13;
	v14 =	vsel vm9, $0x39, v14;
	vm12 =	vgt.f32 v43, v6  }
0x17d: {  	v49 =	vld [tilespmem:s22+$0x4B80];
	v6 =	vmax.f32 v6, v43;
	vm13 =	vgt.f32 v44, v8;
	v8 =	vmax.f32 v8, v44  }
0x17e: {  	v50 =	vld [tilespmem:s22+$0x4B00];
	v16 =	vsel vm10, $0x3F, v16;
	vm14 =	vgt.f32 v45, v9;
	v9 =	vmax.f32 v9, v45  }
0x17f: {  	v51 =	vld [tilespmem:s22+$0x4A00];
	v11 =	vsel vm11, $0x3E, v11;
	vm15 =	vgt.f32 v46, v7;
	v7 =	vmax.f32 v7, v46  }
0x180: {  	v52 =	vld [tilespmem:s22+$0x4A80];
	v13 =	vsel vm12, $0x3C, v13;
	v14 =	vsel vm13, $0x3D, v14;
	vm6 =	vgt.f32 v47, v6  }
0x181: {  	v53 =	vld [tilespmem:s22+$0x4D00];
	v6 =	vmax.f32 v6, v47;
	vm7 =	vgt.f32 v48, v8;
	v8 =	vmax.f32 v8, v48  }
0x182: {  	v54 =	vld [tilespmem:s22+$0x4C00];
	v16 =	vsel vm14, $0x43, v16;
	vm8 =	vgt.f32 v49, v9;
	v9 =	vmax.f32 v9, v49  }
0x183: {  	v55 =	vld [tilespmem:s22+$0x4C80];
	v11 =	vsel vm15, $0x42, v11;
	vm9 =	vgt.f32 v50, v7;
	v7 =	vmax.f32 v7, v50  }
0x184: {  	v56 =	vld [tilespmem:s22+$0x4E00];
	v13 =	vsel vm6, $0x40, v13;
	v14 =	vsel vm7, $0x41, v14;
	vm10 =	vgt.f32 v51, v6  }
0x185: {  	v57 =	vld [tilespmem:s22+$0x4E80];
	v6 =	vmax.f32 v6, v51;
	vm11 =	vgt.f32 v52, v8;
	v8 =	vmax.f32 v8, v52  }
0x186: {  	v11 =	vsel vm9, $0x46, v11;
	v16 =	vsel vm8, $0x47, v16;
	vm12 =	vgt.f32 v5, v9  }
0x187: {  	vm13 =	vgt.f32 v53, v7;
	v13 =	vsel vm10, $0x44, v13;
	v14 =	vsel vm11, $0x45, v14  }
0x188: {  	v58 =	vld [tilespmem:s22+$0x4F00];
	vm14 =	vgt.f32 v54, v6;
	v6 =	vmax.f32 v6, v54;
	vm15 =	vgt.f32 v55, v8  }
0x189: {  	v8 =	vmax.f32 v8, v55;
	v13 =	vsel vm14, $0x48, v13;
	v59 =	vmax.f32 v6, v56  }
0x18a: {  	v14 =	vsel vm15, $0x49, v14;
	vm6 =	vgt.f32 v56, v6;
	vm7 =	vgt.f32 v57, v8  }
0x18b: {  	v8 =	vmax.f32 v8, v57;
	v6 =	vsel vm6, $0x4C, v13;
	v60 =	vsel vm7, $0x4D, v14  }
0x18c: {  	v61 =	vld [tilespmem:s22+$0x4F80];
	v7 =	vmax.f32 v7, v53;
	vm8 =	veq.f32 v8, v59;
	vm3 =	vlt.u32 v60, v6  }
0x18d: {  	v62 =	vmax.f32 v7, v58;
	vm4 =	vgt.f32 v8, v59;
	vm2 =	vmand vm8, vm3  }
0x18e: {  	v11 =	vsel vm13, $0x4A, v11;
	vm9 =	vgt.f32 v58, v7;
	vm2 =	vmor vm4, vm2  }
0x18f: {  	v7 =	vsel vm9, $0x4E, v11;
	v8 =	vsel vm2, v8, v59;
	v6 =	vsel vm2, v60, v6  }
0x190: {  	v5 =	vmax.f32 v9, v5;
	vm10 =	veq.f32 v62, v8;
	vm2 =	vlt.u32 v7, v6  }
0x191: {  	v9 =	vmax.f32 v5, v61;
	vm11 =	vgt.f32 v62, v8;
	vm1 =	vmand vm10, vm2  }
0x192: {  	v63 =	vsel vm12, $0x4B, v16;
	vm12 =	vgt.f32 v61, v5;
	vm1 =	vmor vm11, vm1  }
0x193: {  	v5 =	vsel vm12, $0x4F, v63;
	v8 =	vsel vm1, v62, v8;
	v6 =	vsel vm1, v7, v6  }
0x194: {  	vm13 =	veq.f32 v9, v8;
	vm1 =	vlt.u32 v5, v6  }
0x195: {  	s20 =	sadd.s32 $0x1, s20;
	vm14 =	vgt.f32 v9, v8;
	vm0 =	vmand vm13, vm1  }
0x196: {  	p0 =	sne.s32 s20, $0x18;
	vm0 =	vmor vm14, vm0  }
.Ltmp5:
0x197: {  	v7 =	vsel vm0, v9, v8;
	(pc) =	sbr.rel @p0 .LBB2_2-.Ltmp5, $4  }
0x198: {  	v5 =	vsel vm0, v5, v6;
	vm15 =	vlt.f32 v7, v4  }
0x199: {  	s21 =	sshll.u32 s21, $0x9;
	v5 =	vsel vm15, $0x0, v5  }
0x19a: {  	s21 =	sadd.s32 s21, s5;
	[tilespmem:s22+$0x5080] =	vst v5  }
0x19b: {  	[hbm4b:s21+s2] =	stream.linear.scatter [tilespmem:s17], [sflag:$0x4], $0x80, $0x38;
	[tilespmem:$0x5180] =	vst v63  }
0x19c: {  	s19 =	sadd.s32 $0x1, s19  }
0x19d: {  	_ =	swait.ge [sflag:s18], $0x80;
	p0 =	sne.s32 s19, s7  }
.Ltmp6:
0x19e: {  	[sflag:s18] =	ssyncset.done $0x0;
	(pc) =	sbr.rel @p0 .LBB2_1-.Ltmp6, $4  }
0x19f: {  	[sflag:s18] =	ssyncadd.s32 $0xFFFFFF80  }
0x1a0: {  	_ =	swait.ge [sflag:s16], $0x80  }
0x1a1: {  	[sflag:s16] =	ssyncset.done $0x0  }
0x1a2: {  	[sflag:s16] =	ssyncadd.s32 $0xFFFFFF80  }
0x1a3: {  	_ =	sfence.sel $0x180000  }
0x1a4: {  	[bflag:$0x0] =	sbarrier.arrive $0xFFFF  }
0x1a5: {  	p0 =	sne.s32 s1, $0x0;
	_ =	strace $0x90000047  }
0x1a6: {  	s0 =	sadd.s32 @!p0 $0x100000, s0;
	[bflag:$0x2] =	sbarrier.arrive $0xFFFF  }
0x1a7: {  	[sflag:s0] =	ssyncadd.tile.s32 @!p0 $0x1;
	_ =	shalt  }
.Lfunc_end2:
_tile_overlayer_lowered:
.L_overlay_start_2:
0x1a8: {  	(tag) =	ssettag $0x2  }
0x1a9: {  	s0 =	rddreg [dreg:$0x0];
	s2 =	stileid.u32  }
0x1aa: {  	s1 =	rddreg [dreg:$0x1];
	p0 =	sne.s32 s2, $0x0  }
0x1ab: {  	s3 =	rddreg [dreg:$0x2];
	[bflag:$0x3] =	sbarrier.arrive $0xFFFF;
	s2 =	simm.s32 @!p0 $0x1C05  }
0x1ac: {  	[timem:s3], [sflag:s2] =	dma.local @!p0 [hbm:s0], s1  }
0x1ad: {  	s0 =	simm.s32 @!p0 $0x5  }
0x1ae: {  	_ =	swait.ge @!p0 [sflag:s0], s1  }
0x1af: {  	s1 =	ssub.s32 @!p0 $0x0, s1;
	[sflag:s0] =	ssyncset.done @!p0 $0x0  }
0x1b0: {  	[sflag:s0] =	ssyncadd.s32 @!p0 s1  }
0x1b1: {  	[bflag:$0x3] =	sbarrier.arrive $0xFFFF  }
0x1b2: {  	_ =	shalt  }

</sc_bundles>
